<compile_context>
chip_gen: v7x
topology: tpu7x:2x2x1
jax: 0.10.2.dev20260603
libtpu: 0.0.44.dev20260713+nightly
codegen_flags: <defaults>
</compile_context>

<pallas_src>
import jax
import jax.numpy as jnp
from jax import lax
from jax.experimental import pallas as pl
from jax.experimental.pallas import tpu as pltpu
from jax.experimental.pallas import tpu_sc as plsc

N = 10000
E = 160000
D = 256
H = 4
NEG_SLOPE = 0.2
EPS = 1e-5

ROW_BLK = 1000

NC = 2
NS = 16
NW = NC * NS
EPW = E // NW
B1_CH = 1000
NF = N * H
NFP = 40960


def _dense_body(x_ref, w_ref, amat_ref, h_ref, a_ref):
    h = jnp.dot(x_ref[...], w_ref[...], preferred_element_type=jnp.float32)
    h_ref[...] = h
    a_ref[...] = jnp.dot(h, amat_ref[...], preferred_element_type=jnp.float32)


def _dense(x, W, amat):
    return pl.pallas_call(
        _dense_body,
        grid=(N // ROW_BLK,),
        in_specs=[
            pl.BlockSpec((ROW_BLK, D), lambda i: (i, 0)),
            pl.BlockSpec((D, H * D), lambda i: (0, 0)),
            pl.BlockSpec((H * D, 8), lambda i: (0, 0)),
        ],
        out_specs=[
            pl.BlockSpec((ROW_BLK, H * D), lambda i: (i, 0)),
            pl.BlockSpec((ROW_BLK, 8), lambda i: (i, 0)),
        ],
        out_shape=[
            jax.ShapeDtypeStruct((N, H * D), jnp.float32),
            jax.ShapeDtypeStruct((N, 8), jnp.float32),
        ],
    )(x, W, amat)


def _post_body(agg_ref, bias_ref, gamma_ref, beta_ref, xres_ref, out_ref):
    v = agg_ref[...] + bias_ref[...]
    mu = jnp.mean(v, axis=0, keepdims=True)
    var = jnp.mean((v - mu) ** 2, axis=0, keepdims=True)
    y = gamma_ref[...] * (v - mu) / jnp.sqrt(var + EPS) + beta_ref[...]
    out_ref[...] = jnp.maximum(y, 0.0) + xres_ref[...]


def _post(agg, bias, gamma, beta, x_res):
    return pl.pallas_call(
        _post_body,
        in_specs=[
            pl.BlockSpec((N, D), lambda: (0, 0)),
            pl.BlockSpec((1, D), lambda: (0, 0)),
            pl.BlockSpec((1, D), lambda: (0, 0)),
            pl.BlockSpec((1, D), lambda: (0, 0)),
            pl.BlockSpec((N, D), lambda: (0, 0)),
        ],
        out_specs=pl.BlockSpec((N, D), lambda: (0, 0)),
        out_shape=jax.ShapeDtypeStruct((N, D), jnp.float32),
    )(agg, bias.reshape(1, D), gamma.reshape(1, D), beta.reshape(1, D), x_res)


def _sc_mesh():
    return plsc.VectorSubcoreMesh(
        core_axis_name="c", subcore_axis_name="s", num_cores=NC,
        num_subcores=NS)


def _b1_body(asrc_hbm, adst_hbm, src_hbm, dst_hbm, w_hbm, parts_hbm,
             srcb, dstb, atab, wch, dloc):
    cid = lax.axis_index("c")
    sid = lax.axis_index("s")
    wid = sid * NC + cid
    base = wid * EPW

    def zbody(v, _):
        dloc[pl.ds(v * 16, 16)] = jnp.zeros((16,), jnp.float32)
        return 0
    lax.fori_loop(0, NFP // 16, zbody, 0)

    pltpu.sync_copy(src_hbm.at[pl.ds(base, EPW)], srcb)
    pltpu.sync_copy(dst_hbm.at[pl.ds(base, EPW)], dstb)

    pltpu.sync_copy(asrc_hbm, atab)

    def p1body(v, _):
        lane = lax.iota(jnp.int32, 16)
        erep = lane // 4
        hrep = lane % 4
        rows = plsc.load_gather(srcb, [v * 4 + erep])
        s = plsc.load_gather(atab, [rows * 4 + hrep])
        wch[pl.ds(v * 16, 16)] = s
        return 0
    lax.fori_loop(0, EPW // 4, p1body, 0)

    pltpu.sync_copy(adst_hbm, atab)

    def p2body(v, _):
        lane = lax.iota(jnp.int32, 16)
        erep = lane // 4
        hrep = lane % 4
        rows = plsc.load_gather(dstb, [v * 4 + erep])
        t = plsc.load_gather(atab, [rows * 4 + hrep])
        al = wch[pl.ds(v * 16, 16)] + t
        w = jnp.exp(jnp.maximum(al, NEG_SLOPE * al))
        wch[pl.ds(v * 16, 16)] = w
        plsc.addupdate_scatter(dloc, [rows * 4 + hrep], w)
        return 0
    lax.fori_loop(0, EPW // 4, p2body, 0)

    pltpu.sync_copy(wch, w_hbm.at[pl.ds(base * 4, EPW * 4)])
    pltpu.sync_copy(dloc, parts_hbm.at[wid])


def _b1(asrc_flat, adst_flat, src, dst):
    kfn = pl.kernel(
        _b1_body,
        out_type=[
            jax.ShapeDtypeStruct((E * H,), jnp.float32),
            jax.ShapeDtypeStruct((NW, NFP), jnp.float32),
        ],
        mesh=_sc_mesh(),
        compiler_params=pltpu.CompilerParams(needs_layout_passes=False),
        scratch_types=[
            pltpu.VMEM((EPW,), jnp.int32),
            pltpu.VMEM((EPW,), jnp.int32),
            pltpu.VMEM((N * 4,), jnp.float32),
            pltpu.VMEM((EPW * 4,), jnp.float32),
            pltpu.VMEM((NFP,), jnp.float32),
        ],
    )
    return kfn(asrc_flat, adst_flat, src, dst)


C_CH = 2000
C_K = 16
RPT = 320
NPAD = NW * RPT
ACC_R = RPT + 8
JROW = RPT


def _c_body(h_hbm, src_hbm, dst_hbm, w_hbm, dn_hbm, out_hbm,
            srcb, dstb, ksrc, kdstl, keidl, wsl, dtab,
            hgbuf, abuf, srcq, acc, sem):
    cid = lax.axis_index("c")
    sid = lax.axis_index("s")
    wid = sid * NC + cid
    lo = wid * RPT

    def zacc(v, _):
        acc[pl.ds(v * 16, 16)] = jnp.zeros((16,), jnp.float32)
        return 0
    lax.fori_loop(0, ACC_R * D // 16, zacc, 0)

    pltpu.sync_copy(dn_hbm.at[pl.ds(lo * 4, RPT * 4)],
                    dtab.at[pl.ds(0, RPT * 4)])
    def ztail(v, _):
        dtab[pl.ds(RPT * 4 + v * 16, 16)] = jnp.zeros((16,), jnp.float32)
        return 0
    lax.fori_loop(0, (ACC_R - RPT) * 4 // 16, ztail, 0)

    def kchunk(k, _):
        cbase = k * C_CH
        pltpu.sync_copy(src_hbm.at[pl.ds(cbase, C_CH)], srcb)
        pltpu.sync_copy(dst_hbm.at[pl.ds(cbase, C_CH)], dstb)
        pltpu.sync_copy(w_hbm.at[pl.ds(cbase * 4, C_CH * 4)], wsl)

        def cbody(v, cnt):
            lane = lax.iota(jnp.int32, 16)
            d16 = dstb[pl.ds(v * 16, 16)]
            s16 = srcb[pl.ds(v * 16, 16)]
            m = (d16 >= lo) & (d16 < lo + RPT)
            plsc.store_compressed(ksrc.at[pl.ds(cnt, 16)], s16, mask=m)
            plsc.store_compressed(kdstl.at[pl.ds(cnt, 16)], d16 - lo, mask=m)
            plsc.store_compressed(keidl.at[pl.ds(cnt, 16)], v * 16 + lane,
                                  mask=m)
            return cnt + jnp.sum(m.astype(jnp.int32))
        cnt = lax.fori_loop(0, C_CH // 16, cbody, 0)

        for q in range(C_K // 16):
            off = cnt + q * 16
            ksrc[pl.ds(off, 16)] = jnp.zeros((16,), jnp.int32)
            kdstl[pl.ds(off, 16)] = jnp.full((16,), JROW, jnp.int32)
            keidl[pl.ds(off, 16)] = jnp.zeros((16,), jnp.int32)
        nq = (cnt + C_K - 1) // C_K

        def qbody(q, _):
            qb = q * C_K
            for v in range(C_K // 16):
                srcq[pl.ds(v * 16, 16)] = ksrc[pl.ds(qb + v * 16, 16)]
            pltpu.async_copy(h_hbm.at[srcq], hgbuf, sem).wait()

            def abody(v2, _):
                lane = lax.iota(jnp.int32, 16)
                eidx = qb + v2 * 4 + lane // 4
                hrep = lane % 4
                leid = plsc.load_gather(keidl, [eidx])
                wv = plsc.load_gather(wsl, [leid * 4 + hrep])
                ldl = plsc.load_gather(kdstl, [eidx])
                dv = plsc.load_gather(dtab, [ldl * 4 + hrep])
                abuf[pl.ds(v2 * 16, 16)] = wv / (H * (dv + 1e-16))
                return 0
            lax.fori_loop(0, C_K * 4 // 16, abody, 0)

            def ebody(i, _):
                lane = lax.iota(jnp.int32, 16)
                b4 = i * 4
                a0 = plsc.load_gather(abuf, [jnp.full((16,), b4, jnp.int32)])
                a1 = plsc.load_gather(abuf, [jnp.full((16,), b4 + 1, jnp.int32)])
                a2 = plsc.load_gather(abuf, [jnp.full((16,), b4 + 2, jnp.int32)])
                a3 = plsc.load_gather(abuf, [jnp.full((16,), b4 + 3, jnp.int32)])
                lrow = plsc.load_gather(kdstl, [jnp.full((16,), qb + i,
                                                         jnp.int32)])
                rb = lrow * D + lane
                for db in range(D // 16):
                    o = db * 16
                    v = (a0 * hgbuf[i, pl.ds(o, 16)]
                         + a1 * hgbuf[i, pl.ds(D + o, 16)]
                         + a2 * hgbuf[i, pl.ds(2 * D + o, 16)]
                         + a3 * hgbuf[i, pl.ds(3 * D + o, 16)])
                    plsc.addupdate_scatter(acc, [rb + o], v)
                return 0
            lax.fori_loop(0, C_K, ebody, 0)
            return 0
        lax.fori_loop(0, nq, qbody, 0)
        return 0
    lax.fori_loop(0, E // C_CH, kchunk, 0)

    pltpu.sync_copy(acc.at[pl.ds(0, RPT * D)],
                    out_hbm.at[pl.ds(lo * D, RPT * D)])


def _c_kernel(h, src, dst, w_flat, denom_flat):
    kfn = pl.kernel(
        _c_body,
        out_type=[jax.ShapeDtypeStruct((NPAD * D,), jnp.float32)],
        mesh=_sc_mesh(),
        compiler_params=pltpu.CompilerParams(needs_layout_passes=False),
        scratch_types=[
            pltpu.VMEM((C_CH,), jnp.int32),
            pltpu.VMEM((C_CH,), jnp.int32),
            pltpu.VMEM((C_CH + C_K * 2,), jnp.int32),
            pltpu.VMEM((C_CH + C_K * 2,), jnp.int32),
            pltpu.VMEM((C_CH + C_K * 2,), jnp.int32),
            pltpu.VMEM((C_CH * 4,), jnp.float32),
            pltpu.VMEM((ACC_R * 4,), jnp.float32),
            pltpu.VMEM((C_K, H * D), jnp.float32),
            pltpu.VMEM((C_K * 4,), jnp.float32),
            pltpu.VMEM((C_K,), jnp.int32),
            pltpu.VMEM((ACC_R * D,), jnp.float32),
            pltpu.SemaphoreType.DMA,
        ],
    )
    (out,) = kfn(h, src, dst, w_flat, denom_flat)
    return out


def _reduce_body(parts_ref, out_ref):
    out_ref[...] = jnp.sum(parts_ref[...], axis=0, keepdims=True)


def _reduce_parts(parts):
    out = pl.pallas_call(
        _reduce_body,
        in_specs=[pl.BlockSpec((NW, NFP), lambda: (0, 0))],
        out_specs=pl.BlockSpec((1, NFP), lambda: (0, 0)),
        out_shape=jax.ShapeDtypeStruct((1, NFP), jnp.float32),
    )(parts)
    return out.reshape(NFP)


def _edge_phase(h, a, src, dst):
    asrc_flat = a[:, :H].reshape(-1)
    adst_flat = a[:, H:].reshape(-1)
    w_flat, parts = _b1(asrc_flat, adst_flat, src, dst)
    denom_flat = _reduce_parts(parts)
    aggp = _c_kernel(h, src, dst, w_flat, denom_flat)
    return aggp.reshape(NPAD, D)[:N]


def _make_amat(att_src, att_dst):
    amat = jnp.zeros((H * D, 8), jnp.float32)
    hh = jnp.arange(H)
    rows = (hh[:, None] * D + jnp.arange(D)[None, :]).reshape(-1)
    cols_src = jnp.repeat(hh, D)
    amat = amat.at[rows, cols_src].set(att_src.reshape(-1))
    amat = amat.at[rows, cols_src + H].set(att_dst.reshape(-1))
    return amat


def kernel(x, edge_index, W0, att_src0, att_dst0, bias0, gamma0, beta0,
           W1, att_src1, att_dst1, bias1, gamma1, beta1):
    src = edge_index[0]
    dst = edge_index[1]
    layers = [
        (W0, att_src0, att_dst0, bias0, gamma0, beta0),
        (W1, att_src1, att_dst1, bias1, gamma1, beta1),
    ]
    for (W, a_s, a_d, b, g, be) in layers:
        amat = _make_amat(a_s, a_d)
        h, a = _dense(x, W, amat)
        agg = _edge_phase(h, a, src, dst)
        x = _post(agg, b, g, be, x)
    return x

# --- scband reference (transcript-rebuilt; emitter-appended) ---
"""Pipeline reference for scband-global-gnn-16363825397777 (READ-ONLY COPY).

The authoritative reference and input builder live on the scoring server;
editing this copy changes nothing except your own understanding.
"""

import jax, jax.numpy as jnp
import numpy as np

N = 10000
E = 160000
D = 256
H = 4
L = 2
NEG_SLOPE = 0.2
EPS = 1e-5


def _init_params(key):
    params = []
    for l in range(L):
        k = jax.random.fold_in(key, l)
        k1, k2, k3 = jax.random.split(k, 3)
        W = jax.random.normal(k1, (D, H * D), jnp.float32) / np.sqrt(D)
        att_src = jax.random.normal(k2, (H, D), jnp.float32) / np.sqrt(D)
        att_dst = jax.random.normal(k3, (H, D), jnp.float32) / np.sqrt(D)
        bias = jnp.zeros((D,), jnp.float32)
        gamma = jnp.ones((D,), jnp.float32)
        beta = jnp.zeros((D,), jnp.float32)
        params.append((W, att_src, att_dst, bias, gamma, beta))
    return params


def setup_inputs(seed: int = 0):
    key = jax.random.key(seed)
    kx, ke, kp = jax.random.split(key, 3)
    x = jax.random.normal(kx, (N, D), jnp.float32)
    edge_index = jax.random.randint(ke, (2, E), 0, N, dtype=jnp.int32)
    params = _init_params(kp)
    inp = {"x": x, "edge_index": edge_index}
    names = ["W", "att_src", "att_dst", "bias", "gamma", "beta"]
    for l in range(L):
        for n, v in zip(names, params[l]):
            inp[n + str(l)] = v
    return inp


def _gat_conv(x, src, dst, W, att_src, att_dst, bias):
    n = x.shape[0]
    h = (x @ W).reshape(n, H, D)
    a_src = (h * att_src[None, :, :]).sum(-1)
    a_dst = (h * att_dst[None, :, :]).sum(-1)
    alpha = a_src[src] + a_dst[dst]
    alpha = jax.nn.leaky_relu(alpha, NEG_SLOPE)
    amax = jax.ops.segment_max(alpha, dst, num_segments=n)
    amax = jnp.where(jnp.isfinite(amax), amax, 0.0)
    ex = jnp.exp(alpha - amax[dst])
    denom = jax.ops.segment_sum(ex, dst, num_segments=n)
    attn = ex / (denom[dst] + 1e-16)
    msg = h[src] * attn[:, :, None]
    out = jax.ops.segment_sum(msg, dst, num_segments=n)
    return out.mean(axis=1) + bias


def _batch_norm(x, gamma, beta):
    mu = x.mean(axis=0)
    var = x.var(axis=0)
    return gamma * (x - mu) / jnp.sqrt(var + EPS) + beta


def reference(x, edge_index, W0, att_src0, att_dst0, bias0, gamma0, beta0, W1, att_src1, att_dst1, bias1, gamma1, beta1):
    src = edge_index[0]
    dst = edge_index[1]
    layers = [
        (W0, att_src0, att_dst0, bias0, gamma0, beta0),
        (W1, att_src1, att_dst1, bias1, gamma1, beta1),
    ]
    for (W, a_s, a_d, b, g, be) in layers:
        x_res = x
        h = _gat_conv(x, src, dst, W, a_s, a_d, b)
        h = _batch_norm(h, g, be)
        h = jax.nn.relu(h)
        x = h + x_res
    return x

if __name__ == "__main__":
    import jax
    _d = setup_inputs()
    print(jax.jit(kernel)(*tuple(_d.values())))

</pallas_src>

<mosaic_0001>
#map = affine_map<(d0, d1) -> (0)>
#map1 = affine_map<(d0, d1) -> (0, 0)>
module attributes {stable_mosaic.version = 14 : i64} {
  func.func @_b1_body(%arg0: i32, %arg1: i32, %arg2: memref<40000xf32, #tpu.memory_space<hbm>>, %arg3: memref<40000xf32, #tpu.memory_space<hbm>>, %arg4: memref<160000xi32, #tpu.memory_space<hbm>>, %arg5: memref<160000xi32, #tpu.memory_space<hbm>>, %arg6: memref<640000xf32, #tpu.memory_space<hbm>>, %arg7: memref<32x40960xf32, #tpu.memory_space<hbm>>, %arg8: memref<5000xi32, #tpu.memory_space<vmem>>, %arg9: memref<5000xi32, #tpu.memory_space<vmem>>, %arg10: memref<40000xf32, #tpu.memory_space<vmem>>, %arg11: memref<20000xf32, #tpu.memory_space<vmem>>, %arg12: memref<40960xf32, #tpu.memory_space<vmem>>) attributes {dimension_semantics = [#tpu.dimension_semantics<core_parallel>, #tpu.dimension_semantics<subcore_parallel>], iteration_bounds = array<i64: 2, 16>, scalar_prefetch = 0 : i64, scratch_operands = 5 : i64, tpu.core_type = #tpu.core_type<sc_vector_subcore>, window_params = [{transform_indices = #map}, {transform_indices = #map}, {transform_indices = #map}, {transform_indices = #map}, {transform_indices = #map}, {transform_indices = #map1}]} {
    %mul3A = arith.constant 2 : i32
    %mul3A_0 = arith.muli %arg1, %mul3A : i32
    %add3A = arith.addi %mul3A_0, %arg0 : i32
    %mul3A_1 = arith.constant 5000 : i32
    %mul3A_2 = arith.muli %add3A, %mul3A_1 : i32
    %scan3A = arith.constant 0 : i32
    %scan3A_3 = arith.constant 0 : i32
    %scan3A_4 = arith.constant 2560 : i32
    %scan3A_5 = arith.addi %scan3A_3, %scan3A_4 : i32
    %scan3A_6 = arith.constant 1 : i32
    %scan3A_7 = scf.for %scan3A_25 = %scan3A_3 to %scan3A_5 step %scan3A_6 iter_args(%scan3A_26 = %scan3A) -> (i32)  : i32 {
      %broadcast_in_dim3A = arith.constant 0.000000e+00 : f32
      %broadcast_in_dim3A_27 = vector.broadcast %broadcast_in_dim3A : f32 to vector<16xf32>
      %mul3A_28 = arith.constant 16 : i32
      %mul3A_29 = arith.muli %scan3A_25, %mul3A_28 : i32
      %swap3A = arith.index_cast %mul3A_29 : i32 to index
      %swap3A_30 = tpu.vector_load %arg12[%swap3A] {strides = array<i32>} : memref<40960xf32, #tpu.memory_space<vmem>>, vector<16xf32>,
      tpu.vector_store %arg12[%swap3A], %broadcast_in_dim3A_27 {strides = array<i32>} : memref<40960xf32, #tpu.memory_space<vmem>>, vector<16xf32>,
      %scan3A_31 = arith.constant 0 : i32
      scf.yield %scan3A_31 : i32
    }
    %scan3A_8 = arith.constant 2560 : i32
    "tpu.region"() ({
      %run_scoped3A = tpu.sem_alloc : memref<!tpu.dma_semaphore, #tpu.memory_space<semaphore_mem>>
      %dma_start3A = tpu.memref_slice %arg4[%mul3A_2] : memref<160000xi32, #tpu.memory_space<hbm>> -> memref<5000xi32, #tpu.memory_space<hbm>>
      %dma_start3A_25 = tpu.memref_slice %arg4[%mul3A_2] : memref<160000xi32, #tpu.memory_space<hbm>> -> memref<5000xi32, #tpu.memory_space<hbm>>
      tpu.enqueue_dma source(%dma_start3A_25 : memref<5000xi32, #tpu.memory_space<hbm>>) target(%arg8 : memref<5000xi32, #tpu.memory_space<vmem>>) target_semaphore(%run_scoped3A : memref<!tpu.dma_semaphore, #tpu.memory_space<semaphore_mem>>)
      %dma_wait3A = tpu.memref_slice %arg4[%mul3A_2] : memref<160000xi32, #tpu.memory_space<hbm>> -> memref<5000xi32, #tpu.memory_space<hbm>>
      %dma_wait3A_26 = tpu.memref_slice %arg4[%mul3A_2] : memref<160000xi32, #tpu.memory_space<hbm>> -> memref<5000xi32, #tpu.memory_space<hbm>>
      tpu.wait_dma2 semaphore(%run_scoped3A : memref<!tpu.dma_semaphore, #tpu.memory_space<semaphore_mem>>) src(%dma_wait3A_26 : memref<5000xi32, #tpu.memory_space<hbm>>) dst(%arg8 : memref<5000xi32, #tpu.memory_space<vmem>>)
      tpu.yield
    }) : () -> ()
    "tpu.region"() ({
      %run_scoped3A = tpu.sem_alloc : memref<!tpu.dma_semaphore, #tpu.memory_space<semaphore_mem>>
      %dma_start3A = tpu.memref_slice %arg5[%mul3A_2] : memref<160000xi32, #tpu.memory_space<hbm>> -> memref<5000xi32, #tpu.memory_space<hbm>>
      %dma_start3A_25 = tpu.memref_slice %arg5[%mul3A_2] : memref<160000xi32, #tpu.memory_space<hbm>> -> memref<5000xi32, #tpu.memory_space<hbm>>
      tpu.enqueue_dma source(%dma_start3A_25 : memref<5000xi32, #tpu.memory_space<hbm>>) target(%arg9 : memref<5000xi32, #tpu.memory_space<vmem>>) target_semaphore(%run_scoped3A : memref<!tpu.dma_semaphore, #tpu.memory_space<semaphore_mem>>)
      %dma_wait3A = tpu.memref_slice %arg5[%mul3A_2] : memref<160000xi32, #tpu.memory_space<hbm>> -> memref<5000xi32, #tpu.memory_space<hbm>>
      %dma_wait3A_26 = tpu.memref_slice %arg5[%mul3A_2] : memref<160000xi32, #tpu.memory_space<hbm>> -> memref<5000xi32, #tpu.memory_space<hbm>>
      tpu.wait_dma2 semaphore(%run_scoped3A : memref<!tpu.dma_semaphore, #tpu.memory_space<semaphore_mem>>) src(%dma_wait3A_26 : memref<5000xi32, #tpu.memory_space<hbm>>) dst(%arg9 : memref<5000xi32, #tpu.memory_space<vmem>>)
      tpu.yield
    }) : () -> ()
    "tpu.region"() ({
      %run_scoped3A = tpu.sem_alloc : memref<!tpu.dma_semaphore, #tpu.memory_space<semaphore_mem>>
      tpu.enqueue_dma source(%arg2 : memref<40000xf32, #tpu.memory_space<hbm>>) target(%arg10 : memref<40000xf32, #tpu.memory_space<vmem>>) target_semaphore(%run_scoped3A : memref<!tpu.dma_semaphore, #tpu.memory_space<semaphore_mem>>)
      tpu.wait_dma2 semaphore(%run_scoped3A : memref<!tpu.dma_semaphore, #tpu.memory_space<semaphore_mem>>) src(%arg2 : memref<40000xf32, #tpu.memory_space<hbm>>) dst(%arg10 : memref<40000xf32, #tpu.memory_space<vmem>>)
      tpu.yield
    }) : () -> ()
    %scan3A_9 = arith.constant 0 : i32
    %scan3A_10 = arith.constant 0 : i32
    %scan3A_11 = arith.constant 1250 : i32
    %scan3A_12 = arith.addi %scan3A_10, %scan3A_11 : i32
    %scan3A_13 = arith.constant 1 : i32
    %scan3A_14 = scf.for %scan3A_25 = %scan3A_10 to %scan3A_12 step %scan3A_13 iter_args(%scan3A_26 = %scan3A_9) -> (i32)  : i32 {
      %iota3A = tpu.iota {dimensions = array<i32: 0>} : vector<16xi32>
      %jit3A = arith.constant 4 : i32
      %div3A = vector.broadcast %jit3A : i32 to vector<16xi32>
      %div3A_27 = arith.divsi %iota3A, %div3A : vector<16xi32>
      %sign3A = arith.constant 0 : i32
      %sign3A_28 = vector.broadcast %sign3A : i32 to vector<16xi32>
      %sign3A_29 = arith.cmpi sgt, %iota3A, %sign3A_28 : vector<16xi32>
      %sign3A_30 = arith.extui %sign3A_29 : vector<16xi1> to vector<16xi32>
      %sign3A_31 = arith.constant 0 : i32
      %sign3A_32 = vector.broadcast %sign3A_31 : i32 to vector<16xi32>
      %sign3A_33 = arith.cmpi slt, %iota3A, %sign3A_32 : vector<16xi32>
      %sign3A_34 = arith.extui %sign3A_33 : vector<16xi1> to vector<16xi32>
      %sign3A_35 = arith.subi %sign3A_30, %sign3A_34 : vector<16xi32>
      %sign3A_36 = arith.constant 0 : i32
      %sign3A_37 = arith.cmpi sgt, %jit3A, %sign3A_36 : i32
      %sign3A_38 = arith.extui %sign3A_37 : i1 to i32
      %sign3A_39 = arith.constant 0 : i32
      %sign3A_40 = arith.cmpi slt, %jit3A, %sign3A_39 : i32
      %sign3A_41 = arith.extui %sign3A_40 : i1 to i32
      %sign3A_42 = arith.subi %sign3A_38, %sign3A_41 : i32
      %ne3A = vector.broadcast %sign3A_42 : i32 to vector<16xi32>
      %ne3A_43 = arith.cmpi ne, %sign3A_35, %ne3A : vector<16xi32>
      %rem3A = vector.broadcast %jit3A : i32 to vector<16xi32>
      %rem3A_44 = arith.remsi %iota3A, %rem3A : vector<16xi32>
      %ne3A_45 = arith.constant 0 : i32
      %ne3A_46 = vector.broadcast %ne3A_45 : i32 to vector<16xi32>
      %ne3A_47 = arith.cmpi ne, %rem3A_44, %ne3A_46 : vector<16xi32>
      %and3A = arith.andi %ne3A_43, %ne3A_47 : vector<16xi1>
      %sub3A = arith.constant 1 : i32
      %sub3A_48 = vector.broadcast %sub3A : i32 to vector<16xi32>
      %sub3A_49 = arith.subi %div3A_27, %sub3A_48 : vector<16xi32>
      %select_n3A = arith.select %and3A, %sub3A_49, %div3A_27 : vector<16xi1>, vector<16xi32>
      %jit3A_50 = arith.constant 4 : i32
      %eq3A = arith.constant 0 : i32
      %eq3A_51 = arith.cmpi eq, %jit3A_50, %eq3A : i32
      %jit3A_52 = arith.constant 1 : i32
      %select_n3A_53 = arith.select %eq3A_51, %jit3A_52, %jit3A_50 : i32
      %rem3A_54 = vector.broadcast %select_n3A_53 : i32 to vector<16xi32>
      %rem3A_55 = arith.remsi %iota3A, %rem3A_54 : vector<16xi32>
      %ne3A_56 = arith.constant 0 : i32
      %ne3A_57 = vector.broadcast %ne3A_56 : i32 to vector<16xi32>
      %ne3A_58 = arith.cmpi ne, %rem3A_55, %ne3A_57 : vector<16xi32>
      %lt3A = arith.constant 0 : i32
      %lt3A_59 = vector.broadcast %lt3A : i32 to vector<16xi32>
      %lt3A_60 = arith.cmpi slt, %rem3A_55, %lt3A_59 : vector<16xi32>
      %lt3A_61 = arith.constant 0 : i32
      %lt3A_62 = arith.cmpi slt, %select_n3A_53, %lt3A_61 : i32
      %ne3A_63 = vector.broadcast %lt3A_62 : i1 to vector<16xi1>
      %ne3A_64 = vector.broadcast %ne3A_63 : vector<16xi1> to vector<16xi1>
      %ne3A_65 = arith.xori %lt3A_60, %ne3A_64 : vector<16xi1>
      %and3A_66 = arith.andi %ne3A_65, %ne3A_58 : vector<16xi1>
      %add3A_67 = vector.broadcast %select_n3A_53 : i32 to vector<16xi32>
      %add3A_68 = arith.addi %rem3A_55, %add3A_67 : vector<16xi32>
      %select_n3A_69 = arith.select %and3A_66, %add3A_68, %rem3A_55 : vector<16xi1>, vector<16xi32>
      %mul3A_70 = arith.constant 4 : i32
      %mul3A_71 = arith.muli %scan3A_25, %mul3A_70 : i32
      %add3A_72 = vector.broadcast %mul3A_71 : i32 to vector<16xi32>
      %add3A_73 = arith.addi %add3A_72, %select_n3A : vector<16xi32>
      %gather3A = tpu.vector_load_idx %arg8[%add3A_73] : memref<5000xi32, #tpu.memory_space<vmem>>[vector<16xi32>], vector<16xi32>,
      %mul3A_74 = arith.constant 4 : i32
      %mul3A_75 = vector.broadcast %mul3A_74 : i32 to vector<16xi32>
      %mul3A_76 = arith.muli %gather3A, %mul3A_75 : vector<16xi32>
      %add3A_77 = arith.addi %mul3A_76, %select_n3A_69 : vector<16xi32>
      %gather3A_78 = tpu.vector_load_idx %arg10[%add3A_77] : memref<40000xf32, #tpu.memory_space<vmem>>[vector<16xi32>], vector<16xf32>,
      %mul3A_79 = arith.constant 16 : i32
      %mul3A_80 = arith.muli %scan3A_25, %mul3A_79 : i32
      %swap3A = arith.index_cast %mul3A_80 : i32 to index
      %swap3A_81 = tpu.vector_load %arg11[%swap3A] {strides = array<i32>} : memref<20000xf32, #tpu.memory_space<vmem>>, vector<16xf32>,
      tpu.vector_store %arg11[%swap3A], %gather3A_78 {strides = array<i32>} : memref<20000xf32, #tpu.memory_space<vmem>>, vector<16xf32>,
      %scan3A_82 = arith.constant 0 : i32
      scf.yield %scan3A_82 : i32
    }
    %scan3A_15 = arith.constant 1250 : i32
    "tpu.region"() ({
      %run_scoped3A = tpu.sem_alloc : memref<!tpu.dma_semaphore, #tpu.memory_space<semaphore_mem>>
      tpu.enqueue_dma source(%arg3 : memref<40000xf32, #tpu.memory_space<hbm>>) target(%arg10 : memref<40000xf32, #tpu.memory_space<vmem>>) target_semaphore(%run_scoped3A : memref<!tpu.dma_semaphore, #tpu.memory_space<semaphore_mem>>)
      tpu.wait_dma2 semaphore(%run_scoped3A : memref<!tpu.dma_semaphore, #tpu.memory_space<semaphore_mem>>) src(%arg3 : memref<40000xf32, #tpu.memory_space<hbm>>) dst(%arg10 : memref<40000xf32, #tpu.memory_space<vmem>>)
      tpu.yield
    }) : () -> ()
    %scan3A_16 = arith.constant 0 : i32
    %scan3A_17 = arith.constant 0 : i32
    %scan3A_18 = arith.constant 1250 : i32
    %scan3A_19 = arith.addi %scan3A_17, %scan3A_18 : i32
    %scan3A_20 = arith.constant 1 : i32
    %scan3A_21 = scf.for %scan3A_25 = %scan3A_17 to %scan3A_19 step %scan3A_20 iter_args(%scan3A_26 = %scan3A_16) -> (i32)  : i32 {
      %iota3A = tpu.iota {dimensions = array<i32: 0>} : vector<16xi32>
      %jit3A = arith.constant 4 : i32
      %div3A = vector.broadcast %jit3A : i32 to vector<16xi32>
      %div3A_27 = arith.divsi %iota3A, %div3A : vector<16xi32>
      %sign3A = arith.constant 0 : i32
      %sign3A_28 = vector.broadcast %sign3A : i32 to vector<16xi32>
      %sign3A_29 = arith.cmpi sgt, %iota3A, %sign3A_28 : vector<16xi32>
      %sign3A_30 = arith.extui %sign3A_29 : vector<16xi1> to vector<16xi32>
      %sign3A_31 = arith.constant 0 : i32
      %sign3A_32 = vector.broadcast %sign3A_31 : i32 to vector<16xi32>
      %sign3A_33 = arith.cmpi slt, %iota3A, %sign3A_32 : vector<16xi32>
      %sign3A_34 = arith.extui %sign3A_33 : vector<16xi1> to vector<16xi32>
      %sign3A_35 = arith.subi %sign3A_30, %sign3A_34 : vector<16xi32>
      %sign3A_36 = arith.constant 0 : i32
      %sign3A_37 = arith.cmpi sgt, %jit3A, %sign3A_36 : i32
      %sign3A_38 = arith.extui %sign3A_37 : i1 to i32
      %sign3A_39 = arith.constant 0 : i32
      %sign3A_40 = arith.cmpi slt, %jit3A, %sign3A_39 : i32
      %sign3A_41 = arith.extui %sign3A_40 : i1 to i32
      %sign3A_42 = arith.subi %sign3A_38, %sign3A_41 : i32
      %ne3A = vector.broadcast %sign3A_42 : i32 to vector<16xi32>
      %ne3A_43 = arith.cmpi ne, %sign3A_35, %ne3A : vector<16xi32>
      %rem3A = vector.broadcast %jit3A : i32 to vector<16xi32>
      %rem3A_44 = arith.remsi %iota3A, %rem3A : vector<16xi32>
      %ne3A_45 = arith.constant 0 : i32
      %ne3A_46 = vector.broadcast %ne3A_45 : i32 to vector<16xi32>
      %ne3A_47 = arith.cmpi ne, %rem3A_44, %ne3A_46 : vector<16xi32>
      %and3A = arith.andi %ne3A_43, %ne3A_47 : vector<16xi1>
      %sub3A = arith.constant 1 : i32
      %sub3A_48 = vector.broadcast %sub3A : i32 to vector<16xi32>
      %sub3A_49 = arith.subi %div3A_27, %sub3A_48 : vector<16xi32>
      %select_n3A = arith.select %and3A, %sub3A_49, %div3A_27 : vector<16xi1>, vector<16xi32>
      %jit3A_50 = arith.constant 4 : i32
      %eq3A = arith.constant 0 : i32
      %eq3A_51 = arith.cmpi eq, %jit3A_50, %eq3A : i32
      %jit3A_52 = arith.constant 1 : i32
      %select_n3A_53 = arith.select %eq3A_51, %jit3A_52, %jit3A_50 : i32
      %rem3A_54 = vector.broadcast %select_n3A_53 : i32 to vector<16xi32>
      %rem3A_55 = arith.remsi %iota3A, %rem3A_54 : vector<16xi32>
      %ne3A_56 = arith.constant 0 : i32
      %ne3A_57 = vector.broadcast %ne3A_56 : i32 to vector<16xi32>
      %ne3A_58 = arith.cmpi ne, %rem3A_55, %ne3A_57 : vector<16xi32>
      %lt3A = arith.constant 0 : i32
      %lt3A_59 = vector.broadcast %lt3A : i32 to vector<16xi32>
      %lt3A_60 = arith.cmpi slt, %rem3A_55, %lt3A_59 : vector<16xi32>
      %lt3A_61 = arith.constant 0 : i32
      %lt3A_62 = arith.cmpi slt, %select_n3A_53, %lt3A_61 : i32
      %ne3A_63 = vector.broadcast %lt3A_62 : i1 to vector<16xi1>
      %ne3A_64 = vector.broadcast %ne3A_63 : vector<16xi1> to vector<16xi1>
      %ne3A_65 = arith.xori %lt3A_60, %ne3A_64 : vector<16xi1>
      %and3A_66 = arith.andi %ne3A_65, %ne3A_58 : vector<16xi1>
      %add3A_67 = vector.broadcast %select_n3A_53 : i32 to vector<16xi32>
      %add3A_68 = arith.addi %rem3A_55, %add3A_67 : vector<16xi32>
      %select_n3A_69 = arith.select %and3A_66, %add3A_68, %rem3A_55 : vector<16xi1>, vector<16xi32>
      %mul3A_70 = arith.constant 4 : i32
      %mul3A_71 = arith.muli %scan3A_25, %mul3A_70 : i32
      %add3A_72 = vector.broadcast %mul3A_71 : i32 to vector<16xi32>
      %add3A_73 = arith.addi %add3A_72, %select_n3A : vector<16xi32>
      %gather3A = tpu.vector_load_idx %arg9[%add3A_73] : memref<5000xi32, #tpu.memory_space<vmem>>[vector<16xi32>], vector<16xi32>,
      %mul3A_74 = arith.constant 4 : i32
      %mul3A_75 = vector.broadcast %mul3A_74 : i32 to vector<16xi32>
      %mul3A_76 = arith.muli %gather3A, %mul3A_75 : vector<16xi32>
      %add3A_77 = arith.addi %mul3A_76, %select_n3A_69 : vector<16xi32>
      %gather3A_78 = tpu.vector_load_idx %arg10[%add3A_77] : memref<40000xf32, #tpu.memory_space<vmem>>[vector<16xi32>], vector<16xf32>,
      %mul3A_79 = arith.constant 16 : i32
      %mul3A_80 = arith.muli %scan3A_25, %mul3A_79 : i32
      %get3A = arith.index_cast %mul3A_80 : i32 to index
      %get3A_81 = tpu.vector_load %arg11[%get3A] {strides = array<i32>} : memref<20000xf32, #tpu.memory_space<vmem>>, vector<16xf32>,
      %add3A_82 = arith.addf %get3A_81, %gather3A_78 : vector<16xf32>
      %mul3A_83 = arith.constant 2.000000e-01 : f32
      %mul3A_84 = vector.broadcast %mul3A_83 : f32 to vector<16xf32>
      %mul3A_85 = arith.mulf %mul3A_84, %add3A_82 : vector<16xf32>
      %max3A = arith.maximumf %add3A_82, %mul3A_85 : vector<16xf32>
      %exp3A = math.exp %max3A : vector<16xf32>
      %mul3A_86 = arith.constant 16 : i32
      %mul3A_87 = arith.muli %scan3A_25, %mul3A_86 : i32
      %swap3A = arith.index_cast %mul3A_87 : i32 to index
      %swap3A_88 = tpu.vector_load %arg11[%swap3A] {strides = array<i32>} : memref<20000xf32, #tpu.memory_space<vmem>>, vector<16xf32>,
      tpu.vector_store %arg11[%swap3A], %exp3A {strides = array<i32>} : memref<20000xf32, #tpu.memory_space<vmem>>, vector<16xf32>,
      %mul3A_89 = arith.constant 4 : i32
      %mul3A_90 = vector.broadcast %mul3A_89 : i32 to vector<16xi32>
      %mul3A_91 = arith.muli %gather3A, %mul3A_90 : vector<16xi32>
      %add3A_92 = arith.addi %mul3A_91, %select_n3A_69 : vector<16xi32>
      tpu.vector_store_idx %arg12[%add3A_92], %exp3A {add = true} : memref<40960xf32, #tpu.memory_space<vmem>>[vector<16xi32>], vector<16xf32>,
      %scan3A_93 = arith.constant 0 : i32
      scf.yield %scan3A_93 : i32
    }
    %scan3A_22 = arith.constant 1250 : i32
    %mul3A_23 = arith.constant 4 : i32
    %mul3A_24 = arith.muli %mul3A_2, %mul3A_23 : i32
    "tpu.region"() ({
      %run_scoped3A = tpu.sem_alloc : memref<!tpu.dma_semaphore, #tpu.memory_space<semaphore_mem>>
      %dma_start3A = tpu.memref_slice %arg6[%mul3A_24] : memref<640000xf32, #tpu.memory_space<hbm>> -> memref<20000xf32, #tpu.memory_space<hbm>>
      %dma_start3A_25 = tpu.memref_slice %arg6[%mul3A_24] : memref<640000xf32, #tpu.memory_space<hbm>> -> memref<20000xf32, #tpu.memory_space<hbm>>
      tpu.enqueue_dma source(%arg11 : memref<20000xf32, #tpu.memory_space<vmem>>) target(%dma_start3A_25 : memref<20000xf32, #tpu.memory_space<hbm>>) target_semaphore(%run_scoped3A : memref<!tpu.dma_semaphore, #tpu.memory_space<semaphore_mem>>)
      %dma_wait3A = tpu.memref_slice %arg6[%mul3A_24] : memref<640000xf32, #tpu.memory_space<hbm>> -> memref<20000xf32, #tpu.memory_space<hbm>>
      %dma_wait3A_26 = tpu.memref_slice %arg6[%mul3A_24] : memref<640000xf32, #tpu.memory_space<hbm>> -> memref<20000xf32, #tpu.memory_space<hbm>>
      tpu.wait_dma2 semaphore(%run_scoped3A : memref<!tpu.dma_semaphore, #tpu.memory_space<semaphore_mem>>) src(%arg11 : memref<20000xf32, #tpu.memory_space<vmem>>) dst(%dma_wait3A_26 : memref<20000xf32, #tpu.memory_space<hbm>>)
      tpu.yield
    }) : () -> ()
    "tpu.region"() ({
      %run_scoped3A = tpu.sem_alloc : memref<!tpu.dma_semaphore, #tpu.memory_space<semaphore_mem>>
      %dma_start3A = arith.constant 0 : i32
      %dma_start3A_25 = tpu.memref_slice %arg7[%add3A, %dma_start3A] : memref<32x40960xf32, #tpu.memory_space<hbm>> -> memref<1x40960xf32, #tpu.memory_space<hbm>>
      %dma_start3A_26 = tpu.memref_squeeze %dma_start3A_25 : memref<1x40960xf32, #tpu.memory_space<hbm>> -> memref<40960xf32, #tpu.memory_space<hbm>>
      %dma_start3A_27 = arith.constant 0 : i32
      %dma_start3A_28 = tpu.memref_slice %arg7[%add3A, %dma_start3A_27] : memref<32x40960xf32, #tpu.memory_space<hbm>> -> memref<1x40960xf32, #tpu.memory_space<hbm>>
      %dma_start3A_29 = tpu.memref_squeeze %dma_start3A_28 : memref<1x40960xf32, #tpu.memory_space<hbm>> -> memref<40960xf32, #tpu.memory_space<hbm>>
      tpu.enqueue_dma source(%arg12 : memref<40960xf32, #tpu.memory_space<vmem>>) target(%dma_start3A_29 : memref<40960xf32, #tpu.memory_space<hbm>>) target_semaphore(%run_scoped3A : memref<!tpu.dma_semaphore, #tpu.memory_space<semaphore_mem>>)
      %dma_wait3A = arith.constant 0 : i32
      %dma_wait3A_30 = tpu.memref_slice %arg7[%add3A, %dma_wait3A] : memref<32x40960xf32, #tpu.memory_space<hbm>> -> memref<1x40960xf32, #tpu.memory_space<hbm>>
      %dma_wait3A_31 = tpu.memref_squeeze %dma_wait3A_30 : memref<1x40960xf32, #tpu.memory_space<hbm>> -> memref<40960xf32, #tpu.memory_space<hbm>>
      %dma_wait3A_32 = arith.constant 0 : i32
      %dma_wait3A_33 = tpu.memref_slice %arg7[%add3A, %dma_wait3A_32] : memref<32x40960xf32, #tpu.memory_space<hbm>> -> memref<1x40960xf32, #tpu.memory_space<hbm>>
      %dma_wait3A_34 = tpu.memref_squeeze %dma_wait3A_33 : memref<1x40960xf32, #tpu.memory_space<hbm>> -> memref<40960xf32, #tpu.memory_space<hbm>>
      tpu.wait_dma2 semaphore(%run_scoped3A : memref<!tpu.dma_semaphore, #tpu.memory_space<semaphore_mem>>) src(%arg12 : memref<40960xf32, #tpu.memory_space<vmem>>) dst(%dma_wait3A_34 : memref<40960xf32, #tpu.memory_space<hbm>>)
      tpu.yield
    }) : () -> ()
    return
  }
}

#map = affine_map<(d0, d1) -> (0)>
#map1 = affine_map<(d0, d1) -> (0, 0)>
module attributes {stable_mosaic.version = 14 : i64} {
  func.func @_b1_body(%arg0: i32, %arg1: i32, %arg2: memref<40000xf32, #tpu.memory_space<hbm>>, %arg3: memref<40000xf32, #tpu.memory_space<hbm>>, %arg4: memref<160000xi32, #tpu.memory_space<hbm>>, %arg5: memref<160000xi32, #tpu.memory_space<hbm>>, %arg6: memref<640000xf32, #tpu.memory_space<hbm>>, %arg7: memref<32x40960xf32, #tpu.memory_space<hbm>>, %arg8: memref<5000xi32, #tpu.memory_space<vmem>>, %arg9: memref<5000xi32, #tpu.memory_space<vmem>>, %arg10: memref<40000xf32, #tpu.memory_space<vmem>>, %arg11: memref<20000xf32, #tpu.memory_space<vmem>>, %arg12: memref<40960xf32, #tpu.memory_space<vmem>>) attributes {dimension_semantics = [#tpu.dimension_semantics<core_parallel>, #tpu.dimension_semantics<subcore_parallel>], iteration_bounds = array<i64: 2, 16>, scalar_prefetch = 0 : i64, scratch_operands = 5 : i64, tpu.core_type = #tpu.core_type<sc_vector_subcore>, window_params = [{transform_indices = #map}, {transform_indices = #map}, {transform_indices = #map}, {transform_indices = #map}, {transform_indices = #map}, {transform_indices = #map1}]} {
    %mul3A = arith.constant 2 : i32
    %mul3A_0 = arith.muli %arg1, %mul3A : i32
    %add3A = arith.addi %mul3A_0, %arg0 : i32
    %mul3A_1 = arith.constant 5000 : i32
    %mul3A_2 = arith.muli %add3A, %mul3A_1 : i32
    %scan3A = arith.constant 0 : i32
    %scan3A_3 = arith.constant 0 : i32
    %scan3A_4 = arith.constant 2560 : i32
    %scan3A_5 = arith.addi %scan3A_3, %scan3A_4 : i32
    %scan3A_6 = arith.constant 1 : i32
    %scan3A_7 = scf.for %scan3A_25 = %scan3A_3 to %scan3A_5 step %scan3A_6 iter_args(%scan3A_26 = %scan3A) -> (i32)  : i32 {
      %broadcast_in_dim3A = arith.constant 0.000000e+00 : f32
      %broadcast_in_dim3A_27 = vector.broadcast %broadcast_in_dim3A : f32 to vector<16xf32>
      %mul3A_28 = arith.constant 16 : i32
      %mul3A_29 = arith.muli %scan3A_25, %mul3A_28 : i32
      %swap3A = arith.index_cast %mul3A_29 : i32 to index
      %swap3A_30 = tpu.vector_load %arg12[%swap3A] {strides = array<i32>} : memref<40960xf32, #tpu.memory_space<vmem>>, vector<16xf32>,
      tpu.vector_store %arg12[%swap3A], %broadcast_in_dim3A_27 {strides = array<i32>} : memref<40960xf32, #tpu.memory_space<vmem>>, vector<16xf32>,
      %scan3A_31 = arith.constant 0 : i32
      scf.yield %scan3A_31 : i32
    }
    %scan3A_8 = arith.constant 2560 : i32
    "tpu.region"() ({
      %run_scoped3A = tpu.sem_alloc : memref<!tpu.dma_semaphore, #tpu.memory_space<semaphore_mem>>
      %dma_start3A = tpu.memref_slice %arg4[%mul3A_2] : memref<160000xi32, #tpu.memory_space<hbm>> -> memref<5000xi32, #tpu.memory_space<hbm>>
      %dma_start3A_25 = tpu.memref_slice %arg4[%mul3A_2] : memref<160000xi32, #tpu.memory_space<hbm>> -> memref<5000xi32, #tpu.memory_space<hbm>>
      tpu.enqueue_dma source(%dma_start3A_25 : memref<5000xi32, #tpu.memory_space<hbm>>) target(%arg8 : memref<5000xi32, #tpu.memory_space<vmem>>) target_semaphore(%run_scoped3A : memref<!tpu.dma_semaphore, #tpu.memory_space<semaphore_mem>>)
      %dma_wait3A = tpu.memref_slice %arg4[%mul3A_2] : memref<160000xi32, #tpu.memory_space<hbm>> -> memref<5000xi32, #tpu.memory_space<hbm>>
      %dma_wait3A_26 = tpu.memref_slice %arg4[%mul3A_2] : memref<160000xi32, #tpu.memory_space<hbm>> -> memref<5000xi32, #tpu.memory_space<hbm>>
      tpu.wait_dma2 semaphore(%run_scoped3A : memref<!tpu.dma_semaphore, #tpu.memory_space<semaphore_mem>>) src(%dma_wait3A_26 : memref<5000xi32, #tpu.memory_space<hbm>>) dst(%arg8 : memref<5000xi32, #tpu.memory_space<vmem>>)
      tpu.yield
    }) : () -> ()
    "tpu.region"() ({
      %run_scoped3A = tpu.sem_alloc : memref<!tpu.dma_semaphore, #tpu.memory_space<semaphore_mem>>
      %dma_start3A = tpu.memref_slice %arg5[%mul3A_2] : memref<160000xi32, #tpu.memory_space<hbm>> -> memref<5000xi32, #tpu.memory_space<hbm>>
      %dma_start3A_25 = tpu.memref_slice %arg5[%mul3A_2] : memref<160000xi32, #tpu.memory_space<hbm>> -> memref<5000xi32, #tpu.memory_space<hbm>>
      tpu.enqueue_dma source(%dma_start3A_25 : memref<5000xi32, #tpu.memory_space<hbm>>) target(%arg9 : memref<5000xi32, #tpu.memory_space<vmem>>) target_semaphore(%run_scoped3A : memref<!tpu.dma_semaphore, #tpu.memory_space<semaphore_mem>>)
      %dma_wait3A = tpu.memref_slice %arg5[%mul3A_2] : memref<160000xi32, #tpu.memory_space<hbm>> -> memref<5000xi32, #tpu.memory_space<hbm>>
      %dma_wait3A_26 = tpu.memref_slice %arg5[%mul3A_2] : memref<160000xi32, #tpu.memory_space<hbm>> -> memref<5000xi32, #tpu.memory_space<hbm>>
      tpu.wait_dma2 semaphore(%run_scoped3A : memref<!tpu.dma_semaphore, #tpu.memory_space<semaphore_mem>>) src(%dma_wait3A_26 : memref<5000xi32, #tpu.memory_space<hbm>>) dst(%arg9 : memref<5000xi32, #tpu.memory_space<vmem>>)
      tpu.yield
    }) : () -> ()
    "tpu.region"() ({
      %run_scoped3A = tpu.sem_alloc : memref<!tpu.dma_semaphore, #tpu.memory_space<semaphore_mem>>
      tpu.enqueue_dma source(%arg2 : memref<40000xf32, #tpu.memory_space<hbm>>) target(%arg10 : memref<40000xf32, #tpu.memory_space<vmem>>) target_semaphore(%run_scoped3A : memref<!tpu.dma_semaphore, #tpu.memory_space<semaphore_mem>>)
      tpu.wait_dma2 semaphore(%run_scoped3A : memref<!tpu.dma_semaphore, #tpu.memory_space<semaphore_mem>>) src(%arg2 : memref<40000xf32, #tpu.memory_space<hbm>>) dst(%arg10 : memref<40000xf32, #tpu.memory_space<vmem>>)
      tpu.yield
    }) : () -> ()
    %scan3A_9 = arith.constant 0 : i32
    %scan3A_10 = arith.constant 0 : i32
    %scan3A_11 = arith.constant 1250 : i32
    %scan3A_12 = arith.addi %scan3A_10, %scan3A_11 : i32
    %scan3A_13 = arith.constant 1 : i32
    %scan3A_14 = scf.for %scan3A_25 = %scan3A_10 to %scan3A_12 step %scan3A_13 iter_args(%scan3A_26 = %scan3A_9) -> (i32)  : i32 {
      %iota3A = tpu.iota {dimensions = array<i32: 0>} : vector<16xi32>
      %jit3A = arith.constant 4 : i32
      %div3A = vector.broadcast %jit3A : i32 to vector<16xi32>
      %div3A_27 = arith.divsi %iota3A, %div3A : vector<16xi32>
      %sign3A = arith.constant 0 : i32
      %sign3A_28 = vector.broadcast %sign3A : i32 to vector<16xi32>
      %sign3A_29 = arith.cmpi sgt, %iota3A, %sign3A_28 : vector<16xi32>
      %sign3A_30 = arith.extui %sign3A_29 : vector<16xi1> to vector<16xi32>
      %sign3A_31 = arith.constant 0 : i32
      %sign3A_32 = vector.broadcast %sign3A_31 : i32 to vector<16xi32>
      %sign3A_33 = arith.cmpi slt, %iota3A, %sign3A_32 : vector<16xi32>
      %sign3A_34 = arith.extui %sign3A_33 : vector<16xi1> to vector<16xi32>
      %sign3A_35 = arith.subi %sign3A_30, %sign3A_34 : vector<16xi32>
      %sign3A_36 = arith.constant 0 : i32
      %sign3A_37 = arith.cmpi sgt, %jit3A, %sign3A_36 : i32
      %sign3A_38 = arith.extui %sign3A_37 : i1 to i32
      %sign3A_39 = arith.constant 0 : i32
      %sign3A_40 = arith.cmpi slt, %jit3A, %sign3A_39 : i32
      %sign3A_41 = arith.extui %sign3A_40 : i1 to i32
      %sign3A_42 = arith.subi %sign3A_38, %sign3A_41 : i32
      %ne3A = vector.broadcast %sign3A_42 : i32 to vector<16xi32>
      %ne3A_43 = arith.cmpi ne, %sign3A_35, %ne3A : vector<16xi32>
      %rem3A = vector.broadcast %jit3A : i32 to vector<16xi32>
      %rem3A_44 = arith.remsi %iota3A, %rem3A : vector<16xi32>
      %ne3A_45 = arith.constant 0 : i32
      %ne3A_46 = vector.broadcast %ne3A_45 : i32 to vector<16xi32>
      %ne3A_47 = arith.cmpi ne, %rem3A_44, %ne3A_46 : vector<16xi32>
      %and3A = arith.andi %ne3A_43, %ne3A_47 : vector<16xi1>
      %sub3A = arith.constant 1 : i32
      %sub3A_48 = vector.broadcast %sub3A : i32 to vector<16xi32>
      %sub3A_49 = arith.subi %div3A_27, %sub3A_48 : vector<16xi32>
      %select_n3A = arith.select %and3A, %sub3A_49, %div3A_27 : vector<16xi1>, vector<16xi32>
      %jit3A_50 = arith.constant 4 : i32
      %eq3A = arith.constant 0 : i32
      %eq3A_51 = arith.cmpi eq, %jit3A_50, %eq3A : i32
      %jit3A_52 = arith.constant 1 : i32
      %select_n3A_53 = arith.select %eq3A_51, %jit3A_52, %jit3A_50 : i32
      %rem3A_54 = vector.broadcast %select_n3A_53 : i32 to vector<16xi32>
      %rem3A_55 = arith.remsi %iota3A, %rem3A_54 : vector<16xi32>
      %ne3A_56 = arith.constant 0 : i32
      %ne3A_57 = vector.broadcast %ne3A_56 : i32 to vector<16xi32>
      %ne3A_58 = arith.cmpi ne, %rem3A_55, %ne3A_57 : vector<16xi32>
      %lt3A = arith.constant 0 : i32
      %lt3A_59 = vector.broadcast %lt3A : i32 to vector<16xi32>
      %lt3A_60 = arith.cmpi slt, %rem3A_55, %lt3A_59 : vector<16xi32>
      %lt3A_61 = arith.constant 0 : i32
      %lt3A_62 = arith.cmpi slt, %select_n3A_53, %lt3A_61 : i32
      %ne3A_63 = vector.broadcast %lt3A_62 : i1 to vector<16xi1>
      %ne3A_64 = vector.broadcast %ne3A_63 : vector<16xi1> to vector<16xi1>
      %ne3A_65 = arith.xori %lt3A_60, %ne3A_64 : vector<16xi1>
      %and3A_66 = arith.andi %ne3A_65, %ne3A_58 : vector<16xi1>
      %add3A_67 = vector.broadcast %select_n3A_53 : i32 to vector<16xi32>
      %add3A_68 = arith.addi %rem3A_55, %add3A_67 : vector<16xi32>
      %select_n3A_69 = arith.select %and3A_66, %add3A_68, %rem3A_55 : vector<16xi1>, vector<16xi32>
      %mul3A_70 = arith.constant 4 : i32
      %mul3A_71 = arith.muli %scan3A_25, %mul3A_70 : i32
      %add3A_72 = vector.broadcast %mul3A_71 : i32 to vector<16xi32>
      %add3A_73 = arith.addi %add3A_72, %select_n3A : vector<16xi32>
      %gather3A = tpu.vector_load_idx %arg8[%add3A_73] : memref<5000xi32, #tpu.memory_space<vmem>>[vector<16xi32>], vector<16xi32>,
      %mul3A_74 = arith.constant 4 : i32
      %mul3A_75 = vector.broadcast %mul3A_74 : i32 to vector<16xi32>
      %mul3A_76 = arith.muli %gather3A, %mul3A_75 : vector<16xi32>
      %add3A_77 = arith.addi %mul3A_76, %select_n3A_69 : vector<16xi32>
      %gather3A_78 = tpu.vector_load_idx %arg10[%add3A_77] : memref<40000xf32, #tpu.memory_space<vmem>>[vector<16xi32>], vector<16xf32>,
      %mul3A_79 = arith.constant 16 : i32
      %mul3A_80 = arith.muli %scan3A_25, %mul3A_79 : i32
      %swap3A = arith.index_cast %mul3A_80 : i32 to index
      %swap3A_81 = tpu.vector_load %arg11[%swap3A] {strides = array<i32>} : memref<20000xf32, #tpu.memory_space<vmem>>, vector<16xf32>,
      tpu.vector_store %arg11[%swap3A], %gather3A_78 {strides = array<i32>} : memref<20000xf32, #tpu.memory_space<vmem>>, vector<16xf32>,
      %scan3A_82 = arith.constant 0 : i32
      scf.yield %scan3A_82 : i32
    }
    %scan3A_15 = arith.constant 1250 : i32
    "tpu.region"() ({
      %run_scoped3A = tpu.sem_alloc : memref<!tpu.dma_semaphore, #tpu.memory_space<semaphore_mem>>
      tpu.enqueue_dma source(%arg3 : memref<40000xf32, #tpu.memory_space<hbm>>) target(%arg10 : memref<40000xf32, #tpu.memory_space<vmem>>) target_semaphore(%run_scoped3A : memref<!tpu.dma_semaphore, #tpu.memory_space<semaphore_mem>>)
      tpu.wait_dma2 semaphore(%run_scoped3A : memref<!tpu.dma_semaphore, #tpu.memory_space<semaphore_mem>>) src(%arg3 : memref<40000xf32, #tpu.memory_space<hbm>>) dst(%arg10 : memref<40000xf32, #tpu.memory_space<vmem>>)
      tpu.yield
    }) : () -> ()
    %scan3A_16 = arith.constant 0 : i32
    %scan3A_17 = arith.constant 0 : i32
    %scan3A_18 = arith.constant 1250 : i32
    %scan3A_19 = arith.addi %scan3A_17, %scan3A_18 : i32
    %scan3A_20 = arith.constant 1 : i32
    %scan3A_21 = scf.for %scan3A_25 = %scan3A_17 to %scan3A_19 step %scan3A_20 iter_args(%scan3A_26 = %scan3A_16) -> (i32)  : i32 {
      %iota3A = tpu.iota {dimensions = array<i32: 0>} : vector<16xi32>
      %jit3A = arith.constant 4 : i32
      %div3A = vector.broadcast %jit3A : i32 to vector<16xi32>
      %div3A_27 = arith.divsi %iota3A, %div3A : vector<16xi32>
      %sign3A = arith.constant 0 : i32
      %sign3A_28 = vector.broadcast %sign3A : i32 to vector<16xi32>
      %sign3A_29 = arith.cmpi sgt, %iota3A, %sign3A_28 : vector<16xi32>
      %sign3A_30 = arith.extui %sign3A_29 : vector<16xi1> to vector<16xi32>
      %sign3A_31 = arith.constant 0 : i32
      %sign3A_32 = vector.broadcast %sign3A_31 : i32 to vector<16xi32>
      %sign3A_33 = arith.cmpi slt, %iota3A, %sign3A_32 : vector<16xi32>
      %sign3A_34 = arith.extui %sign3A_33 : vector<16xi1> to vector<16xi32>
      %sign3A_35 = arith.subi %sign3A_30, %sign3A_34 : vector<16xi32>
      %sign3A_36 = arith.constant 0 : i32
      %sign3A_37 = arith.cmpi sgt, %jit3A, %sign3A_36 : i32
      %sign3A_38 = arith.extui %sign3A_37 : i1 to i32
      %sign3A_39 = arith.constant 0 : i32
      %sign3A_40 = arith.cmpi slt, %jit3A, %sign3A_39 : i32
      %sign3A_41 = arith.extui %sign3A_40 : i1 to i32
      %sign3A_42 = arith.subi %sign3A_38, %sign3A_41 : i32
      %ne3A = vector.broadcast %sign3A_42 : i32 to vector<16xi32>
      %ne3A_43 = arith.cmpi ne, %sign3A_35, %ne3A : vector<16xi32>
      %rem3A = vector.broadcast %jit3A : i32 to vector<16xi32>
      %rem3A_44 = arith.remsi %iota3A, %rem3A : vector<16xi32>
      %ne3A_45 = arith.constant 0 : i32
      %ne3A_46 = vector.broadcast %ne3A_45 : i32 to vector<16xi32>
      %ne3A_47 = arith.cmpi ne, %rem3A_44, %ne3A_46 : vector<16xi32>
      %and3A = arith.andi %ne3A_43, %ne3A_47 : vector<16xi1>
      %sub3A = arith.constant 1 : i32
      %sub3A_48 = vector.broadcast %sub3A : i32 to vector<16xi32>
      %sub3A_49 = arith.subi %div3A_27, %sub3A_48 : vector<16xi32>
      %select_n3A = arith.select %and3A, %sub3A_49, %div3A_27 : vector<16xi1>, vector<16xi32>
      %jit3A_50 = arith.constant 4 : i32
      %eq3A = arith.constant 0 : i32
      %eq3A_51 = arith.cmpi eq, %jit3A_50, %eq3A : i32
      %jit3A_52 = arith.constant 1 : i32
      %select_n3A_53 = arith.select %eq3A_51, %jit3A_52, %jit3A_50 : i32
      %rem3A_54 = vector.broadcast %select_n3A_53 : i32 to vector<16xi32>
      %rem3A_55 = arith.remsi %iota3A, %rem3A_54 : vector<16xi32>
      %ne3A_56 = arith.constant 0 : i32
      %ne3A_57 = vector.broadcast %ne3A_56 : i32 to vector<16xi32>
      %ne3A_58 = arith.cmpi ne, %rem3A_55, %ne3A_57 : vector<16xi32>
      %lt3A = arith.constant 0 : i32
      %lt3A_59 = vector.broadcast %lt3A : i32 to vector<16xi32>
      %lt3A_60 = arith.cmpi slt, %rem3A_55, %lt3A_59 : vector<16xi32>
      %lt3A_61 = arith.constant 0 : i32
      %lt3A_62 = arith.cmpi slt, %select_n3A_53, %lt3A_61 : i32
      %ne3A_63 = vector.broadcast %lt3A_62 : i1 to vector<16xi1>
      %ne3A_64 = vector.broadcast %ne3A_63 : vector<16xi1> to vector<16xi1>
      %ne3A_65 = arith.xori %lt3A_60, %ne3A_64 : vector<16xi1>
      %and3A_66 = arith.andi %ne3A_65, %ne3A_58 : vector<16xi1>
      %add3A_67 = vector.broadcast %select_n3A_53 : i32 to vector<16xi32>
      %add3A_68 = arith.addi %rem3A_55, %add3A_67 : vector<16xi32>
      %select_n3A_69 = arith.select %and3A_66, %add3A_68, %rem3A_55 : vector<16xi1>, vector<16xi32>
      %mul3A_70 = arith.constant 4 : i32
      %mul3A_71 = arith.muli %scan3A_25, %mul3A_70 : i32
      %add3A_72 = vector.broadcast %mul3A_71 : i32 to vector<16xi32>
      %add3A_73 = arith.addi %add3A_72, %select_n3A : vector<16xi32>
      %gather3A = tpu.vector_load_idx %arg9[%add3A_73] : memref<5000xi32, #tpu.memory_space<vmem>>[vector<16xi32>], vector<16xi32>,
      %mul3A_74 = arith.constant 4 : i32
      %mul3A_75 = vector.broadcast %mul3A_74 : i32 to vector<16xi32>
      %mul3A_76 = arith.muli %gather3A, %mul3A_75 : vector<16xi32>
      %add3A_77 = arith.addi %mul3A_76, %select_n3A_69 : vector<16xi32>
      %gather3A_78 = tpu.vector_load_idx %arg10[%add3A_77] : memref<40000xf32, #tpu.memory_space<vmem>>[vector<16xi32>], vector<16xf32>,
      %mul3A_79 = arith.constant 16 : i32
      %mul3A_80 = arith.muli %scan3A_25, %mul3A_79 : i32
      %get3A = arith.index_cast %mul3A_80 : i32 to index
      %get3A_81 = tpu.vector_load %arg11[%get3A] {strides = array<i32>} : memref<20000xf32, #tpu.memory_space<vmem>>, vector<16xf32>,
      %add3A_82 = arith.addf %get3A_81, %gather3A_78 : vector<16xf32>
      %mul3A_83 = arith.constant 2.000000e-01 : f32
      %mul3A_84 = vector.broadcast %mul3A_83 : f32 to vector<16xf32>
      %mul3A_85 = arith.mulf %mul3A_84, %add3A_82 : vector<16xf32>
      %max3A = arith.maximumf %add3A_82, %mul3A_85 : vector<16xf32>
      %exp3A = math.exp %max3A : vector<16xf32>
      %mul3A_86 = arith.constant 16 : i32
      %mul3A_87 = arith.muli %scan3A_25, %mul3A_86 : i32
      %swap3A = arith.index_cast %mul3A_87 : i32 to index
      %swap3A_88 = tpu.vector_load %arg11[%swap3A] {strides = array<i32>} : memref<20000xf32, #tpu.memory_space<vmem>>, vector<16xf32>,
      tpu.vector_store %arg11[%swap3A], %exp3A {strides = array<i32>} : memref<20000xf32, #tpu.memory_space<vmem>>, vector<16xf32>,
      %mul3A_89 = arith.constant 4 : i32
      %mul3A_90 = vector.broadcast %mul3A_89 : i32 to vector<16xi32>
      %mul3A_91 = arith.muli %gather3A, %mul3A_90 : vector<16xi32>
      %add3A_92 = arith.addi %mul3A_91, %select_n3A_69 : vector<16xi32>
      tpu.vector_store_idx %arg12[%add3A_92], %exp3A {add = true} : memref<40960xf32, #tpu.memory_space<vmem>>[vector<16xi32>], vector<16xf32>,
      %scan3A_93 = arith.constant 0 : i32
      scf.yield %scan3A_93 : i32
    }
    %scan3A_22 = arith.constant 1250 : i32
    %mul3A_23 = arith.constant 4 : i32
    %mul3A_24 = arith.muli %mul3A_2, %mul3A_23 : i32
    "tpu.region"() ({
      %run_scoped3A = tpu.sem_alloc : memref<!tpu.dma_semaphore, #tpu.memory_space<semaphore_mem>>
      %dma_start3A = tpu.memref_slice %arg6[%mul3A_24] : memref<640000xf32, #tpu.memory_space<hbm>> -> memref<20000xf32, #tpu.memory_space<hbm>>
      %dma_start3A_25 = tpu.memref_slice %arg6[%mul3A_24] : memref<640000xf32, #tpu.memory_space<hbm>> -> memref<20000xf32, #tpu.memory_space<hbm>>
      tpu.enqueue_dma source(%arg11 : memref<20000xf32, #tpu.memory_space<vmem>>) target(%dma_start3A_25 : memref<20000xf32, #tpu.memory_space<hbm>>) target_semaphore(%run_scoped3A : memref<!tpu.dma_semaphore, #tpu.memory_space<semaphore_mem>>)
      %dma_wait3A = tpu.memref_slice %arg6[%mul3A_24] : memref<640000xf32, #tpu.memory_space<hbm>> -> memref<20000xf32, #tpu.memory_space<hbm>>
      %dma_wait3A_26 = tpu.memref_slice %arg6[%mul3A_24] : memref<640000xf32, #tpu.memory_space<hbm>> -> memref<20000xf32, #tpu.memory_space<hbm>>
      tpu.wait_dma2 semaphore(%run_scoped3A : memref<!tpu.dma_semaphore, #tpu.memory_space<semaphore_mem>>) src(%arg11 : memref<20000xf32, #tpu.memory_space<vmem>>) dst(%dma_wait3A_26 : memref<20000xf32, #tpu.memory_space<hbm>>)
      tpu.yield
    }) : () -> ()
    "tpu.region"() ({
      %run_scoped3A = tpu.sem_alloc : memref<!tpu.dma_semaphore, #tpu.memory_space<semaphore_mem>>
      %dma_start3A = arith.constant 0 : i32
      %dma_start3A_25 = tpu.memref_slice %arg7[%add3A, %dma_start3A] : memref<32x40960xf32, #tpu.memory_space<hbm>> -> memref<1x40960xf32, #tpu.memory_space<hbm>>
      %dma_start3A_26 = tpu.memref_squeeze %dma_start3A_25 : memref<1x40960xf32, #tpu.memory_space<hbm>> -> memref<40960xf32, #tpu.memory_space<hbm>>
      %dma_start3A_27 = arith.constant 0 : i32
      %dma_start3A_28 = tpu.memref_slice %arg7[%add3A, %dma_start3A_27] : memref<32x40960xf32, #tpu.memory_space<hbm>> -> memref<1x40960xf32, #tpu.memory_space<hbm>>
      %dma_start3A_29 = tpu.memref_squeeze %dma_start3A_28 : memref<1x40960xf32, #tpu.memory_space<hbm>> -> memref<40960xf32, #tpu.memory_space<hbm>>
      tpu.enqueue_dma source(%arg12 : memref<40960xf32, #tpu.memory_space<vmem>>) target(%dma_start3A_29 : memref<40960xf32, #tpu.memory_space<hbm>>) target_semaphore(%run_scoped3A : memref<!tpu.dma_semaphore, #tpu.memory_space<semaphore_mem>>)
      %dma_wait3A = arith.constant 0 : i32
      %dma_wait3A_30 = tpu.memref_slice %arg7[%add3A, %dma_wait3A] : memref<32x40960xf32, #tpu.memory_space<hbm>> -> memref<1x40960xf32, #tpu.memory_space<hbm>>
      %dma_wait3A_31 = tpu.memref_squeeze %dma_wait3A_30 : memref<1x40960xf32, #tpu.memory_space<hbm>> -> memref<40960xf32, #tpu.memory_space<hbm>>
      %dma_wait3A_32 = arith.constant 0 : i32
      %dma_wait3A_33 = tpu.memref_slice %arg7[%add3A, %dma_wait3A_32] : memref<32x40960xf32, #tpu.memory_space<hbm>> -> memref<1x40960xf32, #tpu.memory_space<hbm>>
      %dma_wait3A_34 = tpu.memref_squeeze %dma_wait3A_33 : memref<1x40960xf32, #tpu.memory_space<hbm>> -> memref<40960xf32, #tpu.memory_space<hbm>>
      tpu.wait_dma2 semaphore(%run_scoped3A : memref<!tpu.dma_semaphore, #tpu.memory_space<semaphore_mem>>) src(%arg12 : memref<40960xf32, #tpu.memory_space<vmem>>) dst(%dma_wait3A_34 : memref<40960xf32, #tpu.memory_space<hbm>>)
      tpu.yield
    }) : () -> ()
    return
  }
}

#map = affine_map<(d0, d1) -> (0, 0)>
#map1 = affine_map<(d0, d1) -> (0)>
module attributes {stable_mosaic.version = 14 : i64} {
  func.func @_c_body(%arg0: i32, %arg1: i32, %arg2: memref<10000x1024xf32, #tpu.memory_space<hbm>>, %arg3: memref<160000xi32, #tpu.memory_space<hbm>>, %arg4: memref<160000xi32, #tpu.memory_space<hbm>>, %arg5: memref<640000xf32, #tpu.memory_space<hbm>>, %arg6: memref<40960xf32, #tpu.memory_space<hbm>>, %arg7: memref<2621440xf32, #tpu.memory_space<hbm>>, %arg8: memref<2000xi32, #tpu.memory_space<vmem>>, %arg9: memref<2000xi32, #tpu.memory_space<vmem>>, %arg10: memref<2032xi32, #tpu.memory_space<vmem>>, %arg11: memref<2032xi32, #tpu.memory_space<vmem>>, %arg12: memref<2032xi32, #tpu.memory_space<vmem>>, %arg13: memref<8000xf32, #tpu.memory_space<vmem>>, %arg14: memref<1312xf32, #tpu.memory_space<vmem>>, %arg15: memref<16x1024xf32, #tpu.memory_space<vmem>>, %arg16: memref<64xf32, #tpu.memory_space<vmem>>, %arg17: memref<16xi32, #tpu.memory_space<vmem>>, %arg18: memref<83968xf32, #tpu.memory_space<vmem>>, %arg19: memref<!tpu.dma_semaphore, #tpu.memory_space<semaphore_mem>>) attributes {dimension_semantics = [#tpu.dimension_semantics<core_parallel>, #tpu.dimension_semantics<subcore_parallel>], iteration_bounds = array<i64: 2, 16>, scalar_prefetch = 0 : i64, scratch_operands = 12 : i64, tpu.core_type = #tpu.core_type<sc_vector_subcore>, window_params = [{transform_indices = #map}, {transform_indices = #map1}, {transform_indices = #map1}, {transform_indices = #map1}, {transform_indices = #map1}, {transform_indices = #map1}]} {
    %mul3A = arith.constant 2 : i32
    %mul3A_0 = arith.muli %arg1, %mul3A : i32
    %add3A = arith.addi %mul3A_0, %arg0 : i32
    %mul3A_1 = arith.constant 320 : i32
    %mul3A_2 = arith.muli %add3A, %mul3A_1 : i32
    %scan3A = arith.constant 0 : i32
    %scan3A_3 = arith.constant 0 : i32
    %scan3A_4 = arith.constant 5248 : i32
    %scan3A_5 = arith.addi %scan3A_3, %scan3A_4 : i32
    %scan3A_6 = arith.constant 1 : i32
    %scan3A_7 = scf.for %scan3A_27 = %scan3A_3 to %scan3A_5 step %scan3A_6 iter_args(%scan3A_28 = %scan3A) -> (i32)  : i32 {
      %broadcast_in_dim3A = arith.constant 0.000000e+00 : f32
      %broadcast_in_dim3A_29 = vector.broadcast %broadcast_in_dim3A : f32 to vector<16xf32>
      %mul3A_30 = arith.constant 16 : i32
      %mul3A_31 = arith.muli %scan3A_27, %mul3A_30 : i32
      %swap3A = arith.index_cast %mul3A_31 : i32 to index
      %swap3A_32 = tpu.vector_load %arg18[%swap3A] {strides = array<i32>} : memref<83968xf32, #tpu.memory_space<vmem>>, vector<16xf32>,
      tpu.vector_store %arg18[%swap3A], %broadcast_in_dim3A_29 {strides = array<i32>} : memref<83968xf32, #tpu.memory_space<vmem>>, vector<16xf32>,
      %scan3A_33 = arith.constant 0 : i32
      scf.yield %scan3A_33 : i32
    }
    %scan3A_8 = arith.constant 5248 : i32
    %mul3A_9 = arith.constant 4 : i32
    %mul3A_10 = arith.muli %mul3A_2, %mul3A_9 : i32
    "tpu.region"() ({
      %run_scoped3A = tpu.sem_alloc : memref<!tpu.dma_semaphore, #tpu.memory_space<semaphore_mem>>
      %dma_start3A = arith.constant 0 : i32
      %dma_start3A_27 = tpu.memref_slice %arg14[%dma_start3A] : memref<1312xf32, #tpu.memory_space<vmem>> -> memref<1280xf32, #tpu.memory_space<vmem>>
      %dma_start3A_28 = tpu.memref_slice %arg6[%mul3A_10] : memref<40960xf32, #tpu.memory_space<hbm>> -> memref<1280xf32, #tpu.memory_space<hbm>>
      %dma_start3A_29 = arith.constant 0 : i32
      %dma_start3A_30 = tpu.memref_slice %arg14[%dma_start3A_29] : memref<1312xf32, #tpu.memory_space<vmem>> -> memref<1280xf32, #tpu.memory_space<vmem>>
      %dma_start3A_31 = tpu.memref_slice %arg6[%mul3A_10] : memref<40960xf32, #tpu.memory_space<hbm>> -> memref<1280xf32, #tpu.memory_space<hbm>>
      tpu.enqueue_dma source(%dma_start3A_31 : memref<1280xf32, #tpu.memory_space<hbm>>) target(%dma_start3A_30 : memref<1280xf32, #tpu.memory_space<vmem>>) target_semaphore(%run_scoped3A : memref<!tpu.dma_semaphore, #tpu.memory_space<semaphore_mem>>)
      %dma_wait3A = arith.constant 0 : i32
      %dma_wait3A_32 = tpu.memref_slice %arg14[%dma_wait3A] : memref<1312xf32, #tpu.memory_space<vmem>> -> memref<1280xf32, #tpu.memory_space<vmem>>
      %dma_wait3A_33 = tpu.memref_slice %arg6[%mul3A_10] : memref<40960xf32, #tpu.memory_space<hbm>> -> memref<1280xf32, #tpu.memory_space<hbm>>
      %dma_wait3A_34 = arith.constant 0 : i32
      %dma_wait3A_35 = tpu.memref_slice %arg14[%dma_wait3A_34] : memref<1312xf32, #tpu.memory_space<vmem>> -> memref<1280xf32, #tpu.memory_space<vmem>>
      %dma_wait3A_36 = tpu.memref_slice %arg6[%mul3A_10] : memref<40960xf32, #tpu.memory_space<hbm>> -> memref<1280xf32, #tpu.memory_space<hbm>>
      tpu.wait_dma2 semaphore(%run_scoped3A : memref<!tpu.dma_semaphore, #tpu.memory_space<semaphore_mem>>) src(%dma_wait3A_36 : memref<1280xf32, #tpu.memory_space<hbm>>) dst(%dma_wait3A_35 : memref<1280xf32, #tpu.memory_space<vmem>>)
      tpu.yield
    }) : () -> ()
    %scan3A_11 = arith.constant 0 : i32
    %scan3A_12 = arith.constant 0 : i32
    %scan3A_13 = arith.constant 2 : i32
    %scan3A_14 = arith.addi %scan3A_12, %scan3A_13 : i32
    %scan3A_15 = arith.constant 1 : i32
    %scan3A_16 = scf.for %scan3A_27 = %scan3A_12 to %scan3A_14 step %scan3A_15 iter_args(%scan3A_28 = %scan3A_11) -> (i32)  : i32 {
      %broadcast_in_dim3A = arith.constant 0.000000e+00 : f32
      %broadcast_in_dim3A_29 = vector.broadcast %broadcast_in_dim3A : f32 to vector<16xf32>
      %mul3A_30 = arith.constant 16 : i32
      %mul3A_31 = arith.muli %scan3A_27, %mul3A_30 : i32
      %add3A_32 = arith.constant 1280 : i32
      %add3A_33 = arith.addi %add3A_32, %mul3A_31 : i32
      %swap3A = arith.index_cast %add3A_33 : i32 to index
      %swap3A_34 = tpu.vector_load %arg14[%swap3A] {strides = array<i32>} : memref<1312xf32, #tpu.memory_space<vmem>>, vector<16xf32>,
      tpu.vector_store %arg14[%swap3A], %broadcast_in_dim3A_29 {strides = array<i32>} : memref<1312xf32, #tpu.memory_space<vmem>>, vector<16xf32>,
      %scan3A_35 = arith.constant 0 : i32
      scf.yield %scan3A_35 : i32
    }
    %scan3A_17 = arith.constant 2 : i32
    %scan3A_18 = arith.constant 0 : i32
    %scan3A_19 = arith.constant 0 : i32
    %scan3A_20 = arith.constant 80 : i32
    %scan3A_21 = arith.addi %scan3A_19, %scan3A_20 : i32
    %scan3A_22 = arith.constant 1 : i32
    %scan3A_23 = scf.for %scan3A_27 = %scan3A_19 to %scan3A_21 step %scan3A_22 iter_args(%scan3A_28 = %scan3A_18) -> (i32)  : i32 {
      %mul3A_29 = arith.constant 2000 : i32
      %mul3A_30 = arith.muli %scan3A_27, %mul3A_29 : i32
      "tpu.region"() ({
        %run_scoped3A = tpu.sem_alloc : memref<!tpu.dma_semaphore, #tpu.memory_space<semaphore_mem>>
        %dma_start3A = tpu.memref_slice %arg3[%mul3A_30] : memref<160000xi32, #tpu.memory_space<hbm>> -> memref<2000xi32, #tpu.memory_space<hbm>>
        %dma_start3A_84 = tpu.memref_slice %arg3[%mul3A_30] : memref<160000xi32, #tpu.memory_space<hbm>> -> memref<2000xi32, #tpu.memory_space<hbm>>
        tpu.enqueue_dma source(%dma_start3A_84 : memref<2000xi32, #tpu.memory_space<hbm>>) target(%arg8 : memref<2000xi32, #tpu.memory_space<vmem>>) target_semaphore(%run_scoped3A : memref<!tpu.dma_semaphore, #tpu.memory_space<semaphore_mem>>)
        %dma_wait3A = tpu.memref_slice %arg3[%mul3A_30] : memref<160000xi32, #tpu.memory_space<hbm>> -> memref<2000xi32, #tpu.memory_space<hbm>>
        %dma_wait3A_85 = tpu.memref_slice %arg3[%mul3A_30] : memref<160000xi32, #tpu.memory_space<hbm>> -> memref<2000xi32, #tpu.memory_space<hbm>>
        tpu.wait_dma2 semaphore(%run_scoped3A : memref<!tpu.dma_semaphore, #tpu.memory_space<semaphore_mem>>) src(%dma_wait3A_85 : memref<2000xi32, #tpu.memory_space<hbm>>) dst(%arg8 : memref<2000xi32, #tpu.memory_space<vmem>>)
        tpu.yield
      }) : () -> ()
      "tpu.region"() ({
        %run_scoped3A = tpu.sem_alloc : memref<!tpu.dma_semaphore, #tpu.memory_space<semaphore_mem>>
        %dma_start3A = tpu.memref_slice %arg4[%mul3A_30] : memref<160000xi32, #tpu.memory_space<hbm>> -> memref<2000xi32, #tpu.memory_space<hbm>>
        %dma_start3A_84 = tpu.memref_slice %arg4[%mul3A_30] : memref<160000xi32, #tpu.memory_space<hbm>> -> memref<2000xi32, #tpu.memory_space<hbm>>
        tpu.enqueue_dma source(%dma_start3A_84 : memref<2000xi32, #tpu.memory_space<hbm>>) target(%arg9 : memref<2000xi32, #tpu.memory_space<vmem>>) target_semaphore(%run_scoped3A : memref<!tpu.dma_semaphore, #tpu.memory_space<semaphore_mem>>)
        %dma_wait3A = tpu.memref_slice %arg4[%mul3A_30] : memref<160000xi32, #tpu.memory_space<hbm>> -> memref<2000xi32, #tpu.memory_space<hbm>>
        %dma_wait3A_85 = tpu.memref_slice %arg4[%mul3A_30] : memref<160000xi32, #tpu.memory_space<hbm>> -> memref<2000xi32, #tpu.memory_space<hbm>>
        tpu.wait_dma2 semaphore(%run_scoped3A : memref<!tpu.dma_semaphore, #tpu.memory_space<semaphore_mem>>) src(%dma_wait3A_85 : memref<2000xi32, #tpu.memory_space<hbm>>) dst(%arg9 : memref<2000xi32, #tpu.memory_space<vmem>>)
        tpu.yield
      }) : () -> ()
      %mul3A_31 = arith.constant 4 : i32
      %mul3A_32 = arith.muli %mul3A_30, %mul3A_31 : i32
      "tpu.region"() ({
        %run_scoped3A = tpu.sem_alloc : memref<!tpu.dma_semaphore, #tpu.memory_space<semaphore_mem>>
        %dma_start3A = tpu.memref_slice %arg5[%mul3A_32] : memref<640000xf32, #tpu.memory_space<hbm>> -> memref<8000xf32, #tpu.memory_space<hbm>>
        %dma_start3A_84 = tpu.memref_slice %arg5[%mul3A_32] : memref<640000xf32, #tpu.memory_space<hbm>> -> memref<8000xf32, #tpu.memory_space<hbm>>
        tpu.enqueue_dma source(%dma_start3A_84 : memref<8000xf32, #tpu.memory_space<hbm>>) target(%arg13 : memref<8000xf32, #tpu.memory_space<vmem>>) target_semaphore(%run_scoped3A : memref<!tpu.dma_semaphore, #tpu.memory_space<semaphore_mem>>)
        %dma_wait3A = tpu.memref_slice %arg5[%mul3A_32] : memref<640000xf32, #tpu.memory_space<hbm>> -> memref<8000xf32, #tpu.memory_space<hbm>>
        %dma_wait3A_85 = tpu.memref_slice %arg5[%mul3A_32] : memref<640000xf32, #tpu.memory_space<hbm>> -> memref<8000xf32, #tpu.memory_space<hbm>>
        tpu.wait_dma2 semaphore(%run_scoped3A : memref<!tpu.dma_semaphore, #tpu.memory_space<semaphore_mem>>) src(%dma_wait3A_85 : memref<8000xf32, #tpu.memory_space<hbm>>) dst(%arg13 : memref<8000xf32, #tpu.memory_space<vmem>>)
        tpu.yield
      }) : () -> ()
      %scan3A_33 = arith.constant 0 : i32
      %scan3A_34 = arith.constant 0 : i32
      %scan3A_35 = arith.constant 125 : i32
      %scan3A_36 = arith.addi %scan3A_34, %scan3A_35 : i32
      %scan3A_37 = arith.constant 1 : i32
      %scan3A_38 = scf.for %scan3A_84 = %scan3A_34 to %scan3A_36 step %scan3A_37 iter_args(%scan3A_85 = %scan3A_33) -> (i32)  : i32 {
        %iota3A = tpu.iota {dimensions = array<i32: 0>} : vector<16xi32>
        %mul3A_86 = arith.constant 16 : i32
        %mul3A_87 = arith.muli %scan3A_84, %mul3A_86 : i32
        %get3A = arith.index_cast %mul3A_87 : i32 to index
        %get3A_88 = tpu.vector_load %arg9[%get3A] {strides = array<i32>} : memref<2000xi32, #tpu.memory_space<vmem>>, vector<16xi32>,
        %mul3A_89 = arith.constant 16 : i32
        %mul3A_90 = arith.muli %scan3A_84, %mul3A_89 : i32
        %get3A_91 = arith.index_cast %mul3A_90 : i32 to index
        %get3A_92 = tpu.vector_load %arg8[%get3A_91] {strides = array<i32>} : memref<2000xi32, #tpu.memory_space<vmem>>, vector<16xi32>,
        %ge3A = vector.broadcast %mul3A_2 : i32 to vector<16xi32>
        %ge3A_93 = arith.cmpi sge, %get3A_88, %ge3A : vector<16xi32>
        %add3A_94 = arith.constant 320 : i32
        %add3A_95 = arith.addi %mul3A_2, %add3A_94 : i32
        %lt3A = vector.broadcast %add3A_95 : i32 to vector<16xi32>
        %lt3A_96 = arith.cmpi slt, %get3A_88, %lt3A : vector<16xi32>
        %and3A_97 = arith.andi %ge3A_93, %lt3A_96 : vector<16xi1>
        %swap3A_98 = arith.index_cast %scan3A_85 : i32 to index
        %swap3A_99 = tpu.vector_load %arg10[%swap3A_98] masked %and3A_97 {strides = array<i32>} : memref<2032xi32, #tpu.memory_space<vmem>>, vector<16xi32>, vector<16xi1>
        tpu.vector_store %arg10[%swap3A_98], %get3A_92 masked %and3A_97 {strides = array<i32>} : memref<2032xi32, #tpu.memory_space<vmem>>, vector<16xi32>, vector<16xi1>
        %sub3A_100 = vector.broadcast %mul3A_2 : i32 to vector<16xi32>
        %sub3A_101 = arith.subi %get3A_88, %sub3A_100 : vector<16xi32>
        %swap3A_102 = arith.index_cast %scan3A_85 : i32 to index
        %swap3A_103 = tpu.vector_load %arg11[%swap3A_102] masked %and3A_97 {strides = array<i32>} : memref<2032xi32, #tpu.memory_space<vmem>>, vector<16xi32>, vector<16xi1>
        tpu.vector_store %arg11[%swap3A_102], %sub3A_101 masked %and3A_97 {strides = array<i32>} : memref<2032xi32, #tpu.memory_space<vmem>>, vector<16xi32>, vector<16xi1>
        %mul3A_104 = arith.constant 16 : i32
        %mul3A_105 = arith.muli %scan3A_84, %mul3A_104 : i32
        %add3A_106 = vector.broadcast %mul3A_105 : i32 to vector<16xi32>
        %add3A_107 = arith.addi %add3A_106, %iota3A : vector<16xi32>
        %swap3A_108 = arith.index_cast %scan3A_85 : i32 to index
        %swap3A_109 = tpu.vector_load %arg12[%swap3A_108] masked %and3A_97 {strides = array<i32>} : memref<2032xi32, #tpu.memory_space<vmem>>, vector<16xi32>, vector<16xi1>
        tpu.vector_store %arg12[%swap3A_108], %add3A_107 masked %and3A_97 {strides = array<i32>} : memref<2032xi32, #tpu.memory_space<vmem>>, vector<16xi32>, vector<16xi1>
        %convert_element_type3A = arith.extui %and3A_97 : vector<16xi1> to vector<16xi32>
        %reduce_sum3A = arith.constant true
        %reduce_sum3A_110 = vector.broadcast %reduce_sum3A : i1 to vector<16xi1>
        %reduce_sum3A_111 = tpu.scan <sum>, %convert_element_type3A masked %reduce_sum3A_110 : vector<16xi32>, vector<16xi1> -> vector<16xi32>
        %reduce_sum3A_112 = vector.extract %reduce_sum3A_111[15] : i32 from vector<16xi32>
        %add3A_113 = arith.addi %scan3A_85, %reduce_sum3A_112 : i32
        scf.yield %add3A_113 : i32
      }
      %scan3A_39 = arith.constant 125 : i32
      %add3A_40 = arith.constant 0 : i32
      %add3A_41 = arith.addi %scan3A_38, %add3A_40 : i32
      %broadcast_in_dim3A = arith.constant 0 : i32
      %broadcast_in_dim3A_42 = vector.broadcast %broadcast_in_dim3A : i32 to vector<16xi32>
      %swap3A = arith.index_cast %add3A_41 : i32 to index
      %swap3A_43 = tpu.vector_load %arg10[%swap3A] {strides = array<i32>} : memref<2032xi32, #tpu.memory_space<vmem>>, vector<16xi32>,
      tpu.vector_store %arg10[%swap3A], %broadcast_in_dim3A_42 {strides = array<i32>} : memref<2032xi32, #tpu.memory_space<vmem>>, vector<16xi32>,
      %broadcast_in_dim3A_44 = arith.constant 320 : i32
      %broadcast_in_dim3A_45 = vector.broadcast %broadcast_in_dim3A_44 : i32 to vector<16xi32>
      %swap3A_46 = arith.index_cast %add3A_41 : i32 to index
      %swap3A_47 = tpu.vector_load %arg11[%swap3A_46] {strides = array<i32>} : memref<2032xi32, #tpu.memory_space<vmem>>, vector<16xi32>,
      tpu.vector_store %arg11[%swap3A_46], %broadcast_in_dim3A_45 {strides = array<i32>} : memref<2032xi32, #tpu.memory_space<vmem>>, vector<16xi32>,
      %broadcast_in_dim3A_48 = arith.constant 0 : i32
      %broadcast_in_dim3A_49 = vector.broadcast %broadcast_in_dim3A_48 : i32 to vector<16xi32>
      %swap3A_50 = arith.index_cast %add3A_41 : i32 to index
      %swap3A_51 = tpu.vector_load %arg12[%swap3A_50] {strides = array<i32>} : memref<2032xi32, #tpu.memory_space<vmem>>, vector<16xi32>,
      tpu.vector_store %arg12[%swap3A_50], %broadcast_in_dim3A_49 {strides = array<i32>} : memref<2032xi32, #tpu.memory_space<vmem>>, vector<16xi32>,
      %add3A_52 = arith.constant 16 : i32
      %add3A_53 = arith.addi %scan3A_38, %add3A_52 : i32
      %sub3A = arith.constant 1 : i32
      %sub3A_54 = arith.subi %add3A_53, %sub3A : i32
      %jit3A = arith.constant 16 : i32
      %div3A = arith.divsi %sub3A_54, %jit3A : i32
      %sign3A = arith.constant 0 : i32
      %sign3A_55 = arith.cmpi sgt, %sub3A_54, %sign3A : i32
      %sign3A_56 = arith.extui %sign3A_55 : i1 to i32
      %sign3A_57 = arith.constant 0 : i32
      %sign3A_58 = arith.cmpi slt, %sub3A_54, %sign3A_57 : i32
      %sign3A_59 = arith.extui %sign3A_58 : i1 to i32
      %sign3A_60 = arith.subi %sign3A_56, %sign3A_59 : i32
      %sign3A_61 = arith.constant 0 : i32
      %sign3A_62 = arith.cmpi sgt, %jit3A, %sign3A_61 : i32
      %sign3A_63 = arith.extui %sign3A_62 : i1 to i32
      %sign3A_64 = arith.constant 0 : i32
      %sign3A_65 = arith.cmpi slt, %jit3A, %sign3A_64 : i32
      %sign3A_66 = arith.extui %sign3A_65 : i1 to i32
      %sign3A_67 = arith.subi %sign3A_63, %sign3A_66 : i32
      %ne3A = arith.cmpi ne, %sign3A_60, %sign3A_67 : i32
      %rem3A = arith.remsi %sub3A_54, %jit3A : i32
      %ne3A_68 = arith.constant 0 : i32
      %ne3A_69 = arith.cmpi ne, %rem3A, %ne3A_68 : i32
      %and3A = arith.andi %ne3A, %ne3A_69 : i1
      %sub3A_70 = arith.constant 1 : i32
      %sub3A_71 = arith.subi %div3A, %sub3A_70 : i32
      %select_n3A = arith.select %and3A, %sub3A_71, %div3A : i32
      %while3A = arith.constant 0 : i32
      %while3A_72 = arith.constant 0 : i32
      %while3A_73 = arith.subi %select_n3A, %while3A : i32
      %while3A_74 = arith.addi %while3A, %while3A_73 : i32
      %while3A_75 = arith.constant 1 : i32
      %while3A_76 = arith.divsi %while3A_73, %while3A_75 : i32
      %while3A_77 = arith.muli %while3A_76, %while3A_75 : i32
      %while3A_78 = arith.addi %while3A, %while3A_77 : i32
      %while3A_79 = arith.constant 1 : i32
      %while3A_80 = scf.for %while3A_84 = %while3A to %while3A_78 step %while3A_79 iter_args(%while3A_85 = %while3A_72) -> (i32)  : i32 {
        %mul3A_86 = arith.constant 16 : i32
        %mul3A_87 = arith.muli %while3A_84, %mul3A_86 : i32
        %add3A_88 = arith.constant 0 : i32
        %add3A_89 = arith.addi %mul3A_87, %add3A_88 : i32
        %get3A = arith.index_cast %add3A_89 : i32 to index
        %get3A_90 = tpu.vector_load %arg10[%get3A] {strides = array<i32>} : memref<2032xi32, #tpu.memory_space<vmem>>, vector<16xi32>,
        %swap3A_91 = arith.constant 0 : index
        %swap3A_92 = tpu.vector_load %arg17[%swap3A_91] {strides = array<i32>} : memref<16xi32, #tpu.memory_space<vmem>>, vector<16xi32>,
        tpu.vector_store %arg17[%swap3A_91], %get3A_90 {strides = array<i32>} : memref<16xi32, #tpu.memory_space<vmem>>, vector<16xi32>,
        %dma_start3A = arith.constant 0 : i32
        %dma_start3A_93 = arith.constant 0 : i32
        %dma_start3A_94 = tpu.memref_slice %arg2[%dma_start3A, %dma_start3A_93] : memref<10000x1024xf32, #tpu.memory_space<hbm>> -> memref<10000x1024xf32, #tpu.memory_space<hbm>>
        tpu.enqueue_indirect_dma source(%dma_start3A_94 : memref<10000x1024xf32, #tpu.memory_space<hbm>>) target(%arg15 : memref<16x1024xf32, #tpu.memory_space<vmem>>) offsets(%arg17 : memref<16xi32, #tpu.memory_space<vmem>>) semaphore(%arg19 : memref<!tpu.dma_semaphore, #tpu.memory_space<semaphore_mem>>)
        %dma_wait3A = arith.constant 0 : i32
        %dma_wait3A_95 = arith.constant 0 : i32
        %dma_wait3A_96 = tpu.memref_slice %arg2[%dma_wait3A, %dma_wait3A_95] : memref<10000x1024xf32, #tpu.memory_space<hbm>> -> memref<10000x1024xf32, #tpu.memory_space<hbm>>
        tpu.wait_indirect_dma semaphore(%arg19 : memref<!tpu.dma_semaphore, #tpu.memory_space<semaphore_mem>>) src(%dma_wait3A_96 : memref<10000x1024xf32, #tpu.memory_space<hbm>>) dst(%arg15 : memref<16x1024xf32, #tpu.memory_space<vmem>>)
        %scan3A_97 = arith.constant 0 : i32
        %scan3A_98 = arith.constant 0 : i32
        %scan3A_99 = arith.constant 4 : i32
        %scan3A_100 = arith.addi %scan3A_98, %scan3A_99 : i32
        %scan3A_101 = arith.constant 1 : i32
        %scan3A_102 = scf.for %scan3A_112 = %scan3A_98 to %scan3A_100 step %scan3A_101 iter_args(%scan3A_113 = %scan3A_97) -> (i32)  : i32 {
          %iota3A = tpu.iota {dimensions = array<i32: 0>} : vector<16xi32>
          %mul3A_114 = arith.constant 4 : i32
          %mul3A_115 = arith.muli %scan3A_112, %mul3A_114 : i32
          %add3A_116 = arith.addi %mul3A_87, %mul3A_115 : i32
          %jit3A_117 = arith.constant 4 : i32
          %div3A_118 = vector.broadcast %jit3A_117 : i32 to vector<16xi32>
          %div3A_119 = arith.divsi %iota3A, %div3A_118 : vector<16xi32>
          %sign3A_120 = arith.constant 0 : i32
          %sign3A_121 = vector.broadcast %sign3A_120 : i32 to vector<16xi32>
          %sign3A_122 = arith.cmpi sgt, %iota3A, %sign3A_121 : vector<16xi32>
          %sign3A_123 = arith.extui %sign3A_122 : vector<16xi1> to vector<16xi32>
          %sign3A_124 = arith.constant 0 : i32
          %sign3A_125 = vector.broadcast %sign3A_124 : i32 to vector<16xi32>
          %sign3A_126 = arith.cmpi slt, %iota3A, %sign3A_125 : vector<16xi32>
          %sign3A_127 = arith.extui %sign3A_126 : vector<16xi1> to vector<16xi32>
          %sign3A_128 = arith.subi %sign3A_123, %sign3A_127 : vector<16xi32>
          %sign3A_129 = arith.constant 0 : i32
          %sign3A_130 = arith.cmpi sgt, %jit3A_117, %sign3A_129 : i32
          %sign3A_131 = arith.extui %sign3A_130 : i1 to i32
          %sign3A_132 = arith.constant 0 : i32
          %sign3A_133 = arith.cmpi slt, %jit3A_117, %sign3A_132 : i32
          %sign3A_134 = arith.extui %sign3A_133 : i1 to i32
          %sign3A_135 = arith.subi %sign3A_131, %sign3A_134 : i32
          %ne3A_136 = vector.broadcast %sign3A_135 : i32 to vector<16xi32>
          %ne3A_137 = arith.cmpi ne, %sign3A_128, %ne3A_136 : vector<16xi32>
          %rem3A_138 = vector.broadcast %jit3A_117 : i32 to vector<16xi32>
          %rem3A_139 = arith.remsi %iota3A, %rem3A_138 : vector<16xi32>
          %ne3A_140 = arith.constant 0 : i32
          %ne3A_141 = vector.broadcast %ne3A_140 : i32 to vector<16xi32>
          %ne3A_142 = arith.cmpi ne, %rem3A_139, %ne3A_141 : vector<16xi32>
          %and3A_143 = arith.andi %ne3A_137, %ne3A_142 : vector<16xi1>
          %sub3A_144 = arith.constant 1 : i32
          %sub3A_145 = vector.broadcast %sub3A_144 : i32 to vector<16xi32>
          %sub3A_146 = arith.subi %div3A_119, %sub3A_145 : vector<16xi32>
          %select_n3A_147 = arith.select %and3A_143, %sub3A_146, %div3A_119 : vector<16xi1>, vector<16xi32>
          %add3A_148 = vector.broadcast %add3A_116 : i32 to vector<16xi32>
          %add3A_149 = arith.addi %add3A_148, %select_n3A_147 : vector<16xi32>
          %jit3A_150 = arith.constant 4 : i32
          %eq3A = arith.constant 0 : i32
          %eq3A_151 = arith.cmpi eq, %jit3A_150, %eq3A : i32
          %jit3A_152 = arith.constant 1 : i32
          %select_n3A_153 = arith.select %eq3A_151, %jit3A_152, %jit3A_150 : i32
          %rem3A_154 = vector.broadcast %select_n3A_153 : i32 to vector<16xi32>
          %rem3A_155 = arith.remsi %iota3A, %rem3A_154 : vector<16xi32>
          %ne3A_156 = arith.constant 0 : i32
          %ne3A_157 = vector.broadcast %ne3A_156 : i32 to vector<16xi32>
          %ne3A_158 = arith.cmpi ne, %rem3A_155, %ne3A_157 : vector<16xi32>
          %lt3A = arith.constant 0 : i32
          %lt3A_159 = vector.broadcast %lt3A : i32 to vector<16xi32>
          %lt3A_160 = arith.cmpi slt, %rem3A_155, %lt3A_159 : vector<16xi32>
          %lt3A_161 = arith.constant 0 : i32
          %lt3A_162 = arith.cmpi slt, %select_n3A_153, %lt3A_161 : i32
          %ne3A_163 = vector.broadcast %lt3A_162 : i1 to vector<16xi1>
          %ne3A_164 = vector.broadcast %ne3A_163 : vector<16xi1> to vector<16xi1>
          %ne3A_165 = arith.xori %lt3A_160, %ne3A_164 : vector<16xi1>
          %and3A_166 = arith.andi %ne3A_165, %ne3A_158 : vector<16xi1>
          %add3A_167 = vector.broadcast %select_n3A_153 : i32 to vector<16xi32>
          %add3A_168 = arith.addi %rem3A_155, %add3A_167 : vector<16xi32>
          %select_n3A_169 = arith.select %and3A_166, %add3A_168, %rem3A_155 : vector<16xi1>, vector<16xi32>
          %gather3A = tpu.vector_load_idx %arg12[%add3A_149] : memref<2032xi32, #tpu.memory_space<vmem>>[vector<16xi32>], vector<16xi32>,
          %mul3A_170 = arith.constant 4 : i32
          %mul3A_171 = vector.broadcast %mul3A_170 : i32 to vector<16xi32>
          %mul3A_172 = arith.muli %gather3A, %mul3A_171 : vector<16xi32>
          %add3A_173 = arith.addi %mul3A_172, %select_n3A_169 : vector<16xi32>
          %gather3A_174 = tpu.vector_load_idx %arg13[%add3A_173] : memref<8000xf32, #tpu.memory_space<vmem>>[vector<16xi32>], vector<16xf32>,
          %gather3A_175 = tpu.vector_load_idx %arg11[%add3A_149] : memref<2032xi32, #tpu.memory_space<vmem>>[vector<16xi32>], vector<16xi32>,
          %mul3A_176 = arith.constant 4 : i32
          %mul3A_177 = vector.broadcast %mul3A_176 : i32 to vector<16xi32>
          %mul3A_178 = arith.muli %gather3A_175, %mul3A_177 : vector<16xi32>
          %add3A_179 = arith.addi %mul3A_178, %select_n3A_169 : vector<16xi32>
          %gather3A_180 = tpu.vector_load_idx %arg14[%add3A_179] : memref<1312xf32, #tpu.memory_space<vmem>>[vector<16xi32>], vector<16xf32>,
          %add3A_181 = arith.constant 1.000000e-16 : f32
          %add3A_182 = vector.broadcast %add3A_181 : f32 to vector<16xf32>
          %add3A_183 = arith.addf %gather3A_180, %add3A_182 : vector<16xf32>
          %mul3A_184 = arith.constant 4.000000e+00 : f32
          %mul3A_185 = vector.broadcast %mul3A_184 : f32 to vector<16xf32>
          %mul3A_186 = arith.mulf %mul3A_185, %add3A_183 : vector<16xf32>
          %div3A_187 = arith.divf %gather3A_174, %mul3A_186 : vector<16xf32>
          %mul3A_188 = arith.constant 16 : i32
          %mul3A_189 = arith.muli %scan3A_112, %mul3A_188 : i32
          %swap3A_190 = arith.index_cast %mul3A_189 : i32 to index
          %swap3A_191 = tpu.vector_load %arg16[%swap3A_190] {strides = array<i32>} : memref<64xf32, #tpu.memory_space<vmem>>, vector<16xf32>,
          tpu.vector_store %arg16[%swap3A_190], %div3A_187 {strides = array<i32>} : memref<64xf32, #tpu.memory_space<vmem>>, vector<16xf32>,
          %scan3A_192 = arith.constant 0 : i32
          scf.yield %scan3A_192 : i32
        }
        %scan3A_103 = arith.constant 4 : i32
        %scan3A_104 = arith.constant 0 : i32
        %scan3A_105 = arith.constant 0 : i32
        %scan3A_106 = arith.constant 16 : i32
        %scan3A_107 = arith.addi %scan3A_105, %scan3A_106 : i32
        %scan3A_108 = arith.constant 1 : i32
        %scan3A_109 = scf.for %scan3A_112 = %scan3A_105 to %scan3A_107 step %scan3A_108 iter_args(%scan3A_113 = %scan3A_104) -> (i32)  : i32 {
          %iota3A = tpu.iota {dimensions = array<i32: 0>} : vector<16xi32>
          %mul3A_114 = arith.constant 4 : i32
          %mul3A_115 = arith.muli %scan3A_112, %mul3A_114 : i32
          %broadcast_in_dim3A_116 = vector.broadcast %mul3A_115 : i32 to vector<16xi32>
          %gather3A = tpu.vector_load_idx %arg16[%broadcast_in_dim3A_116] : memref<64xf32, #tpu.memory_space<vmem>>[vector<16xi32>], vector<16xf32>,
          %add3A_117 = arith.constant 1 : i32
          %add3A_118 = arith.addi %mul3A_115, %add3A_117 : i32
          %broadcast_in_dim3A_119 = vector.broadcast %add3A_118 : i32 to vector<16xi32>
          %gather3A_120 = tpu.vector_load_idx %arg16[%broadcast_in_dim3A_119] : memref<64xf32, #tpu.memory_space<vmem>>[vector<16xi32>], vector<16xf32>,
          %add3A_121 = arith.constant 2 : i32
          %add3A_122 = arith.addi %mul3A_115, %add3A_121 : i32
          %broadcast_in_dim3A_123 = vector.broadcast %add3A_122 : i32 to vector<16xi32>
          %gather3A_124 = tpu.vector_load_idx %arg16[%broadcast_in_dim3A_123] : memref<64xf32, #tpu.memory_space<vmem>>[vector<16xi32>], vector<16xf32>,
          %add3A_125 = arith.constant 3 : i32
          %add3A_126 = arith.addi %mul3A_115, %add3A_125 : i32
          %broadcast_in_dim3A_127 = vector.broadcast %add3A_126 : i32 to vector<16xi32>
          %gather3A_128 = tpu.vector_load_idx %arg16[%broadcast_in_dim3A_127] : memref<64xf32, #tpu.memory_space<vmem>>[vector<16xi32>], vector<16xf32>,
          %add3A_129 = arith.addi %mul3A_87, %scan3A_112 : i32
          %broadcast_in_dim3A_130 = vector.broadcast %add3A_129 : i32 to vector<16xi32>
          %gather3A_131 = tpu.vector_load_idx %arg11[%broadcast_in_dim3A_130] : memref<2032xi32, #tpu.memory_space<vmem>>[vector<16xi32>], vector<16xi32>,
          %mul3A_132 = arith.constant 256 : i32
          %mul3A_133 = vector.broadcast %mul3A_132 : i32 to vector<16xi32>
          %mul3A_134 = arith.muli %gather3A_131, %mul3A_133 : vector<16xi32>
          %add3A_135 = arith.addi %mul3A_134, %iota3A : vector<16xi32>
          %get3A_136 = arith.index_cast %scan3A_112 : i32 to index
          %get3A_137 = arith.constant 0 : index
          %get3A_138 = tpu.vector_load %arg15[%get3A_136, %get3A_137] {strides = array<i32>} : memref<16x1024xf32, #tpu.memory_space<vmem>>, vector<16xf32>,
          %mul3A_139 = arith.mulf %gather3A, %get3A_138 : vector<16xf32>
          %get3A_140 = arith.index_cast %scan3A_112 : i32 to index
          %get3A_141 = arith.constant 256 : index
          %get3A_142 = tpu.vector_load %arg15[%get3A_140, %get3A_141] {strides = array<i32>} : memref<16x1024xf32, #tpu.memory_space<vmem>>, vector<16xf32>,
          %mul3A_143 = arith.mulf %gather3A_120, %get3A_142 : vector<16xf32>
          %add3A_144 = arith.addf %mul3A_139, %mul3A_143 : vector<16xf32>
          %get3A_145 = arith.index_cast %scan3A_112 : i32 to index
          %get3A_146 = arith.constant 512 : index
          %get3A_147 = tpu.vector_load %arg15[%get3A_145, %get3A_146] {strides = array<i32>} : memref<16x1024xf32, #tpu.memory_space<vmem>>, vector<16xf32>,
          %mul3A_148 = arith.mulf %gather3A_124, %get3A_147 : vector<16xf32>
          %add3A_149 = arith.addf %add3A_144, %mul3A_148 : vector<16xf32>
          %get3A_150 = arith.index_cast %scan3A_112 : i32 to index
          %get3A_151 = arith.constant 768 : index
          %get3A_152 = tpu.vector_load %arg15[%get3A_150, %get3A_151] {strides = array<i32>} : memref<16x1024xf32, #tpu.memory_space<vmem>>, vector<16xf32>,
          %mul3A_153 = arith.mulf %gather3A_128, %get3A_152 : vector<16xf32>
          %add3A_154 = arith.addf %add3A_149, %mul3A_153 : vector<16xf32>
          %add3A_155 = arith.constant 0 : i32
          %add3A_156 = vector.broadcast %add3A_155 : i32 to vector<16xi32>
          %add3A_157 = arith.addi %add3A_135, %add3A_156 : vector<16xi32>
          tpu.vector_store_idx %arg18[%add3A_157], %add3A_154 {add = true} : memref<83968xf32, #tpu.memory_space<vmem>>[vector<16xi32>], vector<16xf32>,
          %get3A_158 = arith.index_cast %scan3A_112 : i32 to index
          %get3A_159 = arith.constant 16 : index
          %get3A_160 = tpu.vector_load %arg15[%get3A_158, %get3A_159] {strides = array<i32>} : memref<16x1024xf32, #tpu.memory_space<vmem>>, vector<16xf32>,
          %mul3A_161 = arith.mulf %gather3A, %get3A_160 : vector<16xf32>
          %get3A_162 = arith.index_cast %scan3A_112 : i32 to index
          %get3A_163 = arith.constant 272 : index
          %get3A_164 = tpu.vector_load %arg15[%get3A_162, %get3A_163] {strides = array<i32>} : memref<16x1024xf32, #tpu.memory_space<vmem>>, vector<16xf32>,
          %mul3A_165 = arith.mulf %gather3A_120, %get3A_164 : vector<16xf32>
          %add3A_166 = arith.addf %mul3A_161, %mul3A_165 : vector<16xf32>
          %get3A_167 = arith.index_cast %scan3A_112 : i32 to index
          %get3A_168 = arith.constant 528 : index
          %get3A_169 = tpu.vector_load %arg15[%get3A_167, %get3A_168] {strides = array<i32>} : memref<16x1024xf32, #tpu.memory_space<vmem>>, vector<16xf32>,
          %mul3A_170 = arith.mulf %gather3A_124, %get3A_169 : vector<16xf32>
          %add3A_171 = arith.addf %add3A_166, %mul3A_170 : vector<16xf32>
          %get3A_172 = arith.index_cast %scan3A_112 : i32 to index
          %get3A_173 = arith.constant 784 : index
          %get3A_174 = tpu.vector_load %arg15[%get3A_172, %get3A_173] {strides = array<i32>} : memref<16x1024xf32, #tpu.memory_space<vmem>>, vector<16xf32>,
          %mul3A_175 = arith.mulf %gather3A_128, %get3A_174 : vector<16xf32>
          %add3A_176 = arith.addf %add3A_171, %mul3A_175 : vector<16xf32>
          %add3A_177 = arith.constant 16 : i32
          %add3A_178 = vector.broadcast %add3A_177 : i32 to vector<16xi32>
          %add3A_179 = arith.addi %add3A_135, %add3A_178 : vector<16xi32>
          tpu.vector_store_idx %arg18[%add3A_179], %add3A_176 {add = true} : memref<83968xf32, #tpu.memory_space<vmem>>[vector<16xi32>], vector<16xf32>,
          %get3A_180 = arith.index_cast %scan3A_112 : i32 to index
          %get3A_181 = arith.constant 32 : index
          %get3A_182 = tpu.vector_load %arg15[%get3A_180, %get3A_181] {strides = array<i32>} : memref<16x1024xf32, #tpu.memory_space<vmem>>, vector<16xf32>,
          %mul3A_183 = arith.mulf %gather3A, %get3A_182 : vector<16xf32>
          %get3A_184 = arith.index_cast %scan3A_112 : i32 to index
          %get3A_185 = arith.constant 288 : index
          %get3A_186 = tpu.vector_load %arg15[%get3A_184, %get3A_185] {strides = array<i32>} : memref<16x1024xf32, #tpu.memory_space<vmem>>, vector<16xf32>,
          %mul3A_187 = arith.mulf %gather3A_120, %get3A_186 : vector<16xf32>
          %add3A_188 = arith.addf %mul3A_183, %mul3A_187 : vector<16xf32>
          %get3A_189 = arith.index_cast %scan3A_112 : i32 to index
          %get3A_190 = arith.constant 544 : index
          %get3A_191 = tpu.vector_load %arg15[%get3A_189, %get3A_190] {strides = array<i32>} : memref<16x1024xf32, #tpu.memory_space<vmem>>, vector<16xf32>,
          %mul3A_192 = arith.mulf %gather3A_124, %get3A_191 : vector<16xf32>
          %add3A_193 = arith.addf %add3A_188, %mul3A_192 : vector<16xf32>
          %get3A_194 = arith.index_cast %scan3A_112 : i32 to index
          %get3A_195 = arith.constant 800 : index
          %get3A_196 = tpu.vector_load %arg15[%get3A_194, %get3A_195] {strides = array<i32>} : memref<16x1024xf32, #tpu.memory_space<vmem>>, vector<16xf32>,
          %mul3A_197 = arith.mulf %gather3A_128, %get3A_196 : vector<16xf32>
          %add3A_198 = arith.addf %add3A_193, %mul3A_197 : vector<16xf32>
          %add3A_199 = arith.constant 32 : i32
          %add3A_200 = vector.broadcast %add3A_199 : i32 to vector<16xi32>
          %add3A_201 = arith.addi %add3A_135, %add3A_200 : vector<16xi32>
          tpu.vector_store_idx %arg18[%add3A_201], %add3A_198 {add = true} : memref<83968xf32, #tpu.memory_space<vmem>>[vector<16xi32>], vector<16xf32>,
          %get3A_202 = arith.index_cast %scan3A_112 : i32 to index
          %get3A_203 = arith.constant 48 : index
          %get3A_204 = tpu.vector_load %arg15[%get3A_202, %get3A_203] {strides = array<i32>} : memref<16x1024xf32, #tpu.memory_space<vmem>>, vector<16xf32>,
          %mul3A_205 = arith.mulf %gather3A, %get3A_204 : vector<16xf32>
          %get3A_206 = arith.index_cast %scan3A_112 : i32 to index
          %get3A_207 = arith.constant 304 : index
          %get3A_208 = tpu.vector_load %arg15[%get3A_206, %get3A_207] {strides = array<i32>} : memref<16x1024xf32, #tpu.memory_space<vmem>>, vector<16xf32>,
          %mul3A_209 = arith.mulf %gather3A_120, %get3A_208 : vector<16xf32>
          %add3A_210 = arith.addf %mul3A_205, %mul3A_209 : vector<16xf32>
          %get3A_211 = arith.index_cast %scan3A_112 : i32 to index
          %get3A_212 = arith.constant 560 : index
          %get3A_213 = tpu.vector_load %arg15[%get3A_211, %get3A_212] {strides = array<i32>} : memref<16x1024xf32, #tpu.memory_space<vmem>>, vector<16xf32>,
          %mul3A_214 = arith.mulf %gather3A_124, %get3A_213 : vector<16xf32>
          %add3A_215 = arith.addf %add3A_210, %mul3A_214 : vector<16xf32>
          %get3A_216 = arith.index_cast %scan3A_112 : i32 to index
          %get3A_217 = arith.constant 816 : index
          %get3A_218 = tpu.vector_load %arg15[%get3A_216, %get3A_217] {strides = array<i32>} : memref<16x1024xf32, #tpu.memory_space<vmem>>, vector<16xf32>,
          %mul3A_219 = arith.mulf %gather3A_128, %get3A_218 : vector<16xf32>
          %add3A_220 = arith.addf %add3A_215, %mul3A_219 : vector<16xf32>
          %add3A_221 = arith.constant 48 : i32
          %add3A_222 = vector.broadcast %add3A_221 : i32 to vector<16xi32>
          %add3A_223 = arith.addi %add3A_135, %add3A_222 : vector<16xi32>
          tpu.vector_store_idx %arg18[%add3A_223], %add3A_220 {add = true} : memref<83968xf32, #tpu.memory_space<vmem>>[vector<16xi32>], vector<16xf32>,
          %get3A_224 = arith.index_cast %scan3A_112 : i32 to index
          %get3A_225 = arith.constant 64 : index
          %get3A_226 = tpu.vector_load %arg15[%get3A_224, %get3A_225] {strides = array<i32>} : memref<16x1024xf32, #tpu.memory_space<vmem>>, vector<16xf32>,
          %mul3A_227 = arith.mulf %gather3A, %get3A_226 : vector<16xf32>
          %get3A_228 = arith.index_cast %scan3A_112 : i32 to index
          %get3A_229 = arith.constant 320 : index
          %get3A_230 = tpu.vector_load %arg15[%get3A_228, %get3A_229] {strides = array<i32>} : memref<16x1024xf32, #tpu.memory_space<vmem>>, vector<16xf32>,
          %mul3A_231 = arith.mulf %gather3A_120, %get3A_230 : vector<16xf32>
          %add3A_232 = arith.addf %mul3A_227, %mul3A_231 : vector<16xf32>
          %get3A_233 = arith.index_cast %scan3A_112 : i32 to index
          %get3A_234 = arith.constant 576 : index
          %get3A_235 = tpu.vector_load %arg15[%get3A_233, %get3A_234] {strides = array<i32>} : memref<16x1024xf32, #tpu.memory_space<vmem>>, vector<16xf32>,
          %mul3A_236 = arith.mulf %gather3A_124, %get3A_235 : vector<16xf32>
          %add3A_237 = arith.addf %add3A_232, %mul3A_236 : vector<16xf32>
          %get3A_238 = arith.index_cast %scan3A_112 : i32 to index
          %get3A_239 = arith.constant 832 : index
          %get3A_240 = tpu.vector_load %arg15[%get3A_238, %get3A_239] {strides = array<i32>} : memref<16x1024xf32, #tpu.memory_space<vmem>>, vector<16xf32>,
          %mul3A_241 = arith.mulf %gather3A_128, %get3A_240 : vector<16xf32>
          %add3A_242 = arith.addf %add3A_237, %mul3A_241 : vector<16xf32>
          %add3A_243 = arith.constant 64 : i32
          %add3A_244 = vector.broadcast %add3A_243 : i32 to vector<16xi32>
          %add3A_245 = arith.addi %add3A_135, %add3A_244 : vector<16xi32>
          tpu.vector_store_idx %arg18[%add3A_245], %add3A_242 {add = true} : memref<83968xf32, #tpu.memory_space<vmem>>[vector<16xi32>], vector<16xf32>,
          %get3A_246 = arith.index_cast %scan3A_112 : i32 to index
          %get3A_247 = arith.constant 80 : index
          %get3A_248 = tpu.vector_load %arg15[%get3A_246, %get3A_247] {strides = array<i32>} : memref<16x1024xf32, #tpu.memory_space<vmem>>, vector<16xf32>,
          %mul3A_249 = arith.mulf %gather3A, %get3A_248 : vector<16xf32>
          %get3A_250 = arith.index_cast %scan3A_112 : i32 to index
          %get3A_251 = arith.constant 336 : index
          %get3A_252 = tpu.vector_load %arg15[%get3A_250, %get3A_251] {strides = array<i32>} : memref<16x1024xf32, #tpu.memory_space<vmem>>, vector<16xf32>,
          %mul3A_253 = arith.mulf %gather3A_120, %get3A_252 : vector<16xf32>
          %add3A_254 = arith.addf %mul3A_249, %mul3A_253 : vector<16xf32>
          %get3A_255 = arith.index_cast %scan3A_112 : i32 to index
          %get3A_256 = arith.constant 592 : index
          %get3A_257 = tpu.vector_load %arg15[%get3A_255, %get3A_256] {strides = array<i32>} : memref<16x1024xf32, #tpu.memory_space<vmem>>, vector<16xf32>,
          %mul3A_258 = arith.mulf %gather3A_124, %get3A_257 : vector<16xf32>
          %add3A_259 = arith.addf %add3A_254, %mul3A_258 : vector<16xf32>
          %get3A_260 = arith.index_cast %scan3A_112 : i32 to index
          %get3A_261 = arith.constant 848 : index
          %get3A_262 = tpu.vector_load %arg15[%get3A_260, %get3A_261] {strides = array<i32>} : memref<16x1024xf32, #tpu.memory_space<vmem>>, vector<16xf32>,
          %mul3A_263 = arith.mulf %gather3A_128, %get3A_262 : vector<16xf32>
          %add3A_264 = arith.addf %add3A_259, %mul3A_263 : vector<16xf32>
          %add3A_265 = arith.constant 80 : i32
          %add3A_266 = vector.broadcast %add3A_265 : i32 to vector<16xi32>
          %add3A_267 = arith.addi %add3A_135, %add3A_266 : vector<16xi32>
          tpu.vector_store_idx %arg18[%add3A_267], %add3A_264 {add = true} : memref<83968xf32, #tpu.memory_space<vmem>>[vector<16xi32>], vector<16xf32>,
          %get3A_268 = arith.index_cast %scan3A_112 : i32 to index
          %get3A_269 = arith.constant 96 : index
          %get3A_270 = tpu.vector_load %arg15[%get3A_268, %get3A_269] {strides = array<i32>} : memref<16x1024xf32, #tpu.memory_space<vmem>>, vector<16xf32>,
          %mul3A_271 = arith.mulf %gather3A, %get3A_270 : vector<16xf32>
          %get3A_272 = arith.index_cast %scan3A_112 : i32 to index
          %get3A_273 = arith.constant 352 : index
          %get3A_274 = tpu.vector_load %arg15[%get3A_272, %get3A_273] {strides = array<i32>} : memref<16x1024xf32, #tpu.memory_space<vmem>>, vector<16xf32>,
          %mul3A_275 = arith.mulf %gather3A_120, %get3A_274 : vector<16xf32>
          %add3A_276 = arith.addf %mul3A_271, %mul3A_275 : vector<16xf32>
          %get3A_277 = arith.index_cast %scan3A_112 : i32 to index
          %get3A_278 = arith.constant 608 : index
          %get3A_279 = tpu.vector_load %arg15[%get3A_277, %get3A_278] {strides = array<i32>} : memref<16x1024xf32, #tpu.memory_space<vmem>>, vector<16xf32>,
          %mul3A_280 = arith.mulf %gather3A_124, %get3A_279 : vector<16xf32>
          %add3A_281 = arith.addf %add3A_276, %mul3A_280 : vector<16xf32>
          %get3A_282 = arith.index_cast %scan3A_112 : i32 to index
          %get3A_283 = arith.constant 864 : index
          %get3A_284 = tpu.vector_load %arg15[%get3A_282, %get3A_283] {strides = array<i32>} : memref<16x1024xf32, #tpu.memory_space<vmem>>, vector<16xf32>,
          %mul3A_285 = arith.mulf %gather3A_128, %get3A_284 : vector<16xf32>
          %add3A_286 = arith.addf %add3A_281, %mul3A_285 : vector<16xf32>
          %add3A_287 = arith.constant 96 : i32
          %add3A_288 = vector.broadcast %add3A_287 : i32 to vector<16xi32>
          %add3A_289 = arith.addi %add3A_135, %add3A_288 : vector<16xi32>
          tpu.vector_store_idx %arg18[%add3A_289], %add3A_286 {add = true} : memref<83968xf32, #tpu.memory_space<vmem>>[vector<16xi32>], vector<16xf32>,
          %get3A_290 = arith.index_cast %scan3A_112 : i32 to index
          %get3A_291 = arith.constant 112 : index
          %get3A_292 = tpu.vector_load %arg15[%get3A_290, %get3A_291] {strides = array<i32>} : memref<16x1024xf32, #tpu.memory_space<vmem>>, vector<16xf32>,
          %mul3A_293 = arith.mulf %gather3A, %get3A_292 : vector<16xf32>
          %get3A_294 = arith.index_cast %scan3A_112 : i32 to index
          %get3A_295 = arith.constant 368 : index
          %get3A_296 = tpu.vector_load %arg15[%get3A_294, %get3A_295] {strides = array<i32>} : memref<16x1024xf32, #tpu.memory_space<vmem>>, vector<16xf32>,
          %mul3A_297 = arith.mulf %gather3A_120, %get3A_296 : vector<16xf32>
          %add3A_298 = arith.addf %mul3A_293, %mul3A_297 : vector<16xf32>
          %get3A_299 = arith.index_cast %scan3A_112 : i32 to index
          %get3A_300 = arith.constant 624 : index
          %get3A_301 = tpu.vector_load %arg15[%get3A_299, %get3A_300] {strides = array<i32>} : memref<16x1024xf32, #tpu.memory_space<vmem>>, vector<16xf32>,
          %mul3A_302 = arith.mulf %gather3A_124, %get3A_301 : vector<16xf32>
          %add3A_303 = arith.addf %add3A_298, %mul3A_302 : vector<16xf32>
          %get3A_304 = arith.index_cast %scan3A_112 : i32 to index
          %get3A_305 = arith.constant 880 : index
          %get3A_306 = tpu.vector_load %arg15[%get3A_304, %get3A_305] {strides = array<i32>} : memref<16x1024xf32, #tpu.memory_space<vmem>>, vector<16xf32>,
          %mul3A_307 = arith.mulf %gather3A_128, %get3A_306 : vector<16xf32>
          %add3A_308 = arith.addf %add3A_303, %mul3A_307 : vector<16xf32>
          %add3A_309 = arith.constant 112 : i32
          %add3A_310 = vector.broadcast %add3A_309 : i32 to vector<16xi32>
          %add3A_311 = arith.addi %add3A_135, %add3A_310 : vector<16xi32>
          tpu.vector_store_idx %arg18[%add3A_311], %add3A_308 {add = true} : memref<83968xf32, #tpu.memory_space<vmem>>[vector<16xi32>], vector<16xf32>,
          %get3A_312 = arith.index_cast %scan3A_112 : i32 to index
          %get3A_313 = arith.constant 128 : index
          %get3A_314 = tpu.vector_load %arg15[%get3A_312, %get3A_313] {strides = array<i32>} : memref<16x1024xf32, #tpu.memory_space<vmem>>, vector<16xf32>,
          %mul3A_315 = arith.mulf %gather3A, %get3A_314 : vector<16xf32>
          %get3A_316 = arith.index_cast %scan3A_112 : i32 to index
          %get3A_317 = arith.constant 384 : index
          %get3A_318 = tpu.vector_load %arg15[%get3A_316, %get3A_317] {strides = array<i32>} : memref<16x1024xf32, #tpu.memory_space<vmem>>, vector<16xf32>,
          %mul3A_319 = arith.mulf %gather3A_120, %get3A_318 : vector<16xf32>
          %add3A_320 = arith.addf %mul3A_315, %mul3A_319 : vector<16xf32>
          %get3A_321 = arith.index_cast %scan3A_112 : i32 to index
          %get3A_322 = arith.constant 640 : index
          %get3A_323 = tpu.vector_load %arg15[%get3A_321, %get3A_322] {strides = array<i32>} : memref<16x1024xf32, #tpu.memory_space<vmem>>, vector<16xf32>,
          %mul3A_324 = arith.mulf %gather3A_124, %get3A_323 : vector<16xf32>
          %add3A_325 = arith.addf %add3A_320, %mul3A_324 : vector<16xf32>
          %get3A_326 = arith.index_cast %scan3A_112 : i32 to index
          %get3A_327 = arith.constant 896 : index
          %get3A_328 = tpu.vector_load %arg15[%get3A_326, %get3A_327] {strides = array<i32>} : memref<16x1024xf32, #tpu.memory_space<vmem>>, vector<16xf32>,
          %mul3A_329 = arith.mulf %gather3A_128, %get3A_328 : vector<16xf32>
          %add3A_330 = arith.addf %add3A_325, %mul3A_329 : vector<16xf32>
          %add3A_331 = arith.constant 128 : i32
          %add3A_332 = vector.broadcast %add3A_331 : i32 to vector<16xi32>
          %add3A_333 = arith.addi %add3A_135, %add3A_332 : vector<16xi32>
          tpu.vector_store_idx %arg18[%add3A_333], %add3A_330 {add = true} : memref<83968xf32, #tpu.memory_space<vmem>>[vector<16xi32>], vector<16xf32>,
          %get3A_334 = arith.index_cast %scan3A_112 : i32 to index
          %get3A_335 = arith.constant 144 : index
          %get3A_336 = tpu.vector_load %arg15[%get3A_334, %get3A_335] {strides = array<i32>} : memref<16x1024xf32, #tpu.memory_space<vmem>>, vector<16xf32>,
          %mul3A_337 = arith.mulf %gather3A, %get3A_336 : vector<16xf32>
          %get3A_338 = arith.index_cast %scan3A_112 : i32 to index
          %get3A_339 = arith.constant 400 : index
          %get3A_340 = tpu.vector_load %arg15[%get3A_338, %get3A_339] {strides = array<i32>} : memref<16x1024xf32, #tpu.memory_space<vmem>>, vector<16xf32>,
          %mul3A_341 = arith.mulf %gather3A_120, %get3A_340 : vector<16xf32>
          %add3A_342 = arith.addf %mul3A_337, %mul3A_341 : vector<16xf32>
          %get3A_343 = arith.index_cast %scan3A_112 : i32 to index
          %get3A_344 = arith.constant 656 : index
          %get3A_345 = tpu.vector_load %arg15[%get3A_343, %get3A_344] {strides = array<i32>} : memref<16x1024xf32, #tpu.memory_space<vmem>>, vector<16xf32>,
          %mul3A_346 = arith.mulf %gather3A_124, %get3A_345 : vector<16xf32>
          %add3A_347 = arith.addf %add3A_342, %mul3A_346 : vector<16xf32>
          %get3A_348 = arith.index_cast %scan3A_112 : i32 to index
          %get3A_349 = arith.constant 912 : index
          %get3A_350 = tpu.vector_load %arg15[%get3A_348, %get3A_349] {strides = array<i32>} : memref<16x1024xf32, #tpu.memory_space<vmem>>, vector<16xf32>,
          %mul3A_351 = arith.mulf %gather3A_128, %get3A_350 : vector<16xf32>
          %add3A_352 = arith.addf %add3A_347, %mul3A_351 : vector<16xf32>
          %add3A_353 = arith.constant 144 : i32
          %add3A_354 = vector.broadcast %add3A_353 : i32 to vector<16xi32>
          %add3A_355 = arith.addi %add3A_135, %add3A_354 : vector<16xi32>
          tpu.vector_store_idx %arg18[%add3A_355], %add3A_352 {add = true} : memref<83968xf32, #tpu.memory_space<vmem>>[vector<16xi32>], vector<16xf32>,
          %get3A_356 = arith.index_cast %scan3A_112 : i32 to index
          %get3A_357 = arith.constant 160 : index
          %get3A_358 = tpu.vector_load %arg15[%get3A_356, %get3A_357] {strides = array<i32>} : memref<16x1024xf32, #tpu.memory_space<vmem>>, vector<16xf32>,
          %mul3A_359 = arith.mulf %gather3A, %get3A_358 : vector<16xf32>
          %get3A_360 = arith.index_cast %scan3A_112 : i32 to index
          %get3A_361 = arith.constant 416 : index
          %get3A_362 = tpu.vector_load %arg15[%get3A_360, %get3A_361] {strides = array<i32>} : memref<16x1024xf32, #tpu.memory_space<vmem>>, vector<16xf32>,
          %mul3A_363 = arith.mulf %gather3A_120, %get3A_362 : vector<16xf32>
          %add3A_364 = arith.addf %mul3A_359, %mul3A_363 : vector<16xf32>
          %get3A_365 = arith.index_cast %scan3A_112 : i32 to index
          %get3A_366 = arith.constant 672 : index
          %get3A_367 = tpu.vector_load %arg15[%get3A_365, %get3A_366] {strides = array<i32>} : memref<16x1024xf32, #tpu.memory_space<vmem>>, vector<16xf32>,
          %mul3A_368 = arith.mulf %gather3A_124, %get3A_367 : vector<16xf32>
          %add3A_369 = arith.addf %add3A_364, %mul3A_368 : vector<16xf32>
          %get3A_370 = arith.index_cast %scan3A_112 : i32 to index
          %get3A_371 = arith.constant 928 : index
          %get3A_372 = tpu.vector_load %arg15[%get3A_370, %get3A_371] {strides = array<i32>} : memref<16x1024xf32, #tpu.memory_space<vmem>>, vector<16xf32>,
          %mul3A_373 = arith.mulf %gather3A_128, %get3A_372 : vector<16xf32>
          %add3A_374 = arith.addf %add3A_369, %mul3A_373 : vector<16xf32>
          %add3A_375 = arith.constant 160 : i32
          %add3A_376 = vector.broadcast %add3A_375 : i32 to vector<16xi32>
          %add3A_377 = arith.addi %add3A_135, %add3A_376 : vector<16xi32>
          tpu.vector_store_idx %arg18[%add3A_377], %add3A_374 {add = true} : memref<83968xf32, #tpu.memory_space<vmem>>[vector<16xi32>], vector<16xf32>,
          %get3A_378 = arith.index_cast %scan3A_112 : i32 to index
          %get3A_379 = arith.constant 176 : index
          %get3A_380 = tpu.vector_load %arg15[%get3A_378, %get3A_379] {strides = array<i32>} : memref<16x1024xf32, #tpu.memory_space<vmem>>, vector<16xf32>,
          %mul3A_381 = arith.mulf %gather3A, %get3A_380 : vector<16xf32>
          %get3A_382 = arith.index_cast %scan3A_112 : i32 to index
          %get3A_383 = arith.constant 432 : index
          %get3A_384 = tpu.vector_load %arg15[%get3A_382, %get3A_383] {strides = array<i32>} : memref<16x1024xf32, #tpu.memory_space<vmem>>, vector<16xf32>,
          %mul3A_385 = arith.mulf %gather3A_120, %get3A_384 : vector<16xf32>
          %add3A_386 = arith.addf %mul3A_381, %mul3A_385 : vector<16xf32>
          %get3A_387 = arith.index_cast %scan3A_112 : i32 to index
          %get3A_388 = arith.constant 688 : index
          %get3A_389 = tpu.vector_load %arg15[%get3A_387, %get3A_388] {strides = array<i32>} : memref<16x1024xf32, #tpu.memory_space<vmem>>, vector<16xf32>,
          %mul3A_390 = arith.mulf %gather3A_124, %get3A_389 : vector<16xf32>
          %add3A_391 = arith.addf %add3A_386, %mul3A_390 : vector<16xf32>
          %get3A_392 = arith.index_cast %scan3A_112 : i32 to index
          %get3A_393 = arith.constant 944 : index
          %get3A_394 = tpu.vector_load %arg15[%get3A_392, %get3A_393] {strides = array<i32>} : memref<16x1024xf32, #tpu.memory_space<vmem>>, vector<16xf32>,
          %mul3A_395 = arith.mulf %gather3A_128, %get3A_394 : vector<16xf32>
          %add3A_396 = arith.addf %add3A_391, %mul3A_395 : vector<16xf32>
          %add3A_397 = arith.constant 176 : i32
          %add3A_398 = vector.broadcast %add3A_397 : i32 to vector<16xi32>
          %add3A_399 = arith.addi %add3A_135, %add3A_398 : vector<16xi32>
          tpu.vector_store_idx %arg18[%add3A_399], %add3A_396 {add = true} : memref<83968xf32, #tpu.memory_space<vmem>>[vector<16xi32>], vector<16xf32>,
          %get3A_400 = arith.index_cast %scan3A_112 : i32 to index
          %get3A_401 = arith.constant 192 : index
          %get3A_402 = tpu.vector_load %arg15[%get3A_400, %get3A_401] {strides = array<i32>} : memref<16x1024xf32, #tpu.memory_space<vmem>>, vector<16xf32>,
          %mul3A_403 = arith.mulf %gather3A, %get3A_402 : vector<16xf32>
          %get3A_404 = arith.index_cast %scan3A_112 : i32 to index
          %get3A_405 = arith.constant 448 : index
          %get3A_406 = tpu.vector_load %arg15[%get3A_404, %get3A_405] {strides = array<i32>} : memref<16x1024xf32, #tpu.memory_space<vmem>>, vector<16xf32>,
          %mul3A_407 = arith.mulf %gather3A_120, %get3A_406 : vector<16xf32>
          %add3A_408 = arith.addf %mul3A_403, %mul3A_407 : vector<16xf32>
          %get3A_409 = arith.index_cast %scan3A_112 : i32 to index
          %get3A_410 = arith.constant 704 : index
          %get3A_411 = tpu.vector_load %arg15[%get3A_409, %get3A_410] {strides = array<i32>} : memref<16x1024xf32, #tpu.memory_space<vmem>>, vector<16xf32>,
          %mul3A_412 = arith.mulf %gather3A_124, %get3A_411 : vector<16xf32>
          %add3A_413 = arith.addf %add3A_408, %mul3A_412 : vector<16xf32>
          %get3A_414 = arith.index_cast %scan3A_112 : i32 to index
          %get3A_415 = arith.constant 960 : index
          %get3A_416 = tpu.vector_load %arg15[%get3A_414, %get3A_415] {strides = array<i32>} : memref<16x1024xf32, #tpu.memory_space<vmem>>, vector<16xf32>,
          %mul3A_417 = arith.mulf %gather3A_128, %get3A_416 : vector<16xf32>
          %add3A_418 = arith.addf %add3A_413, %mul3A_417 : vector<16xf32>
          %add3A_419 = arith.constant 192 : i32
          %add3A_420 = vector.broadcast %add3A_419 : i32 to vector<16xi32>
          %add3A_421 = arith.addi %add3A_135, %add3A_420 : vector<16xi32>
          tpu.vector_store_idx %arg18[%add3A_421], %add3A_418 {add = true} : memref<83968xf32, #tpu.memory_space<vmem>>[vector<16xi32>], vector<16xf32>,
          %get3A_422 = arith.index_cast %scan3A_112 : i32 to index
          %get3A_423 = arith.constant 208 : index
          %get3A_424 = tpu.vector_load %arg15[%get3A_422, %get3A_423] {strides = array<i32>} : memref<16x1024xf32, #tpu.memory_space<vmem>>, vector<16xf32>,
          %mul3A_425 = arith.mulf %gather3A, %get3A_424 : vector<16xf32>
          %get3A_426 = arith.index_cast %scan3A_112 : i32 to index
          %get3A_427 = arith.constant 464 : index
          %get3A_428 = tpu.vector_load %arg15[%get3A_426, %get3A_427] {strides = array<i32>} : memref<16x1024xf32, #tpu.memory_space<vmem>>, vector<16xf32>,
          %mul3A_429 = arith.mulf %gather3A_120, %get3A_428 : vector<16xf32>
          %add3A_430 = arith.addf %mul3A_425, %mul3A_429 : vector<16xf32>
          %get3A_431 = arith.index_cast %scan3A_112 : i32 to index
          %get3A_432 = arith.constant 720 : index
          %get3A_433 = tpu.vector_load %arg15[%get3A_431, %get3A_432] {strides = array<i32>} : memref<16x1024xf32, #tpu.memory_space<vmem>>, vector<16xf32>,
          %mul3A_434 = arith.mulf %gather3A_124, %get3A_433 : vector<16xf32>
          %add3A_435 = arith.addf %add3A_430, %mul3A_434 : vector<16xf32>
          %get3A_436 = arith.index_cast %scan3A_112 : i32 to index
          %get3A_437 = arith.constant 976 : index
          %get3A_438 = tpu.vector_load %arg15[%get3A_436, %get3A_437] {strides = array<i32>} : memref<16x1024xf32, #tpu.memory_space<vmem>>, vector<16xf32>,
          %mul3A_439 = arith.mulf %gather3A_128, %get3A_438 : vector<16xf32>
          %add3A_440 = arith.addf %add3A_435, %mul3A_439 : vector<16xf32>
          %add3A_441 = arith.constant 208 : i32
          %add3A_442 = vector.broadcast %add3A_441 : i32 to vector<16xi32>
          %add3A_443 = arith.addi %add3A_135, %add3A_442 : vector<16xi32>
          tpu.vector_store_idx %arg18[%add3A_443], %add3A_440 {add = true} : memref<83968xf32, #tpu.memory_space<vmem>>[vector<16xi32>], vector<16xf32>,
          %get3A_444 = arith.index_cast %scan3A_112 : i32 to index
          %get3A_445 = arith.constant 224 : index
          %get3A_446 = tpu.vector_load %arg15[%get3A_444, %get3A_445] {strides = array<i32>} : memref<16x1024xf32, #tpu.memory_space<vmem>>, vector<16xf32>,
          %mul3A_447 = arith.mulf %gather3A, %get3A_446 : vector<16xf32>
          %get3A_448 = arith.index_cast %scan3A_112 : i32 to index
          %get3A_449 = arith.constant 480 : index
          %get3A_450 = tpu.vector_load %arg15[%get3A_448, %get3A_449] {strides = array<i32>} : memref<16x1024xf32, #tpu.memory_space<vmem>>, vector<16xf32>,
          %mul3A_451 = arith.mulf %gather3A_120, %get3A_450 : vector<16xf32>
          %add3A_452 = arith.addf %mul3A_447, %mul3A_451 : vector<16xf32>
          %get3A_453 = arith.index_cast %scan3A_112 : i32 to index
          %get3A_454 = arith.constant 736 : index
          %get3A_455 = tpu.vector_load %arg15[%get3A_453, %get3A_454] {strides = array<i32>} : memref<16x1024xf32, #tpu.memory_space<vmem>>, vector<16xf32>,
          %mul3A_456 = arith.mulf %gather3A_124, %get3A_455 : vector<16xf32>
          %add3A_457 = arith.addf %add3A_452, %mul3A_456 : vector<16xf32>
          %get3A_458 = arith.index_cast %scan3A_112 : i32 to index
          %get3A_459 = arith.constant 992 : index
          %get3A_460 = tpu.vector_load %arg15[%get3A_458, %get3A_459] {strides = array<i32>} : memref<16x1024xf32, #tpu.memory_space<vmem>>, vector<16xf32>,
          %mul3A_461 = arith.mulf %gather3A_128, %get3A_460 : vector<16xf32>
          %add3A_462 = arith.addf %add3A_457, %mul3A_461 : vector<16xf32>
          %add3A_463 = arith.constant 224 : i32
          %add3A_464 = vector.broadcast %add3A_463 : i32 to vector<16xi32>
          %add3A_465 = arith.addi %add3A_135, %add3A_464 : vector<16xi32>
          tpu.vector_store_idx %arg18[%add3A_465], %add3A_462 {add = true} : memref<83968xf32, #tpu.memory_space<vmem>>[vector<16xi32>], vector<16xf32>,
          %get3A_466 = arith.index_cast %scan3A_112 : i32 to index
          %get3A_467 = arith.constant 240 : index
          %get3A_468 = tpu.vector_load %arg15[%get3A_466, %get3A_467] {strides = array<i32>} : memref<16x1024xf32, #tpu.memory_space<vmem>>, vector<16xf32>,
          %mul3A_469 = arith.mulf %gather3A, %get3A_468 : vector<16xf32>
          %get3A_470 = arith.index_cast %scan3A_112 : i32 to index
          %get3A_471 = arith.constant 496 : index
          %get3A_472 = tpu.vector_load %arg15[%get3A_470, %get3A_471] {strides = array<i32>} : memref<16x1024xf32, #tpu.memory_space<vmem>>, vector<16xf32>,
          %mul3A_473 = arith.mulf %gather3A_120, %get3A_472 : vector<16xf32>
          %add3A_474 = arith.addf %mul3A_469, %mul3A_473 : vector<16xf32>
          %get3A_475 = arith.index_cast %scan3A_112 : i32 to index
          %get3A_476 = arith.constant 752 : index
          %get3A_477 = tpu.vector_load %arg15[%get3A_475, %get3A_476] {strides = array<i32>} : memref<16x1024xf32, #tpu.memory_space<vmem>>, vector<16xf32>,
          %mul3A_478 = arith.mulf %gather3A_124, %get3A_477 : vector<16xf32>
          %add3A_479 = arith.addf %add3A_474, %mul3A_478 : vector<16xf32>
          %get3A_480 = arith.index_cast %scan3A_112 : i32 to index
          %get3A_481 = arith.constant 1008 : index
          %get3A_482 = tpu.vector_load %arg15[%get3A_480, %get3A_481] {strides = array<i32>} : memref<16x1024xf32, #tpu.memory_space<vmem>>, vector<16xf32>,
          %mul3A_483 = arith.mulf %gather3A_128, %get3A_482 : vector<16xf32>
          %add3A_484 = arith.addf %add3A_479, %mul3A_483 : vector<16xf32>
          %add3A_485 = arith.constant 240 : i32
          %add3A_486 = vector.broadcast %add3A_485 : i32 to vector<16xi32>
          %add3A_487 = arith.addi %add3A_135, %add3A_486 : vector<16xi32>
          tpu.vector_store_idx %arg18[%add3A_487], %add3A_484 {add = true} : memref<83968xf32, #tpu.memory_space<vmem>>[vector<16xi32>], vector<16xf32>,
          %scan3A_488 = arith.constant 0 : i32
          scf.yield %scan3A_488 : i32
        }
        %scan3A_110 = arith.constant 16 : i32
        %while3A_111 = arith.constant 0 : i32
        scf.yield %while3A_111 : i32
      }
      %while3A_81 = arith.constant 1 : i32
      %while3A_82 = scf.for %while3A_84 = %while3A_78 to %while3A_74 step %while3A_81 iter_args(%while3A_85 = %while3A_80) -> (i32)  : i32 {
        %mul3A_86 = arith.constant 16 : i32
        %mul3A_87 = arith.muli %while3A_84, %mul3A_86 : i32
        %add3A_88 = arith.constant 0 : i32
        %add3A_89 = arith.addi %mul3A_87, %add3A_88 : i32
        %get3A = arith.index_cast %add3A_89 : i32 to index
        %get3A_90 = tpu.vector_load %arg10[%get3A] {strides = array<i32>} : memref<2032xi32, #tpu.memory_space<vmem>>, vector<16xi32>,
        %swap3A_91 = arith.constant 0 : index
        %swap3A_92 = tpu.vector_load %arg17[%swap3A_91] {strides = array<i32>} : memref<16xi32, #tpu.memory_space<vmem>>, vector<16xi32>,
        tpu.vector_store %arg17[%swap3A_91], %get3A_90 {strides = array<i32>} : memref<16xi32, #tpu.memory_space<vmem>>, vector<16xi32>,
        %dma_start3A = arith.constant 0 : i32
        %dma_start3A_93 = arith.constant 0 : i32
        %dma_start3A_94 = tpu.memref_slice %arg2[%dma_start3A, %dma_start3A_93] : memref<10000x1024xf32, #tpu.memory_space<hbm>> -> memref<10000x1024xf32, #tpu.memory_space<hbm>>
        tpu.enqueue_indirect_dma source(%dma_start3A_94 : memref<10000x1024xf32, #tpu.memory_space<hbm>>) target(%arg15 : memref<16x1024xf32, #tpu.memory_space<vmem>>) offsets(%arg17 : memref<16xi32, #tpu.memory_space<vmem>>) semaphore(%arg19 : memref<!tpu.dma_semaphore, #tpu.memory_space<semaphore_mem>>)
        %dma_wait3A = arith.constant 0 : i32
        %dma_wait3A_95 = arith.constant 0 : i32
        %dma_wait3A_96 = tpu.memref_slice %arg2[%dma_wait3A, %dma_wait3A_95] : memref<10000x1024xf32, #tpu.memory_space<hbm>> -> memref<10000x1024xf32, #tpu.memory_space<hbm>>
        tpu.wait_indirect_dma semaphore(%arg19 : memref<!tpu.dma_semaphore, #tpu.memory_space<semaphore_mem>>) src(%dma_wait3A_96 : memref<10000x1024xf32, #tpu.memory_space<hbm>>) dst(%arg15 : memref<16x1024xf32, #tpu.memory_space<vmem>>)
        %scan3A_97 = arith.constant 0 : i32
        %scan3A_98 = arith.constant 0 : i32
        %scan3A_99 = arith.constant 4 : i32
        %scan3A_100 = arith.addi %scan3A_98, %scan3A_99 : i32
        %scan3A_101 = arith.constant 1 : i32
        %scan3A_102 = scf.for %scan3A_112 = %scan3A_98 to %scan3A_100 step %scan3A_101 iter_args(%scan3A_113 = %scan3A_97) -> (i32)  : i32 {
          %iota3A = tpu.iota {dimensions = array<i32: 0>} : vector<16xi32>
          %mul3A_114 = arith.constant 4 : i32
          %mul3A_115 = arith.muli %scan3A_112, %mul3A_114 : i32
          %add3A_116 = arith.addi %mul3A_87, %mul3A_115 : i32
          %jit3A_117 = arith.constant 4 : i32
          %div3A_118 = vector.broadcast %jit3A_117 : i32 to vector<16xi32>
          %div3A_119 = arith.divsi %iota3A, %div3A_118 : vector<16xi32>
          %sign3A_120 = arith.constant 0 : i32
          %sign3A_121 = vector.broadcast %sign3A_120 : i32 to vector<16xi32>
          %sign3A_122 = arith.cmpi sgt, %iota3A, %sign3A_121 : vector<16xi32>
          %sign3A_123 = arith.extui %sign3A_122 : vector<16xi1> to vector<16xi32>
          %sign3A_124 = arith.constant 0 : i32
          %sign3A_125 = vector.broadcast %sign3A_124 : i32 to vector<16xi32>
          %sign3A_126 = arith.cmpi slt, %iota3A, %sign3A_125 : vector<16xi32>
          %sign3A_127 = arith.extui %sign3A_126 : vector<16xi1> to vector<16xi32>
          %sign3A_128 = arith.subi %sign3A_123, %sign3A_127 : vector<16xi32>
          %sign3A_129 = arith.constant 0 : i32
          %sign3A_130 = arith.cmpi sgt, %jit3A_117, %sign3A_129 : i32
          %sign3A_131 = arith.extui %sign3A_130 : i1 to i32
          %sign3A_132 = arith.constant 0 : i32
          %sign3A_133 = arith.cmpi slt, %jit3A_117, %sign3A_132 : i32
          %sign3A_134 = arith.extui %sign3A_133 : i1 to i32
          %sign3A_135 = arith.subi %sign3A_131, %sign3A_134 : i32
          %ne3A_136 = vector.broadcast %sign3A_135 : i32 to vector<16xi32>
          %ne3A_137 = arith.cmpi ne, %sign3A_128, %ne3A_136 : vector<16xi32>
          %rem3A_138 = vector.broadcast %jit3A_117 : i32 to vector<16xi32>
          %rem3A_139 = arith.remsi %iota3A, %rem3A_138 : vector<16xi32>
          %ne3A_140 = arith.constant 0 : i32
          %ne3A_141 = vector.broadcast %ne3A_140 : i32 to vector<16xi32>
          %ne3A_142 = arith.cmpi ne, %rem3A_139, %ne3A_141 : vector<16xi32>
          %and3A_143 = arith.andi %ne3A_137, %ne3A_142 : vector<16xi1>
          %sub3A_144 = arith.constant 1 : i32
          %sub3A_145 = vector.broadcast %sub3A_144 : i32 to vector<16xi32>
          %sub3A_146 = arith.subi %div3A_119, %sub3A_145 : vector<16xi32>
          %select_n3A_147 = arith.select %and3A_143, %sub3A_146, %div3A_119 : vector<16xi1>, vector<16xi32>
          %add3A_148 = vector.broadcast %add3A_116 : i32 to vector<16xi32>
          %add3A_149 = arith.addi %add3A_148, %select_n3A_147 : vector<16xi32>
          %jit3A_150 = arith.constant 4 : i32
          %eq3A = arith.constant 0 : i32
          %eq3A_151 = arith.cmpi eq, %jit3A_150, %eq3A : i32
          %jit3A_152 = arith.constant 1 : i32
          %select_n3A_153 = arith.select %eq3A_151, %jit3A_152, %jit3A_150 : i32
          %rem3A_154 = vector.broadcast %select_n3A_153 : i32 to vector<16xi32>
          %rem3A_155 = arith.remsi %iota3A, %rem3A_154 : vector<16xi32>
          %ne3A_156 = arith.constant 0 : i32
          %ne3A_157 = vector.broadcast %ne3A_156 : i32 to vector<16xi32>
          %ne3A_158 = arith.cmpi ne, %rem3A_155, %ne3A_157 : vector<16xi32>
          %lt3A = arith.constant 0 : i32
          %lt3A_159 = vector.broadcast %lt3A : i32 to vector<16xi32>
          %lt3A_160 = arith.cmpi slt, %rem3A_155, %lt3A_159 : vector<16xi32>
          %lt3A_161 = arith.constant 0 : i32
          %lt3A_162 = arith.cmpi slt, %select_n3A_153, %lt3A_161 : i32
          %ne3A_163 = vector.broadcast %lt3A_162 : i1 to vector<16xi1>
          %ne3A_164 = vector.broadcast %ne3A_163 : vector<16xi1> to vector<16xi1>
          %ne3A_165 = arith.xori %lt3A_160, %ne3A_164 : vector<16xi1>
          %and3A_166 = arith.andi %ne3A_165, %ne3A_158 : vector<16xi1>
          %add3A_167 = vector.broadcast %select_n3A_153 : i32 to vector<16xi32>
          %add3A_168 = arith.addi %rem3A_155, %add3A_167 : vector<16xi32>
          %select_n3A_169 = arith.select %and3A_166, %add3A_168, %rem3A_155 : vector<16xi1>, vector<16xi32>
          %gather3A = tpu.vector_load_idx %arg12[%add3A_149] : memref<2032xi32, #tpu.memory_space<vmem>>[vector<16xi32>], vector<16xi32>,
          %mul3A_170 = arith.constant 4 : i32
          %mul3A_171 = vector.broadcast %mul3A_170 : i32 to vector<16xi32>
          %mul3A_172 = arith.muli %gather3A, %mul3A_171 : vector<16xi32>
          %add3A_173 = arith.addi %mul3A_172, %select_n3A_169 : vector<16xi32>
          %gather3A_174 = tpu.vector_load_idx %arg13[%add3A_173] : memref<8000xf32, #tpu.memory_space<vmem>>[vector<16xi32>], vector<16xf32>,
          %gather3A_175 = tpu.vector_load_idx %arg11[%add3A_149] : memref<2032xi32, #tpu.memory_space<vmem>>[vector<16xi32>], vector<16xi32>,
          %mul3A_176 = arith.constant 4 : i32
          %mul3A_177 = vector.broadcast %mul3A_176 : i32 to vector<16xi32>
          %mul3A_178 = arith.muli %gather3A_175, %mul3A_177 : vector<16xi32>
          %add3A_179 = arith.addi %mul3A_178, %select_n3A_169 : vector<16xi32>
          %gather3A_180 = tpu.vector_load_idx %arg14[%add3A_179] : memref<1312xf32, #tpu.memory_space<vmem>>[vector<16xi32>], vector<16xf32>,
          %add3A_181 = arith.constant 1.000000e-16 : f32
          %add3A_182 = vector.broadcast %add3A_181 : f32 to vector<16xf32>
          %add3A_183 = arith.addf %gather3A_180, %add3A_182 : vector<16xf32>
          %mul3A_184 = arith.constant 4.000000e+00 : f32
          %mul3A_185 = vector.broadcast %mul3A_184 : f32 to vector<16xf32>
          %mul3A_186 = arith.mulf %mul3A_185, %add3A_183 : vector<16xf32>
          %div3A_187 = arith.divf %gather3A_174, %mul3A_186 : vector<16xf32>
          %mul3A_188 = arith.constant 16 : i32
          %mul3A_189 = arith.muli %scan3A_112, %mul3A_188 : i32
          %swap3A_190 = arith.index_cast %mul3A_189 : i32 to index
          %swap3A_191 = tpu.vector_load %arg16[%swap3A_190] {strides = array<i32>} : memref<64xf32, #tpu.memory_space<vmem>>, vector<16xf32>,
          tpu.vector_store %arg16[%swap3A_190], %div3A_187 {strides = array<i32>} : memref<64xf32, #tpu.memory_space<vmem>>, vector<16xf32>,
          %scan3A_192 = arith.constant 0 : i32
          scf.yield %scan3A_192 : i32
        }
        %scan3A_103 = arith.constant 4 : i32
        %scan3A_104 = arith.constant 0 : i32
        %scan3A_105 = arith.constant 0 : i32
        %scan3A_106 = arith.constant 16 : i32
        %scan3A_107 = arith.addi %scan3A_105, %scan3A_106 : i32
        %scan3A_108 = arith.constant 1 : i32
        %scan3A_109 = scf.for %scan3A_112 = %scan3A_105 to %scan3A_107 step %scan3A_108 iter_args(%scan3A_113 = %scan3A_104) -> (i32)  : i32 {
          %iota3A = tpu.iota {dimensions = array<i32: 0>} : vector<16xi32>
          %mul3A_114 = arith.constant 4 : i32
          %mul3A_115 = arith.muli %scan3A_112, %mul3A_114 : i32
          %broadcast_in_dim3A_116 = vector.broadcast %mul3A_115 : i32 to vector<16xi32>
          %gather3A = tpu.vector_load_idx %arg16[%broadcast_in_dim3A_116] : memref<64xf32, #tpu.memory_space<vmem>>[vector<16xi32>], vector<16xf32>,
          %add3A_117 = arith.constant 1 : i32
          %add3A_118 = arith.addi %mul3A_115, %add3A_117 : i32
          %broadcast_in_dim3A_119 = vector.broadcast %add3A_118 : i32 to vector<16xi32>
          %gather3A_120 = tpu.vector_load_idx %arg16[%broadcast_in_dim3A_119] : memref<64xf32, #tpu.memory_space<vmem>>[vector<16xi32>], vector<16xf32>,
          %add3A_121 = arith.constant 2 : i32
          %add3A_122 = arith.addi %mul3A_115, %add3A_121 : i32
          %broadcast_in_dim3A_123 = vector.broadcast %add3A_122 : i32 to vector<16xi32>
          %gather3A_124 = tpu.vector_load_idx %arg16[%broadcast_in_dim3A_123] : memref<64xf32, #tpu.memory_space<vmem>>[vector<16xi32>], vector<16xf32>,
          %add3A_125 = arith.constant 3 : i32
          %add3A_126 = arith.addi %mul3A_115, %add3A_125 : i32
          %broadcast_in_dim3A_127 = vector.broadcast %add3A_126 : i32 to vector<16xi32>
          %gather3A_128 = tpu.vector_load_idx %arg16[%broadcast_in_dim3A_127] : memref<64xf32, #tpu.memory_space<vmem>>[vector<16xi32>], vector<16xf32>,
          %add3A_129 = arith.addi %mul3A_87, %scan3A_112 : i32
          %broadcast_in_dim3A_130 = vector.broadcast %add3A_129 : i32 to vector<16xi32>
          %gather3A_131 = tpu.vector_load_idx %arg11[%broadcast_in_dim3A_130] : memref<2032xi32, #tpu.memory_space<vmem>>[vector<16xi32>], vector<16xi32>,
          %mul3A_132 = arith.constant 256 : i32
          %mul3A_133 = vector.broadcast %mul3A_132 : i32 to vector<16xi32>
          %mul3A_134 = arith.muli %gather3A_131, %mul3A_133 : vector<16xi32>
          %add3A_135 = arith.addi %mul3A_134, %iota3A : vector<16xi32>
          %get3A_136 = arith.index_cast %scan3A_112 : i32 to index
          %get3A_137 = arith.constant 0 : index
          %get3A_138 = tpu.vector_load %arg15[%get3A_136, %get3A_137] {strides = array<i32>} : memref<16x1024xf32, #tpu.memory_space<vmem>>, vector<16xf32>,
          %mul3A_139 = arith.mulf %gather3A, %get3A_138 : vector<16xf32>
          %get3A_140 = arith.index_cast %scan3A_112 : i32 to index
          %get3A_141 = arith.constant 256 : index
          %get3A_142 = tpu.vector_load %arg15[%get3A_140, %get3A_141] {strides = array<i32>} : memref<16x1024xf32, #tpu.memory_space<vmem>>, vector<16xf32>,
          %mul3A_143 = arith.mulf %gather3A_120, %get3A_142 : vector<16xf32>
          %add3A_144 = arith.addf %mul3A_139, %mul3A_143 : vector<16xf32>
          %get3A_145 = arith.index_cast %scan3A_112 : i32 to index
          %get3A_146 = arith.constant 512 : index
          %get3A_147 = tpu.vector_load %arg15[%get3A_145, %get3A_146] {strides = array<i32>} : memref<16x1024xf32, #tpu.memory_space<vmem>>, vector<16xf32>,
          %mul3A_148 = arith.mulf %gather3A_124, %get3A_147 : vector<16xf32>
          %add3A_149 = arith.addf %add3A_144, %mul3A_148 : vector<16xf32>
          %get3A_150 = arith.index_cast %scan3A_112 : i32 to index
          %get3A_151 = arith.constant 768 : index
          %get3A_152 = tpu.vector_load %arg15[%get3A_150, %get3A_151] {strides = array<i32>} : memref<16x1024xf32, #tpu.memory_space<vmem>>, vector<16xf32>,
          %mul3A_153 = arith.mulf %gather3A_128, %get3A_152 : vector<16xf32>
          %add3A_154 = arith.addf %add3A_149, %mul3A_153 : vector<16xf32>
          %add3A_155 = arith.constant 0 : i32
          %add3A_156 = vector.broadcast %add3A_155 : i32 to vector<16xi32>
          %add3A_157 = arith.addi %add3A_135, %add3A_156 : vector<16xi32>
          tpu.vector_store_idx %arg18[%add3A_157], %add3A_154 {add = true} : memref<83968xf32, #tpu.memory_space<vmem>>[vector<16xi32>], vector<16xf32>,
          %get3A_158 = arith.index_cast %scan3A_112 : i32 to index
          %get3A_159 = arith.constant 16 : index
          %get3A_160 = tpu.vector_load %arg15[%get3A_158, %get3A_159] {strides = array<i32>} : memref<16x1024xf32, #tpu.memory_space<vmem>>, vector<16xf32>,
          %mul3A_161 = arith.mulf %gather3A, %get3A_160 : vector<16xf32>
          %get3A_162 = arith.index_cast %scan3A_112 : i32 to index
          %get3A_163 = arith.constant 272 : index
          %get3A_164 = tpu.vector_load %arg15[%get3A_162, %get3A_163] {strides = array<i32>} : memref<16x1024xf32, #tpu.memory_space<vmem>>, vector<16xf32>,
          %mul3A_165 = arith.mulf %gather3A_120, %get3A_164 : vector<16xf32>
          %add3A_166 = arith.addf %mul3A_161, %mul3A_165 : vector<16xf32>
          %get3A_167 = arith.index_cast %scan3A_112 : i32 to index
          %get3A_168 = arith.constant 528 : index
          %get3A_169 = tpu.vector_load %arg15[%get3A_167, %get3A_168] {strides = array<i32>} : memref<16x1024xf32, #tpu.memory_space<vmem>>, vector<16xf32>,
          %mul3A_170 = arith.mulf %gather3A_124, %get3A_169 : vector<16xf32>
          %add3A_171 = arith.addf %add3A_166, %mul3A_170 : vector<16xf32>
          %get3A_172 = arith.index_cast %scan3A_112 : i32 to index
          %get3A_173 = arith.constant 784 : index
          %get3A_174 = tpu.vector_load %arg15[%get3A_172, %get3A_173] {strides = array<i32>} : memref<16x1024xf32, #tpu.memory_space<vmem>>, vector<16xf32>,
          %mul3A_175 = arith.mulf %gather3A_128, %get3A_174 : vector<16xf32>
          %add3A_176 = arith.addf %add3A_171, %mul3A_175 : vector<16xf32>
          %add3A_177 = arith.constant 16 : i32
          %add3A_178 = vector.broadcast %add3A_177 : i32 to vector<16xi32>
          %add3A_179 = arith.addi %add3A_135, %add3A_178 : vector<16xi32>
          tpu.vector_store_idx %arg18[%add3A_179], %add3A_176 {add = true} : memref<83968xf32, #tpu.memory_space<vmem>>[vector<16xi32>], vector<16xf32>,
          %get3A_180 = arith.index_cast %scan3A_112 : i32 to index
          %get3A_181 = arith.constant 32 : index
          %get3A_182 = tpu.vector_load %arg15[%get3A_180, %get3A_181] {strides = array<i32>} : memref<16x1024xf32, #tpu.memory_space<vmem>>, vector<16xf32>,
          %mul3A_183 = arith.mulf %gather3A, %get3A_182 : vector<16xf32>
          %get3A_184 = arith.index_cast %scan3A_112 : i32 to index
          %get3A_185 = arith.constant 288 : index
          %get3A_186 = tpu.vector_load %arg15[%get3A_184, %get3A_185] {strides = array<i32>} : memref<16x1024xf32, #tpu.memory_space<vmem>>, vector<16xf32>,
          %mul3A_187 = arith.mulf %gather3A_120, %get3A_186 : vector<16xf32>
          %add3A_188 = arith.addf %mul3A_183, %mul3A_187 : vector<16xf32>
          %get3A_189 = arith.index_cast %scan3A_112 : i32 to index
          %get3A_190 = arith.constant 544 : index
          %get3A_191 = tpu.vector_load %arg15[%get3A_189, %get3A_190] {strides = array<i32>} : memref<16x1024xf32, #tpu.memory_space<vmem>>, vector<16xf32>,
          %mul3A_192 = arith.mulf %gather3A_124, %get3A_191 : vector<16xf32>
          %add3A_193 = arith.addf %add3A_188, %mul3A_192 : vector<16xf32>
          %get3A_194 = arith.index_cast %scan3A_112 : i32 to index
          %get3A_195 = arith.constant 800 : index
          %get3A_196 = tpu.vector_load %arg15[%get3A_194, %get3A_195] {strides = array<i32>} : memref<16x1024xf32, #tpu.memory_space<vmem>>, vector<16xf32>,
          %mul3A_197 = arith.mulf %gather3A_128, %get3A_196 : vector<16xf32>
          %add3A_198 = arith.addf %add3A_193, %mul3A_197 : vector<16xf32>
          %add3A_199 = arith.constant 32 : i32
          %add3A_200 = vector.broadcast %add3A_199 : i32 to vector<16xi32>
          %add3A_201 = arith.addi %add3A_135, %add3A_200 : vector<16xi32>
          tpu.vector_store_idx %arg18[%add3A_201], %add3A_198 {add = true} : memref<83968xf32, #tpu.memory_space<vmem>>[vector<16xi32>], vector<16xf32>,
          %get3A_202 = arith.index_cast %scan3A_112 : i32 to index
          %get3A_203 = arith.constant 48 : index
          %get3A_204 = tpu.vector_load %arg15[%get3A_202, %get3A_203] {strides = array<i32>} : memref<16x1024xf32, #tpu.memory_space<vmem>>, vector<16xf32>,
          %mul3A_205 = arith.mulf %gather3A, %get3A_204 : vector<16xf32>
          %get3A_206 = arith.index_cast %scan3A_112 : i32 to index
          %get3A_207 = arith.constant 304 : index
          %get3A_208 = tpu.vector_load %arg15[%get3A_206, %get3A_207] {strides = array<i32>} : memref<16x1024xf32, #tpu.memory_space<vmem>>, vector<16xf32>,
          %mul3A_209 = arith.mulf %gather3A_120, %get3A_208 : vector<16xf32>
          %add3A_210 = arith.addf %mul3A_205, %mul3A_209 : vector<16xf32>
          %get3A_211 = arith.index_cast %scan3A_112 : i32 to index
          %get3A_212 = arith.constant 560 : index
          %get3A_213 = tpu.vector_load %arg15[%get3A_211, %get3A_212] {strides = array<i32>} : memref<16x1024xf32, #tpu.memory_space<vmem>>, vector<16xf32>,
          %mul3A_214 = arith.mulf %gather3A_124, %get3A_213 : vector<16xf32>
          %add3A_215 = arith.addf %add3A_210, %mul3A_214 : vector<16xf32>
          %get3A_216 = arith.index_cast %scan3A_112 : i32 to index
          %get3A_217 = arith.constant 816 : index
          %get3A_218 = tpu.vector_load %arg15[%get3A_216, %get3A_217] {strides = array<i32>} : memref<16x1024xf32, #tpu.memory_space<vmem>>, vector<16xf32>,
          %mul3A_219 = arith.mulf %gather3A_128, %get3A_218 : vector<16xf32>
          %add3A_220 = arith.addf %add3A_215, %mul3A_219 : vector<16xf32>
          %add3A_221 = arith.constant 48 : i32
          %add3A_222 = vector.broadcast %add3A_221 : i32 to vector<16xi32>
          %add3A_223 = arith.addi %add3A_135, %add3A_222 : vector<16xi32>
          tpu.vector_store_idx %arg18[%add3A_223], %add3A_220 {add = true} : memref<83968xf32, #tpu.memory_space<vmem>>[vector<16xi32>], vector<16xf32>,
          %get3A_224 = arith.index_cast %scan3A_112 : i32 to index
          %get3A_225 = arith.constant 64 : index
          %get3A_226 = tpu.vector_load %arg15[%get3A_224, %get3A_225] {strides = array<i32>} : memref<16x1024xf32, #tpu.memory_space<vmem>>, vector<16xf32>,
          %mul3A_227 = arith.mulf %gather3A, %get3A_226 : vector<16xf32>
          %get3A_228 = arith.index_cast %scan3A_112 : i32 to index
          %get3A_229 = arith.constant 320 : index
          %get3A_230 = tpu.vector_load %arg15[%get3A_228, %get3A_229] {strides = array<i32>} : memref<16x1024xf32, #tpu.memory_space<vmem>>, vector<16xf32>,
          %mul3A_231 = arith.mulf %gather3A_120, %get3A_230 : vector<16xf32>
          %add3A_232 = arith.addf %mul3A_227, %mul3A_231 : vector<16xf32>
          %get3A_233 = arith.index_cast %scan3A_112 : i32 to index
          %get3A_234 = arith.constant 576 : index
          %get3A_235 = tpu.vector_load %arg15[%get3A_233, %get3A_234] {strides = array<i32>} : memref<16x1024xf32, #tpu.memory_space<vmem>>, vector<16xf32>,
          %mul3A_236 = arith.mulf %gather3A_124, %get3A_235 : vector<16xf32>
          %add3A_237 = arith.addf %add3A_232, %mul3A_236 : vector<16xf32>
          %get3A_238 = arith.index_cast %scan3A_112 : i32 to index
          %get3A_239 = arith.constant 832 : index
          %get3A_240 = tpu.vector_load %arg15[%get3A_238, %get3A_239] {strides = array<i32>} : memref<16x1024xf32, #tpu.memory_space<vmem>>, vector<16xf32>,
          %mul3A_241 = arith.mulf %gather3A_128, %get3A_240 : vector<16xf32>
          %add3A_242 = arith.addf %add3A_237, %mul3A_241 : vector<16xf32>
          %add3A_243 = arith.constant 64 : i32
          %add3A_244 = vector.broadcast %add3A_243 : i32 to vector<16xi32>
          %add3A_245 = arith.addi %add3A_135, %add3A_244 : vector<16xi32>
          tpu.vector_store_idx %arg18[%add3A_245], %add3A_242 {add = true} : memref<83968xf32, #tpu.memory_space<vmem>>[vector<16xi32>], vector<16xf32>,
          %get3A_246 = arith.index_cast %scan3A_112 : i32 to index
          %get3A_247 = arith.constant 80 : index
          %get3A_248 = tpu.vector_load %arg15[%get3A_246, %get3A_247] {strides = array<i32>} : memref<16x1024xf32, #tpu.memory_space<vmem>>, vector<16xf32>,
          %mul3A_249 = arith.mulf %gather3A, %get3A_248 : vector<16xf32>
          %get3A_250 = arith.index_cast %scan3A_112 : i32 to index
          %get3A_251 = arith.constant 336 : index
          %get3A_252 = tpu.vector_load %arg15[%get3A_250, %get3A_251] {strides = array<i32>} : memref<16x1024xf32, #tpu.memory_space<vmem>>, vector<16xf32>,
          %mul3A_253 = arith.mulf %gather3A_120, %get3A_252 : vector<16xf32>
          %add3A_254 = arith.addf %mul3A_249, %mul3A_253 : vector<16xf32>
          %get3A_255 = arith.index_cast %scan3A_112 : i32 to index
          %get3A_256 = arith.constant 592 : index
          %get3A_257 = tpu.vector_load %arg15[%get3A_255, %get3A_256] {strides = array<i32>} : memref<16x1024xf32, #tpu.memory_space<vmem>>, vector<16xf32>,
          %mul3A_258 = arith.mulf %gather3A_124, %get3A_257 : vector<16xf32>
          %add3A_259 = arith.addf %add3A_254, %mul3A_258 : vector<16xf32>
          %get3A_260 = arith.index_cast %scan3A_112 : i32 to index
          %get3A_261 = arith.constant 848 : index
          %get3A_262 = tpu.vector_load %arg15[%get3A_260, %get3A_261] {strides = array<i32>} : memref<16x1024xf32, #tpu.memory_space<vmem>>, vector<16xf32>,
          %mul3A_263 = arith.mulf %gather3A_128, %get3A_262 : vector<16xf32>
          %add3A_264 = arith.addf %add3A_259, %mul3A_263 : vector<16xf32>
          %add3A_265 = arith.constant 80 : i32
          %add3A_266 = vector.broadcast %add3A_265 : i32 to vector<16xi32>
          %add3A_267 = arith.addi %add3A_135, %add3A_266 : vector<16xi32>
          tpu.vector_store_idx %arg18[%add3A_267], %add3A_264 {add = true} : memref<83968xf32, #tpu.memory_space<vmem>>[vector<16xi32>], vector<16xf32>,
          %get3A_268 = arith.index_cast %scan3A_112 : i32 to index
          %get3A_269 = arith.constant 96 : index
          %get3A_270 = tpu.vector_load %arg15[%get3A_268, %get3A_269] {strides = array<i32>} : memref<16x1024xf32, #tpu.memory_space<vmem>>, vector<16xf32>,
          %mul3A_271 = arith.mulf %gather3A, %get3A_270 : vector<16xf32>
          %get3A_272 = arith.index_cast %scan3A_112 : i32 to index
          %get3A_273 = arith.constant 352 : index
          %get3A_274 = tpu.vector_load %arg15[%get3A_272, %get3A_273] {strides = array<i32>} : memref<16x1024xf32, #tpu.memory_space<vmem>>, vector<16xf32>,
          %mul3A_275 = arith.mulf %gather3A_120, %get3A_274 : vector<16xf32>
          %add3A_276 = arith.addf %mul3A_271, %mul3A_275 : vector<16xf32>
          %get3A_277 = arith.index_cast %scan3A_112 : i32 to index
          %get3A_278 = arith.constant 608 : index
          %get3A_279 = tpu.vector_load %arg15[%get3A_277, %get3A_278] {strides = array<i32>} : memref<16x1024xf32, #tpu.memory_space<vmem>>, vector<16xf32>,
          %mul3A_280 = arith.mulf %gather3A_124, %get3A_279 : vector<16xf32>
          %add3A_281 = arith.addf %add3A_276, %mul3A_280 : vector<16xf32>
          %get3A_282 = arith.index_cast %scan3A_112 : i32 to index
          %get3A_283 = arith.constant 864 : index
          %get3A_284 = tpu.vector_load %arg15[%get3A_282, %get3A_283] {strides = array<i32>} : memref<16x1024xf32, #tpu.memory_space<vmem>>, vector<16xf32>,
          %mul3A_285 = arith.mulf %gather3A_128, %get3A_284 : vector<16xf32>
          %add3A_286 = arith.addf %add3A_281, %mul3A_285 : vector<16xf32>
          %add3A_287 = arith.constant 96 : i32
          %add3A_288 = vector.broadcast %add3A_287 : i32 to vector<16xi32>
          %add3A_289 = arith.addi %add3A_135, %add3A_288 : vector<16xi32>
          tpu.vector_store_idx %arg18[%add3A_289], %add3A_286 {add = true} : memref<83968xf32, #tpu.memory_space<vmem>>[vector<16xi32>], vector<16xf32>,
          %get3A_290 = arith.index_cast %scan3A_112 : i32 to index
          %get3A_291 = arith.constant 112 : index
          %get3A_292 = tpu.vector_load %arg15[%get3A_290, %get3A_291] {strides = array<i32>} : memref<16x1024xf32, #tpu.memory_space<vmem>>, vector<16xf32>,
          %mul3A_293 = arith.mulf %gather3A, %get3A_292 : vector<16xf32>
          %get3A_294 = arith.index_cast %scan3A_112 : i32 to index
          %get3A_295 = arith.constant 368 : index
          %get3A_296 = tpu.vector_load %arg15[%get3A_294, %get3A_295] {strides = array<i32>} : memref<16x1024xf32, #tpu.memory_space<vmem>>, vector<16xf32>,
          %mul3A_297 = arith.mulf %gather3A_120, %get3A_296 : vector<16xf32>
          %add3A_298 = arith.addf %mul3A_293, %mul3A_297 : vector<16xf32>
          %get3A_299 = arith.index_cast %scan3A_112 : i32 to index
          %get3A_300 = arith.constant 624 : index
          %get3A_301 = tpu.vector_load %arg15[%get3A_299, %get3A_300] {strides = array<i32>} : memref<16x1024xf32, #tpu.memory_space<vmem>>, vector<16xf32>,
          %mul3A_302 = arith.mulf %gather3A_124, %get3A_301 : vector<16xf32>
          %add3A_303 = arith.addf %add3A_298, %mul3A_302 : vector<16xf32>
          %get3A_304 = arith.index_cast %scan3A_112 : i32 to index
          %get3A_305 = arith.constant 880 : index
          %get3A_306 = tpu.vector_load %arg15[%get3A_304, %get3A_305] {strides = array<i32>} : memref<16x1024xf32, #tpu.memory_space<vmem>>, vector<16xf32>,
          %mul3A_307 = arith.mulf %gather3A_128, %get3A_306 : vector<16xf32>
          %add3A_308 = arith.addf %add3A_303, %mul3A_307 : vector<16xf32>
          %add3A_309 = arith.constant 112 : i32
          %add3A_310 = vector.broadcast %add3A_309 : i32 to vector<16xi32>
          %add3A_311 = arith.addi %add3A_135, %add3A_310 : vector<16xi32>
          tpu.vector_store_idx %arg18[%add3A_311], %add3A_308 {add = true} : memref<83968xf32, #tpu.memory_space<vmem>>[vector<16xi32>], vector<16xf32>,
          %get3A_312 = arith.index_cast %scan3A_112 : i32 to index
          %get3A_313 = arith.constant 128 : index
          %get3A_314 = tpu.vector_load %arg15[%get3A_312, %get3A_313] {strides = array<i32>} : memref<16x1024xf32, #tpu.memory_space<vmem>>, vector<16xf32>,
          %mul3A_315 = arith.mulf %gather3A, %get3A_314 : vector<16xf32>
          %get3A_316 = arith.index_cast %scan3A_112 : i32 to index
          %get3A_317 = arith.constant 384 : index
          %get3A_318 = tpu.vector_load %arg15[%get3A_316, %get3A_317] {strides = array<i32>} : memref<16x1024xf32, #tpu.memory_space<vmem>>, vector<16xf32>,
          %mul3A_319 = arith.mulf %gather3A_120, %get3A_318 : vector<16xf32>
          %add3A_320 = arith.addf %mul3A_315, %mul3A_319 : vector<16xf32>
          %get3A_321 = arith.index_cast %scan3A_112 : i32 to index
          %get3A_322 = arith.constant 640 : index
          %get3A_323 = tpu.vector_load %arg15[%get3A_321, %get3A_322] {strides = array<i32>} : memref<16x1024xf32, #tpu.memory_space<vmem>>, vector<16xf32>,
          %mul3A_324 = arith.mulf %gather3A_124, %get3A_323 : vector<16xf32>
          %add3A_325 = arith.addf %add3A_320, %mul3A_324 : vector<16xf32>
          %get3A_326 = arith.index_cast %scan3A_112 : i32 to index
          %get3A_327 = arith.constant 896 : index
          %get3A_328 = tpu.vector_load %arg15[%get3A_326, %get3A_327] {strides = array<i32>} : memref<16x1024xf32, #tpu.memory_space<vmem>>, vector<16xf32>,
          %mul3A_329 = arith.mulf %gather3A_128, %get3A_328 : vector<16xf32>
          %add3A_330 = arith.addf %add3A_325, %mul3A_329 : vector<16xf32>
          %add3A_331 = arith.constant 128 : i32
          %add3A_332 = vector.broadcast %add3A_331 : i32 to vector<16xi32>
          %add3A_333 = arith.addi %add3A_135, %add3A_332 : vector<16xi32>
          tpu.vector_store_idx %arg18[%add3A_333], %add3A_330 {add = true} : memref<83968xf32, #tpu.memory_space<vmem>>[vector<16xi32>], vector<16xf32>,
          %get3A_334 = arith.index_cast %scan3A_112 : i32 to index
          %get3A_335 = arith.constant 144 : index
          %get3A_336 = tpu.vector_load %arg15[%get3A_334, %get3A_335] {strides = array<i32>} : memref<16x1024xf32, #tpu.memory_space<vmem>>, vector<16xf32>,
          %mul3A_337 = arith.mulf %gather3A, %get3A_336 : vector<16xf32>
          %get3A_338 = arith.index_cast %scan3A_112 : i32 to index
          %get3A_339 = arith.constant 400 : index
          %get3A_340 = tpu.vector_load %arg15[%get3A_338, %get3A_339] {strides = array<i32>} : memref<16x1024xf32, #tpu.memory_space<vmem>>, vector<16xf32>,
          %mul3A_341 = arith.mulf %gather3A_120, %get3A_340 : vector<16xf32>
          %add3A_342 = arith.addf %mul3A_337, %mul3A_341 : vector<16xf32>
          %get3A_343 = arith.index_cast %scan3A_112 : i32 to index
          %get3A_344 = arith.constant 656 : index
          %get3A_345 = tpu.vector_load %arg15[%get3A_343, %get3A_344] {strides = array<i32>} : memref<16x1024xf32, #tpu.memory_space<vmem>>, vector<16xf32>,
          %mul3A_346 = arith.mulf %gather3A_124, %get3A_345 : vector<16xf32>
          %add3A_347 = arith.addf %add3A_342, %mul3A_346 : vector<16xf32>
          %get3A_348 = arith.index_cast %scan3A_112 : i32 to index
          %get3A_349 = arith.constant 912 : index
          %get3A_350 = tpu.vector_load %arg15[%get3A_348, %get3A_349] {strides = array<i32>} : memref<16x1024xf32, #tpu.memory_space<vmem>>, vector<16xf32>,
          %mul3A_351 = arith.mulf %gather3A_128, %get3A_350 : vector<16xf32>
          %add3A_352 = arith.addf %add3A_347, %mul3A_351 : vector<16xf32>
          %add3A_353 = arith.constant 144 : i32
          %add3A_354 = vector.broadcast %add3A_353 : i32 to vector<16xi32>
          %add3A_355 = arith.addi %add3A_135, %add3A_354 : vector<16xi32>
          tpu.vector_store_idx %arg18[%add3A_355], %add3A_352 {add = true} : memref<83968xf32, #tpu.memory_space<vmem>>[vector<16xi32>], vector<16xf32>,
          %get3A_356 = arith.index_cast %scan3A_112 : i32 to index
          %get3A_357 = arith.constant 160 : index
          %get3A_358 = tpu.vector_load %arg15[%get3A_356, %get3A_357] {strides = array<i32>} : memref<16x1024xf32, #tpu.memory_space<vmem>>, vector<16xf32>,
          %mul3A_359 = arith.mulf %gather3A, %get3A_358 : vector<16xf32>
          %get3A_360 = arith.index_cast %scan3A_112 : i32 to index
          %get3A_361 = arith.constant 416 : index
          %get3A_362 = tpu.vector_load %arg15[%get3A_360, %get3A_361] {strides = array<i32>} : memref<16x1024xf32, #tpu.memory_space<vmem>>, vector<16xf32>,
          %mul3A_363 = arith.mulf %gather3A_120, %get3A_362 : vector<16xf32>
          %add3A_364 = arith.addf %mul3A_359, %mul3A_363 : vector<16xf32>
          %get3A_365 = arith.index_cast %scan3A_112 : i32 to index
          %get3A_366 = arith.constant 672 : index
          %get3A_367 = tpu.vector_load %arg15[%get3A_365, %get3A_366] {strides = array<i32>} : memref<16x1024xf32, #tpu.memory_space<vmem>>, vector<16xf32>,
          %mul3A_368 = arith.mulf %gather3A_124, %get3A_367 : vector<16xf32>
          %add3A_369 = arith.addf %add3A_364, %mul3A_368 : vector<16xf32>
          %get3A_370 = arith.index_cast %scan3A_112 : i32 to index
          %get3A_371 = arith.constant 928 : index
          %get3A_372 = tpu.vector_load %arg15[%get3A_370, %get3A_371] {strides = array<i32>} : memref<16x1024xf32, #tpu.memory_space<vmem>>, vector<16xf32>,
          %mul3A_373 = arith.mulf %gather3A_128, %get3A_372 : vector<16xf32>
          %add3A_374 = arith.addf %add3A_369, %mul3A_373 : vector<16xf32>
          %add3A_375 = arith.constant 160 : i32
          %add3A_376 = vector.broadcast %add3A_375 : i32 to vector<16xi32>
          %add3A_377 = arith.addi %add3A_135, %add3A_376 : vector<16xi32>
          tpu.vector_store_idx %arg18[%add3A_377], %add3A_374 {add = true} : memref<83968xf32, #tpu.memory_space<vmem>>[vector<16xi32>], vector<16xf32>,
          %get3A_378 = arith.index_cast %scan3A_112 : i32 to index
          %get3A_379 = arith.constant 176 : index
          %get3A_380 = tpu.vector_load %arg15[%get3A_378, %get3A_379] {strides = array<i32>} : memref<16x1024xf32, #tpu.memory_space<vmem>>, vector<16xf32>,
          %mul3A_381 = arith.mulf %gather3A, %get3A_380 : vector<16xf32>
          %get3A_382 = arith.index_cast %scan3A_112 : i32 to index
          %get3A_383 = arith.constant 432 : index
          %get3A_384 = tpu.vector_load %arg15[%get3A_382, %get3A_383] {strides = array<i32>} : memref<16x1024xf32, #tpu.memory_space<vmem>>, vector<16xf32>,
          %mul3A_385 = arith.mulf %gather3A_120, %get3A_384 : vector<16xf32>
          %add3A_386 = arith.addf %mul3A_381, %mul3A_385 : vector<16xf32>
          %get3A_387 = arith.index_cast %scan3A_112 : i32 to index
          %get3A_388 = arith.constant 688 : index
          %get3A_389 = tpu.vector_load %arg15[%get3A_387, %get3A_388] {strides = array<i32>} : memref<16x1024xf32, #tpu.memory_space<vmem>>, vector<16xf32>,
          %mul3A_390 = arith.mulf %gather3A_124, %get3A_389 : vector<16xf32>
          %add3A_391 = arith.addf %add3A_386, %mul3A_390 : vector<16xf32>
          %get3A_392 = arith.index_cast %scan3A_112 : i32 to index
          %get3A_393 = arith.constant 944 : index
          %get3A_394 = tpu.vector_load %arg15[%get3A_392, %get3A_393] {strides = array<i32>} : memref<16x1024xf32, #tpu.memory_space<vmem>>, vector<16xf32>,
          %mul3A_395 = arith.mulf %gather3A_128, %get3A_394 : vector<16xf32>
          %add3A_396 = arith.addf %add3A_391, %mul3A_395 : vector<16xf32>
          %add3A_397 = arith.constant 176 : i32
          %add3A_398 = vector.broadcast %add3A_397 : i32 to vector<16xi32>
          %add3A_399 = arith.addi %add3A_135, %add3A_398 : vector<16xi32>
          tpu.vector_store_idx %arg18[%add3A_399], %add3A_396 {add = true} : memref<83968xf32, #tpu.memory_space<vmem>>[vector<16xi32>], vector<16xf32>,
          %get3A_400 = arith.index_cast %scan3A_112 : i32 to index
          %get3A_401 = arith.constant 192 : index
          %get3A_402 = tpu.vector_load %arg15[%get3A_400, %get3A_401] {strides = array<i32>} : memref<16x1024xf32, #tpu.memory_space<vmem>>, vector<16xf32>,
          %mul3A_403 = arith.mulf %gather3A, %get3A_402 : vector<16xf32>
          %get3A_404 = arith.index_cast %scan3A_112 : i32 to index
          %get3A_405 = arith.constant 448 : index
          %get3A_406 = tpu.vector_load %arg15[%get3A_404, %get3A_405] {strides = array<i32>} : memref<16x1024xf32, #tpu.memory_space<vmem>>, vector<16xf32>,
          %mul3A_407 = arith.mulf %gather3A_120, %get3A_406 : vector<16xf32>
          %add3A_408 = arith.addf %mul3A_403, %mul3A_407 : vector<16xf32>
          %get3A_409 = arith.index_cast %scan3A_112 : i32 to index
          %get3A_410 = arith.constant 704 : index
          %get3A_411 = tpu.vector_load %arg15[%get3A_409, %get3A_410] {strides = array<i32>} : memref<16x1024xf32, #tpu.memory_space<vmem>>, vector<16xf32>,
          %mul3A_412 = arith.mulf %gather3A_124, %get3A_411 : vector<16xf32>
          %add3A_413 = arith.addf %add3A_408, %mul3A_412 : vector<16xf32>
          %get3A_414 = arith.index_cast %scan3A_112 : i32 to index
          %get3A_415 = arith.constant 960 : index
          %get3A_416 = tpu.vector_load %arg15[%get3A_414, %get3A_415] {strides = array<i32>} : memref<16x1024xf32, #tpu.memory_space<vmem>>, vector<16xf32>,
          %mul3A_417 = arith.mulf %gather3A_128, %get3A_416 : vector<16xf32>
          %add3A_418 = arith.addf %add3A_413, %mul3A_417 : vector<16xf32>
          %add3A_419 = arith.constant 192 : i32
          %add3A_420 = vector.broadcast %add3A_419 : i32 to vector<16xi32>
          %add3A_421 = arith.addi %add3A_135, %add3A_420 : vector<16xi32>
          tpu.vector_store_idx %arg18[%add3A_421], %add3A_418 {add = true} : memref<83968xf32, #tpu.memory_space<vmem>>[vector<16xi32>], vector<16xf32>,
          %get3A_422 = arith.index_cast %scan3A_112 : i32 to index
          %get3A_423 = arith.constant 208 : index
          %get3A_424 = tpu.vector_load %arg15[%get3A_422, %get3A_423] {strides = array<i32>} : memref<16x1024xf32, #tpu.memory_space<vmem>>, vector<16xf32>,
          %mul3A_425 = arith.mulf %gather3A, %get3A_424 : vector<16xf32>
          %get3A_426 = arith.index_cast %scan3A_112 : i32 to index
          %get3A_427 = arith.constant 464 : index
          %get3A_428 = tpu.vector_load %arg15[%get3A_426, %get3A_427] {strides = array<i32>} : memref<16x1024xf32, #tpu.memory_space<vmem>>, vector<16xf32>,
          %mul3A_429 = arith.mulf %gather3A_120, %get3A_428 : vector<16xf32>
          %add3A_430 = arith.addf %mul3A_425, %mul3A_429 : vector<16xf32>
          %get3A_431 = arith.index_cast %scan3A_112 : i32 to index
          %get3A_432 = arith.constant 720 : index
          %get3A_433 = tpu.vector_load %arg15[%get3A_431, %get3A_432] {strides = array<i32>} : memref<16x1024xf32, #tpu.memory_space<vmem>>, vector<16xf32>,
          %mul3A_434 = arith.mulf %gather3A_124, %get3A_433 : vector<16xf32>
          %add3A_435 = arith.addf %add3A_430, %mul3A_434 : vector<16xf32>
          %get3A_436 = arith.index_cast %scan3A_112 : i32 to index
          %get3A_437 = arith.constant 976 : index
          %get3A_438 = tpu.vector_load %arg15[%get3A_436, %get3A_437] {strides = array<i32>} : memref<16x1024xf32, #tpu.memory_space<vmem>>, vector<16xf32>,
          %mul3A_439 = arith.mulf %gather3A_128, %get3A_438 : vector<16xf32>
          %add3A_440 = arith.addf %add3A_435, %mul3A_439 : vector<16xf32>
          %add3A_441 = arith.constant 208 : i32
          %add3A_442 = vector.broadcast %add3A_441 : i32 to vector<16xi32>
          %add3A_443 = arith.addi %add3A_135, %add3A_442 : vector<16xi32>
          tpu.vector_store_idx %arg18[%add3A_443], %add3A_440 {add = true} : memref<83968xf32, #tpu.memory_space<vmem>>[vector<16xi32>], vector<16xf32>,
          %get3A_444 = arith.index_cast %scan3A_112 : i32 to index
          %get3A_445 = arith.constant 224 : index
          %get3A_446 = tpu.vector_load %arg15[%get3A_444, %get3A_445] {strides = array<i32>} : memref<16x1024xf32, #tpu.memory_space<vmem>>, vector<16xf32>,
          %mul3A_447 = arith.mulf %gather3A, %get3A_446 : vector<16xf32>
          %get3A_448 = arith.index_cast %scan3A_112 : i32 to index
          %get3A_449 = arith.constant 480 : index
          %get3A_450 = tpu.vector_load %arg15[%get3A_448, %get3A_449] {strides = array<i32>} : memref<16x1024xf32, #tpu.memory_space<vmem>>, vector<16xf32>,
          %mul3A_451 = arith.mulf %gather3A_120, %get3A_450 : vector<16xf32>
          %add3A_452 = arith.addf %mul3A_447, %mul3A_451 : vector<16xf32>
          %get3A_453 = arith.index_cast %scan3A_112 : i32 to index
          %get3A_454 = arith.constant 736 : index
          %get3A_455 = tpu.vector_load %arg15[%get3A_453, %get3A_454] {strides = array<i32>} : memref<16x1024xf32, #tpu.memory_space<vmem>>, vector<16xf32>,
          %mul3A_456 = arith.mulf %gather3A_124, %get3A_455 : vector<16xf32>
          %add3A_457 = arith.addf %add3A_452, %mul3A_456 : vector<16xf32>
          %get3A_458 = arith.index_cast %scan3A_112 : i32 to index
          %get3A_459 = arith.constant 992 : index
          %get3A_460 = tpu.vector_load %arg15[%get3A_458, %get3A_459] {strides = array<i32>} : memref<16x1024xf32, #tpu.memory_space<vmem>>, vector<16xf32>,
          %mul3A_461 = arith.mulf %gather3A_128, %get3A_460 : vector<16xf32>
          %add3A_462 = arith.addf %add3A_457, %mul3A_461 : vector<16xf32>
          %add3A_463 = arith.constant 224 : i32
          %add3A_464 = vector.broadcast %add3A_463 : i32 to vector<16xi32>
          %add3A_465 = arith.addi %add3A_135, %add3A_464 : vector<16xi32>
          tpu.vector_store_idx %arg18[%add3A_465], %add3A_462 {add = true} : memref<83968xf32, #tpu.memory_space<vmem>>[vector<16xi32>], vector<16xf32>,
          %get3A_466 = arith.index_cast %scan3A_112 : i32 to index
          %get3A_467 = arith.constant 240 : index
          %get3A_468 = tpu.vector_load %arg15[%get3A_466, %get3A_467] {strides = array<i32>} : memref<16x1024xf32, #tpu.memory_space<vmem>>, vector<16xf32>,
          %mul3A_469 = arith.mulf %gather3A, %get3A_468 : vector<16xf32>
          %get3A_470 = arith.index_cast %scan3A_112 : i32 to index
          %get3A_471 = arith.constant 496 : index
          %get3A_472 = tpu.vector_load %arg15[%get3A_470, %get3A_471] {strides = array<i32>} : memref<16x1024xf32, #tpu.memory_space<vmem>>, vector<16xf32>,
          %mul3A_473 = arith.mulf %gather3A_120, %get3A_472 : vector<16xf32>
          %add3A_474 = arith.addf %mul3A_469, %mul3A_473 : vector<16xf32>
          %get3A_475 = arith.index_cast %scan3A_112 : i32 to index
          %get3A_476 = arith.constant 752 : index
          %get3A_477 = tpu.vector_load %arg15[%get3A_475, %get3A_476] {strides = array<i32>} : memref<16x1024xf32, #tpu.memory_space<vmem>>, vector<16xf32>,
          %mul3A_478 = arith.mulf %gather3A_124, %get3A_477 : vector<16xf32>
          %add3A_479 = arith.addf %add3A_474, %mul3A_478 : vector<16xf32>
          %get3A_480 = arith.index_cast %scan3A_112 : i32 to index
          %get3A_481 = arith.constant 1008 : index
          %get3A_482 = tpu.vector_load %arg15[%get3A_480, %get3A_481] {strides = array<i32>} : memref<16x1024xf32, #tpu.memory_space<vmem>>, vector<16xf32>,
          %mul3A_483 = arith.mulf %gather3A_128, %get3A_482 : vector<16xf32>
          %add3A_484 = arith.addf %add3A_479, %mul3A_483 : vector<16xf32>
          %add3A_485 = arith.constant 240 : i32
          %add3A_486 = vector.broadcast %add3A_485 : i32 to vector<16xi32>
          %add3A_487 = arith.addi %add3A_135, %add3A_486 : vector<16xi32>
          tpu.vector_store_idx %arg18[%add3A_487], %add3A_484 {add = true} : memref<83968xf32, #tpu.memory_space<vmem>>[vector<16xi32>], vector<16xf32>,
          %scan3A_488 = arith.constant 0 : i32
          scf.yield %scan3A_488 : i32
        }
        %scan3A_110 = arith.constant 16 : i32
        %while3A_111 = arith.constant 0 : i32
        scf.yield %while3A_111 : i32
      }
      %scan3A_83 = arith.constant 0 : i32
      scf.yield %scan3A_83 : i32
    }
    %scan3A_24 = arith.constant 80 : i32
    %mul3A_25 = arith.constant 256 : i32
    %mul3A_26 = arith.muli %mul3A_2, %mul3A_25 : i32
    "tpu.region"() ({
      %run_scoped3A = tpu.sem_alloc : memref<!tpu.dma_semaphore, #tpu.memory_space<semaphore_mem>>
      %dma_start3A = arith.constant 0 : i32
      %dma_start3A_27 = tpu.memref_slice %arg18[%dma_start3A] : memref<83968xf32, #tpu.memory_space<vmem>> -> memref<81920xf32, #tpu.memory_space<vmem>>
      %dma_start3A_28 = tpu.memref_slice %arg7[%mul3A_26] : memref<2621440xf32, #tpu.memory_space<hbm>> -> memref<81920xf32, #tpu.memory_space<hbm>>
      %dma_start3A_29 = tpu.memref_slice %arg7[%mul3A_26] : memref<2621440xf32, #tpu.memory_space<hbm>> -> memref<81920xf32, #tpu.memory_space<hbm>>
      %dma_start3A_30 = arith.constant 0 : i32
      %dma_start3A_31 = tpu.memref_slice %arg18[%dma_start3A_30] : memref<83968xf32, #tpu.memory_space<vmem>> -> memref<81920xf32, #tpu.memory_space<vmem>>
      tpu.enqueue_dma source(%dma_start3A_31 : memref<81920xf32, #tpu.memory_space<vmem>>) target(%dma_start3A_29 : memref<81920xf32, #tpu.memory_space<hbm>>) target_semaphore(%run_scoped3A : memref<!tpu.dma_semaphore, #tpu.memory_space<semaphore_mem>>)
      %dma_wait3A = arith.constant 0 : i32
      %dma_wait3A_32 = tpu.memref_slice %arg18[%dma_wait3A] : memref<83968xf32, #tpu.memory_space<vmem>> -> memref<81920xf32, #tpu.memory_space<vmem>>
      %dma_wait3A_33 = tpu.memref_slice %arg7[%mul3A_26] : memref<2621440xf32, #tpu.memory_space<hbm>> -> memref<81920xf32, #tpu.memory_space<hbm>>
      %dma_wait3A_34 = tpu.memref_slice %arg7[%mul3A_26] : memref<2621440xf32, #tpu.memory_space<hbm>> -> memref<81920xf32, #tpu.memory_space<hbm>>
      %dma_wait3A_35 = arith.constant 0 : i32
      %dma_wait3A_36 = tpu.memref_slice %arg18[%dma_wait3A_35] : memref<83968xf32, #tpu.memory_space<vmem>> -> memref<81920xf32, #tpu.memory_space<vmem>>
      tpu.wait_dma2 semaphore(%run_scoped3A : memref<!tpu.dma_semaphore, #tpu.memory_space<semaphore_mem>>) src(%dma_wait3A_36 : memref<81920xf32, #tpu.memory_space<vmem>>) dst(%dma_wait3A_34 : memref<81920xf32, #tpu.memory_space<hbm>>)
      tpu.yield
    }) : () -> ()
    return
  }
}

#map = affine_map<(d0, d1) -> (0, 0)>
#map1 = affine_map<(d0, d1) -> (0)>
module attributes {stable_mosaic.version = 14 : i64} {
  func.func @_c_body(%arg0: i32, %arg1: i32, %arg2: memref<10000x1024xf32, #tpu.memory_space<hbm>>, %arg3: memref<160000xi32, #tpu.memory_space<hbm>>, %arg4: memref<160000xi32, #tpu.memory_space<hbm>>, %arg5: memref<640000xf32, #tpu.memory_space<hbm>>, %arg6: memref<40960xf32, #tpu.memory_space<hbm>>, %arg7: memref<2621440xf32, #tpu.memory_space<hbm>>, %arg8: memref<2000xi32, #tpu.memory_space<vmem>>, %arg9: memref<2000xi32, #tpu.memory_space<vmem>>, %arg10: memref<2032xi32, #tpu.memory_space<vmem>>, %arg11: memref<2032xi32, #tpu.memory_space<vmem>>, %arg12: memref<2032xi32, #tpu.memory_space<vmem>>, %arg13: memref<8000xf32, #tpu.memory_space<vmem>>, %arg14: memref<1312xf32, #tpu.memory_space<vmem>>, %arg15: memref<16x1024xf32, #tpu.memory_space<vmem>>, %arg16: memref<64xf32, #tpu.memory_space<vmem>>, %arg17: memref<16xi32, #tpu.memory_space<vmem>>, %arg18: memref<83968xf32, #tpu.memory_space<vmem>>, %arg19: memref<!tpu.dma_semaphore, #tpu.memory_space<semaphore_mem>>) attributes {dimension_semantics = [#tpu.dimension_semantics<core_parallel>, #tpu.dimension_semantics<subcore_parallel>], iteration_bounds = array<i64: 2, 16>, scalar_prefetch = 0 : i64, scratch_operands = 12 : i64, tpu.core_type = #tpu.core_type<sc_vector_subcore>, window_params = [{transform_indices = #map}, {transform_indices = #map1}, {transform_indices = #map1}, {transform_indices = #map1}, {transform_indices = #map1}, {transform_indices = #map1}]} {
    %mul3A = arith.constant 2 : i32
    %mul3A_0 = arith.muli %arg1, %mul3A : i32
    %add3A = arith.addi %mul3A_0, %arg0 : i32
    %mul3A_1 = arith.constant 320 : i32
    %mul3A_2 = arith.muli %add3A, %mul3A_1 : i32
    %scan3A = arith.constant 0 : i32
    %scan3A_3 = arith.constant 0 : i32
    %scan3A_4 = arith.constant 5248 : i32
    %scan3A_5 = arith.addi %scan3A_3, %scan3A_4 : i32
    %scan3A_6 = arith.constant 1 : i32
    %scan3A_7 = scf.for %scan3A_27 = %scan3A_3 to %scan3A_5 step %scan3A_6 iter_args(%scan3A_28 = %scan3A) -> (i32)  : i32 {
      %broadcast_in_dim3A = arith.constant 0.000000e+00 : f32
      %broadcast_in_dim3A_29 = vector.broadcast %broadcast_in_dim3A : f32 to vector<16xf32>
      %mul3A_30 = arith.constant 16 : i32
      %mul3A_31 = arith.muli %scan3A_27, %mul3A_30 : i32
      %swap3A = arith.index_cast %mul3A_31 : i32 to index
      %swap3A_32 = tpu.vector_load %arg18[%swap3A] {strides = array<i32>} : memref<83968xf32, #tpu.memory_space<vmem>>, vector<16xf32>,
      tpu.vector_store %arg18[%swap3A], %broadcast_in_dim3A_29 {strides = array<i32>} : memref<83968xf32, #tpu.memory_space<vmem>>, vector<16xf32>,
      %scan3A_33 = arith.constant 0 : i32
      scf.yield %scan3A_33 : i32
    }
    %scan3A_8 = arith.constant 5248 : i32
    %mul3A_9 = arith.constant 4 : i32
    %mul3A_10 = arith.muli %mul3A_2, %mul3A_9 : i32
    "tpu.region"() ({
      %run_scoped3A = tpu.sem_alloc : memref<!tpu.dma_semaphore, #tpu.memory_space<semaphore_mem>>
      %dma_start3A = arith.constant 0 : i32
      %dma_start3A_27 = tpu.memref_slice %arg14[%dma_start3A] : memref<1312xf32, #tpu.memory_space<vmem>> -> memref<1280xf32, #tpu.memory_space<vmem>>
      %dma_start3A_28 = tpu.memref_slice %arg6[%mul3A_10] : memref<40960xf32, #tpu.memory_space<hbm>> -> memref<1280xf32, #tpu.memory_space<hbm>>
      %dma_start3A_29 = arith.constant 0 : i32
      %dma_start3A_30 = tpu.memref_slice %arg14[%dma_start3A_29] : memref<1312xf32, #tpu.memory_space<vmem>> -> memref<1280xf32, #tpu.memory_space<vmem>>
      %dma_start3A_31 = tpu.memref_slice %arg6[%mul3A_10] : memref<40960xf32, #tpu.memory_space<hbm>> -> memref<1280xf32, #tpu.memory_space<hbm>>
      tpu.enqueue_dma source(%dma_start3A_31 : memref<1280xf32, #tpu.memory_space<hbm>>) target(%dma_start3A_30 : memref<1280xf32, #tpu.memory_space<vmem>>) target_semaphore(%run_scoped3A : memref<!tpu.dma_semaphore, #tpu.memory_space<semaphore_mem>>)
      %dma_wait3A = arith.constant 0 : i32
      %dma_wait3A_32 = tpu.memref_slice %arg14[%dma_wait3A] : memref<1312xf32, #tpu.memory_space<vmem>> -> memref<1280xf32, #tpu.memory_space<vmem>>
      %dma_wait3A_33 = tpu.memref_slice %arg6[%mul3A_10] : memref<40960xf32, #tpu.memory_space<hbm>> -> memref<1280xf32, #tpu.memory_space<hbm>>
      %dma_wait3A_34 = arith.constant 0 : i32
      %dma_wait3A_35 = tpu.memref_slice %arg14[%dma_wait3A_34] : memref<1312xf32, #tpu.memory_space<vmem>> -> memref<1280xf32, #tpu.memory_space<vmem>>
      %dma_wait3A_36 = tpu.memref_slice %arg6[%mul3A_10] : memref<40960xf32, #tpu.memory_space<hbm>> -> memref<1280xf32, #tpu.memory_space<hbm>>
      tpu.wait_dma2 semaphore(%run_scoped3A : memref<!tpu.dma_semaphore, #tpu.memory_space<semaphore_mem>>) src(%dma_wait3A_36 : memref<1280xf32, #tpu.memory_space<hbm>>) dst(%dma_wait3A_35 : memref<1280xf32, #tpu.memory_space<vmem>>)
      tpu.yield
    }) : () -> ()
    %scan3A_11 = arith.constant 0 : i32
    %scan3A_12 = arith.constant 0 : i32
    %scan3A_13 = arith.constant 2 : i32
    %scan3A_14 = arith.addi %scan3A_12, %scan3A_13 : i32
    %scan3A_15 = arith.constant 1 : i32
    %scan3A_16 = scf.for %scan3A_27 = %scan3A_12 to %scan3A_14 step %scan3A_15 iter_args(%scan3A_28 = %scan3A_11) -> (i32)  : i32 {
      %broadcast_in_dim3A = arith.constant 0.000000e+00 : f32
      %broadcast_in_dim3A_29 = vector.broadcast %broadcast_in_dim3A : f32 to vector<16xf32>
      %mul3A_30 = arith.constant 16 : i32
      %mul3A_31 = arith.muli %scan3A_27, %mul3A_30 : i32
      %add3A_32 = arith.constant 1280 : i32
      %add3A_33 = arith.addi %add3A_32, %mul3A_31 : i32
      %swap3A = arith.index_cast %add3A_33 : i32 to index
      %swap3A_34 = tpu.vector_load %arg14[%swap3A] {strides = array<i32>} : memref<1312xf32, #tpu.memory_space<vmem>>, vector<16xf32>,
      tpu.vector_store %arg14[%swap3A], %broadcast_in_dim3A_29 {strides = array<i32>} : memref<1312xf32, #tpu.memory_space<vmem>>, vector<16xf32>,
      %scan3A_35 = arith.constant 0 : i32
      scf.yield %scan3A_35 : i32
    }
    %scan3A_17 = arith.constant 2 : i32
    %scan3A_18 = arith.constant 0 : i32
    %scan3A_19 = arith.constant 0 : i32
    %scan3A_20 = arith.constant 80 : i32
    %scan3A_21 = arith.addi %scan3A_19, %scan3A_20 : i32
    %scan3A_22 = arith.constant 1 : i32
    %scan3A_23 = scf.for %scan3A_27 = %scan3A_19 to %scan3A_21 step %scan3A_22 iter_args(%scan3A_28 = %scan3A_18) -> (i32)  : i32 {
      %mul3A_29 = arith.constant 2000 : i32
      %mul3A_30 = arith.muli %scan3A_27, %mul3A_29 : i32
      "tpu.region"() ({
        %run_scoped3A = tpu.sem_alloc : memref<!tpu.dma_semaphore, #tpu.memory_space<semaphore_mem>>
        %dma_start3A = tpu.memref_slice %arg3[%mul3A_30] : memref<160000xi32, #tpu.memory_space<hbm>> -> memref<2000xi32, #tpu.memory_space<hbm>>
        %dma_start3A_84 = tpu.memref_slice %arg3[%mul3A_30] : memref<160000xi32, #tpu.memory_space<hbm>> -> memref<2000xi32, #tpu.memory_space<hbm>>
        tpu.enqueue_dma source(%dma_start3A_84 : memref<2000xi32, #tpu.memory_space<hbm>>) target(%arg8 : memref<2000xi32, #tpu.memory_space<vmem>>) target_semaphore(%run_scoped3A : memref<!tpu.dma_semaphore, #tpu.memory_space<semaphore_mem>>)
        %dma_wait3A = tpu.memref_slice %arg3[%mul3A_30] : memref<160000xi32, #tpu.memory_space<hbm>> -> memref<2000xi32, #tpu.memory_space<hbm>>
        %dma_wait3A_85 = tpu.memref_slice %arg3[%mul3A_30] : memref<160000xi32, #tpu.memory_space<hbm>> -> memref<2000xi32, #tpu.memory_space<hbm>>
        tpu.wait_dma2 semaphore(%run_scoped3A : memref<!tpu.dma_semaphore, #tpu.memory_space<semaphore_mem>>) src(%dma_wait3A_85 : memref<2000xi32, #tpu.memory_space<hbm>>) dst(%arg8 : memref<2000xi32, #tpu.memory_space<vmem>>)
        tpu.yield
      }) : () -> ()
      "tpu.region"() ({
        %run_scoped3A = tpu.sem_alloc : memref<!tpu.dma_semaphore, #tpu.memory_space<semaphore_mem>>
        %dma_start3A = tpu.memref_slice %arg4[%mul3A_30] : memref<160000xi32, #tpu.memory_space<hbm>> -> memref<2000xi32, #tpu.memory_space<hbm>>
        %dma_start3A_84 = tpu.memref_slice %arg4[%mul3A_30] : memref<160000xi32, #tpu.memory_space<hbm>> -> memref<2000xi32, #tpu.memory_space<hbm>>
        tpu.enqueue_dma source(%dma_start3A_84 : memref<2000xi32, #tpu.memory_space<hbm>>) target(%arg9 : memref<2000xi32, #tpu.memory_space<vmem>>) target_semaphore(%run_scoped3A : memref<!tpu.dma_semaphore, #tpu.memory_space<semaphore_mem>>)
        %dma_wait3A = tpu.memref_slice %arg4[%mul3A_30] : memref<160000xi32, #tpu.memory_space<hbm>> -> memref<2000xi32, #tpu.memory_space<hbm>>
        %dma_wait3A_85 = tpu.memref_slice %arg4[%mul3A_30] : memref<160000xi32, #tpu.memory_space<hbm>> -> memref<2000xi32, #tpu.memory_space<hbm>>
        tpu.wait_dma2 semaphore(%run_scoped3A : memref<!tpu.dma_semaphore, #tpu.memory_space<semaphore_mem>>) src(%dma_wait3A_85 : memref<2000xi32, #tpu.memory_space<hbm>>) dst(%arg9 : memref<2000xi32, #tpu.memory_space<vmem>>)
        tpu.yield
      }) : () -> ()
      %mul3A_31 = arith.constant 4 : i32
      %mul3A_32 = arith.muli %mul3A_30, %mul3A_31 : i32
      "tpu.region"() ({
        %run_scoped3A = tpu.sem_alloc : memref<!tpu.dma_semaphore, #tpu.memory_space<semaphore_mem>>
        %dma_start3A = tpu.memref_slice %arg5[%mul3A_32] : memref<640000xf32, #tpu.memory_space<hbm>> -> memref<8000xf32, #tpu.memory_space<hbm>>
        %dma_start3A_84 = tpu.memref_slice %arg5[%mul3A_32] : memref<640000xf32, #tpu.memory_space<hbm>> -> memref<8000xf32, #tpu.memory_space<hbm>>
        tpu.enqueue_dma source(%dma_start3A_84 : memref<8000xf32, #tpu.memory_space<hbm>>) target(%arg13 : memref<8000xf32, #tpu.memory_space<vmem>>) target_semaphore(%run_scoped3A : memref<!tpu.dma_semaphore, #tpu.memory_space<semaphore_mem>>)
        %dma_wait3A = tpu.memref_slice %arg5[%mul3A_32] : memref<640000xf32, #tpu.memory_space<hbm>> -> memref<8000xf32, #tpu.memory_space<hbm>>
        %dma_wait3A_85 = tpu.memref_slice %arg5[%mul3A_32] : memref<640000xf32, #tpu.memory_space<hbm>> -> memref<8000xf32, #tpu.memory_space<hbm>>
        tpu.wait_dma2 semaphore(%run_scoped3A : memref<!tpu.dma_semaphore, #tpu.memory_space<semaphore_mem>>) src(%dma_wait3A_85 : memref<8000xf32, #tpu.memory_space<hbm>>) dst(%arg13 : memref<8000xf32, #tpu.memory_space<vmem>>)
        tpu.yield
      }) : () -> ()
      %scan3A_33 = arith.constant 0 : i32
      %scan3A_34 = arith.constant 0 : i32
      %scan3A_35 = arith.constant 125 : i32
      %scan3A_36 = arith.addi %scan3A_34, %scan3A_35 : i32
      %scan3A_37 = arith.constant 1 : i32
      %scan3A_38 = scf.for %scan3A_84 = %scan3A_34 to %scan3A_36 step %scan3A_37 iter_args(%scan3A_85 = %scan3A_33) -> (i32)  : i32 {
        %iota3A = tpu.iota {dimensions = array<i32: 0>} : vector<16xi32>
        %mul3A_86 = arith.constant 16 : i32
        %mul3A_87 = arith.muli %scan3A_84, %mul3A_86 : i32
        %get3A = arith.index_cast %mul3A_87 : i32 to index
        %get3A_88 = tpu.vector_load %arg9[%get3A] {strides = array<i32>} : memref<2000xi32, #tpu.memory_space<vmem>>, vector<16xi32>,
        %mul3A_89 = arith.constant 16 : i32
        %mul3A_90 = arith.muli %scan3A_84, %mul3A_89 : i32
        %get3A_91 = arith.index_cast %mul3A_90 : i32 to index
        %get3A_92 = tpu.vector_load %arg8[%get3A_91] {strides = array<i32>} : memref<2000xi32, #tpu.memory_space<vmem>>, vector<16xi32>,
        %ge3A = vector.broadcast %mul3A_2 : i32 to vector<16xi32>
        %ge3A_93 = arith.cmpi sge, %get3A_88, %ge3A : vector<16xi32>
        %add3A_94 = arith.constant 320 : i32
        %add3A_95 = arith.addi %mul3A_2, %add3A_94 : i32
        %lt3A = vector.broadcast %add3A_95 : i32 to vector<16xi32>
        %lt3A_96 = arith.cmpi slt, %get3A_88, %lt3A : vector<16xi32>
        %and3A_97 = arith.andi %ge3A_93, %lt3A_96 : vector<16xi1>
        %swap3A_98 = arith.index_cast %scan3A_85 : i32 to index
        %swap3A_99 = tpu.vector_load %arg10[%swap3A_98] masked %and3A_97 {strides = array<i32>} : memref<2032xi32, #tpu.memory_space<vmem>>, vector<16xi32>, vector<16xi1>
        tpu.vector_store %arg10[%swap3A_98], %get3A_92 masked %and3A_97 {strides = array<i32>} : memref<2032xi32, #tpu.memory_space<vmem>>, vector<16xi32>, vector<16xi1>
        %sub3A_100 = vector.broadcast %mul3A_2 : i32 to vector<16xi32>
        %sub3A_101 = arith.subi %get3A_88, %sub3A_100 : vector<16xi32>
        %swap3A_102 = arith.index_cast %scan3A_85 : i32 to index
        %swap3A_103 = tpu.vector_load %arg11[%swap3A_102] masked %and3A_97 {strides = array<i32>} : memref<2032xi32, #tpu.memory_space<vmem>>, vector<16xi32>, vector<16xi1>
        tpu.vector_store %arg11[%swap3A_102], %sub3A_101 masked %and3A_97 {strides = array<i32>} : memref<2032xi32, #tpu.memory_space<vmem>>, vector<16xi32>, vector<16xi1>
        %mul3A_104 = arith.constant 16 : i32
        %mul3A_105 = arith.muli %scan3A_84, %mul3A_104 : i32
        %add3A_106 = vector.broadcast %mul3A_105 : i32 to vector<16xi32>
        %add3A_107 = arith.addi %add3A_106, %iota3A : vector<16xi32>
        %swap3A_108 = arith.index_cast %scan3A_85 : i32 to index
        %swap3A_109 = tpu.vector_load %arg12[%swap3A_108] masked %and3A_97 {strides = array<i32>} : memref<2032xi32, #tpu.memory_space<vmem>>, vector<16xi32>, vector<16xi1>
        tpu.vector_store %arg12[%swap3A_108], %add3A_107 masked %and3A_97 {strides = array<i32>} : memref<2032xi32, #tpu.memory_space<vmem>>, vector<16xi32>, vector<16xi1>
        %convert_element_type3A = arith.extui %and3A_97 : vector<16xi1> to vector<16xi32>
        %reduce_sum3A = arith.constant true
        %reduce_sum3A_110 = vector.broadcast %reduce_sum3A : i1 to vector<16xi1>
        %reduce_sum3A_111 = tpu.scan <sum>, %convert_element_type3A masked %reduce_sum3A_110 : vector<16xi32>, vector<16xi1> -> vector<16xi32>
        %reduce_sum3A_112 = vector.extract %reduce_sum3A_111[15] : i32 from vector<16xi32>
        %add3A_113 = arith.addi %scan3A_85, %reduce_sum3A_112 : i32
        scf.yield %add3A_113 : i32
      }
      %scan3A_39 = arith.constant 125 : i32
      %add3A_40 = arith.constant 0 : i32
      %add3A_41 = arith.addi %scan3A_38, %add3A_40 : i32
      %broadcast_in_dim3A = arith.constant 0 : i32
      %broadcast_in_dim3A_42 = vector.broadcast %broadcast_in_dim3A : i32 to vector<16xi32>
      %swap3A = arith.index_cast %add3A_41 : i32 to index
      %swap3A_43 = tpu.vector_load %arg10[%swap3A] {strides = array<i32>} : memref<2032xi32, #tpu.memory_space<vmem>>, vector<16xi32>,
      tpu.vector_store %arg10[%swap3A], %broadcast_in_dim3A_42 {strides = array<i32>} : memref<2032xi32, #tpu.memory_space<vmem>>, vector<16xi32>,
      %broadcast_in_dim3A_44 = arith.constant 320 : i32
      %broadcast_in_dim3A_45 = vector.broadcast %broadcast_in_dim3A_44 : i32 to vector<16xi32>
      %swap3A_46 = arith.index_cast %add3A_41 : i32 to index
      %swap3A_47 = tpu.vector_load %arg11[%swap3A_46] {strides = array<i32>} : memref<2032xi32, #tpu.memory_space<vmem>>, vector<16xi32>,
      tpu.vector_store %arg11[%swap3A_46], %broadcast_in_dim3A_45 {strides = array<i32>} : memref<2032xi32, #tpu.memory_space<vmem>>, vector<16xi32>,
      %broadcast_in_dim3A_48 = arith.constant 0 : i32
      %broadcast_in_dim3A_49 = vector.broadcast %broadcast_in_dim3A_48 : i32 to vector<16xi32>
      %swap3A_50 = arith.index_cast %add3A_41 : i32 to index
      %swap3A_51 = tpu.vector_load %arg12[%swap3A_50] {strides = array<i32>} : memref<2032xi32, #tpu.memory_space<vmem>>, vector<16xi32>,
      tpu.vector_store %arg12[%swap3A_50], %broadcast_in_dim3A_49 {strides = array<i32>} : memref<2032xi32, #tpu.memory_space<vmem>>, vector<16xi32>,
      %add3A_52 = arith.constant 16 : i32
      %add3A_53 = arith.addi %scan3A_38, %add3A_52 : i32
      %sub3A = arith.constant 1 : i32
      %sub3A_54 = arith.subi %add3A_53, %sub3A : i32
      %jit3A = arith.constant 16 : i32
      %div3A = arith.divsi %sub3A_54, %jit3A : i32
      %sign3A = arith.constant 0 : i32
      %sign3A_55 = arith.cmpi sgt, %sub3A_54, %sign3A : i32
      %sign3A_56 = arith.extui %sign3A_55 : i1 to i32
      %sign3A_57 = arith.constant 0 : i32
      %sign3A_58 = arith.cmpi slt, %sub3A_54, %sign3A_57 : i32
      %sign3A_59 = arith.extui %sign3A_58 : i1 to i32
      %sign3A_60 = arith.subi %sign3A_56, %sign3A_59 : i32
      %sign3A_61 = arith.constant 0 : i32
      %sign3A_62 = arith.cmpi sgt, %jit3A, %sign3A_61 : i32
      %sign3A_63 = arith.extui %sign3A_62 : i1 to i32
      %sign3A_64 = arith.constant 0 : i32
      %sign3A_65 = arith.cmpi slt, %jit3A, %sign3A_64 : i32
      %sign3A_66 = arith.extui %sign3A_65 : i1 to i32
      %sign3A_67 = arith.subi %sign3A_63, %sign3A_66 : i32
      %ne3A = arith.cmpi ne, %sign3A_60, %sign3A_67 : i32
      %rem3A = arith.remsi %sub3A_54, %jit3A : i32
      %ne3A_68 = arith.constant 0 : i32
      %ne3A_69 = arith.cmpi ne, %rem3A, %ne3A_68 : i32
      %and3A = arith.andi %ne3A, %ne3A_69 : i1
      %sub3A_70 = arith.constant 1 : i32
      %sub3A_71 = arith.subi %div3A, %sub3A_70 : i32
      %select_n3A = arith.select %and3A, %sub3A_71, %div3A : i32
      %while3A = arith.constant 0 : i32
      %while3A_72 = arith.constant 0 : i32
      %while3A_73 = arith.subi %select_n3A, %while3A : i32
      %while3A_74 = arith.addi %while3A, %while3A_73 : i32
      %while3A_75 = arith.constant 1 : i32
      %while3A_76 = arith.divsi %while3A_73, %while3A_75 : i32
      %while3A_77 = arith.muli %while3A_76, %while3A_75 : i32
      %while3A_78 = arith.addi %while3A, %while3A_77 : i32
      %while3A_79 = arith.constant 1 : i32
      %while3A_80 = scf.for %while3A_84 = %while3A to %while3A_78 step %while3A_79 iter_args(%while3A_85 = %while3A_72) -> (i32)  : i32 {
        %mul3A_86 = arith.constant 16 : i32
        %mul3A_87 = arith.muli %while3A_84, %mul3A_86 : i32
        %add3A_88 = arith.constant 0 : i32
        %add3A_89 = arith.addi %mul3A_87, %add3A_88 : i32
        %get3A = arith.index_cast %add3A_89 : i32 to index
        %get3A_90 = tpu.vector_load %arg10[%get3A] {strides = array<i32>} : memref<2032xi32, #tpu.memory_space<vmem>>, vector<16xi32>,
        %swap3A_91 = arith.constant 0 : index
        %swap3A_92 = tpu.vector_load %arg17[%swap3A_91] {strides = array<i32>} : memref<16xi32, #tpu.memory_space<vmem>>, vector<16xi32>,
        tpu.vector_store %arg17[%swap3A_91], %get3A_90 {strides = array<i32>} : memref<16xi32, #tpu.memory_space<vmem>>, vector<16xi32>,
        %dma_start3A = arith.constant 0 : i32
        %dma_start3A_93 = arith.constant 0 : i32
        %dma_start3A_94 = tpu.memref_slice %arg2[%dma_start3A, %dma_start3A_93] : memref<10000x1024xf32, #tpu.memory_space<hbm>> -> memref<10000x1024xf32, #tpu.memory_space<hbm>>
        tpu.enqueue_indirect_dma source(%dma_start3A_94 : memref<10000x1024xf32, #tpu.memory_space<hbm>>) target(%arg15 : memref<16x1024xf32, #tpu.memory_space<vmem>>) offsets(%arg17 : memref<16xi32, #tpu.memory_space<vmem>>) semaphore(%arg19 : memref<!tpu.dma_semaphore, #tpu.memory_space<semaphore_mem>>)
        %dma_wait3A = arith.constant 0 : i32
        %dma_wait3A_95 = arith.constant 0 : i32
        %dma_wait3A_96 = tpu.memref_slice %arg2[%dma_wait3A, %dma_wait3A_95] : memref<10000x1024xf32, #tpu.memory_space<hbm>> -> memref<10000x1024xf32, #tpu.memory_space<hbm>>
        tpu.wait_indirect_dma semaphore(%arg19 : memref<!tpu.dma_semaphore, #tpu.memory_space<semaphore_mem>>) src(%dma_wait3A_96 : memref<10000x1024xf32, #tpu.memory_space<hbm>>) dst(%arg15 : memref<16x1024xf32, #tpu.memory_space<vmem>>)
        %scan3A_97 = arith.constant 0 : i32
        %scan3A_98 = arith.constant 0 : i32
        %scan3A_99 = arith.constant 4 : i32
        %scan3A_100 = arith.addi %scan3A_98, %scan3A_99 : i32
        %scan3A_101 = arith.constant 1 : i32
        %scan3A_102 = scf.for %scan3A_112 = %scan3A_98 to %scan3A_100 step %scan3A_101 iter_args(%scan3A_113 = %scan3A_97) -> (i32)  : i32 {
          %iota3A = tpu.iota {dimensions = array<i32: 0>} : vector<16xi32>
          %mul3A_114 = arith.constant 4 : i32
          %mul3A_115 = arith.muli %scan3A_112, %mul3A_114 : i32
          %add3A_116 = arith.addi %mul3A_87, %mul3A_115 : i32
          %jit3A_117 = arith.constant 4 : i32
          %div3A_118 = vector.broadcast %jit3A_117 : i32 to vector<16xi32>
          %div3A_119 = arith.divsi %iota3A, %div3A_118 : vector<16xi32>
          %sign3A_120 = arith.constant 0 : i32
          %sign3A_121 = vector.broadcast %sign3A_120 : i32 to vector<16xi32>
          %sign3A_122 = arith.cmpi sgt, %iota3A, %sign3A_121 : vector<16xi32>
          %sign3A_123 = arith.extui %sign3A_122 : vector<16xi1> to vector<16xi32>
          %sign3A_124 = arith.constant 0 : i32
          %sign3A_125 = vector.broadcast %sign3A_124 : i32 to vector<16xi32>
          %sign3A_126 = arith.cmpi slt, %iota3A, %sign3A_125 : vector<16xi32>
          %sign3A_127 = arith.extui %sign3A_126 : vector<16xi1> to vector<16xi32>
          %sign3A_128 = arith.subi %sign3A_123, %sign3A_127 : vector<16xi32>
          %sign3A_129 = arith.constant 0 : i32
          %sign3A_130 = arith.cmpi sgt, %jit3A_117, %sign3A_129 : i32
          %sign3A_131 = arith.extui %sign3A_130 : i1 to i32
          %sign3A_132 = arith.constant 0 : i32
          %sign3A_133 = arith.cmpi slt, %jit3A_117, %sign3A_132 : i32
          %sign3A_134 = arith.extui %sign3A_133 : i1 to i32
          %sign3A_135 = arith.subi %sign3A_131, %sign3A_134 : i32
          %ne3A_136 = vector.broadcast %sign3A_135 : i32 to vector<16xi32>
          %ne3A_137 = arith.cmpi ne, %sign3A_128, %ne3A_136 : vector<16xi32>
          %rem3A_138 = vector.broadcast %jit3A_117 : i32 to vector<16xi32>
          %rem3A_139 = arith.remsi %iota3A, %rem3A_138 : vector<16xi32>
          %ne3A_140 = arith.constant 0 : i32
          %ne3A_141 = vector.broadcast %ne3A_140 : i32 to vector<16xi32>
          %ne3A_142 = arith.cmpi ne, %rem3A_139, %ne3A_141 : vector<16xi32>
          %and3A_143 = arith.andi %ne3A_137, %ne3A_142 : vector<16xi1>
          %sub3A_144 = arith.constant 1 : i32
          %sub3A_145 = vector.broadcast %sub3A_144 : i32 to vector<16xi32>
          %sub3A_146 = arith.subi %div3A_119, %sub3A_145 : vector<16xi32>
          %select_n3A_147 = arith.select %and3A_143, %sub3A_146, %div3A_119 : vector<16xi1>, vector<16xi32>
          %add3A_148 = vector.broadcast %add3A_116 : i32 to vector<16xi32>
          %add3A_149 = arith.addi %add3A_148, %select_n3A_147 : vector<16xi32>
          %jit3A_150 = arith.constant 4 : i32
          %eq3A = arith.constant 0 : i32
          %eq3A_151 = arith.cmpi eq, %jit3A_150, %eq3A : i32
          %jit3A_152 = arith.constant 1 : i32
          %select_n3A_153 = arith.select %eq3A_151, %jit3A_152, %jit3A_150 : i32
          %rem3A_154 = vector.broadcast %select_n3A_153 : i32 to vector<16xi32>
          %rem3A_155 = arith.remsi %iota3A, %rem3A_154 : vector<16xi32>
          %ne3A_156 = arith.constant 0 : i32
          %ne3A_157 = vector.broadcast %ne3A_156 : i32 to vector<16xi32>
          %ne3A_158 = arith.cmpi ne, %rem3A_155, %ne3A_157 : vector<16xi32>
          %lt3A = arith.constant 0 : i32
          %lt3A_159 = vector.broadcast %lt3A : i32 to vector<16xi32>
          %lt3A_160 = arith.cmpi slt, %rem3A_155, %lt3A_159 : vector<16xi32>
          %lt3A_161 = arith.constant 0 : i32
          %lt3A_162 = arith.cmpi slt, %select_n3A_153, %lt3A_161 : i32
          %ne3A_163 = vector.broadcast %lt3A_162 : i1 to vector<16xi1>
          %ne3A_164 = vector.broadcast %ne3A_163 : vector<16xi1> to vector<16xi1>
          %ne3A_165 = arith.xori %lt3A_160, %ne3A_164 : vector<16xi1>
          %and3A_166 = arith.andi %ne3A_165, %ne3A_158 : vector<16xi1>
          %add3A_167 = vector.broadcast %select_n3A_153 : i32 to vector<16xi32>
          %add3A_168 = arith.addi %rem3A_155, %add3A_167 : vector<16xi32>
          %select_n3A_169 = arith.select %and3A_166, %add3A_168, %rem3A_155 : vector<16xi1>, vector<16xi32>
          %gather3A = tpu.vector_load_idx %arg12[%add3A_149] : memref<2032xi32, #tpu.memory_space<vmem>>[vector<16xi32>], vector<16xi32>,
          %mul3A_170 = arith.constant 4 : i32
          %mul3A_171 = vector.broadcast %mul3A_170 : i32 to vector<16xi32>
          %mul3A_172 = arith.muli %gather3A, %mul3A_171 : vector<16xi32>
          %add3A_173 = arith.addi %mul3A_172, %select_n3A_169 : vector<16xi32>
          %gather3A_174 = tpu.vector_load_idx %arg13[%add3A_173] : memref<8000xf32, #tpu.memory_space<vmem>>[vector<16xi32>], vector<16xf32>,
          %gather3A_175 = tpu.vector_load_idx %arg11[%add3A_149] : memref<2032xi32, #tpu.memory_space<vmem>>[vector<16xi32>], vector<16xi32>,
          %mul3A_176 = arith.constant 4 : i32
          %mul3A_177 = vector.broadcast %mul3A_176 : i32 to vector<16xi32>
          %mul3A_178 = arith.muli %gather3A_175, %mul3A_177 : vector<16xi32>
          %add3A_179 = arith.addi %mul3A_178, %select_n3A_169 : vector<16xi32>
          %gather3A_180 = tpu.vector_load_idx %arg14[%add3A_179] : memref<1312xf32, #tpu.memory_space<vmem>>[vector<16xi32>], vector<16xf32>,
          %add3A_181 = arith.constant 1.000000e-16 : f32
          %add3A_182 = vector.broadcast %add3A_181 : f32 to vector<16xf32>
          %add3A_183 = arith.addf %gather3A_180, %add3A_182 : vector<16xf32>
          %mul3A_184 = arith.constant 4.000000e+00 : f32
          %mul3A_185 = vector.broadcast %mul3A_184 : f32 to vector<16xf32>
          %mul3A_186 = arith.mulf %mul3A_185, %add3A_183 : vector<16xf32>
          %div3A_187 = arith.divf %gather3A_174, %mul3A_186 : vector<16xf32>
          %mul3A_188 = arith.constant 16 : i32
          %mul3A_189 = arith.muli %scan3A_112, %mul3A_188 : i32
          %swap3A_190 = arith.index_cast %mul3A_189 : i32 to index
          %swap3A_191 = tpu.vector_load %arg16[%swap3A_190] {strides = array<i32>} : memref<64xf32, #tpu.memory_space<vmem>>, vector<16xf32>,
          tpu.vector_store %arg16[%swap3A_190], %div3A_187 {strides = array<i32>} : memref<64xf32, #tpu.memory_space<vmem>>, vector<16xf32>,
          %scan3A_192 = arith.constant 0 : i32
          scf.yield %scan3A_192 : i32
        }
        %scan3A_103 = arith.constant 4 : i32
        %scan3A_104 = arith.constant 0 : i32
        %scan3A_105 = arith.constant 0 : i32
        %scan3A_106 = arith.constant 16 : i32
        %scan3A_107 = arith.addi %scan3A_105, %scan3A_106 : i32
        %scan3A_108 = arith.constant 1 : i32
        %scan3A_109 = scf.for %scan3A_112 = %scan3A_105 to %scan3A_107 step %scan3A_108 iter_args(%scan3A_113 = %scan3A_104) -> (i32)  : i32 {
          %iota3A = tpu.iota {dimensions = array<i32: 0>} : vector<16xi32>
          %mul3A_114 = arith.constant 4 : i32
          %mul3A_115 = arith.muli %scan3A_112, %mul3A_114 : i32
          %broadcast_in_dim3A_116 = vector.broadcast %mul3A_115 : i32 to vector<16xi32>
          %gather3A = tpu.vector_load_idx %arg16[%broadcast_in_dim3A_116] : memref<64xf32, #tpu.memory_space<vmem>>[vector<16xi32>], vector<16xf32>,
          %add3A_117 = arith.constant 1 : i32
          %add3A_118 = arith.addi %mul3A_115, %add3A_117 : i32
          %broadcast_in_dim3A_119 = vector.broadcast %add3A_118 : i32 to vector<16xi32>
          %gather3A_120 = tpu.vector_load_idx %arg16[%broadcast_in_dim3A_119] : memref<64xf32, #tpu.memory_space<vmem>>[vector<16xi32>], vector<16xf32>,
          %add3A_121 = arith.constant 2 : i32
          %add3A_122 = arith.addi %mul3A_115, %add3A_121 : i32
          %broadcast_in_dim3A_123 = vector.broadcast %add3A_122 : i32 to vector<16xi32>
          %gather3A_124 = tpu.vector_load_idx %arg16[%broadcast_in_dim3A_123] : memref<64xf32, #tpu.memory_space<vmem>>[vector<16xi32>], vector<16xf32>,
          %add3A_125 = arith.constant 3 : i32
          %add3A_126 = arith.addi %mul3A_115, %add3A_125 : i32
          %broadcast_in_dim3A_127 = vector.broadcast %add3A_126 : i32 to vector<16xi32>
          %gather3A_128 = tpu.vector_load_idx %arg16[%broadcast_in_dim3A_127] : memref<64xf32, #tpu.memory_space<vmem>>[vector<16xi32>], vector<16xf32>,
          %add3A_129 = arith.addi %mul3A_87, %scan3A_112 : i32
          %broadcast_in_dim3A_130 = vector.broadcast %add3A_129 : i32 to vector<16xi32>
          %gather3A_131 = tpu.vector_load_idx %arg11[%broadcast_in_dim3A_130] : memref<2032xi32, #tpu.memory_space<vmem>>[vector<16xi32>], vector<16xi32>,
          %mul3A_132 = arith.constant 256 : i32
          %mul3A_133 = vector.broadcast %mul3A_132 : i32 to vector<16xi32>
          %mul3A_134 = arith.muli %gather3A_131, %mul3A_133 : vector<16xi32>
          %add3A_135 = arith.addi %mul3A_134, %iota3A : vector<16xi32>
          %get3A_136 = arith.index_cast %scan3A_112 : i32 to index
          %get3A_137 = arith.constant 0 : index
          %get3A_138 = tpu.vector_load %arg15[%get3A_136, %get3A_137] {strides = array<i32>} : memref<16x1024xf32, #tpu.memory_space<vmem>>, vector<16xf32>,
          %mul3A_139 = arith.mulf %gather3A, %get3A_138 : vector<16xf32>
          %get3A_140 = arith.index_cast %scan3A_112 : i32 to index
          %get3A_141 = arith.constant 256 : index
          %get3A_142 = tpu.vector_load %arg15[%get3A_140, %get3A_141] {strides = array<i32>} : memref<16x1024xf32, #tpu.memory_space<vmem>>, vector<16xf32>,
          %mul3A_143 = arith.mulf %gather3A_120, %get3A_142 : vector<16xf32>
          %add3A_144 = arith.addf %mul3A_139, %mul3A_143 : vector<16xf32>
          %get3A_145 = arith.index_cast %scan3A_112 : i32 to index
          %get3A_146 = arith.constant 512 : index
          %get3A_147 = tpu.vector_load %arg15[%get3A_145, %get3A_146] {strides = array<i32>} : memref<16x1024xf32, #tpu.memory_space<vmem>>, vector<16xf32>,
          %mul3A_148 = arith.mulf %gather3A_124, %get3A_147 : vector<16xf32>
          %add3A_149 = arith.addf %add3A_144, %mul3A_148 : vector<16xf32>
          %get3A_150 = arith.index_cast %scan3A_112 : i32 to index
          %get3A_151 = arith.constant 768 : index
          %get3A_152 = tpu.vector_load %arg15[%get3A_150, %get3A_151] {strides = array<i32>} : memref<16x1024xf32, #tpu.memory_space<vmem>>, vector<16xf32>,
          %mul3A_153 = arith.mulf %gather3A_128, %get3A_152 : vector<16xf32>
          %add3A_154 = arith.addf %add3A_149, %mul3A_153 : vector<16xf32>
          %add3A_155 = arith.constant 0 : i32
          %add3A_156 = vector.broadcast %add3A_155 : i32 to vector<16xi32>
          %add3A_157 = arith.addi %add3A_135, %add3A_156 : vector<16xi32>
          tpu.vector_store_idx %arg18[%add3A_157], %add3A_154 {add = true} : memref<83968xf32, #tpu.memory_space<vmem>>[vector<16xi32>], vector<16xf32>,
          %get3A_158 = arith.index_cast %scan3A_112 : i32 to index
          %get3A_159 = arith.constant 16 : index
          %get3A_160 = tpu.vector_load %arg15[%get3A_158, %get3A_159] {strides = array<i32>} : memref<16x1024xf32, #tpu.memory_space<vmem>>, vector<16xf32>,
          %mul3A_161 = arith.mulf %gather3A, %get3A_160 : vector<16xf32>
          %get3A_162 = arith.index_cast %scan3A_112 : i32 to index
          %get3A_163 = arith.constant 272 : index
          %get3A_164 = tpu.vector_load %arg15[%get3A_162, %get3A_163] {strides = array<i32>} : memref<16x1024xf32, #tpu.memory_space<vmem>>, vector<16xf32>,
          %mul3A_165 = arith.mulf %gather3A_120, %get3A_164 : vector<16xf32>
          %add3A_166 = arith.addf %mul3A_161, %mul3A_165 : vector<16xf32>
          %get3A_167 = arith.index_cast %scan3A_112 : i32 to index
          %get3A_168 = arith.constant 528 : index
          %get3A_169 = tpu.vector_load %arg15[%get3A_167, %get3A_168] {strides = array<i32>} : memref<16x1024xf32, #tpu.memory_space<vmem>>, vector<16xf32>,
          %mul3A_170 = arith.mulf %gather3A_124, %get3A_169 : vector<16xf32>
          %add3A_171 = arith.addf %add3A_166, %mul3A_170 : vector<16xf32>
          %get3A_172 = arith.index_cast %scan3A_112 : i32 to index
          %get3A_173 = arith.constant 784 : index
          %get3A_174 = tpu.vector_load %arg15[%get3A_172, %get3A_173] {strides = array<i32>} : memref<16x1024xf32, #tpu.memory_space<vmem>>, vector<16xf32>,
          %mul3A_175 = arith.mulf %gather3A_128, %get3A_174 : vector<16xf32>
          %add3A_176 = arith.addf %add3A_171, %mul3A_175 : vector<16xf32>
          %add3A_177 = arith.constant 16 : i32
          %add3A_178 = vector.broadcast %add3A_177 : i32 to vector<16xi32>
          %add3A_179 = arith.addi %add3A_135, %add3A_178 : vector<16xi32>
          tpu.vector_store_idx %arg18[%add3A_179], %add3A_176 {add = true} : memref<83968xf32, #tpu.memory_space<vmem>>[vector<16xi32>], vector<16xf32>,
          %get3A_180 = arith.index_cast %scan3A_112 : i32 to index
          %get3A_181 = arith.constant 32 : index
          %get3A_182 = tpu.vector_load %arg15[%get3A_180, %get3A_181] {strides = array<i32>} : memref<16x1024xf32, #tpu.memory_space<vmem>>, vector<16xf32>,
          %mul3A_183 = arith.mulf %gather3A, %get3A_182 : vector<16xf32>
          %get3A_184 = arith.index_cast %scan3A_112 : i32 to index
          %get3A_185 = arith.constant 288 : index
          %get3A_186 = tpu.vector_load %arg15[%get3A_184, %get3A_185] {strides = array<i32>} : memref<16x1024xf32, #tpu.memory_space<vmem>>, vector<16xf32>,
          %mul3A_187 = arith.mulf %gather3A_120, %get3A_186 : vector<16xf32>
          %add3A_188 = arith.addf %mul3A_183, %mul3A_187 : vector<16xf32>
          %get3A_189 = arith.index_cast %scan3A_112 : i32 to index
          %get3A_190 = arith.constant 544 : index
          %get3A_191 = tpu.vector_load %arg15[%get3A_189, %get3A_190] {strides = array<i32>} : memref<16x1024xf32, #tpu.memory_space<vmem>>, vector<16xf32>,
          %mul3A_192 = arith.mulf %gather3A_124, %get3A_191 : vector<16xf32>
          %add3A_193 = arith.addf %add3A_188, %mul3A_192 : vector<16xf32>
          %get3A_194 = arith.index_cast %scan3A_112 : i32 to index
          %get3A_195 = arith.constant 800 : index
          %get3A_196 = tpu.vector_load %arg15[%get3A_194, %get3A_195] {strides = array<i32>} : memref<16x1024xf32, #tpu.memory_space<vmem>>, vector<16xf32>,
          %mul3A_197 = arith.mulf %gather3A_128, %get3A_196 : vector<16xf32>
          %add3A_198 = arith.addf %add3A_193, %mul3A_197 : vector<16xf32>
          %add3A_199 = arith.constant 32 : i32
          %add3A_200 = vector.broadcast %add3A_199 : i32 to vector<16xi32>
          %add3A_201 = arith.addi %add3A_135, %add3A_200 : vector<16xi32>
          tpu.vector_store_idx %arg18[%add3A_201], %add3A_198 {add = true} : memref<83968xf32, #tpu.memory_space<vmem>>[vector<16xi32>], vector<16xf32>,
          %get3A_202 = arith.index_cast %scan3A_112 : i32 to index
          %get3A_203 = arith.constant 48 : index
          %get3A_204 = tpu.vector_load %arg15[%get3A_202, %get3A_203] {strides = array<i32>} : memref<16x1024xf32, #tpu.memory_space<vmem>>, vector<16xf32>,
          %mul3A_205 = arith.mulf %gather3A, %get3A_204 : vector<16xf32>
          %get3A_206 = arith.index_cast %scan3A_112 : i32 to index
          %get3A_207 = arith.constant 304 : index
          %get3A_208 = tpu.vector_load %arg15[%get3A_206, %get3A_207] {strides = array<i32>} : memref<16x1024xf32, #tpu.memory_space<vmem>>, vector<16xf32>,
          %mul3A_209 = arith.mulf %gather3A_120, %get3A_208 : vector<16xf32>
          %add3A_210 = arith.addf %mul3A_205, %mul3A_209 : vector<16xf32>
          %get3A_211 = arith.index_cast %scan3A_112 : i32 to index
          %get3A_212 = arith.constant 560 : index
          %get3A_213 = tpu.vector_load %arg15[%get3A_211, %get3A_212] {strides = array<i32>} : memref<16x1024xf32, #tpu.memory_space<vmem>>, vector<16xf32>,
          %mul3A_214 = arith.mulf %gather3A_124, %get3A_213 : vector<16xf32>
          %add3A_215 = arith.addf %add3A_210, %mul3A_214 : vector<16xf32>
          %get3A_216 = arith.index_cast %scan3A_112 : i32 to index
          %get3A_217 = arith.constant 816 : index
          %get3A_218 = tpu.vector_load %arg15[%get3A_216, %get3A_217] {strides = array<i32>} : memref<16x1024xf32, #tpu.memory_space<vmem>>, vector<16xf32>,
          %mul3A_219 = arith.mulf %gather3A_128, %get3A_218 : vector<16xf32>
          %add3A_220 = arith.addf %add3A_215, %mul3A_219 : vector<16xf32>
          %add3A_221 = arith.constant 48 : i32
          %add3A_222 = vector.broadcast %add3A_221 : i32 to vector<16xi32>
          %add3A_223 = arith.addi %add3A_135, %add3A_222 : vector<16xi32>
          tpu.vector_store_idx %arg18[%add3A_223], %add3A_220 {add = true} : memref<83968xf32, #tpu.memory_space<vmem>>[vector<16xi32>], vector<16xf32>,
          %get3A_224 = arith.index_cast %scan3A_112 : i32 to index
          %get3A_225 = arith.constant 64 : index
          %get3A_226 = tpu.vector_load %arg15[%get3A_224, %get3A_225] {strides = array<i32>} : memref<16x1024xf32, #tpu.memory_space<vmem>>, vector<16xf32>,
          %mul3A_227 = arith.mulf %gather3A, %get3A_226 : vector<16xf32>
          %get3A_228 = arith.index_cast %scan3A_112 : i32 to index
          %get3A_229 = arith.constant 320 : index
          %get3A_230 = tpu.vector_load %arg15[%get3A_228, %get3A_229] {strides = array<i32>} : memref<16x1024xf32, #tpu.memory_space<vmem>>, vector<16xf32>,
          %mul3A_231 = arith.mulf %gather3A_120, %get3A_230 : vector<16xf32>
          %add3A_232 = arith.addf %mul3A_227, %mul3A_231 : vector<16xf32>
          %get3A_233 = arith.index_cast %scan3A_112 : i32 to index
          %get3A_234 = arith.constant 576 : index
          %get3A_235 = tpu.vector_load %arg15[%get3A_233, %get3A_234] {strides = array<i32>} : memref<16x1024xf32, #tpu.memory_space<vmem>>, vector<16xf32>,
          %mul3A_236 = arith.mulf %gather3A_124, %get3A_235 : vector<16xf32>
          %add3A_237 = arith.addf %add3A_232, %mul3A_236 : vector<16xf32>
          %get3A_238 = arith.index_cast %scan3A_112 : i32 to index
          %get3A_239 = arith.constant 832 : index
          %get3A_240 = tpu.vector_load %arg15[%get3A_238, %get3A_239] {strides = array<i32>} : memref<16x1024xf32, #tpu.memory_space<vmem>>, vector<16xf32>,
          %mul3A_241 = arith.mulf %gather3A_128, %get3A_240 : vector<16xf32>
          %add3A_242 = arith.addf %add3A_237, %mul3A_241 : vector<16xf32>
          %add3A_243 = arith.constant 64 : i32
          %add3A_244 = vector.broadcast %add3A_243 : i32 to vector<16xi32>
          %add3A_245 = arith.addi %add3A_135, %add3A_244 : vector<16xi32>
          tpu.vector_store_idx %arg18[%add3A_245], %add3A_242 {add = true} : memref<83968xf32, #tpu.memory_space<vmem>>[vector<16xi32>], vector<16xf32>,
          %get3A_246 = arith.index_cast %scan3A_112 : i32 to index
          %get3A_247 = arith.constant 80 : index
          %get3A_248 = tpu.vector_load %arg15[%get3A_246, %get3A_247] {strides = array<i32>} : memref<16x1024xf32, #tpu.memory_space<vmem>>, vector<16xf32>,
          %mul3A_249 = arith.mulf %gather3A, %get3A_248 : vector<16xf32>
          %get3A_250 = arith.index_cast %scan3A_112 : i32 to index
          %get3A_251 = arith.constant 336 : index
          %get3A_252 = tpu.vector_load %arg15[%get3A_250, %get3A_251] {strides = array<i32>} : memref<16x1024xf32, #tpu.memory_space<vmem>>, vector<16xf32>,
          %mul3A_253 = arith.mulf %gather3A_120, %get3A_252 : vector<16xf32>
          %add3A_254 = arith.addf %mul3A_249, %mul3A_253 : vector<16xf32>
          %get3A_255 = arith.index_cast %scan3A_112 : i32 to index
          %get3A_256 = arith.constant 592 : index
          %get3A_257 = tpu.vector_load %arg15[%get3A_255, %get3A_256] {strides = array<i32>} : memref<16x1024xf32, #tpu.memory_space<vmem>>, vector<16xf32>,
          %mul3A_258 = arith.mulf %gather3A_124, %get3A_257 : vector<16xf32>
          %add3A_259 = arith.addf %add3A_254, %mul3A_258 : vector<16xf32>
          %get3A_260 = arith.index_cast %scan3A_112 : i32 to index
          %get3A_261 = arith.constant 848 : index
          %get3A_262 = tpu.vector_load %arg15[%get3A_260, %get3A_261] {strides = array<i32>} : memref<16x1024xf32, #tpu.memory_space<vmem>>, vector<16xf32>,
          %mul3A_263 = arith.mulf %gather3A_128, %get3A_262 : vector<16xf32>
          %add3A_264 = arith.addf %add3A_259, %mul3A_263 : vector<16xf32>
          %add3A_265 = arith.constant 80 : i32
          %add3A_266 = vector.broadcast %add3A_265 : i32 to vector<16xi32>
          %add3A_267 = arith.addi %add3A_135, %add3A_266 : vector<16xi32>
          tpu.vector_store_idx %arg18[%add3A_267], %add3A_264 {add = true} : memref<83968xf32, #tpu.memory_space<vmem>>[vector<16xi32>], vector<16xf32>,
          %get3A_268 = arith.index_cast %scan3A_112 : i32 to index
          %get3A_269 = arith.constant 96 : index
          %get3A_270 = tpu.vector_load %arg15[%get3A_268, %get3A_269] {strides = array<i32>} : memref<16x1024xf32, #tpu.memory_space<vmem>>, vector<16xf32>,
          %mul3A_271 = arith.mulf %gather3A, %get3A_270 : vector<16xf32>
          %get3A_272 = arith.index_cast %scan3A_112 : i32 to index
          %get3A_273 = arith.constant 352 : index
          %get3A_274 = tpu.vector_load %arg15[%get3A_272, %get3A_273] {strides = array<i32>} : memref<16x1024xf32, #tpu.memory_space<vmem>>, vector<16xf32>,
          %mul3A_275 = arith.mulf %gather3A_120, %get3A_274 : vector<16xf32>
          %add3A_276 = arith.addf %mul3A_271, %mul3A_275 : vector<16xf32>
          %get3A_277 = arith.index_cast %scan3A_112 : i32 to index
          %get3A_278 = arith.constant 608 : index
          %get3A_279 = tpu.vector_load %arg15[%get3A_277, %get3A_278] {strides = array<i32>} : memref<16x1024xf32, #tpu.memory_space<vmem>>, vector<16xf32>,
          %mul3A_280 = arith.mulf %gather3A_124, %get3A_279 : vector<16xf32>
          %add3A_281 = arith.addf %add3A_276, %mul3A_280 : vector<16xf32>
          %get3A_282 = arith.index_cast %scan3A_112 : i32 to index
          %get3A_283 = arith.constant 864 : index
          %get3A_284 = tpu.vector_load %arg15[%get3A_282, %get3A_283] {strides = array<i32>} : memref<16x1024xf32, #tpu.memory_space<vmem>>, vector<16xf32>,
          %mul3A_285 = arith.mulf %gather3A_128, %get3A_284 : vector<16xf32>
          %add3A_286 = arith.addf %add3A_281, %mul3A_285 : vector<16xf32>
          %add3A_287 = arith.constant 96 : i32
          %add3A_288 = vector.broadcast %add3A_287 : i32 to vector<16xi32>
          %add3A_289 = arith.addi %add3A_135, %add3A_288 : vector<16xi32>
          tpu.vector_store_idx %arg18[%add3A_289], %add3A_286 {add = true} : memref<83968xf32, #tpu.memory_space<vmem>>[vector<16xi32>], vector<16xf32>,
          %get3A_290 = arith.index_cast %scan3A_112 : i32 to index
          %get3A_291 = arith.constant 112 : index
          %get3A_292 = tpu.vector_load %arg15[%get3A_290, %get3A_291] {strides = array<i32>} : memref<16x1024xf32, #tpu.memory_space<vmem>>, vector<16xf32>,
          %mul3A_293 = arith.mulf %gather3A, %get3A_292 : vector<16xf32>
          %get3A_294 = arith.index_cast %scan3A_112 : i32 to index
          %get3A_295 = arith.constant 368 : index
          %get3A_296 = tpu.vector_load %arg15[%get3A_294, %get3A_295] {strides = array<i32>} : memref<16x1024xf32, #tpu.memory_space<vmem>>, vector<16xf32>,
          %mul3A_297 = arith.mulf %gather3A_120, %get3A_296 : vector<16xf32>
          %add3A_298 = arith.addf %mul3A_293, %mul3A_297 : vector<16xf32>
          %get3A_299 = arith.index_cast %scan3A_112 : i32 to index
          %get3A_300 = arith.constant 624 : index
          %get3A_301 = tpu.vector_load %arg15[%get3A_299, %get3A_300] {strides = array<i32>} : memref<16x1024xf32, #tpu.memory_space<vmem>>, vector<16xf32>,
          %mul3A_302 = arith.mulf %gather3A_124, %get3A_301 : vector<16xf32>
          %add3A_303 = arith.addf %add3A_298, %mul3A_302 : vector<16xf32>
          %get3A_304 = arith.index_cast %scan3A_112 : i32 to index
          %get3A_305 = arith.constant 880 : index
          %get3A_306 = tpu.vector_load %arg15[%get3A_304, %get3A_305] {strides = array<i32>} : memref<16x1024xf32, #tpu.memory_space<vmem>>, vector<16xf32>,
          %mul3A_307 = arith.mulf %gather3A_128, %get3A_306 : vector<16xf32>
          %add3A_308 = arith.addf %add3A_303, %mul3A_307 : vector<16xf32>
          %add3A_309 = arith.constant 112 : i32
          %add3A_310 = vector.broadcast %add3A_309 : i32 to vector<16xi32>
          %add3A_311 = arith.addi %add3A_135, %add3A_310 : vector<16xi32>
          tpu.vector_store_idx %arg18[%add3A_311], %add3A_308 {add = true} : memref<83968xf32, #tpu.memory_space<vmem>>[vector<16xi32>], vector<16xf32>,
          %get3A_312 = arith.index_cast %scan3A_112 : i32 to index
          %get3A_313 = arith.constant 128 : index
          %get3A_314 = tpu.vector_load %arg15[%get3A_312, %get3A_313] {strides = array<i32>} : memref<16x1024xf32, #tpu.memory_space<vmem>>, vector<16xf32>,
          %mul3A_315 = arith.mulf %gather3A, %get3A_314 : vector<16xf32>
          %get3A_316 = arith.index_cast %scan3A_112 : i32 to index
          %get3A_317 = arith.constant 384 : index
          %get3A_318 = tpu.vector_load %arg15[%get3A_316, %get3A_317] {strides = array<i32>} : memref<16x1024xf32, #tpu.memory_space<vmem>>, vector<16xf32>,
          %mul3A_319 = arith.mulf %gather3A_120, %get3A_318 : vector<16xf32>
          %add3A_320 = arith.addf %mul3A_315, %mul3A_319 : vector<16xf32>
          %get3A_321 = arith.index_cast %scan3A_112 : i32 to index
          %get3A_322 = arith.constant 640 : index
          %get3A_323 = tpu.vector_load %arg15[%get3A_321, %get3A_322] {strides = array<i32>} : memref<16x1024xf32, #tpu.memory_space<vmem>>, vector<16xf32>,
          %mul3A_324 = arith.mulf %gather3A_124, %get3A_323 : vector<16xf32>
          %add3A_325 = arith.addf %add3A_320, %mul3A_324 : vector<16xf32>
          %get3A_326 = arith.index_cast %scan3A_112 : i32 to index
          %get3A_327 = arith.constant 896 : index
          %get3A_328 = tpu.vector_load %arg15[%get3A_326, %get3A_327] {strides = array<i32>} : memref<16x1024xf32, #tpu.memory_space<vmem>>, vector<16xf32>,
          %mul3A_329 = arith.mulf %gather3A_128, %get3A_328 : vector<16xf32>
          %add3A_330 = arith.addf %add3A_325, %mul3A_329 : vector<16xf32>
          %add3A_331 = arith.constant 128 : i32
          %add3A_332 = vector.broadcast %add3A_331 : i32 to vector<16xi32>
          %add3A_333 = arith.addi %add3A_135, %add3A_332 : vector<16xi32>
          tpu.vector_store_idx %arg18[%add3A_333], %add3A_330 {add = true} : memref<83968xf32, #tpu.memory_space<vmem>>[vector<16xi32>], vector<16xf32>,
          %get3A_334 = arith.index_cast %scan3A_112 : i32 to index
          %get3A_335 = arith.constant 144 : index
          %get3A_336 = tpu.vector_load %arg15[%get3A_334, %get3A_335] {strides = array<i32>} : memref<16x1024xf32, #tpu.memory_space<vmem>>, vector<16xf32>,
          %mul3A_337 = arith.mulf %gather3A, %get3A_336 : vector<16xf32>
          %get3A_338 = arith.index_cast %scan3A_112 : i32 to index
          %get3A_339 = arith.constant 400 : index
          %get3A_340 = tpu.vector_load %arg15[%get3A_338, %get3A_339] {strides = array<i32>} : memref<16x1024xf32, #tpu.memory_space<vmem>>, vector<16xf32>,
          %mul3A_341 = arith.mulf %gather3A_120, %get3A_340 : vector<16xf32>
          %add3A_342 = arith.addf %mul3A_337, %mul3A_341 : vector<16xf32>
          %get3A_343 = arith.index_cast %scan3A_112 : i32 to index
          %get3A_344 = arith.constant 656 : index
          %get3A_345 = tpu.vector_load %arg15[%get3A_343, %get3A_344] {strides = array<i32>} : memref<16x1024xf32, #tpu.memory_space<vmem>>, vector<16xf32>,
          %mul3A_346 = arith.mulf %gather3A_124, %get3A_345 : vector<16xf32>
          %add3A_347 = arith.addf %add3A_342, %mul3A_346 : vector<16xf32>
          %get3A_348 = arith.index_cast %scan3A_112 : i32 to index
          %get3A_349 = arith.constant 912 : index
          %get3A_350 = tpu.vector_load %arg15[%get3A_348, %get3A_349] {strides = array<i32>} : memref<16x1024xf32, #tpu.memory_space<vmem>>, vector<16xf32>,
          %mul3A_351 = arith.mulf %gather3A_128, %get3A_350 : vector<16xf32>
          %add3A_352 = arith.addf %add3A_347, %mul3A_351 : vector<16xf32>
          %add3A_353 = arith.constant 144 : i32
          %add3A_354 = vector.broadcast %add3A_353 : i32 to vector<16xi32>
          %add3A_355 = arith.addi %add3A_135, %add3A_354 : vector<16xi32>
          tpu.vector_store_idx %arg18[%add3A_355], %add3A_352 {add = true} : memref<83968xf32, #tpu.memory_space<vmem>>[vector<16xi32>], vector<16xf32>,
          %get3A_356 = arith.index_cast %scan3A_112 : i32 to index
          %get3A_357 = arith.constant 160 : index
          %get3A_358 = tpu.vector_load %arg15[%get3A_356, %get3A_357] {strides = array<i32>} : memref<16x1024xf32, #tpu.memory_space<vmem>>, vector<16xf32>,
          %mul3A_359 = arith.mulf %gather3A, %get3A_358 : vector<16xf32>
          %get3A_360 = arith.index_cast %scan3A_112 : i32 to index
          %get3A_361 = arith.constant 416 : index
          %get3A_362 = tpu.vector_load %arg15[%get3A_360, %get3A_361] {strides = array<i32>} : memref<16x1024xf32, #tpu.memory_space<vmem>>, vector<16xf32>,
          %mul3A_363 = arith.mulf %gather3A_120, %get3A_362 : vector<16xf32>
          %add3A_364 = arith.addf %mul3A_359, %mul3A_363 : vector<16xf32>
          %get3A_365 = arith.index_cast %scan3A_112 : i32 to index
          %get3A_366 = arith.constant 672 : index
          %get3A_367 = tpu.vector_load %arg15[%get3A_365, %get3A_366] {strides = array<i32>} : memref<16x1024xf32, #tpu.memory_space<vmem>>, vector<16xf32>,
          %mul3A_368 = arith.mulf %gather3A_124, %get3A_367 : vector<16xf32>
          %add3A_369 = arith.addf %add3A_364, %mul3A_368 : vector<16xf32>
          %get3A_370 = arith.index_cast %scan3A_112 : i32 to index
          %get3A_371 = arith.constant 928 : index
          %get3A_372 = tpu.vector_load %arg15[%get3A_370, %get3A_371] {strides = array<i32>} : memref<16x1024xf32, #tpu.memory_space<vmem>>, vector<16xf32>,
          %mul3A_373 = arith.mulf %gather3A_128, %get3A_372 : vector<16xf32>
          %add3A_374 = arith.addf %add3A_369, %mul3A_373 : vector<16xf32>
          %add3A_375 = arith.constant 160 : i32
          %add3A_376 = vector.broadcast %add3A_375 : i32 to vector<16xi32>
          %add3A_377 = arith.addi %add3A_135, %add3A_376 : vector<16xi32>
          tpu.vector_store_idx %arg18[%add3A_377], %add3A_374 {add = true} : memref<83968xf32, #tpu.memory_space<vmem>>[vector<16xi32>], vector<16xf32>,
          %get3A_378 = arith.index_cast %scan3A_112 : i32 to index
          %get3A_379 = arith.constant 176 : index
          %get3A_380 = tpu.vector_load %arg15[%get3A_378, %get3A_379] {strides = array<i32>} : memref<16x1024xf32, #tpu.memory_space<vmem>>, vector<16xf32>,
          %mul3A_381 = arith.mulf %gather3A, %get3A_380 : vector<16xf32>
          %get3A_382 = arith.index_cast %scan3A_112 : i32 to index
          %get3A_383 = arith.constant 432 : index
          %get3A_384 = tpu.vector_load %arg15[%get3A_382, %get3A_383] {strides = array<i32>} : memref<16x1024xf32, #tpu.memory_space<vmem>>, vector<16xf32>,
          %mul3A_385 = arith.mulf %gather3A_120, %get3A_384 : vector<16xf32>
          %add3A_386 = arith.addf %mul3A_381, %mul3A_385 : vector<16xf32>
          %get3A_387 = arith.index_cast %scan3A_112 : i32 to index
          %get3A_388 = arith.constant 688 : index
          %get3A_389 = tpu.vector_load %arg15[%get3A_387, %get3A_388] {strides = array<i32>} : memref<16x1024xf32, #tpu.memory_space<vmem>>, vector<16xf32>,
          %mul3A_390 = arith.mulf %gather3A_124, %get3A_389 : vector<16xf32>
          %add3A_391 = arith.addf %add3A_386, %mul3A_390 : vector<16xf32>
          %get3A_392 = arith.index_cast %scan3A_112 : i32 to index
          %get3A_393 = arith.constant 944 : index
          %get3A_394 = tpu.vector_load %arg15[%get3A_392, %get3A_393] {strides = array<i32>} : memref<16x1024xf32, #tpu.memory_space<vmem>>, vector<16xf32>,
          %mul3A_395 = arith.mulf %gather3A_128, %get3A_394 : vector<16xf32>
          %add3A_396 = arith.addf %add3A_391, %mul3A_395 : vector<16xf32>
          %add3A_397 = arith.constant 176 : i32
          %add3A_398 = vector.broadcast %add3A_397 : i32 to vector<16xi32>
          %add3A_399 = arith.addi %add3A_135, %add3A_398 : vector<16xi32>
          tpu.vector_store_idx %arg18[%add3A_399], %add3A_396 {add = true} : memref<83968xf32, #tpu.memory_space<vmem>>[vector<16xi32>], vector<16xf32>,
          %get3A_400 = arith.index_cast %scan3A_112 : i32 to index
          %get3A_401 = arith.constant 192 : index
          %get3A_402 = tpu.vector_load %arg15[%get3A_400, %get3A_401] {strides = array<i32>} : memref<16x1024xf32, #tpu.memory_space<vmem>>, vector<16xf32>,
          %mul3A_403 = arith.mulf %gather3A, %get3A_402 : vector<16xf32>
          %get3A_404 = arith.index_cast %scan3A_112 : i32 to index
          %get3A_405 = arith.constant 448 : index
          %get3A_406 = tpu.vector_load %arg15[%get3A_404, %get3A_405] {strides = array<i32>} : memref<16x1024xf32, #tpu.memory_space<vmem>>, vector<16xf32>,
          %mul3A_407 = arith.mulf %gather3A_120, %get3A_406 : vector<16xf32>
          %add3A_408 = arith.addf %mul3A_403, %mul3A_407 : vector<16xf32>
          %get3A_409 = arith.index_cast %scan3A_112 : i32 to index
          %get3A_410 = arith.constant 704 : index
          %get3A_411 = tpu.vector_load %arg15[%get3A_409, %get3A_410] {strides = array<i32>} : memref<16x1024xf32, #tpu.memory_space<vmem>>, vector<16xf32>,
          %mul3A_412 = arith.mulf %gather3A_124, %get3A_411 : vector<16xf32>
          %add3A_413 = arith.addf %add3A_408, %mul3A_412 : vector<16xf32>
          %get3A_414 = arith.index_cast %scan3A_112 : i32 to index
          %get3A_415 = arith.constant 960 : index
          %get3A_416 = tpu.vector_load %arg15[%get3A_414, %get3A_415] {strides = array<i32>} : memref<16x1024xf32, #tpu.memory_space<vmem>>, vector<16xf32>,
          %mul3A_417 = arith.mulf %gather3A_128, %get3A_416 : vector<16xf32>
          %add3A_418 = arith.addf %add3A_413, %mul3A_417 : vector<16xf32>
          %add3A_419 = arith.constant 192 : i32
          %add3A_420 = vector.broadcast %add3A_419 : i32 to vector<16xi32>
          %add3A_421 = arith.addi %add3A_135, %add3A_420 : vector<16xi32>
          tpu.vector_store_idx %arg18[%add3A_421], %add3A_418 {add = true} : memref<83968xf32, #tpu.memory_space<vmem>>[vector<16xi32>], vector<16xf32>,
          %get3A_422 = arith.index_cast %scan3A_112 : i32 to index
          %get3A_423 = arith.constant 208 : index
          %get3A_424 = tpu.vector_load %arg15[%get3A_422, %get3A_423] {strides = array<i32>} : memref<16x1024xf32, #tpu.memory_space<vmem>>, vector<16xf32>,
          %mul3A_425 = arith.mulf %gather3A, %get3A_424 : vector<16xf32>
          %get3A_426 = arith.index_cast %scan3A_112 : i32 to index
          %get3A_427 = arith.constant 464 : index
          %get3A_428 = tpu.vector_load %arg15[%get3A_426, %get3A_427] {strides = array<i32>} : memref<16x1024xf32, #tpu.memory_space<vmem>>, vector<16xf32>,
          %mul3A_429 = arith.mulf %gather3A_120, %get3A_428 : vector<16xf32>
          %add3A_430 = arith.addf %mul3A_425, %mul3A_429 : vector<16xf32>
          %get3A_431 = arith.index_cast %scan3A_112 : i32 to index
          %get3A_432 = arith.constant 720 : index
          %get3A_433 = tpu.vector_load %arg15[%get3A_431, %get3A_432] {strides = array<i32>} : memref<16x1024xf32, #tpu.memory_space<vmem>>, vector<16xf32>,
          %mul3A_434 = arith.mulf %gather3A_124, %get3A_433 : vector<16xf32>
          %add3A_435 = arith.addf %add3A_430, %mul3A_434 : vector<16xf32>
          %get3A_436 = arith.index_cast %scan3A_112 : i32 to index
          %get3A_437 = arith.constant 976 : index
          %get3A_438 = tpu.vector_load %arg15[%get3A_436, %get3A_437] {strides = array<i32>} : memref<16x1024xf32, #tpu.memory_space<vmem>>, vector<16xf32>,
          %mul3A_439 = arith.mulf %gather3A_128, %get3A_438 : vector<16xf32>
          %add3A_440 = arith.addf %add3A_435, %mul3A_439 : vector<16xf32>
          %add3A_441 = arith.constant 208 : i32
          %add3A_442 = vector.broadcast %add3A_441 : i32 to vector<16xi32>
          %add3A_443 = arith.addi %add3A_135, %add3A_442 : vector<16xi32>
          tpu.vector_store_idx %arg18[%add3A_443], %add3A_440 {add = true} : memref<83968xf32, #tpu.memory_space<vmem>>[vector<16xi32>], vector<16xf32>,
          %get3A_444 = arith.index_cast %scan3A_112 : i32 to index
          %get3A_445 = arith.constant 224 : index
          %get3A_446 = tpu.vector_load %arg15[%get3A_444, %get3A_445] {strides = array<i32>} : memref<16x1024xf32, #tpu.memory_space<vmem>>, vector<16xf32>,
          %mul3A_447 = arith.mulf %gather3A, %get3A_446 : vector<16xf32>
          %get3A_448 = arith.index_cast %scan3A_112 : i32 to index
          %get3A_449 = arith.constant 480 : index
          %get3A_450 = tpu.vector_load %arg15[%get3A_448, %get3A_449] {strides = array<i32>} : memref<16x1024xf32, #tpu.memory_space<vmem>>, vector<16xf32>,
          %mul3A_451 = arith.mulf %gather3A_120, %get3A_450 : vector<16xf32>
          %add3A_452 = arith.addf %mul3A_447, %mul3A_451 : vector<16xf32>
          %get3A_453 = arith.index_cast %scan3A_112 : i32 to index
          %get3A_454 = arith.constant 736 : index
          %get3A_455 = tpu.vector_load %arg15[%get3A_453, %get3A_454] {strides = array<i32>} : memref<16x1024xf32, #tpu.memory_space<vmem>>, vector<16xf32>,
          %mul3A_456 = arith.mulf %gather3A_124, %get3A_455 : vector<16xf32>
          %add3A_457 = arith.addf %add3A_452, %mul3A_456 : vector<16xf32>
          %get3A_458 = arith.index_cast %scan3A_112 : i32 to index
          %get3A_459 = arith.constant 992 : index
          %get3A_460 = tpu.vector_load %arg15[%get3A_458, %get3A_459] {strides = array<i32>} : memref<16x1024xf32, #tpu.memory_space<vmem>>, vector<16xf32>,
          %mul3A_461 = arith.mulf %gather3A_128, %get3A_460 : vector<16xf32>
          %add3A_462 = arith.addf %add3A_457, %mul3A_461 : vector<16xf32>
          %add3A_463 = arith.constant 224 : i32
          %add3A_464 = vector.broadcast %add3A_463 : i32 to vector<16xi32>
          %add3A_465 = arith.addi %add3A_135, %add3A_464 : vector<16xi32>
          tpu.vector_store_idx %arg18[%add3A_465], %add3A_462 {add = true} : memref<83968xf32, #tpu.memory_space<vmem>>[vector<16xi32>], vector<16xf32>,
          %get3A_466 = arith.index_cast %scan3A_112 : i32 to index
          %get3A_467 = arith.constant 240 : index
          %get3A_468 = tpu.vector_load %arg15[%get3A_466, %get3A_467] {strides = array<i32>} : memref<16x1024xf32, #tpu.memory_space<vmem>>, vector<16xf32>,
          %mul3A_469 = arith.mulf %gather3A, %get3A_468 : vector<16xf32>
          %get3A_470 = arith.index_cast %scan3A_112 : i32 to index
          %get3A_471 = arith.constant 496 : index
          %get3A_472 = tpu.vector_load %arg15[%get3A_470, %get3A_471] {strides = array<i32>} : memref<16x1024xf32, #tpu.memory_space<vmem>>, vector<16xf32>,
          %mul3A_473 = arith.mulf %gather3A_120, %get3A_472 : vector<16xf32>
          %add3A_474 = arith.addf %mul3A_469, %mul3A_473 : vector<16xf32>
          %get3A_475 = arith.index_cast %scan3A_112 : i32 to index
          %get3A_476 = arith.constant 752 : index
          %get3A_477 = tpu.vector_load %arg15[%get3A_475, %get3A_476] {strides = array<i32>} : memref<16x1024xf32, #tpu.memory_space<vmem>>, vector<16xf32>,
          %mul3A_478 = arith.mulf %gather3A_124, %get3A_477 : vector<16xf32>
          %add3A_479 = arith.addf %add3A_474, %mul3A_478 : vector<16xf32>
          %get3A_480 = arith.index_cast %scan3A_112 : i32 to index
          %get3A_481 = arith.constant 1008 : index
          %get3A_482 = tpu.vector_load %arg15[%get3A_480, %get3A_481] {strides = array<i32>} : memref<16x1024xf32, #tpu.memory_space<vmem>>, vector<16xf32>,
          %mul3A_483 = arith.mulf %gather3A_128, %get3A_482 : vector<16xf32>
          %add3A_484 = arith.addf %add3A_479, %mul3A_483 : vector<16xf32>
          %add3A_485 = arith.constant 240 : i32
          %add3A_486 = vector.broadcast %add3A_485 : i32 to vector<16xi32>
          %add3A_487 = arith.addi %add3A_135, %add3A_486 : vector<16xi32>
          tpu.vector_store_idx %arg18[%add3A_487], %add3A_484 {add = true} : memref<83968xf32, #tpu.memory_space<vmem>>[vector<16xi32>], vector<16xf32>,
          %scan3A_488 = arith.constant 0 : i32
          scf.yield %scan3A_488 : i32
        }
        %scan3A_110 = arith.constant 16 : i32
        %while3A_111 = arith.constant 0 : i32
        scf.yield %while3A_111 : i32
      }
      %while3A_81 = arith.constant 1 : i32
      %while3A_82 = scf.for %while3A_84 = %while3A_78 to %while3A_74 step %while3A_81 iter_args(%while3A_85 = %while3A_80) -> (i32)  : i32 {
        %mul3A_86 = arith.constant 16 : i32
        %mul3A_87 = arith.muli %while3A_84, %mul3A_86 : i32
        %add3A_88 = arith.constant 0 : i32
        %add3A_89 = arith.addi %mul3A_87, %add3A_88 : i32
        %get3A = arith.index_cast %add3A_89 : i32 to index
        %get3A_90 = tpu.vector_load %arg10[%get3A] {strides = array<i32>} : memref<2032xi32, #tpu.memory_space<vmem>>, vector<16xi32>,
        %swap3A_91 = arith.constant 0 : index
        %swap3A_92 = tpu.vector_load %arg17[%swap3A_91] {strides = array<i32>} : memref<16xi32, #tpu.memory_space<vmem>>, vector<16xi32>,
        tpu.vector_store %arg17[%swap3A_91], %get3A_90 {strides = array<i32>} : memref<16xi32, #tpu.memory_space<vmem>>, vector<16xi32>,
        %dma_start3A = arith.constant 0 : i32
        %dma_start3A_93 = arith.constant 0 : i32
        %dma_start3A_94 = tpu.memref_slice %arg2[%dma_start3A, %dma_start3A_93] : memref<10000x1024xf32, #tpu.memory_space<hbm>> -> memref<10000x1024xf32, #tpu.memory_space<hbm>>
        tpu.enqueue_indirect_dma source(%dma_start3A_94 : memref<10000x1024xf32, #tpu.memory_space<hbm>>) target(%arg15 : memref<16x1024xf32, #tpu.memory_space<vmem>>) offsets(%arg17 : memref<16xi32, #tpu.memory_space<vmem>>) semaphore(%arg19 : memref<!tpu.dma_semaphore, #tpu.memory_space<semaphore_mem>>)
        %dma_wait3A = arith.constant 0 : i32
        %dma_wait3A_95 = arith.constant 0 : i32
        %dma_wait3A_96 = tpu.memref_slice %arg2[%dma_wait3A, %dma_wait3A_95] : memref<10000x1024xf32, #tpu.memory_space<hbm>> -> memref<10000x1024xf32, #tpu.memory_space<hbm>>
        tpu.wait_indirect_dma semaphore(%arg19 : memref<!tpu.dma_semaphore, #tpu.memory_space<semaphore_mem>>) src(%dma_wait3A_96 : memref<10000x1024xf32, #tpu.memory_space<hbm>>) dst(%arg15 : memref<16x1024xf32, #tpu.memory_space<vmem>>)
        %scan3A_97 = arith.constant 0 : i32
        %scan3A_98 = arith.constant 0 : i32
        %scan3A_99 = arith.constant 4 : i32
        %scan3A_100 = arith.addi %scan3A_98, %scan3A_99 : i32
        %scan3A_101 = arith.constant 1 : i32
        %scan3A_102 = scf.for %scan3A_112 = %scan3A_98 to %scan3A_100 step %scan3A_101 iter_args(%scan3A_113 = %scan3A_97) -> (i32)  : i32 {
          %iota3A = tpu.iota {dimensions = array<i32: 0>} : vector<16xi32>
          %mul3A_114 = arith.constant 4 : i32
          %mul3A_115 = arith.muli %scan3A_112, %mul3A_114 : i32
          %add3A_116 = arith.addi %mul3A_87, %mul3A_115 : i32
          %jit3A_117 = arith.constant 4 : i32
          %div3A_118 = vector.broadcast %jit3A_117 : i32 to vector<16xi32>
          %div3A_119 = arith.divsi %iota3A, %div3A_118 : vector<16xi32>
          %sign3A_120 = arith.constant 0 : i32
          %sign3A_121 = vector.broadcast %sign3A_120 : i32 to vector<16xi32>
          %sign3A_122 = arith.cmpi sgt, %iota3A, %sign3A_121 : vector<16xi32>
          %sign3A_123 = arith.extui %sign3A_122 : vector<16xi1> to vector<16xi32>
          %sign3A_124 = arith.constant 0 : i32
          %sign3A_125 = vector.broadcast %sign3A_124 : i32 to vector<16xi32>
          %sign3A_126 = arith.cmpi slt, %iota3A, %sign3A_125 : vector<16xi32>
          %sign3A_127 = arith.extui %sign3A_126 : vector<16xi1> to vector<16xi32>
          %sign3A_128 = arith.subi %sign3A_123, %sign3A_127 : vector<16xi32>
          %sign3A_129 = arith.constant 0 : i32
          %sign3A_130 = arith.cmpi sgt, %jit3A_117, %sign3A_129 : i32
          %sign3A_131 = arith.extui %sign3A_130 : i1 to i32
          %sign3A_132 = arith.constant 0 : i32
          %sign3A_133 = arith.cmpi slt, %jit3A_117, %sign3A_132 : i32
          %sign3A_134 = arith.extui %sign3A_133 : i1 to i32
          %sign3A_135 = arith.subi %sign3A_131, %sign3A_134 : i32
          %ne3A_136 = vector.broadcast %sign3A_135 : i32 to vector<16xi32>
          %ne3A_137 = arith.cmpi ne, %sign3A_128, %ne3A_136 : vector<16xi32>
          %rem3A_138 = vector.broadcast %jit3A_117 : i32 to vector<16xi32>
          %rem3A_139 = arith.remsi %iota3A, %rem3A_138 : vector<16xi32>
          %ne3A_140 = arith.constant 0 : i32
          %ne3A_141 = vector.broadcast %ne3A_140 : i32 to vector<16xi32>
          %ne3A_142 = arith.cmpi ne, %rem3A_139, %ne3A_141 : vector<16xi32>
          %and3A_143 = arith.andi %ne3A_137, %ne3A_142 : vector<16xi1>
          %sub3A_144 = arith.constant 1 : i32
          %sub3A_145 = vector.broadcast %sub3A_144 : i32 to vector<16xi32>
          %sub3A_146 = arith.subi %div3A_119, %sub3A_145 : vector<16xi32>
          %select_n3A_147 = arith.select %and3A_143, %sub3A_146, %div3A_119 : vector<16xi1>, vector<16xi32>
          %add3A_148 = vector.broadcast %add3A_116 : i32 to vector<16xi32>
          %add3A_149 = arith.addi %add3A_148, %select_n3A_147 : vector<16xi32>
          %jit3A_150 = arith.constant 4 : i32
          %eq3A = arith.constant 0 : i32
          %eq3A_151 = arith.cmpi eq, %jit3A_150, %eq3A : i32
          %jit3A_152 = arith.constant 1 : i32
          %select_n3A_153 = arith.select %eq3A_151, %jit3A_152, %jit3A_150 : i32
          %rem3A_154 = vector.broadcast %select_n3A_153 : i32 to vector<16xi32>
          %rem3A_155 = arith.remsi %iota3A, %rem3A_154 : vector<16xi32>
          %ne3A_156 = arith.constant 0 : i32
          %ne3A_157 = vector.broadcast %ne3A_156 : i32 to vector<16xi32>
          %ne3A_158 = arith.cmpi ne, %rem3A_155, %ne3A_157 : vector<16xi32>
          %lt3A = arith.constant 0 : i32
          %lt3A_159 = vector.broadcast %lt3A : i32 to vector<16xi32>
          %lt3A_160 = arith.cmpi slt, %rem3A_155, %lt3A_159 : vector<16xi32>
          %lt3A_161 = arith.constant 0 : i32
          %lt3A_162 = arith.cmpi slt, %select_n3A_153, %lt3A_161 : i32
          %ne3A_163 = vector.broadcast %lt3A_162 : i1 to vector<16xi1>
          %ne3A_164 = vector.broadcast %ne3A_163 : vector<16xi1> to vector<16xi1>
          %ne3A_165 = arith.xori %lt3A_160, %ne3A_164 : vector<16xi1>
          %and3A_166 = arith.andi %ne3A_165, %ne3A_158 : vector<16xi1>
          %add3A_167 = vector.broadcast %select_n3A_153 : i32 to vector<16xi32>
          %add3A_168 = arith.addi %rem3A_155, %add3A_167 : vector<16xi32>
          %select_n3A_169 = arith.select %and3A_166, %add3A_168, %rem3A_155 : vector<16xi1>, vector<16xi32>
          %gather3A = tpu.vector_load_idx %arg12[%add3A_149] : memref<2032xi32, #tpu.memory_space<vmem>>[vector<16xi32>], vector<16xi32>,
          %mul3A_170 = arith.constant 4 : i32
          %mul3A_171 = vector.broadcast %mul3A_170 : i32 to vector<16xi32>
          %mul3A_172 = arith.muli %gather3A, %mul3A_171 : vector<16xi32>
          %add3A_173 = arith.addi %mul3A_172, %select_n3A_169 : vector<16xi32>
          %gather3A_174 = tpu.vector_load_idx %arg13[%add3A_173] : memref<8000xf32, #tpu.memory_space<vmem>>[vector<16xi32>], vector<16xf32>,
          %gather3A_175 = tpu.vector_load_idx %arg11[%add3A_149] : memref<2032xi32, #tpu.memory_space<vmem>>[vector<16xi32>], vector<16xi32>,
          %mul3A_176 = arith.constant 4 : i32
          %mul3A_177 = vector.broadcast %mul3A_176 : i32 to vector<16xi32>
          %mul3A_178 = arith.muli %gather3A_175, %mul3A_177 : vector<16xi32>
          %add3A_179 = arith.addi %mul3A_178, %select_n3A_169 : vector<16xi32>
          %gather3A_180 = tpu.vector_load_idx %arg14[%add3A_179] : memref<1312xf32, #tpu.memory_space<vmem>>[vector<16xi32>], vector<16xf32>,
          %add3A_181 = arith.constant 1.000000e-16 : f32
          %add3A_182 = vector.broadcast %add3A_181 : f32 to vector<16xf32>
          %add3A_183 = arith.addf %gather3A_180, %add3A_182 : vector<16xf32>
          %mul3A_184 = arith.constant 4.000000e+00 : f32
          %mul3A_185 = vector.broadcast %mul3A_184 : f32 to vector<16xf32>
          %mul3A_186 = arith.mulf %mul3A_185, %add3A_183 : vector<16xf32>
          %div3A_187 = arith.divf %gather3A_174, %mul3A_186 : vector<16xf32>
          %mul3A_188 = arith.constant 16 : i32
          %mul3A_189 = arith.muli %scan3A_112, %mul3A_188 : i32
          %swap3A_190 = arith.index_cast %mul3A_189 : i32 to index
          %swap3A_191 = tpu.vector_load %arg16[%swap3A_190] {strides = array<i32>} : memref<64xf32, #tpu.memory_space<vmem>>, vector<16xf32>,
          tpu.vector_store %arg16[%swap3A_190], %div3A_187 {strides = array<i32>} : memref<64xf32, #tpu.memory_space<vmem>>, vector<16xf32>,
          %scan3A_192 = arith.constant 0 : i32
          scf.yield %scan3A_192 : i32
        }
        %scan3A_103 = arith.constant 4 : i32
        %scan3A_104 = arith.constant 0 : i32
        %scan3A_105 = arith.constant 0 : i32
        %scan3A_106 = arith.constant 16 : i32
        %scan3A_107 = arith.addi %scan3A_105, %scan3A_106 : i32
        %scan3A_108 = arith.constant 1 : i32
        %scan3A_109 = scf.for %scan3A_112 = %scan3A_105 to %scan3A_107 step %scan3A_108 iter_args(%scan3A_113 = %scan3A_104) -> (i32)  : i32 {
          %iota3A = tpu.iota {dimensions = array<i32: 0>} : vector<16xi32>
          %mul3A_114 = arith.constant 4 : i32
          %mul3A_115 = arith.muli %scan3A_112, %mul3A_114 : i32
          %broadcast_in_dim3A_116 = vector.broadcast %mul3A_115 : i32 to vector<16xi32>
          %gather3A = tpu.vector_load_idx %arg16[%broadcast_in_dim3A_116] : memref<64xf32, #tpu.memory_space<vmem>>[vector<16xi32>], vector<16xf32>,
          %add3A_117 = arith.constant 1 : i32
          %add3A_118 = arith.addi %mul3A_115, %add3A_117 : i32
          %broadcast_in_dim3A_119 = vector.broadcast %add3A_118 : i32 to vector<16xi32>
          %gather3A_120 = tpu.vector_load_idx %arg16[%broadcast_in_dim3A_119] : memref<64xf32, #tpu.memory_space<vmem>>[vector<16xi32>], vector<16xf32>,
          %add3A_121 = arith.constant 2 : i32
          %add3A_122 = arith.addi %mul3A_115, %add3A_121 : i32
          %broadcast_in_dim3A_123 = vector.broadcast %add3A_122 : i32 to vector<16xi32>
          %gather3A_124 = tpu.vector_load_idx %arg16[%broadcast_in_dim3A_123] : memref<64xf32, #tpu.memory_space<vmem>>[vector<16xi32>], vector<16xf32>,
          %add3A_125 = arith.constant 3 : i32
          %add3A_126 = arith.addi %mul3A_115, %add3A_125 : i32
          %broadcast_in_dim3A_127 = vector.broadcast %add3A_126 : i32 to vector<16xi32>
          %gather3A_128 = tpu.vector_load_idx %arg16[%broadcast_in_dim3A_127] : memref<64xf32, #tpu.memory_space<vmem>>[vector<16xi32>], vector<16xf32>,
          %add3A_129 = arith.addi %mul3A_87, %scan3A_112 : i32
          %broadcast_in_dim3A_130 = vector.broadcast %add3A_129 : i32 to vector<16xi32>
          %gather3A_131 = tpu.vector_load_idx %arg11[%broadcast_in_dim3A_130] : memref<2032xi32, #tpu.memory_space<vmem>>[vector<16xi32>], vector<16xi32>,
          %mul3A_132 = arith.constant 256 : i32
          %mul3A_133 = vector.broadcast %mul3A_132 : i32 to vector<16xi32>
          %mul3A_134 = arith.muli %gather3A_131, %mul3A_133 : vector<16xi32>
          %add3A_135 = arith.addi %mul3A_134, %iota3A : vector<16xi32>
          %get3A_136 = arith.index_cast %scan3A_112 : i32 to index
          %get3A_137 = arith.constant 0 : index
          %get3A_138 = tpu.vector_load %arg15[%get3A_136, %get3A_137] {strides = array<i32>} : memref<16x1024xf32, #tpu.memory_space<vmem>>, vector<16xf32>,
          %mul3A_139 = arith.mulf %gather3A, %get3A_138 : vector<16xf32>
          %get3A_140 = arith.index_cast %scan3A_112 : i32 to index
          %get3A_141 = arith.constant 256 : index
          %get3A_142 = tpu.vector_load %arg15[%get3A_140, %get3A_141] {strides = array<i32>} : memref<16x1024xf32, #tpu.memory_space<vmem>>, vector<16xf32>,
          %mul3A_143 = arith.mulf %gather3A_120, %get3A_142 : vector<16xf32>
          %add3A_144 = arith.addf %mul3A_139, %mul3A_143 : vector<16xf32>
          %get3A_145 = arith.index_cast %scan3A_112 : i32 to index
          %get3A_146 = arith.constant 512 : index
          %get3A_147 = tpu.vector_load %arg15[%get3A_145, %get3A_146] {strides = array<i32>} : memref<16x1024xf32, #tpu.memory_space<vmem>>, vector<16xf32>,
          %mul3A_148 = arith.mulf %gather3A_124, %get3A_147 : vector<16xf32>
          %add3A_149 = arith.addf %add3A_144, %mul3A_148 : vector<16xf32>
          %get3A_150 = arith.index_cast %scan3A_112 : i32 to index
          %get3A_151 = arith.constant 768 : index
          %get3A_152 = tpu.vector_load %arg15[%get3A_150, %get3A_151] {strides = array<i32>} : memref<16x1024xf32, #tpu.memory_space<vmem>>, vector<16xf32>,
          %mul3A_153 = arith.mulf %gather3A_128, %get3A_152 : vector<16xf32>
          %add3A_154 = arith.addf %add3A_149, %mul3A_153 : vector<16xf32>
          %add3A_155 = arith.constant 0 : i32
          %add3A_156 = vector.broadcast %add3A_155 : i32 to vector<16xi32>
          %add3A_157 = arith.addi %add3A_135, %add3A_156 : vector<16xi32>
          tpu.vector_store_idx %arg18[%add3A_157], %add3A_154 {add = true} : memref<83968xf32, #tpu.memory_space<vmem>>[vector<16xi32>], vector<16xf32>,
          %get3A_158 = arith.index_cast %scan3A_112 : i32 to index
          %get3A_159 = arith.constant 16 : index
          %get3A_160 = tpu.vector_load %arg15[%get3A_158, %get3A_159] {strides = array<i32>} : memref<16x1024xf32, #tpu.memory_space<vmem>>, vector<16xf32>,
          %mul3A_161 = arith.mulf %gather3A, %get3A_160 : vector<16xf32>
          %get3A_162 = arith.index_cast %scan3A_112 : i32 to index
          %get3A_163 = arith.constant 272 : index
          %get3A_164 = tpu.vector_load %arg15[%get3A_162, %get3A_163] {strides = array<i32>} : memref<16x1024xf32, #tpu.memory_space<vmem>>, vector<16xf32>,
          %mul3A_165 = arith.mulf %gather3A_120, %get3A_164 : vector<16xf32>
          %add3A_166 = arith.addf %mul3A_161, %mul3A_165 : vector<16xf32>
          %get3A_167 = arith.index_cast %scan3A_112 : i32 to index
          %get3A_168 = arith.constant 528 : index
          %get3A_169 = tpu.vector_load %arg15[%get3A_167, %get3A_168] {strides = array<i32>} : memref<16x1024xf32, #tpu.memory_space<vmem>>, vector<16xf32>,
          %mul3A_170 = arith.mulf %gather3A_124, %get3A_169 : vector<16xf32>
          %add3A_171 = arith.addf %add3A_166, %mul3A_170 : vector<16xf32>
          %get3A_172 = arith.index_cast %scan3A_112 : i32 to index
          %get3A_173 = arith.constant 784 : index
          %get3A_174 = tpu.vector_load %arg15[%get3A_172, %get3A_173] {strides = array<i32>} : memref<16x1024xf32, #tpu.memory_space<vmem>>, vector<16xf32>,
          %mul3A_175 = arith.mulf %gather3A_128, %get3A_174 : vector<16xf32>
          %add3A_176 = arith.addf %add3A_171, %mul3A_175 : vector<16xf32>
          %add3A_177 = arith.constant 16 : i32
          %add3A_178 = vector.broadcast %add3A_177 : i32 to vector<16xi32>
          %add3A_179 = arith.addi %add3A_135, %add3A_178 : vector<16xi32>
          tpu.vector_store_idx %arg18[%add3A_179], %add3A_176 {add = true} : memref<83968xf32, #tpu.memory_space<vmem>>[vector<16xi32>], vector<16xf32>,
          %get3A_180 = arith.index_cast %scan3A_112 : i32 to index
          %get3A_181 = arith.constant 32 : index
          %get3A_182 = tpu.vector_load %arg15[%get3A_180, %get3A_181] {strides = array<i32>} : memref<16x1024xf32, #tpu.memory_space<vmem>>, vector<16xf32>,
          %mul3A_183 = arith.mulf %gather3A, %get3A_182 : vector<16xf32>
          %get3A_184 = arith.index_cast %scan3A_112 : i32 to index
          %get3A_185 = arith.constant 288 : index
          %get3A_186 = tpu.vector_load %arg15[%get3A_184, %get3A_185] {strides = array<i32>} : memref<16x1024xf32, #tpu.memory_space<vmem>>, vector<16xf32>,
          %mul3A_187 = arith.mulf %gather3A_120, %get3A_186 : vector<16xf32>
          %add3A_188 = arith.addf %mul3A_183, %mul3A_187 : vector<16xf32>
          %get3A_189 = arith.index_cast %scan3A_112 : i32 to index
          %get3A_190 = arith.constant 544 : index
          %get3A_191 = tpu.vector_load %arg15[%get3A_189, %get3A_190] {strides = array<i32>} : memref<16x1024xf32, #tpu.memory_space<vmem>>, vector<16xf32>,
          %mul3A_192 = arith.mulf %gather3A_124, %get3A_191 : vector<16xf32>
          %add3A_193 = arith.addf %add3A_188, %mul3A_192 : vector<16xf32>
          %get3A_194 = arith.index_cast %scan3A_112 : i32 to index
          %get3A_195 = arith.constant 800 : index
          %get3A_196 = tpu.vector_load %arg15[%get3A_194, %get3A_195] {strides = array<i32>} : memref<16x1024xf32, #tpu.memory_space<vmem>>, vector<16xf32>,
          %mul3A_197 = arith.mulf %gather3A_128, %get3A_196 : vector<16xf32>
          %add3A_198 = arith.addf %add3A_193, %mul3A_197 : vector<16xf32>
          %add3A_199 = arith.constant 32 : i32
          %add3A_200 = vector.broadcast %add3A_199 : i32 to vector<16xi32>
          %add3A_201 = arith.addi %add3A_135, %add3A_200 : vector<16xi32>
          tpu.vector_store_idx %arg18[%add3A_201], %add3A_198 {add = true} : memref<83968xf32, #tpu.memory_space<vmem>>[vector<16xi32>], vector<16xf32>,
          %get3A_202 = arith.index_cast %scan3A_112 : i32 to index
          %get3A_203 = arith.constant 48 : index
          %get3A_204 = tpu.vector_load %arg15[%get3A_202, %get3A_203] {strides = array<i32>} : memref<16x1024xf32, #tpu.memory_space<vmem>>, vector<16xf32>,
          %mul3A_205 = arith.mulf %gather3A, %get3A_204 : vector<16xf32>
          %get3A_206 = arith.index_cast %scan3A_112 : i32 to index
          %get3A_207 = arith.constant 304 : index
          %get3A_208 = tpu.vector_load %arg15[%get3A_206, %get3A_207] {strides = array<i32>} : memref<16x1024xf32, #tpu.memory_space<vmem>>, vector<16xf32>,
          %mul3A_209 = arith.mulf %gather3A_120, %get3A_208 : vector<16xf32>
          %add3A_210 = arith.addf %mul3A_205, %mul3A_209 : vector<16xf32>
          %get3A_211 = arith.index_cast %scan3A_112 : i32 to index
          %get3A_212 = arith.constant 560 : index
          %get3A_213 = tpu.vector_load %arg15[%get3A_211, %get3A_212] {strides = array<i32>} : memref<16x1024xf32, #tpu.memory_space<vmem>>, vector<16xf32>,
          %mul3A_214 = arith.mulf %gather3A_124, %get3A_213 : vector<16xf32>
          %add3A_215 = arith.addf %add3A_210, %mul3A_214 : vector<16xf32>
          %get3A_216 = arith.index_cast %scan3A_112 : i32 to index
          %get3A_217 = arith.constant 816 : index
          %get3A_218 = tpu.vector_load %arg15[%get3A_216, %get3A_217] {strides = array<i32>} : memref<16x1024xf32, #tpu.memory_space<vmem>>, vector<16xf32>,
          %mul3A_219 = arith.mulf %gather3A_128, %get3A_218 : vector<16xf32>
          %add3A_220 = arith.addf %add3A_215, %mul3A_219 : vector<16xf32>
          %add3A_221 = arith.constant 48 : i32
          %add3A_222 = vector.broadcast %add3A_221 : i32 to vector<16xi32>
          %add3A_223 = arith.addi %add3A_135, %add3A_222 : vector<16xi32>
          tpu.vector_store_idx %arg18[%add3A_223], %add3A_220 {add = true} : memref<83968xf32, #tpu.memory_space<vmem>>[vector<16xi32>], vector<16xf32>,
          %get3A_224 = arith.index_cast %scan3A_112 : i32 to index
          %get3A_225 = arith.constant 64 : index
          %get3A_226 = tpu.vector_load %arg15[%get3A_224, %get3A_225] {strides = array<i32>} : memref<16x1024xf32, #tpu.memory_space<vmem>>, vector<16xf32>,
          %mul3A_227 = arith.mulf %gather3A, %get3A_226 : vector<16xf32>
          %get3A_228 = arith.index_cast %scan3A_112 : i32 to index
          %get3A_229 = arith.constant 320 : index
          %get3A_230 = tpu.vector_load %arg15[%get3A_228, %get3A_229] {strides = array<i32>} : memref<16x1024xf32, #tpu.memory_space<vmem>>, vector<16xf32>,
          %mul3A_231 = arith.mulf %gather3A_120, %get3A_230 : vector<16xf32>
          %add3A_232 = arith.addf %mul3A_227, %mul3A_231 : vector<16xf32>
          %get3A_233 = arith.index_cast %scan3A_112 : i32 to index
          %get3A_234 = arith.constant 576 : index
          %get3A_235 = tpu.vector_load %arg15[%get3A_233, %get3A_234] {strides = array<i32>} : memref<16x1024xf32, #tpu.memory_space<vmem>>, vector<16xf32>,
          %mul3A_236 = arith.mulf %gather3A_124, %get3A_235 : vector<16xf32>
          %add3A_237 = arith.addf %add3A_232, %mul3A_236 : vector<16xf32>
          %get3A_238 = arith.index_cast %scan3A_112 : i32 to index
          %get3A_239 = arith.constant 832 : index
          %get3A_240 = tpu.vector_load %arg15[%get3A_238, %get3A_239] {strides = array<i32>} : memref<16x1024xf32, #tpu.memory_space<vmem>>, vector<16xf32>,
          %mul3A_241 = arith.mulf %gather3A_128, %get3A_240 : vector<16xf32>
          %add3A_242 = arith.addf %add3A_237, %mul3A_241 : vector<16xf32>
          %add3A_243 = arith.constant 64 : i32
          %add3A_244 = vector.broadcast %add3A_243 : i32 to vector<16xi32>
          %add3A_245 = arith.addi %add3A_135, %add3A_244 : vector<16xi32>
          tpu.vector_store_idx %arg18[%add3A_245], %add3A_242 {add = true} : memref<83968xf32, #tpu.memory_space<vmem>>[vector<16xi32>], vector<16xf32>,
          %get3A_246 = arith.index_cast %scan3A_112 : i32 to index
          %get3A_247 = arith.constant 80 : index
          %get3A_248 = tpu.vector_load %arg15[%get3A_246, %get3A_247] {strides = array<i32>} : memref<16x1024xf32, #tpu.memory_space<vmem>>, vector<16xf32>,
          %mul3A_249 = arith.mulf %gather3A, %get3A_248 : vector<16xf32>
          %get3A_250 = arith.index_cast %scan3A_112 : i32 to index
          %get3A_251 = arith.constant 336 : index
          %get3A_252 = tpu.vector_load %arg15[%get3A_250, %get3A_251] {strides = array<i32>} : memref<16x1024xf32, #tpu.memory_space<vmem>>, vector<16xf32>,
          %mul3A_253 = arith.mulf %gather3A_120, %get3A_252 : vector<16xf32>
          %add3A_254 = arith.addf %mul3A_249, %mul3A_253 : vector<16xf32>
          %get3A_255 = arith.index_cast %scan3A_112 : i32 to index
          %get3A_256 = arith.constant 592 : index
          %get3A_257 = tpu.vector_load %arg15[%get3A_255, %get3A_256] {strides = array<i32>} : memref<16x1024xf32, #tpu.memory_space<vmem>>, vector<16xf32>,
          %mul3A_258 = arith.mulf %gather3A_124, %get3A_257 : vector<16xf32>
          %add3A_259 = arith.addf %add3A_254, %mul3A_258 : vector<16xf32>
          %get3A_260 = arith.index_cast %scan3A_112 : i32 to index
          %get3A_261 = arith.constant 848 : index
          %get3A_262 = tpu.vector_load %arg15[%get3A_260, %get3A_261] {strides = array<i32>} : memref<16x1024xf32, #tpu.memory_space<vmem>>, vector<16xf32>,
          %mul3A_263 = arith.mulf %gather3A_128, %get3A_262 : vector<16xf32>
          %add3A_264 = arith.addf %add3A_259, %mul3A_263 : vector<16xf32>
          %add3A_265 = arith.constant 80 : i32
          %add3A_266 = vector.broadcast %add3A_265 : i32 to vector<16xi32>
          %add3A_267 = arith.addi %add3A_135, %add3A_266 : vector<16xi32>
          tpu.vector_store_idx %arg18[%add3A_267], %add3A_264 {add = true} : memref<83968xf32, #tpu.memory_space<vmem>>[vector<16xi32>], vector<16xf32>,
          %get3A_268 = arith.index_cast %scan3A_112 : i32 to index
          %get3A_269 = arith.constant 96 : index
          %get3A_270 = tpu.vector_load %arg15[%get3A_268, %get3A_269] {strides = array<i32>} : memref<16x1024xf32, #tpu.memory_space<vmem>>, vector<16xf32>,
          %mul3A_271 = arith.mulf %gather3A, %get3A_270 : vector<16xf32>
          %get3A_272 = arith.index_cast %scan3A_112 : i32 to index
          %get3A_273 = arith.constant 352 : index
          %get3A_274 = tpu.vector_load %arg15[%get3A_272, %get3A_273] {strides = array<i32>} : memref<16x1024xf32, #tpu.memory_space<vmem>>, vector<16xf32>,
          %mul3A_275 = arith.mulf %gather3A_120, %get3A_274 : vector<16xf32>
          %add3A_276 = arith.addf %mul3A_271, %mul3A_275 : vector<16xf32>
          %get3A_277 = arith.index_cast %scan3A_112 : i32 to index
          %get3A_278 = arith.constant 608 : index
          %get3A_279 = tpu.vector_load %arg15[%get3A_277, %get3A_278] {strides = array<i32>} : memref<16x1024xf32, #tpu.memory_space<vmem>>, vector<16xf32>,
          %mul3A_280 = arith.mulf %gather3A_124, %get3A_279 : vector<16xf32>
          %add3A_281 = arith.addf %add3A_276, %mul3A_280 : vector<16xf32>
          %get3A_282 = arith.index_cast %scan3A_112 : i32 to index
          %get3A_283 = arith.constant 864 : index
          %get3A_284 = tpu.vector_load %arg15[%get3A_282, %get3A_283] {strides = array<i32>} : memref<16x1024xf32, #tpu.memory_space<vmem>>, vector<16xf32>,
          %mul3A_285 = arith.mulf %gather3A_128, %get3A_284 : vector<16xf32>
          %add3A_286 = arith.addf %add3A_281, %mul3A_285 : vector<16xf32>
          %add3A_287 = arith.constant 96 : i32
          %add3A_288 = vector.broadcast %add3A_287 : i32 to vector<16xi32>
          %add3A_289 = arith.addi %add3A_135, %add3A_288 : vector<16xi32>
          tpu.vector_store_idx %arg18[%add3A_289], %add3A_286 {add = true} : memref<83968xf32, #tpu.memory_space<vmem>>[vector<16xi32>], vector<16xf32>,
          %get3A_290 = arith.index_cast %scan3A_112 : i32 to index
          %get3A_291 = arith.constant 112 : index
          %get3A_292 = tpu.vector_load %arg15[%get3A_290, %get3A_291] {strides = array<i32>} : memref<16x1024xf32, #tpu.memory_space<vmem>>, vector<16xf32>,
          %mul3A_293 = arith.mulf %gather3A, %get3A_292 : vector<16xf32>
          %get3A_294 = arith.index_cast %scan3A_112 : i32 to index
          %get3A_295 = arith.constant 368 : index
          %get3A_296 = tpu.vector_load %arg15[%get3A_294, %get3A_295] {strides = array<i32>} : memref<16x1024xf32, #tpu.memory_space<vmem>>, vector<16xf32>,
          %mul3A_297 = arith.mulf %gather3A_120, %get3A_296 : vector<16xf32>
          %add3A_298 = arith.addf %mul3A_293, %mul3A_297 : vector<16xf32>
          %get3A_299 = arith.index_cast %scan3A_112 : i32 to index
          %get3A_300 = arith.constant 624 : index
          %get3A_301 = tpu.vector_load %arg15[%get3A_299, %get3A_300] {strides = array<i32>} : memref<16x1024xf32, #tpu.memory_space<vmem>>, vector<16xf32>,
          %mul3A_302 = arith.mulf %gather3A_124, %get3A_301 : vector<16xf32>
          %add3A_303 = arith.addf %add3A_298, %mul3A_302 : vector<16xf32>
          %get3A_304 = arith.index_cast %scan3A_112 : i32 to index
          %get3A_305 = arith.constant 880 : index
          %get3A_306 = tpu.vector_load %arg15[%get3A_304, %get3A_305] {strides = array<i32>} : memref<16x1024xf32, #tpu.memory_space<vmem>>, vector<16xf32>,
          %mul3A_307 = arith.mulf %gather3A_128, %get3A_306 : vector<16xf32>
          %add3A_308 = arith.addf %add3A_303, %mul3A_307 : vector<16xf32>
          %add3A_309 = arith.constant 112 : i32
          %add3A_310 = vector.broadcast %add3A_309 : i32 to vector<16xi32>
          %add3A_311 = arith.addi %add3A_135, %add3A_310 : vector<16xi32>
          tpu.vector_store_idx %arg18[%add3A_311], %add3A_308 {add = true} : memref<83968xf32, #tpu.memory_space<vmem>>[vector<16xi32>], vector<16xf32>,
          %get3A_312 = arith.index_cast %scan3A_112 : i32 to index
          %get3A_313 = arith.constant 128 : index
          %get3A_314 = tpu.vector_load %arg15[%get3A_312, %get3A_313] {strides = array<i32>} : memref<16x1024xf32, #tpu.memory_space<vmem>>, vector<16xf32>,
          %mul3A_315 = arith.mulf %gather3A, %get3A_314 : vector<16xf32>
          %get3A_316 = arith.index_cast %scan3A_112 : i32 to index
          %get3A_317 = arith.constant 384 : index
          %get3A_318 = tpu.vector_load %arg15[%get3A_316, %get3A_317] {strides = array<i32>} : memref<16x1024xf32, #tpu.memory_space<vmem>>, vector<16xf32>,
          %mul3A_319 = arith.mulf %gather3A_120, %get3A_318 : vector<16xf32>
          %add3A_320 = arith.addf %mul3A_315, %mul3A_319 : vector<16xf32>
          %get3A_321 = arith.index_cast %scan3A_112 : i32 to index
          %get3A_322 = arith.constant 640 : index
          %get3A_323 = tpu.vector_load %arg15[%get3A_321, %get3A_322] {strides = array<i32>} : memref<16x1024xf32, #tpu.memory_space<vmem>>, vector<16xf32>,
          %mul3A_324 = arith.mulf %gather3A_124, %get3A_323 : vector<16xf32>
          %add3A_325 = arith.addf %add3A_320, %mul3A_324 : vector<16xf32>
          %get3A_326 = arith.index_cast %scan3A_112 : i32 to index
          %get3A_327 = arith.constant 896 : index
          %get3A_328 = tpu.vector_load %arg15[%get3A_326, %get3A_327] {strides = array<i32>} : memref<16x1024xf32, #tpu.memory_space<vmem>>, vector<16xf32>,
          %mul3A_329 = arith.mulf %gather3A_128, %get3A_328 : vector<16xf32>
          %add3A_330 = arith.addf %add3A_325, %mul3A_329 : vector<16xf32>
          %add3A_331 = arith.constant 128 : i32
          %add3A_332 = vector.broadcast %add3A_331 : i32 to vector<16xi32>
          %add3A_333 = arith.addi %add3A_135, %add3A_332 : vector<16xi32>
          tpu.vector_store_idx %arg18[%add3A_333], %add3A_330 {add = true} : memref<83968xf32, #tpu.memory_space<vmem>>[vector<16xi32>], vector<16xf32>,
          %get3A_334 = arith.index_cast %scan3A_112 : i32 to index
          %get3A_335 = arith.constant 144 : index
          %get3A_336 = tpu.vector_load %arg15[%get3A_334, %get3A_335] {strides = array<i32>} : memref<16x1024xf32, #tpu.memory_space<vmem>>, vector<16xf32>,
          %mul3A_337 = arith.mulf %gather3A, %get3A_336 : vector<16xf32>
          %get3A_338 = arith.index_cast %scan3A_112 : i32 to index
          %get3A_339 = arith.constant 400 : index
          %get3A_340 = tpu.vector_load %arg15[%get3A_338, %get3A_339] {strides = array<i32>} : memref<16x1024xf32, #tpu.memory_space<vmem>>, vector<16xf32>,
          %mul3A_341 = arith.mulf %gather3A_120, %get3A_340 : vector<16xf32>
          %add3A_342 = arith.addf %mul3A_337, %mul3A_341 : vector<16xf32>
          %get3A_343 = arith.index_cast %scan3A_112 : i32 to index
          %get3A_344 = arith.constant 656 : index
          %get3A_345 = tpu.vector_load %arg15[%get3A_343, %get3A_344] {strides = array<i32>} : memref<16x1024xf32, #tpu.memory_space<vmem>>, vector<16xf32>,
          %mul3A_346 = arith.mulf %gather3A_124, %get3A_345 : vector<16xf32>
          %add3A_347 = arith.addf %add3A_342, %mul3A_346 : vector<16xf32>
          %get3A_348 = arith.index_cast %scan3A_112 : i32 to index
          %get3A_349 = arith.constant 912 : index
          %get3A_350 = tpu.vector_load %arg15[%get3A_348, %get3A_349] {strides = array<i32>} : memref<16x1024xf32, #tpu.memory_space<vmem>>, vector<16xf32>,
          %mul3A_351 = arith.mulf %gather3A_128, %get3A_350 : vector<16xf32>
          %add3A_352 = arith.addf %add3A_347, %mul3A_351 : vector<16xf32>
          %add3A_353 = arith.constant 144 : i32
          %add3A_354 = vector.broadcast %add3A_353 : i32 to vector<16xi32>
          %add3A_355 = arith.addi %add3A_135, %add3A_354 : vector<16xi32>
          tpu.vector_store_idx %arg18[%add3A_355], %add3A_352 {add = true} : memref<83968xf32, #tpu.memory_space<vmem>>[vector<16xi32>], vector<16xf32>,
          %get3A_356 = arith.index_cast %scan3A_112 : i32 to index
          %get3A_357 = arith.constant 160 : index
          %get3A_358 = tpu.vector_load %arg15[%get3A_356, %get3A_357] {strides = array<i32>} : memref<16x1024xf32, #tpu.memory_space<vmem>>, vector<16xf32>,
          %mul3A_359 = arith.mulf %gather3A, %get3A_358 : vector<16xf32>
          %get3A_360 = arith.index_cast %scan3A_112 : i32 to index
          %get3A_361 = arith.constant 416 : index
          %get3A_362 = tpu.vector_load %arg15[%get3A_360, %get3A_361] {strides = array<i32>} : memref<16x1024xf32, #tpu.memory_space<vmem>>, vector<16xf32>,
          %mul3A_363 = arith.mulf %gather3A_120, %get3A_362 : vector<16xf32>
          %add3A_364 = arith.addf %mul3A_359, %mul3A_363 : vector<16xf32>
          %get3A_365 = arith.index_cast %scan3A_112 : i32 to index
          %get3A_366 = arith.constant 672 : index
          %get3A_367 = tpu.vector_load %arg15[%get3A_365, %get3A_366] {strides = array<i32>} : memref<16x1024xf32, #tpu.memory_space<vmem>>, vector<16xf32>,
          %mul3A_368 = arith.mulf %gather3A_124, %get3A_367 : vector<16xf32>
          %add3A_369 = arith.addf %add3A_364, %mul3A_368 : vector<16xf32>
          %get3A_370 = arith.index_cast %scan3A_112 : i32 to index
          %get3A_371 = arith.constant 928 : index
          %get3A_372 = tpu.vector_load %arg15[%get3A_370, %get3A_371] {strides = array<i32>} : memref<16x1024xf32, #tpu.memory_space<vmem>>, vector<16xf32>,
          %mul3A_373 = arith.mulf %gather3A_128, %get3A_372 : vector<16xf32>
          %add3A_374 = arith.addf %add3A_369, %mul3A_373 : vector<16xf32>
          %add3A_375 = arith.constant 160 : i32
          %add3A_376 = vector.broadcast %add3A_375 : i32 to vector<16xi32>
          %add3A_377 = arith.addi %add3A_135, %add3A_376 : vector<16xi32>
          tpu.vector_store_idx %arg18[%add3A_377], %add3A_374 {add = true} : memref<83968xf32, #tpu.memory_space<vmem>>[vector<16xi32>], vector<16xf32>,
          %get3A_378 = arith.index_cast %scan3A_112 : i32 to index
          %get3A_379 = arith.constant 176 : index
          %get3A_380 = tpu.vector_load %arg15[%get3A_378, %get3A_379] {strides = array<i32>} : memref<16x1024xf32, #tpu.memory_space<vmem>>, vector<16xf32>,
          %mul3A_381 = arith.mulf %gather3A, %get3A_380 : vector<16xf32>
          %get3A_382 = arith.index_cast %scan3A_112 : i32 to index
          %get3A_383 = arith.constant 432 : index
          %get3A_384 = tpu.vector_load %arg15[%get3A_382, %get3A_383] {strides = array<i32>} : memref<16x1024xf32, #tpu.memory_space<vmem>>, vector<16xf32>,
          %mul3A_385 = arith.mulf %gather3A_120, %get3A_384 : vector<16xf32>
          %add3A_386 = arith.addf %mul3A_381, %mul3A_385 : vector<16xf32>
          %get3A_387 = arith.index_cast %scan3A_112 : i32 to index
          %get3A_388 = arith.constant 688 : index
          %get3A_389 = tpu.vector_load %arg15[%get3A_387, %get3A_388] {strides = array<i32>} : memref<16x1024xf32, #tpu.memory_space<vmem>>, vector<16xf32>,
          %mul3A_390 = arith.mulf %gather3A_124, %get3A_389 : vector<16xf32>
          %add3A_391 = arith.addf %add3A_386, %mul3A_390 : vector<16xf32>
          %get3A_392 = arith.index_cast %scan3A_112 : i32 to index
          %get3A_393 = arith.constant 944 : index
          %get3A_394 = tpu.vector_load %arg15[%get3A_392, %get3A_393] {strides = array<i32>} : memref<16x1024xf32, #tpu.memory_space<vmem>>, vector<16xf32>,
          %mul3A_395 = arith.mulf %gather3A_128, %get3A_394 : vector<16xf32>
          %add3A_396 = arith.addf %add3A_391, %mul3A_395 : vector<16xf32>
          %add3A_397 = arith.constant 176 : i32
          %add3A_398 = vector.broadcast %add3A_397 : i32 to vector<16xi32>
          %add3A_399 = arith.addi %add3A_135, %add3A_398 : vector<16xi32>
          tpu.vector_store_idx %arg18[%add3A_399], %add3A_396 {add = true} : memref<83968xf32, #tpu.memory_space<vmem>>[vector<16xi32>], vector<16xf32>,
          %get3A_400 = arith.index_cast %scan3A_112 : i32 to index
          %get3A_401 = arith.constant 192 : index
          %get3A_402 = tpu.vector_load %arg15[%get3A_400, %get3A_401] {strides = array<i32>} : memref<16x1024xf32, #tpu.memory_space<vmem>>, vector<16xf32>,
          %mul3A_403 = arith.mulf %gather3A, %get3A_402 : vector<16xf32>
          %get3A_404 = arith.index_cast %scan3A_112 : i32 to index
          %get3A_405 = arith.constant 448 : index
          %get3A_406 = tpu.vector_load %arg15[%get3A_404, %get3A_405] {strides = array<i32>} : memref<16x1024xf32, #tpu.memory_space<vmem>>, vector<16xf32>,
          %mul3A_407 = arith.mulf %gather3A_120, %get3A_406 : vector<16xf32>
          %add3A_408 = arith.addf %mul3A_403, %mul3A_407 : vector<16xf32>
          %get3A_409 = arith.index_cast %scan3A_112 : i32 to index
          %get3A_410 = arith.constant 704 : index
          %get3A_411 = tpu.vector_load %arg15[%get3A_409, %get3A_410] {strides = array<i32>} : memref<16x1024xf32, #tpu.memory_space<vmem>>, vector<16xf32>,
          %mul3A_412 = arith.mulf %gather3A_124, %get3A_411 : vector<16xf32>
          %add3A_413 = arith.addf %add3A_408, %mul3A_412 : vector<16xf32>
          %get3A_414 = arith.index_cast %scan3A_112 : i32 to index
          %get3A_415 = arith.constant 960 : index
          %get3A_416 = tpu.vector_load %arg15[%get3A_414, %get3A_415] {strides = array<i32>} : memref<16x1024xf32, #tpu.memory_space<vmem>>, vector<16xf32>,
          %mul3A_417 = arith.mulf %gather3A_128, %get3A_416 : vector<16xf32>
          %add3A_418 = arith.addf %add3A_413, %mul3A_417 : vector<16xf32>
          %add3A_419 = arith.constant 192 : i32
          %add3A_420 = vector.broadcast %add3A_419 : i32 to vector<16xi32>
          %add3A_421 = arith.addi %add3A_135, %add3A_420 : vector<16xi32>
          tpu.vector_store_idx %arg18[%add3A_421], %add3A_418 {add = true} : memref<83968xf32, #tpu.memory_space<vmem>>[vector<16xi32>], vector<16xf32>,
          %get3A_422 = arith.index_cast %scan3A_112 : i32 to index
          %get3A_423 = arith.constant 208 : index
          %get3A_424 = tpu.vector_load %arg15[%get3A_422, %get3A_423] {strides = array<i32>} : memref<16x1024xf32, #tpu.memory_space<vmem>>, vector<16xf32>,
          %mul3A_425 = arith.mulf %gather3A, %get3A_424 : vector<16xf32>
          %get3A_426 = arith.index_cast %scan3A_112 : i32 to index
          %get3A_427 = arith.constant 464 : index
          %get3A_428 = tpu.vector_load %arg15[%get3A_426, %get3A_427] {strides = array<i32>} : memref<16x1024xf32, #tpu.memory_space<vmem>>, vector<16xf32>,
          %mul3A_429 = arith.mulf %gather3A_120, %get3A_428 : vector<16xf32>
          %add3A_430 = arith.addf %mul3A_425, %mul3A_429 : vector<16xf32>
          %get3A_431 = arith.index_cast %scan3A_112 : i32 to index
          %get3A_432 = arith.constant 720 : index
          %get3A_433 = tpu.vector_load %arg15[%get3A_431, %get3A_432] {strides = array<i32>} : memref<16x1024xf32, #tpu.memory_space<vmem>>, vector<16xf32>,
          %mul3A_434 = arith.mulf %gather3A_124, %get3A_433 : vector<16xf32>
          %add3A_435 = arith.addf %add3A_430, %mul3A_434 : vector<16xf32>
          %get3A_436 = arith.index_cast %scan3A_112 : i32 to index
          %get3A_437 = arith.constant 976 : index
          %get3A_438 = tpu.vector_load %arg15[%get3A_436, %get3A_437] {strides = array<i32>} : memref<16x1024xf32, #tpu.memory_space<vmem>>, vector<16xf32>,
          %mul3A_439 = arith.mulf %gather3A_128, %get3A_438 : vector<16xf32>
          %add3A_440 = arith.addf %add3A_435, %mul3A_439 : vector<16xf32>
          %add3A_441 = arith.constant 208 : i32
          %add3A_442 = vector.broadcast %add3A_441 : i32 to vector<16xi32>
          %add3A_443 = arith.addi %add3A_135, %add3A_442 : vector<16xi32>
          tpu.vector_store_idx %arg18[%add3A_443], %add3A_440 {add = true} : memref<83968xf32, #tpu.memory_space<vmem>>[vector<16xi32>], vector<16xf32>,
          %get3A_444 = arith.index_cast %scan3A_112 : i32 to index
          %get3A_445 = arith.constant 224 : index
          %get3A_446 = tpu.vector_load %arg15[%get3A_444, %get3A_445] {strides = array<i32>} : memref<16x1024xf32, #tpu.memory_space<vmem>>, vector<16xf32>,
          %mul3A_447 = arith.mulf %gather3A, %get3A_446 : vector<16xf32>
          %get3A_448 = arith.index_cast %scan3A_112 : i32 to index
          %get3A_449 = arith.constant 480 : index
          %get3A_450 = tpu.vector_load %arg15[%get3A_448, %get3A_449] {strides = array<i32>} : memref<16x1024xf32, #tpu.memory_space<vmem>>, vector<16xf32>,
          %mul3A_451 = arith.mulf %gather3A_120, %get3A_450 : vector<16xf32>
          %add3A_452 = arith.addf %mul3A_447, %mul3A_451 : vector<16xf32>
          %get3A_453 = arith.index_cast %scan3A_112 : i32 to index
          %get3A_454 = arith.constant 736 : index
          %get3A_455 = tpu.vector_load %arg15[%get3A_453, %get3A_454] {strides = array<i32>} : memref<16x1024xf32, #tpu.memory_space<vmem>>, vector<16xf32>,
          %mul3A_456 = arith.mulf %gather3A_124, %get3A_455 : vector<16xf32>
          %add3A_457 = arith.addf %add3A_452, %mul3A_456 : vector<16xf32>
          %get3A_458 = arith.index_cast %scan3A_112 : i32 to index
          %get3A_459 = arith.constant 992 : index
          %get3A_460 = tpu.vector_load %arg15[%get3A_458, %get3A_459] {strides = array<i32>} : memref<16x1024xf32, #tpu.memory_space<vmem>>, vector<16xf32>,
          %mul3A_461 = arith.mulf %gather3A_128, %get3A_460 : vector<16xf32>
          %add3A_462 = arith.addf %add3A_457, %mul3A_461 : vector<16xf32>
          %add3A_463 = arith.constant 224 : i32
          %add3A_464 = vector.broadcast %add3A_463 : i32 to vector<16xi32>
          %add3A_465 = arith.addi %add3A_135, %add3A_464 : vector<16xi32>
          tpu.vector_store_idx %arg18[%add3A_465], %add3A_462 {add = true} : memref<83968xf32, #tpu.memory_space<vmem>>[vector<16xi32>], vector<16xf32>,
          %get3A_466 = arith.index_cast %scan3A_112 : i32 to index
          %get3A_467 = arith.constant 240 : index
          %get3A_468 = tpu.vector_load %arg15[%get3A_466, %get3A_467] {strides = array<i32>} : memref<16x1024xf32, #tpu.memory_space<vmem>>, vector<16xf32>,
          %mul3A_469 = arith.mulf %gather3A, %get3A_468 : vector<16xf32>
          %get3A_470 = arith.index_cast %scan3A_112 : i32 to index
          %get3A_471 = arith.constant 496 : index
          %get3A_472 = tpu.vector_load %arg15[%get3A_470, %get3A_471] {strides = array<i32>} : memref<16x1024xf32, #tpu.memory_space<vmem>>, vector<16xf32>,
          %mul3A_473 = arith.mulf %gather3A_120, %get3A_472 : vector<16xf32>
          %add3A_474 = arith.addf %mul3A_469, %mul3A_473 : vector<16xf32>
          %get3A_475 = arith.index_cast %scan3A_112 : i32 to index
          %get3A_476 = arith.constant 752 : index
          %get3A_477 = tpu.vector_load %arg15[%get3A_475, %get3A_476] {strides = array<i32>} : memref<16x1024xf32, #tpu.memory_space<vmem>>, vector<16xf32>,
          %mul3A_478 = arith.mulf %gather3A_124, %get3A_477 : vector<16xf32>
          %add3A_479 = arith.addf %add3A_474, %mul3A_478 : vector<16xf32>
          %get3A_480 = arith.index_cast %scan3A_112 : i32 to index
          %get3A_481 = arith.constant 1008 : index
          %get3A_482 = tpu.vector_load %arg15[%get3A_480, %get3A_481] {strides = array<i32>} : memref<16x1024xf32, #tpu.memory_space<vmem>>, vector<16xf32>,
          %mul3A_483 = arith.mulf %gather3A_128, %get3A_482 : vector<16xf32>
          %add3A_484 = arith.addf %add3A_479, %mul3A_483 : vector<16xf32>
          %add3A_485 = arith.constant 240 : i32
          %add3A_486 = vector.broadcast %add3A_485 : i32 to vector<16xi32>
          %add3A_487 = arith.addi %add3A_135, %add3A_486 : vector<16xi32>
          tpu.vector_store_idx %arg18[%add3A_487], %add3A_484 {add = true} : memref<83968xf32, #tpu.memory_space<vmem>>[vector<16xi32>], vector<16xf32>,
          %scan3A_488 = arith.constant 0 : i32
          scf.yield %scan3A_488 : i32
        }
        %scan3A_110 = arith.constant 16 : i32
        %while3A_111 = arith.constant 0 : i32
        scf.yield %while3A_111 : i32
      }
      %scan3A_83 = arith.constant 0 : i32
      scf.yield %scan3A_83 : i32
    }
    %scan3A_24 = arith.constant 80 : i32
    %mul3A_25 = arith.constant 256 : i32
    %mul3A_26 = arith.muli %mul3A_2, %mul3A_25 : i32
    "tpu.region"() ({
      %run_scoped3A = tpu.sem_alloc : memref<!tpu.dma_semaphore, #tpu.memory_space<semaphore_mem>>
      %dma_start3A = arith.constant 0 : i32
      %dma_start3A_27 = tpu.memref_slice %arg18[%dma_start3A] : memref<83968xf32, #tpu.memory_space<vmem>> -> memref<81920xf32, #tpu.memory_space<vmem>>
      %dma_start3A_28 = tpu.memref_slice %arg7[%mul3A_26] : memref<2621440xf32, #tpu.memory_space<hbm>> -> memref<81920xf32, #tpu.memory_space<hbm>>
      %dma_start3A_29 = tpu.memref_slice %arg7[%mul3A_26] : memref<2621440xf32, #tpu.memory_space<hbm>> -> memref<81920xf32, #tpu.memory_space<hbm>>
      %dma_start3A_30 = arith.constant 0 : i32
      %dma_start3A_31 = tpu.memref_slice %arg18[%dma_start3A_30] : memref<83968xf32, #tpu.memory_space<vmem>> -> memref<81920xf32, #tpu.memory_space<vmem>>
      tpu.enqueue_dma source(%dma_start3A_31 : memref<81920xf32, #tpu.memory_space<vmem>>) target(%dma_start3A_29 : memref<81920xf32, #tpu.memory_space<hbm>>) target_semaphore(%run_scoped3A : memref<!tpu.dma_semaphore, #tpu.memory_space<semaphore_mem>>)
      %dma_wait3A = arith.constant 0 : i32
      %dma_wait3A_32 = tpu.memref_slice %arg18[%dma_wait3A] : memref<83968xf32, #tpu.memory_space<vmem>> -> memref<81920xf32, #tpu.memory_space<vmem>>
      %dma_wait3A_33 = tpu.memref_slice %arg7[%mul3A_26] : memref<2621440xf32, #tpu.memory_space<hbm>> -> memref<81920xf32, #tpu.memory_space<hbm>>
      %dma_wait3A_34 = tpu.memref_slice %arg7[%mul3A_26] : memref<2621440xf32, #tpu.memory_space<hbm>> -> memref<81920xf32, #tpu.memory_space<hbm>>
      %dma_wait3A_35 = arith.constant 0 : i32
      %dma_wait3A_36 = tpu.memref_slice %arg18[%dma_wait3A_35] : memref<83968xf32, #tpu.memory_space<vmem>> -> memref<81920xf32, #tpu.memory_space<vmem>>
      tpu.wait_dma2 semaphore(%run_scoped3A : memref<!tpu.dma_semaphore, #tpu.memory_space<semaphore_mem>>) src(%dma_wait3A_36 : memref<81920xf32, #tpu.memory_space<vmem>>) dst(%dma_wait3A_34 : memref<81920xf32, #tpu.memory_space<hbm>>)
      tpu.yield
    }) : () -> ()
    return
  }
}

module attributes {stable_mosaic.version = 14 : i64} {
  func.func @_dense_body(%arg0: i32, %arg1: memref<1000x256xf32, #tpu.memory_space<vmem>>, %arg2: memref<256x1024xf32, #tpu.memory_space<vmem>>, %arg3: memref<1024x8xf32, #tpu.memory_space<vmem>>, %arg4: memref<1000x1024xf32, #tpu.memory_space<vmem>>, %arg5: memref<1000x8xf32, #tpu.memory_space<vmem>>) attributes {dimension_semantics = [#tpu.dimension_semantics<arbitrary>], iteration_bounds = array<i64: 10>, scalar_prefetch = 0 : i64, scratch_operands = 0 : i64, tpu.core_type = #tpu.core_type<tc>, window_params = [{transform_indices = @transform_0, window_bounds = array<i64: 1000, 256>}, {pipeline_mode = #tpu.pipeline_mode<synchronous>, transform_indices = @transform_1, window_bounds = array<i64: 256, 1024>}, {pipeline_mode = #tpu.pipeline_mode<synchronous>, transform_indices = @transform_2, window_bounds = array<i64: 1024, 8>}, {transform_indices = @transform_3, window_bounds = array<i64: 1000, 1024>}, {transform_indices = @transform_4, window_bounds = array<i64: 1000, 8>}]} {
    %get3A = arith.constant 0 : index
    %get3A_0 = arith.constant 0 : index
    %get3A_1 = vector.load %arg1[%get3A, %get3A_0] : memref<1000x256xf32, #tpu.memory_space<vmem>>, vector<1000x256xf32>
    %get3A_2 = arith.constant 0 : index
    %get3A_3 = arith.constant 0 : index
    %get3A_4 = vector.load %arg2[%get3A_2, %get3A_3] : memref<256x1024xf32, #tpu.memory_space<vmem>>, vector<256x1024xf32>
    %dot_general3A = arith.constant dense<0.000000e+00> : vector<1000x1024xf32>
    %dot_general3A_5 = tpu.matmul %get3A_1, %get3A_4, %dot_general3A {dimension_numbers = #tpu.dot_dimension_numbers<[1], [0], [0], [1], [0, 0, 1, 1], [], []>, transpose_lhs_hint = false} : vector<1000x256xf32>, vector<256x1024xf32>, vector<1000x1024xf32> -> vector<1000x1024xf32>
    %swap3A = arith.constant 0 : index
    %swap3A_6 = arith.constant 0 : index
    %swap3A_7 = vector.load %arg4[%swap3A, %swap3A_6] : memref<1000x1024xf32, #tpu.memory_space<vmem>>, vector<1000x1024xf32>
    tpu.vector_store %arg4[%swap3A, %swap3A_6], %dot_general3A_5 {strides = array<i32>} : memref<1000x1024xf32, #tpu.memory_space<vmem>>, vector<1000x1024xf32>,
    %get3A_8 = arith.constant 0 : index
    %get3A_9 = arith.constant 0 : index
    %get3A_10 = vector.load %arg3[%get3A_8, %get3A_9] : memref<1024x8xf32, #tpu.memory_space<vmem>>, vector<1024x8xf32>
    %dot_general3A_11 = arith.constant dense<0.000000e+00> : vector<1000x8xf32>
    %dot_general3A_12 = tpu.matmul %dot_general3A_5, %get3A_10, %dot_general3A_11 {dimension_numbers = #tpu.dot_dimension_numbers<[1], [0], [0], [1], [0, 0, 1, 1], [], []>, transpose_lhs_hint = false} : vector<1000x1024xf32>, vector<1024x8xf32>, vector<1000x8xf32> -> vector<1000x8xf32>
    %swap3A_13 = arith.constant 0 : index
    %swap3A_14 = arith.constant 0 : index
    %swap3A_15 = vector.load %arg5[%swap3A_13, %swap3A_14] : memref<1000x8xf32, #tpu.memory_space<vmem>>, vector<1000x8xf32>
    tpu.vector_store %arg5[%swap3A_13, %swap3A_14], %dot_general3A_12 {strides = array<i32>} : memref<1000x8xf32, #tpu.memory_space<vmem>>, vector<1000x8xf32>,
    return
  }
  func.func @transform_0(%arg0: i32) -> (i32, i32) {
    %c0_i32 = arith.constant 0 : i32
    %c0_i32_0 = arith.constant 0 : i32
    return %arg0, %c0_i32 : i32, i32
  }
  func.func @transform_1(%arg0: i32) -> (i32, i32) {
    %c0_i32 = arith.constant 0 : i32
    %c0_i32_0 = arith.constant 0 : i32
    %c0_i32_1 = arith.constant 0 : i32
    return %c0_i32, %c0_i32_0 : i32, i32
  }
  func.func @transform_2(%arg0: i32) -> (i32, i32) {
    %c0_i32 = arith.constant 0 : i32
    %c0_i32_0 = arith.constant 0 : i32
    %c0_i32_1 = arith.constant 0 : i32
    return %c0_i32, %c0_i32_0 : i32, i32
  }
  func.func @transform_3(%arg0: i32) -> (i32, i32) {
    %c0_i32 = arith.constant 0 : i32
    %c0_i32_0 = arith.constant 0 : i32
    return %arg0, %c0_i32 : i32, i32
  }
  func.func @transform_4(%arg0: i32) -> (i32, i32) {
    %c0_i32 = arith.constant 0 : i32
    %c0_i32_0 = arith.constant 0 : i32
    return %arg0, %c0_i32 : i32, i32
  }
}

module attributes {stable_mosaic.version = 14 : i64} {
  func.func @_reduce_body(%arg0: memref<32x40960xf32, #tpu.memory_space<vmem>>, %arg1: memref<1x40960xf32, #tpu.memory_space<vmem>>) attributes {dimension_semantics = [], scalar_prefetch = 0 : i64, scratch_operands = 0 : i64, tpu.core_type = #tpu.core_type<tc>} {
    %get3A = arith.constant 0 : index
    %get3A_0 = arith.constant 0 : index
    %get3A_1 = vector.load %arg0[%get3A, %get3A_0] : memref<32x40960xf32, #tpu.memory_space<vmem>>, vector<32x40960xf32>
    %reduce_sum3A = arith.constant dense<0.000000e+00> : vector<40960xf32>
    %reduce_sum3A_2 = vector.multi_reduction <add>, %get3A_1, %reduce_sum3A [0] : vector<32x40960xf32> to vector<40960xf32>
    %broadcast_in_dim3A = vector.shape_cast %reduce_sum3A_2 : vector<40960xf32> to vector<1x40960xf32>
    %swap3A = arith.constant 0 : index
    %swap3A_3 = arith.constant 0 : index
    %swap3A_4 = vector.load %arg1[%swap3A, %swap3A_3] : memref<1x40960xf32, #tpu.memory_space<vmem>>, vector<1x40960xf32>
    tpu.vector_store %arg1[%swap3A, %swap3A_3], %broadcast_in_dim3A {strides = array<i32>} : memref<1x40960xf32, #tpu.memory_space<vmem>>, vector<1x40960xf32>,
    return
  }
}

module attributes {stable_mosaic.version = 14 : i64} {
  func.func @_post_body(%arg0: memref<10000x256xf32, #tpu.memory_space<vmem>>, %arg1: memref<1x256xf32, #tpu.memory_space<vmem>>, %arg2: memref<1x256xf32, #tpu.memory_space<vmem>>, %arg3: memref<1x256xf32, #tpu.memory_space<vmem>>, %arg4: memref<10000x256xf32, #tpu.memory_space<vmem>>, %arg5: memref<10000x256xf32, #tpu.memory_space<vmem>>) attributes {dimension_semantics = [], scalar_prefetch = 0 : i64, scratch_operands = 0 : i64, tpu.core_type = #tpu.core_type<tc>} {
    %get3A = arith.constant 0 : index
    %get3A_0 = arith.constant 0 : index
    %get3A_1 = vector.load %arg0[%get3A, %get3A_0] : memref<10000x256xf32, #tpu.memory_space<vmem>>, vector<10000x256xf32>
    %get3A_2 = arith.constant 0 : index
    %get3A_3 = arith.constant 0 : index
    %get3A_4 = vector.load %arg1[%get3A_2, %get3A_3] : memref<1x256xf32, #tpu.memory_space<vmem>>, vector<1x256xf32>
    %add3A = vector.broadcast %get3A_4 : vector<1x256xf32> to vector<10000x256xf32>
    %add3A_5 = arith.addf %get3A_1, %add3A : vector<10000x256xf32>
    %reduce_sum3A = arith.constant dense<0.000000e+00> : vector<256xf32>
    %reduce_sum3A_6 = vector.multi_reduction <add>, %add3A_5, %reduce_sum3A [0] : vector<10000x256xf32> to vector<256xf32>
    %broadcast_in_dim3A = vector.shape_cast %reduce_sum3A_6 : vector<256xf32> to vector<1x256xf32>
    %div3A = arith.constant 1.000000e+04 : f32
    %div3A_7 = vector.broadcast %div3A : f32 to vector<1x256xf32>
    %div3A_8 = arith.divf %broadcast_in_dim3A, %div3A_7 : vector<1x256xf32>
    %sub3A = vector.broadcast %div3A_8 : vector<1x256xf32> to vector<10000x256xf32>
    %sub3A_9 = arith.subf %add3A_5, %sub3A : vector<10000x256xf32>
    %integer_pow3A = arith.mulf %sub3A_9, %sub3A_9 : vector<10000x256xf32>
    %reduce_sum3A_10 = arith.constant dense<0.000000e+00> : vector<256xf32>
    %reduce_sum3A_11 = vector.multi_reduction <add>, %integer_pow3A, %reduce_sum3A_10 [0] : vector<10000x256xf32> to vector<256xf32>
    %broadcast_in_dim3A_12 = vector.shape_cast %reduce_sum3A_11 : vector<256xf32> to vector<1x256xf32>
    %div3A_13 = arith.constant 1.000000e+04 : f32
    %div3A_14 = vector.broadcast %div3A_13 : f32 to vector<1x256xf32>
    %div3A_15 = arith.divf %broadcast_in_dim3A_12, %div3A_14 : vector<1x256xf32>
    %get3A_16 = arith.constant 0 : index
    %get3A_17 = arith.constant 0 : index
    %get3A_18 = vector.load %arg2[%get3A_16, %get3A_17] : memref<1x256xf32, #tpu.memory_space<vmem>>, vector<1x256xf32>
    %sub3A_19 = vector.broadcast %div3A_8 : vector<1x256xf32> to vector<10000x256xf32>
    %sub3A_20 = arith.subf %add3A_5, %sub3A_19 : vector<10000x256xf32>
    %mul3A = vector.broadcast %get3A_18 : vector<1x256xf32> to vector<10000x256xf32>
    %mul3A_21 = arith.mulf %mul3A, %sub3A_20 : vector<10000x256xf32>
    %add3A_22 = arith.constant 9.99999974E-6 : f32
    %add3A_23 = vector.broadcast %add3A_22 : f32 to vector<1x256xf32>
    %add3A_24 = arith.addf %div3A_15, %add3A_23 : vector<1x256xf32>
    %sqrt3A = math.sqrt %add3A_24 : vector<1x256xf32>
    %div3A_25 = vector.broadcast %sqrt3A : vector<1x256xf32> to vector<10000x256xf32>
    %div3A_26 = arith.divf %mul3A_21, %div3A_25 : vector<10000x256xf32>
    %get3A_27 = arith.constant 0 : index
    %get3A_28 = arith.constant 0 : index
    %get3A_29 = vector.load %arg3[%get3A_27, %get3A_28] : memref<1x256xf32, #tpu.memory_space<vmem>>, vector<1x256xf32>
    %add3A_30 = vector.broadcast %get3A_29 : vector<1x256xf32> to vector<10000x256xf32>
    %add3A_31 = arith.addf %div3A_26, %add3A_30 : vector<10000x256xf32>
    %max3A = arith.constant 0.000000e+00 : f32
    %max3A_32 = vector.broadcast %max3A : f32 to vector<10000x256xf32>
    %max3A_33 = arith.maximumf %add3A_31, %max3A_32 : vector<10000x256xf32>
    %get3A_34 = arith.constant 0 : index
    %get3A_35 = arith.constant 0 : index
    %get3A_36 = vector.load %arg4[%get3A_34, %get3A_35] : memref<10000x256xf32, #tpu.memory_space<vmem>>, vector<10000x256xf32>
    %add3A_37 = arith.addf %max3A_33, %get3A_36 : vector<10000x256xf32>
    %swap3A = arith.constant 0 : index
    %swap3A_38 = arith.constant 0 : index
    %swap3A_39 = vector.load %arg5[%swap3A, %swap3A_38] : memref<10000x256xf32, #tpu.memory_space<vmem>>, vector<10000x256xf32>
    tpu.vector_store %arg5[%swap3A, %swap3A_38], %add3A_37 {strides = array<i32>} : memref<10000x256xf32, #tpu.memory_space<vmem>>, vector<10000x256xf32>,
    return
  }
}

module attributes {stable_mosaic.version = 14 : i64} {
  func.func @_post_body(%arg0: memref<10000x256xf32, #tpu.memory_space<vmem>>, %arg1: memref<1x256xf32, #tpu.memory_space<vmem>>, %arg2: memref<1x256xf32, #tpu.memory_space<vmem>>, %arg3: memref<1x256xf32, #tpu.memory_space<vmem>>, %arg4: memref<10000x256xf32, #tpu.memory_space<vmem>>, %arg5: memref<10000x256xf32, #tpu.memory_space<vmem>>) attributes {dimension_semantics = [], scalar_prefetch = 0 : i64, scratch_operands = 0 : i64, tpu.core_type = #tpu.core_type<tc>} {
    %get3A = arith.constant 0 : index
    %get3A_0 = arith.constant 0 : index
    %get3A_1 = vector.load %arg0[%get3A, %get3A_0] : memref<10000x256xf32, #tpu.memory_space<vmem>>, vector<10000x256xf32>
    %get3A_2 = arith.constant 0 : index
    %get3A_3 = arith.constant 0 : index
    %get3A_4 = vector.load %arg1[%get3A_2, %get3A_3] : memref<1x256xf32, #tpu.memory_space<vmem>>, vector<1x256xf32>
    %add3A = vector.broadcast %get3A_4 : vector<1x256xf32> to vector<10000x256xf32>
    %add3A_5 = arith.addf %get3A_1, %add3A : vector<10000x256xf32>
    %reduce_sum3A = arith.constant dense<0.000000e+00> : vector<256xf32>
    %reduce_sum3A_6 = vector.multi_reduction <add>, %add3A_5, %reduce_sum3A [0] : vector<10000x256xf32> to vector<256xf32>
    %broadcast_in_dim3A = vector.shape_cast %reduce_sum3A_6 : vector<256xf32> to vector<1x256xf32>
    %div3A = arith.constant 1.000000e+04 : f32
    %div3A_7 = vector.broadcast %div3A : f32 to vector<1x256xf32>
    %div3A_8 = arith.divf %broadcast_in_dim3A, %div3A_7 : vector<1x256xf32>
    %sub3A = vector.broadcast %div3A_8 : vector<1x256xf32> to vector<10000x256xf32>
    %sub3A_9 = arith.subf %add3A_5, %sub3A : vector<10000x256xf32>
    %integer_pow3A = arith.mulf %sub3A_9, %sub3A_9 : vector<10000x256xf32>
    %reduce_sum3A_10 = arith.constant dense<0.000000e+00> : vector<256xf32>
    %reduce_sum3A_11 = vector.multi_reduction <add>, %integer_pow3A, %reduce_sum3A_10 [0] : vector<10000x256xf32> to vector<256xf32>
    %broadcast_in_dim3A_12 = vector.shape_cast %reduce_sum3A_11 : vector<256xf32> to vector<1x256xf32>
    %div3A_13 = arith.constant 1.000000e+04 : f32
    %div3A_14 = vector.broadcast %div3A_13 : f32 to vector<1x256xf32>
    %div3A_15 = arith.divf %broadcast_in_dim3A_12, %div3A_14 : vector<1x256xf32>
    %get3A_16 = arith.constant 0 : index
    %get3A_17 = arith.constant 0 : index
    %get3A_18 = vector.load %arg2[%get3A_16, %get3A_17] : memref<1x256xf32, #tpu.memory_space<vmem>>, vector<1x256xf32>
    %sub3A_19 = vector.broadcast %div3A_8 : vector<1x256xf32> to vector<10000x256xf32>
    %sub3A_20 = arith.subf %add3A_5, %sub3A_19 : vector<10000x256xf32>
    %mul3A = vector.broadcast %get3A_18 : vector<1x256xf32> to vector<10000x256xf32>
    %mul3A_21 = arith.mulf %mul3A, %sub3A_20 : vector<10000x256xf32>
    %add3A_22 = arith.constant 9.99999974E-6 : f32
    %add3A_23 = vector.broadcast %add3A_22 : f32 to vector<1x256xf32>
    %add3A_24 = arith.addf %div3A_15, %add3A_23 : vector<1x256xf32>
    %sqrt3A = math.sqrt %add3A_24 : vector<1x256xf32>
    %div3A_25 = vector.broadcast %sqrt3A : vector<1x256xf32> to vector<10000x256xf32>
    %div3A_26 = arith.divf %mul3A_21, %div3A_25 : vector<10000x256xf32>
    %get3A_27 = arith.constant 0 : index
    %get3A_28 = arith.constant 0 : index
    %get3A_29 = vector.load %arg3[%get3A_27, %get3A_28] : memref<1x256xf32, #tpu.memory_space<vmem>>, vector<1x256xf32>
    %add3A_30 = vector.broadcast %get3A_29 : vector<1x256xf32> to vector<10000x256xf32>
    %add3A_31 = arith.addf %div3A_26, %add3A_30 : vector<10000x256xf32>
    %max3A = arith.constant 0.000000e+00 : f32
    %max3A_32 = vector.broadcast %max3A : f32 to vector<10000x256xf32>
    %max3A_33 = arith.maximumf %add3A_31, %max3A_32 : vector<10000x256xf32>
    %get3A_34 = arith.constant 0 : index
    %get3A_35 = arith.constant 0 : index
    %get3A_36 = vector.load %arg4[%get3A_34, %get3A_35] : memref<10000x256xf32, #tpu.memory_space<vmem>>, vector<10000x256xf32>
    %add3A_37 = arith.addf %max3A_33, %get3A_36 : vector<10000x256xf32>
    %swap3A = arith.constant 0 : index
    %swap3A_38 = arith.constant 0 : index
    %swap3A_39 = vector.load %arg5[%swap3A, %swap3A_38] : memref<10000x256xf32, #tpu.memory_space<vmem>>, vector<10000x256xf32>
    tpu.vector_store %arg5[%swap3A, %swap3A_38], %add3A_37 {strides = array<i32>} : memref<10000x256xf32, #tpu.memory_space<vmem>>, vector<10000x256xf32>,
    return
  }
}

</mosaic_0001>

<sc_bundles>
// kernel: kernel.12.cloned.1.call-start
scs
__scs_entry_jumppad:
0x0: {  	(pc) =	sbr.rel $0x88, $3  }
0x1: {  	(tag) =	ssettag $0x0;
	lr =	simm.s32 $0x1  }
0x2: {  	[smem:$0x3F93] =	sst lr;
	_ =	strace $0xD0000000  }
0x3: {  	_ = 	snop  }
0x4: {  	_ = 	snop  }
0x5: {  	_ = 	snop  }
0x6: {  	_ = 	snop  }
0x7: {  	_ = 	snop  }
__scs_overlays_trampoline_lowered:
0x8: {  	[smem:$0x3FA2] =	sst s0  }
0x9: {  	[smem:$0x3FA3] =	sst s1  }
0xa: {  	[smem:$0x3FA4] =	sst s2  }
0xb: {  	[smem:$0x3FA5] =	sst s3  }
0xc: {  	[smem:$0x3FA6] =	sst s4  }
0xd: {  	[smem:$0x3FA7] =	sst s5  }
0xe: {  	[smem:$0x3FA8] =	sst s6  }
0xf: {  	[smem:$0x3FA9] =	sst s7  }
0x10: {  	[smem:$0x3FAA] =	sst s8  }
0x11: {  	[smem:$0x3FAB] =	sst s9;
	s0 =	simm.s32 @!p0 $0x0  }
0x12: {  	s1 =	sld [smem:$0x3F91];
	s0 =	simm.s32 @p0 $0x1  }
0x13: {  	[smem:$0x3FAC] =	sst s0;
	s0 =	simm.s32 @!p1 $0x0  }
0x14: {  	s2 =	sld [smem:$0x3F90];
	s0 =	simm.s32 @p1 $0x1  }
0x15: {  	[smem:$0x3FAD] =	sst s0;
	s0 =	simm.s32 @!p2 $0x0  }
0x16: {  	s3 =	sld [smem:$0x3FDB];
	s0 =	simm.s32 @p2 $0x1  }
0x17: {  	s4 =	simm.s32 $0x1BF5;
	[smem:$0x3FAF] =	sst s0  }
0x18: {  	s0 =	sld [smem:$0x3F92];
	_ =	swait.ge [sflag:s4], $0x0  }
0x19: {  	s7 =	sld [smem:$0x3F93]  }
0x1a: {  	s8 =	sadd.s32 $0xFFFFE003, lr  }
0x1b: {  	s9 =	sadd.s32 $0xFFFFFEF7, lr;
	s5 =	simm.s32 $0xFFFFFFFF;
	p2 =	slt.u32 s8, $0xFFFFF086  }
0x1c: {  	p1 =	slt.u32 s9, $0xF7A;
	s5 =	simm.s32 @!p2 $0x0  }
0x1d: {  	s5 =	simm.s32 @p1 $0x1;
	p0 =	seq.s32 s7, s2  }
0x1e: {  	s7 =	smul.u32 @!p0 $0xF7A, s2;
	p2 =	seq.s32 @!p0 s5, $0x0  }
0x1f: {  	s9 =	smul.u32 $0xF7A, s1;
	s8 =	simm.s32 @!p0 $0x1BF5;
	p2 =	por !p2, p0  }
0x20: {  	[sflag:s8] =	ssyncset.s32 @!p0 $0xFFFFF086;
	s6 =	sadd.s32 @!p0 s3, s7;
	s7 =	simm.s32 @!p0 $0x108  }
0x21: {  	s3 =	sadd.s32 s3, s9;
	s6 =	sadd.s32 @!p0 $0x88, s6;
	s7 =	simm.s32 @p2 $0x1082  }
0x22: {  	[simem:s7], [sflag:s8] =	dma.local @!p0 [hbm:s6], $0xF7A  }
0x23: {  	s9 =	sor.u32 $0xD0000000, s2;
	s6 =	simm.s32 $0x108;
	_ =	swait.ge @!p0 [sflag:s8], $0x0  }
0x24: {  	s3 =	sadd.s32 $0x88, s3;
	s6 =	simm.s32 @!p1 $0x1082;
	[sflag:s4] =	ssyncset.s32 $0xFFFFF086  }
0x25: {  	[simem:s6], [sflag:s4] =	dma.local [hbm:s3], $0xF7A  }
0x26: {  	[smem:$0x3F93] =	sst s1;
	(tag) =	ssettag s2;
	_ =	strace s9  }
0x27: {  	s1 =	sld [smem:$0x3FA3]  }
0x28: {  	s2 =	sld [smem:$0x3FA4]  }
0x29: {  	s4 =	sld [smem:$0x3FA6]  }
0x2a: {  	p0 =	seq.s32 s5, $0x0;
	s5 =	sld [smem:$0x3FA7]  }
0x2b: {  	s6 =	sld [smem:$0x3FA8]  }
0x2c: {  	s7 =	sld [smem:$0x3FA9]  }
0x2d: {  	s3 =	simm.s32 $0x108;
	s8 =	sld [smem:$0x3FAA]  }
0x2e: {  	s3 =	simm.s32 @!p0 $0x1082;
	s9 =	sld [smem:$0x3FAB]  }
0x2f: {  	lr =	sadd.s32 s0, s3;
	s0 =	sld [smem:$0x3FA2]  }
0x30: {  	s3 =	sld [smem:$0x3FA5]  }
0x31: {  	[smem:$0x3FAE] =	sst s10  }
0x32: {  	s10 =	sld [smem:$0x3FAC];
	_ =	sdelay $0x3  }
0x33: {  	p0 =	seq.s32 s10, $0x1;
	s10 =	sld [smem:$0x3FAE];
	_ =	sdelay $0x3  }
0x34: {  	[smem:$0x3FAE] =	sst s10  }
0x35: {  	s10 =	sld [smem:$0x3FAD];
	_ =	sdelay $0x3  }
0x36: {  	p1 =	seq.s32 s10, $0x1;
	s10 =	sld [smem:$0x3FAE];
	_ =	sdelay $0x3  }
0x37: {  	[smem:$0x3FAE] =	sst s10  }
0x38: {  	s10 =	sld [smem:$0x3FAF]  }
0x39: {  	_ = 	snop;
	(pc) =	sbr.ind lr, $3  }
0x3a: {  	_ = 	snop  }
0x3b: {  	_ = 	snop  }
0x3c: {  	p2 =	seq.s32 s10, $0x1;
	s10 =	sld [smem:$0x3FAE]  }
0x3d: {  	_ =	shalt  }
0x3e: {  	_ =	shalt  }
0x3f: {  	_ =	shalt  }
0x40: {  	_ =	shalt  }
0x41: {  	_ =	shalt  }
0x42: {  	_ =	shalt  }
0x43: {  	_ =	shalt  }
0x44: {  	_ =	shalt  }
0x45: {  	_ =	shalt  }
0x46: {  	_ =	shalt  }
0x47: {  	_ =	shalt  }
0x48: {  	_ =	shalt  }
0x49: {  	_ =	shalt  }
0x4a: {  	_ =	shalt  }
0x4b: {  	_ =	shalt  }
0x4c: {  	_ =	shalt  }
0x4d: {  	_ =	shalt  }
0x4e: {  	_ =	shalt  }
0x4f: {  	_ =	shalt  }
0x50: {  	_ =	shalt  }
0x51: {  	_ =	shalt  }
0x52: {  	_ =	shalt  }
0x53: {  	_ =	shalt  }
0x54: {  	_ =	shalt  }
0x55: {  	_ =	shalt  }
0x56: {  	_ =	shalt  }
0x57: {  	_ =	shalt  }
0x58: {  	_ =	shalt  }
0x59: {  	_ =	shalt  }
0x5a: {  	_ =	shalt  }
0x5b: {  	_ =	shalt  }
0x5c: {  	_ =	shalt  }
0x5d: {  	_ =	shalt  }
0x5e: {  	_ =	shalt  }
0x5f: {  	_ =	shalt  }
0x60: {  	_ =	shalt  }
0x61: {  	_ =	shalt  }
0x62: {  	_ =	shalt  }
0x63: {  	_ =	shalt  }
0x64: {  	_ =	shalt  }
0x65: {  	_ =	shalt  }
0x66: {  	_ =	shalt  }
0x67: {  	_ =	shalt  }
0x68: {  	_ =	shalt  }
0x69: {  	_ =	shalt  }
0x6a: {  	_ =	shalt  }
0x6b: {  	_ =	shalt  }
0x6c: {  	_ =	shalt  }
0x6d: {  	_ =	shalt  }
0x6e: {  	_ =	shalt  }
0x6f: {  	_ =	shalt  }
0x70: {  	_ =	shalt  }
0x71: {  	_ =	shalt  }
0x72: {  	_ =	shalt  }
0x73: {  	_ =	shalt  }
0x74: {  	_ =	shalt  }
0x75: {  	_ =	shalt  }
0x76: {  	_ =	shalt  }
0x77: {  	_ =	shalt  }
0x78: {  	_ =	shalt  }
0x79: {  	_ =	shalt  }
0x7a: {  	_ =	shalt  }
0x7b: {  	_ =	shalt  }
0x7c: {  	_ =	shalt  }
0x7d: {  	_ =	shalt  }
0x7e: {  	_ =	shalt  }
0x7f: {  	_ =	shalt  }
0x80: {  	_ =	shalt  }
0x81: {  	_ =	shalt  }
0x82: {  	_ =	shalt  }
0x83: {  	_ =	shalt  }
0x84: {  	_ =	shalt  }
0x85: {  	_ =	shalt  }
0x86: {  	_ =	shalt  }
0x87: {  	_ =	shalt  }
.Lfunc_end0:
.L_simem_size_0:
called_computation_lowered:
.L_overlay_start_0:
0x88: {  	s2 =	sld [smem:$0x3FD9]  }
0x89: {  	s3 =	sld [smem:$0x3FFE];
	_ =	sdelay $0x1  }
0x8a: {  	s1 =	srdreg.scid  }
0x8b: {  	s0 =	sand.u32 $0x1, s1  }
0x8c: {  	s17 =	sshll.u32 s0, $0xA;
	s2 =	sadd.s32 s3, s2  }
0x8d: {  	s2 =	sadd.s32 s2, s17  }
0x8e: {  	[smem:$0x3FBA] =	sst s2  }
0x8f: {  	_ = 	snop  }
0x90: {  	s2 =	sld [smem:$0x3FD0];
	(tm) =	ssettm $0x1  }
0x91: {  	s18 =	sld [smem:$0x3FFB];
	_ =	sdelay $0x3  }
0x92: {  	_ =	strace s18  }
0x93: {  	s3 =	sld [smem:$0x3FFC];
	_ =	sdelay $0x3  }
0x94: {  	_ =	strace s3  }
0x95: {  	s3 =	sld [smem:$0x3FFD];
	_ =	sdelay $0x3  }
0x96: {  	_ =	strace s3  }
0x97: {  	_ =	strace $0x8FFFFFFF  }
0x98: {  	s19 =	sld [smem:$0x3FDB];
	_ =	sdelay $0x1  }
0x99: {  	s4 =	simm.s32 $_scs_section_size  }
0x9a: {  	s5 =	simm.s32 $_size__tile_overlayer_lowered;
	s6 =	simm.s32 $_tile_overlayer_lowered  }
0x9b: {  	s22 =	simm.s32 $0x1BFF;
	s21 =	sshll.u32 s6, $0x1;
	s3 =	sadd.s32 s4, s19  }
0x9c: {  	s7 =	simm.s32 $0x0;
	s20 =	sshll.u32 s5, $0x1;
	s5 =	sadd.s32 s21, s3  }
0x9d: {  	[timem:s7], [sflag:s22] =	dma.local [hbm:s5], s20  }
0x9e: {  	_ =	swait.ge [sflag:s22], s20  }
0x9f: {  	s4 =	ssub.s32 $0x0, s20;
	[sflag:s22] =	ssyncset.done $0x0  }
0xa0: {  	[sflag:s22] =	ssyncadd.s32 s4;
	_ =	sdelay $0x1  }
0xa1: {  	s23 =	simm.s32 $0x1B8B  }
0xa2: {  	_ =	swait.ge [sflag:s23], $0x1  }
0xa3: {  	[sflag:s23] =	ssyncset.done $0x0  }
0xa4: {  	s25 =	simm.s32 $0x1B8E;
	s24 =	sld [smem:$0x3FFE];
	[sflag:s23] =	ssyncadd.s32 $0xFFFFFFFF  }
0xa5: {  	s26 =	simm.s32 $execute0_lowered;
	[smem:$0x3FD2] =	sst s25  }
0xa6: {  	s5 =	sshll.u32 s26, $0x1;
	_ =	strace $0x80000046;
	[dreg:$0x1] =	wrdreg $0xFFFFFFFF  }
0xa7: {  	s28 =	simm.s32 $_size_execute0_lowered;
	s3 =	sadd.s32 s3, s5;
	[dreg:$0x0] =	wrdreg $0x0  }
0xa8: {  	s5 =	sshll.u32 s28, $0x1;
	[dreg:$0x2] =	wrdreg s3  }
0xa9: {  	[dreg:$0x3] =	wrdreg s5  }
0xaa: {  	[dreg:$0x4] =	wrdreg $0xC0  }
0xab: {  	_ =	task [dreg:s7], $0x5FFFF  }
0xac: {  	[dreg:$0x1] =	wrdreg $0xFFFFFFFF  }
0xad: {  	[dreg:$0x0] =	wrdreg $0x60  }
0xae: {  	[dreg:$0x2] =	wrdreg s24  }
0xaf: {  	[dreg:$0x3] =	wrdreg s2  }
0xb0: {  	[dreg:$0x4] =	wrdreg $0x9  }
0xb1: {  	_ =	task.clear_ibuf [dreg:s7], $0x5FFFF;
	_ =	strace $0x90000046  }
0xb2: {  	s29 =	simm.s32 $0x9;
	_ =	strace $0x80000048  }
0xb3: {  	_ =	swait.ge [sflag:s29], $0x1  }
0xb4: {  	[sflag:s29] =	ssyncadd.s32 $0xFFFFFFFF  }
0xb5: {  	_ =	strace $0x90000048  }
0xb6: {  	_ =	sfence  }
0xb7: {  	s30 =	sld [smem:$0x0];
	_ =	sdelay $0x2  }
0xb8: {  	s31 =	sshll.u32 s1, $0xD;
	s1 =	sshrl.u32 s1, $0x2  }
0xb9: {  	s3 =	sand.u32 $0x4000, s31;
	s1 =	sadd.s32 s1, s30  }
0xba: {  	s0 =	sor.u32 s3, s0;
	s1 =	sshll.u32 s1, $0x11  }
0xbb: {  	s0 =	sor.u32 s1, s0  }
0xbc: {  	s0 =	sadd.s32 $0x8F2B, s0  }
0xbd: {  	[sflag:s0] =	ssyncadd.remote.s32 $0x1  }
0xbe: {  	_ =	sfence.sel $0xFFFF  }
0xbf: {  	[dreg:$0x0] =	wrdreg $0xFFFFFFFF;
	(pc) =	sbr.abs _section_cstart, $3  }
0xc0: {  	[dreg:$0x1] =	wrdreg $0xFFFFFFFF  }
0xc1: {  	_ =	task.clear_ibuf [dreg:s7], $0x2FFFF;
	_ =	strace $0x9FFFFFFF  }
0xc2: {  	(tm) =	ssettm $0x7FFFFFFF  }
0xc3: {  	_ =	shalt  }
tec
execute0_lowered:
.L_overlay_start_1:
0x0: {  	(tag) =	ssettag $0x1  }
0x1: {  	s5 =	rddreg [dreg:$0x0]  }
0x2: {  	s8 =	rddreg [dreg:$0x1]  }
0x3: {  	s0 =	rddreg [dreg:$0x2]  }
0x4: {  	s3 =	srdreg.scid;
	s1 =	stileid.u32;
	s2 =	simm.s32 $0x0  }
0x5: {  	s13 =	simm.s32 $0x11300;
	s14 =	simm.s32 $0xC480;
	s15 =	simm.s32 $0x80  }
0x6: {  	s16 =	simm.s32 $0x400;
	s17 =	simm.s32 $0x0;
	s6 =	sand.u32 $0x1, s3  }
0x7: {  	s29 =	sshll.u32 s1, $0x1;
	[smem:$0x7FF] =	sst s2;
	s11 =	sshrl.u32 s1, $0x2  }
0x8: {  	s3 =	sadd.s32 $0x145A00, s5;
	s7 =	sor.u32 s6, s29;
	s11 =	smul.u32 $0x50000, s11  }
0x9: {  	s4 =	sadd.s32 $0x144600, s5;
	s6 =	ssub.s32 $0x2, s6;
	s9 =	smul.u32 $0x271, s7  }
0xa: {  	s10 =	smul.u32 $0x9C4, s7;
	s7 =	sshll.u32 s7, $0x7;
	s30 =	sshrl.u32 s6, $0x1  }
0xb: {  	_ =	strace $0x80000047;
	s7 =	sand.u32 $0x380, s7;
	s31 =	ssub.s32 s6, s30  }
0xc: {  	s9 =	sadd.s32 s9, s5;
	s10 =	sadd.s32 s10, s5;
	s7 =	sor.u32 s11, s7  }
0xd: {  	s11 =	simm.s32 $0x1400;
	s5 =	sadd.s32 $0x6E00, s9;
	s12 =	sshrl.u32 s7, $0x3  }
0xe: {  	v2 =	vlaneseq.u32;
	s6 =	sadd.s32 $0x1E00, s9;
	s7 =	sadd.s32 $0x146E00, s10;
	s9 =	smax.u32 s31, $0x1  }
0xf: {  	v0 =	vimm.f32 $0.0e+00;
	v1 =	vshrl.u32 v2, $0x2;
	v2 =	vand.u32 $0x3, v2;
	s10 =	simm.s32 $0x1;
	s8 =	sadd.s32 s8, s12;
	s12 =	simm.s32 $0x2800  }
.LBB2_1:
0x10: {  	s18 =	simm.s32 $0x40;
	s19 =	simm.s32 $0x0  }
.LBB2_2:
0x11: {  	p0 =	sne.s32 s18, $0x27FC0;
	[tilespmem:s19+$0x11300] =	vst v0;
	s19 =	smov.u32 s18;
	s18 =	sadd.s32 $0x40, s18  }
.Ltmp0:
0x12: {  	(pc) =	sbr.rel @p0 .LBB2_2-.Ltmp0, $2  }
0x13: {  	_ =	sdelay $0x2  }
0x14: {  	s19 =	sshra.s32 s19, $0x2  }
0x15: {  	[tilespmem:s19+$0x11300] =	vst v0;
	s18 =	simm.s32 $0x0  }
0x16: {  	[tilespmem:s18], [sflag:$0x1] =	stream.linear.gather [hbm4b:s5+s18], $0x1388, $0x38;
	[tilespmem:$0x1B300] =	vst v63  }
0x17: {  	_ =	swait.ge [sflag:s10], $0x1388  }
0x18: {  	[sflag:s10] =	ssyncset.done $0x0  }
0x19: {  	[sflag:s10] =	ssyncadd.s32 $0xFFFFEC78  }
0x1a: {  	[tilespmem:s11], [sflag:$0x1] =	stream.linear.gather [hbm4b:s6+s18], $0x1388, $0x38;
	[tilespmem:$0x1B300] =	vst v63  }
0x1b: {  	_ =	swait.ge [sflag:s10], $0x1388  }
0x1c: {  	[sflag:s10] =	ssyncset.done $0x0  }
0x1d: {  	v3 =	vor.u32 s18, v1;
	[sflag:s10] =	ssyncadd.s32 $0xFFFFEC78  }
0x1e: {  	[tilespmem:s12], [sflag:$0x1] =	stream.linear.gather [hbm4b:s3+s18], $0x9C80, $0x38;
	[tilespmem:$0x1B300] =	vst v63  }
0x1f: {  	_ =	swait.ge [sflag:s10], $0x9C80  }
0x20: {  	[sflag:s10] =	ssyncset.done $0x0  }
0x21: {  	[sflag:s10] =	ssyncadd.s32 $0xFFFF6380  }
0x22: {  	v3 =	vld.idx.msk [tilespmem:v3+s2+$0x0], $0xffff;
	_ =	sdelay $0x4  }
0x23: {  	v3 =	vshll.u32 v3, $0x2  }
0x24: {  	v3 =	vor.u32 v2, v3;
	_ =	sdelay $0x4  }
0x25: {  	s30 =	simm.s32 $0x4;
	v3 =	vld.idx.msk [tilespmem:v3+s12+$0x0], $0xffff  }
0x26: {  	v4 =	vor.u32 s30, v1;
	_ =	sdelay $0x2  }
0x27: {  	s18 =	simm.s32 $0xC480  }
0x28: {  	[tilespmem:s18+$0x0] =	vst v3  }
0x29: {  	v3 =	vld.idx.msk [tilespmem:v4+s2+$0x0], $0xffff;
	_ =	sdelay $0x4  }
0x2a: {  	v3 =	vshll.u32 v3, $0x2  }
0x2b: {  	v3 =	vor.u32 v2, v3;
	_ =	sdelay $0x4  }
0x2c: {  	s31 =	simm.s32 $0x8;
	v3 =	vld.idx.msk [tilespmem:v3+s12+$0x0], $0xffff  }
0x2d: {  	s19 =	simm.s32 $0xC;
	v4 =	vor.u32 s31, v1  }
.LBB2_4:
0x2e: {  	p0 =	sne.s32 s19, $0x1384;
	_ =	sdelay $0x1  }
0x2f: {  	s18 =	sadd.s32 $0x10, s18  }
0x30: {  	[tilespmem:s18+$0x0] =	vst v3  }
0x31: {  	v3 =	vld.idx.msk [tilespmem:v4+s2+$0x0], $0xffff;
	_ =	sdelay $0x5  }
0x32: {  	v3 =	vshll.u32 v3, $0x2  }
0x33: {  	v3 =	vor.u32 v2, v3;
	_ =	sdelay $0x2  }
.Ltmp1:
0x34: {  	(pc) =	sbr.rel @p0 .LBB2_4-.Ltmp1, $3  }
0x35: {  	_ = 	snop  }
0x36: {  	v3 =	vld.idx.msk [tilespmem:v3+s12+$0x0], $0xffff;
	_ =	sdelay $0x1  }
0x37: {  	v4 =	vor.u32 s19, v1;
	s19 =	sadd.s32 $0x4, s19  }
0x38: {  	_ =	sdelay $0x1  }
0x39: {  	s18 =	sadd.s32 $0x10, s18  }
0x3a: {  	[tilespmem:s18+$0x0] =	vst v3  }
0x3b: {  	v3 =	vld.idx.msk [tilespmem:v4+s2+$0x0], $0xffff;
	_ =	sdelay $0x4  }
0x3c: {  	v3 =	vshll.u32 v3, $0x2  }
0x3d: {  	v3 =	vor.u32 v2, v3;
	_ =	sdelay $0x4  }
0x3e: {  	v3 =	vld.idx.msk [tilespmem:v3+s12+$0x0], $0xffff;
	_ =	sdelay $0x3  }
0x3f: {  	s19 =	simm.s32 $0x0;
	s18 =	sadd.s32 $0x10, s18  }
0x40: {  	[tilespmem:s18+$0x0] =	vst v3;
	v3 =	vor.u32 s19, v1  }
0x41: {  	[tilespmem:s12], [sflag:$0x1] =	stream.linear.gather [hbm4b:s4+s19], $0x9C80, $0x38;
	[tilespmem:$0x1B300] =	vst v63  }
0x42: {  	_ =	swait.ge [sflag:s10], $0x9C80  }
0x43: {  	[sflag:s10] =	ssyncset.done $0x0  }
0x44: {  	[sflag:s10] =	ssyncadd.s32 $0xFFFF6380  }
0x45: {  	v3 =	vld.idx.msk [tilespmem:v3+s11+$0x0], $0xffff;
	_ =	sdelay $0x4  }
0x46: {  	v3 =	vshll.u32 v3, $0x2  }
0x47: {  	v3 =	vor.u32 v2, v3;
	_ =	sdelay $0x2  }
0x48: {  	s18 =	simm.s32 $0xC480  }
0x49: {  	v5 =	vld [tilespmem:s18+$0x0]  }
0x4a: {  	v4 =	vld.idx.msk [tilespmem:v3+s12+$0x0], $0xffff;
	_ =	sdelay $0x4  }
0x4b: {  	v4 =	vadd.f32 v5, v4;
	_ =	sdelay $0x1  }
0x4c: {  	v5 =	vmul.f32 $2.000000030e-01, v4;
	_ =	sdelay $0x1  }
0x4d: {  	v4 =	vmax.f32 v4, v5  }
0x4e: {  	v4 =	vmul.f32 $1.442695020e+00, v4;
	_ =	sdelay $0x1  }
0x4f: {  	(erf) = vpow2.f32 v4;
	_ =	sdelay $0x5  }
0x50: {  	s31 =	simm.s32 $0x4  }
0x51: {  	v4 =	vor.u32 s31, v1  }
0x52: {  	s19 =	simm.s32 $0x8  }
.LBB2_6:
0x53: {  	p0 =	sne.s32 s19, $0x1384;
	v5 =	vpop (erf)  }
0x54: {  	[tilespmem:s18+$0x0] =	vst v5  }
0x55: {  	[tilespmem:v3+s13+$0x0] =	vst.idx.add.f32.msk $0xffff, v5  }
0x56: {  	v3 =	vld.idx.msk [tilespmem:v4+s11+$0x0], $0xffff;
	_ =	sdelay $0x5  }
0x57: {  	v3 =	vshll.u32 v3, $0x2  }
0x58: {  	v3 =	vor.u32 v2, v3;
	_ =	sdelay $0x4  }
0x59: {  	s18 =	sadd.s32 $0x10, s18;
	v4 =	vld.idx.msk [tilespmem:v3+s12+$0x0], $0xffff  }
0x5a: {  	v5 =	vld [tilespmem:s18+$0x0];
	_ =	sdelay $0x4  }
0x5b: {  	v4 =	vadd.f32 v5, v4;
	_ =	sdelay $0x1  }
0x5c: {  	v5 =	vmul.f32 $2.000000030e-01, v4;
	_ =	sdelay $0x1  }
0x5d: {  	v4 =	vmax.f32 v4, v5  }
0x5e: {  	v4 =	vmul.f32 $1.442695020e+00, v4;
	_ =	sdelay $0x1  }
0x5f: {  	(erf) = vpow2.f32 v4;
	_ =	sdelay $0x3  }
.Ltmp2:
0x60: {  	(pc) =	sbr.rel @p0 .LBB2_6-.Ltmp2, $3  }
0x61: {  	_ =	sdelay $0x1  }
0x62: {  	v4 =	vor.u32 s19, v1  }
0x63: {  	s19 =	sadd.s32 $0x4, s19  }
0x64: {  	_ =	sdelay $0x1  }
0x65: {  	v5 =	vpop (erf)  }
0x66: {  	[tilespmem:s18+$0x0] =	vst v5  }
0x67: {  	[tilespmem:v3+s13+$0x0] =	vst.idx.add.f32.msk $0xffff, v5  }
0x68: {  	v3 =	vld.idx.msk [tilespmem:v4+s11+$0x0], $0xffff;
	_ =	sdelay $0x4  }
0x69: {  	v3 =	vshll.u32 v3, $0x2  }
0x6a: {  	v3 =	vor.u32 v2, v3;
	_ =	sdelay $0x2  }
0x6b: {  	s31 =	sadd.s32 $0x10, s18  }
0x6c: {  	v5 =	vld [tilespmem:s31+$0x0]  }
0x6d: {  	v63 =	vld.idx.msk [tilespmem:v3+s12+$0x0], $0xffff;
	_ =	sdelay $0x4  }
0x6e: {  	v4 =	vadd.f32 v5, v63;
	_ =	sdelay $0x1  }
0x6f: {  	v5 =	vmul.f32 $2.000000030e-01, v4;
	_ =	sdelay $0x1  }
0x70: {  	v4 =	vmax.f32 v4, v5  }
0x71: {  	v4 =	vmul.f32 $1.442695020e+00, v4;
	_ =	sdelay $0x1  }
0x72: {  	(erf) = vpow2.f32 v4;
	_ =	sdelay $0x8  }
0x73: {  	v4 =	vpop (erf)  }
0x74: {  	[tilespmem:s31+$0x0] =	vst v4  }
0x75: {  	[tilespmem:v3+s13+$0x0] =	vst.idx.add.f32.msk $0xffff, v4  }
0x76: {  	[hbm4b:s7+s2] =	stream.linear.scatter [tilespmem:s14], [sflag:$0x1], $0x4E20, $0x38;
	[tilespmem:$0x1B300] =	vst v63  }
0x77: {  	s17 =	sadd.s32 $0x1, s17;
	_ =	swait.ge [sflag:s10], $0x4E20  }
0x78: {  	p0 =	sne.s32 s17, s9;
	[sflag:s10] =	ssyncset.done $0x0  }
.Ltmp3:
0x79: {  	[sflag:s10] =	ssyncadd.s32 $0xFFFFB1E0;
	(pc) =	sbr.rel @p0 .LBB2_1-.Ltmp3, $4  }
0x7a: {  	[hbm4b:s8+s15] =	stream.strided.scatter [tilespmem:s13], [sflag:$0x1], $0xA000, s16, s15, $0x38;
	[tilespmem:$0x1B300] =	vst v63  }
0x7b: {  	_ =	swait.ge [sflag:s10], $0xA000  }
0x7c: {  	[sflag:s10] =	ssyncset.done $0x0  }
0x7d: {  	[sflag:s10] =	ssyncadd.s32 $0xFFFF6000  }
0x7e: {  	_ =	sfence.sel $0x180000  }
0x7f: {  	[bflag:$0x0] =	sbarrier.arrive $0xFFFF  }
0x80: {  	p0 =	sne.s32 s1, $0x0;
	_ =	strace $0x90000047  }
0x81: {  	s0 =	sadd.s32 @!p0 $0x100000, s0;
	[bflag:$0x2] =	sbarrier.arrive $0xFFFF  }
0x82: {  	[sflag:s0] =	ssyncadd.tile.s32 @!p0 $0x1;
	_ =	shalt  }
.Lfunc_end2:
_tile_overlayer_lowered:
.L_overlay_start_2:
0x83: {  	(tag) =	ssettag $0x2  }
0x84: {  	s0 =	rddreg [dreg:$0x0];
	s2 =	stileid.u32  }
0x85: {  	s1 =	rddreg [dreg:$0x1];
	p0 =	sne.s32 s2, $0x0  }
0x86: {  	s3 =	rddreg [dreg:$0x2];
	[bflag:$0x3] =	sbarrier.arrive $0xFFFF;
	s2 =	simm.s32 @!p0 $0x1C01  }
0x87: {  	[timem:s3], [sflag:s2] =	dma.local @!p0 [hbm:s0], s1  }
0x88: {  	s0 =	simm.s32 @!p0 $0x1  }
0x89: {  	_ =	swait.ge @!p0 [sflag:s0], s1  }
0x8a: {  	s1 =	ssub.s32 @!p0 $0x0, s1;
	[sflag:s0] =	ssyncset.done @!p0 $0x0  }
0x8b: {  	[sflag:s0] =	ssyncadd.s32 @!p0 s1  }
0x8c: {  	[bflag:$0x3] =	sbarrier.arrive $0xFFFF  }
0x8d: {  	_ =	shalt  }

// kernel: kernel.15.cloned.1.call-start
scs
__scs_entry_jumppad:
0x0: {  	(pc) =	sbr.rel $0x88, $3  }
0x1: {  	(tag) =	ssettag $0x0;
	lr =	simm.s32 $0x1  }
0x2: {  	[smem:$0x3F93] =	sst lr;
	_ =	strace $0xD0000000  }
0x3: {  	_ = 	snop  }
0x4: {  	_ = 	snop  }
0x5: {  	_ = 	snop  }
0x6: {  	_ = 	snop  }
0x7: {  	_ = 	snop  }
__scs_overlays_trampoline_lowered:
0x8: {  	[smem:$0x3FA2] =	sst s0  }
0x9: {  	[smem:$0x3FA3] =	sst s1  }
0xa: {  	[smem:$0x3FA4] =	sst s2  }
0xb: {  	[smem:$0x3FA5] =	sst s3  }
0xc: {  	[smem:$0x3FA6] =	sst s4  }
0xd: {  	[smem:$0x3FA7] =	sst s5  }
0xe: {  	[smem:$0x3FA8] =	sst s6  }
0xf: {  	[smem:$0x3FA9] =	sst s7  }
0x10: {  	[smem:$0x3FAA] =	sst s8  }
0x11: {  	[smem:$0x3FAB] =	sst s9;
	s0 =	simm.s32 @!p0 $0x0  }
0x12: {  	s1 =	sld [smem:$0x3F91];
	s0 =	simm.s32 @p0 $0x1  }
0x13: {  	[smem:$0x3FAC] =	sst s0;
	s0 =	simm.s32 @!p1 $0x0  }
0x14: {  	s2 =	sld [smem:$0x3F90];
	s0 =	simm.s32 @p1 $0x1  }
0x15: {  	[smem:$0x3FAD] =	sst s0;
	s0 =	simm.s32 @!p2 $0x0  }
0x16: {  	s3 =	sld [smem:$0x3FDB];
	s0 =	simm.s32 @p2 $0x1  }
0x17: {  	s4 =	simm.s32 $0x1BF5;
	[smem:$0x3FAF] =	sst s0  }
0x18: {  	s0 =	sld [smem:$0x3F92];
	_ =	swait.ge [sflag:s4], $0x0  }
0x19: {  	s7 =	sld [smem:$0x3F93]  }
0x1a: {  	s8 =	sadd.s32 $0xFFFFE003, lr  }
0x1b: {  	s9 =	sadd.s32 $0xFFFFFEF7, lr;
	s5 =	simm.s32 $0xFFFFFFFF;
	p2 =	slt.u32 s8, $0xFFFFF086  }
0x1c: {  	p1 =	slt.u32 s9, $0xF7A;
	s5 =	simm.s32 @!p2 $0x0  }
0x1d: {  	s5 =	simm.s32 @p1 $0x1;
	p0 =	seq.s32 s7, s2  }
0x1e: {  	s7 =	smul.u32 @!p0 $0xF7A, s2;
	p2 =	seq.s32 @!p0 s5, $0x0  }
0x1f: {  	s9 =	smul.u32 $0xF7A, s1;
	s8 =	simm.s32 @!p0 $0x1BF5;
	p2 =	por !p2, p0  }
0x20: {  	[sflag:s8] =	ssyncset.s32 @!p0 $0xFFFFF086;
	s6 =	sadd.s32 @!p0 s3, s7;
	s7 =	simm.s32 @!p0 $0x108  }
0x21: {  	s3 =	sadd.s32 s3, s9;
	s6 =	sadd.s32 @!p0 $0x88, s6;
	s7 =	simm.s32 @p2 $0x1082  }
0x22: {  	[simem:s7], [sflag:s8] =	dma.local @!p0 [hbm:s6], $0xF7A  }
0x23: {  	s9 =	sor.u32 $0xD0000000, s2;
	s6 =	simm.s32 $0x108;
	_ =	swait.ge @!p0 [sflag:s8], $0x0  }
0x24: {  	s3 =	sadd.s32 $0x88, s3;
	s6 =	simm.s32 @!p1 $0x1082;
	[sflag:s4] =	ssyncset.s32 $0xFFFFF086  }
0x25: {  	[simem:s6], [sflag:s4] =	dma.local [hbm:s3], $0xF7A  }
0x26: {  	[smem:$0x3F93] =	sst s1;
	(tag) =	ssettag s2;
	_ =	strace s9  }
0x27: {  	s1 =	sld [smem:$0x3FA3]  }
0x28: {  	s2 =	sld [smem:$0x3FA4]  }
0x29: {  	s4 =	sld [smem:$0x3FA6]  }
0x2a: {  	p0 =	seq.s32 s5, $0x0;
	s5 =	sld [smem:$0x3FA7]  }
0x2b: {  	s6 =	sld [smem:$0x3FA8]  }
0x2c: {  	s7 =	sld [smem:$0x3FA9]  }
0x2d: {  	s3 =	simm.s32 $0x108;
	s8 =	sld [smem:$0x3FAA]  }
0x2e: {  	s3 =	simm.s32 @!p0 $0x1082;
	s9 =	sld [smem:$0x3FAB]  }
0x2f: {  	lr =	sadd.s32 s0, s3;
	s0 =	sld [smem:$0x3FA2]  }
0x30: {  	s3 =	sld [smem:$0x3FA5]  }
0x31: {  	[smem:$0x3FAE] =	sst s10  }
0x32: {  	s10 =	sld [smem:$0x3FAC];
	_ =	sdelay $0x3  }
0x33: {  	p0 =	seq.s32 s10, $0x1;
	s10 =	sld [smem:$0x3FAE];
	_ =	sdelay $0x3  }
0x34: {  	[smem:$0x3FAE] =	sst s10  }
0x35: {  	s10 =	sld [smem:$0x3FAD];
	_ =	sdelay $0x3  }
0x36: {  	p1 =	seq.s32 s10, $0x1;
	s10 =	sld [smem:$0x3FAE];
	_ =	sdelay $0x3  }
0x37: {  	[smem:$0x3FAE] =	sst s10  }
0x38: {  	s10 =	sld [smem:$0x3FAF]  }
0x39: {  	_ = 	snop;
	(pc) =	sbr.ind lr, $3  }
0x3a: {  	_ = 	snop  }
0x3b: {  	_ = 	snop  }
0x3c: {  	p2 =	seq.s32 s10, $0x1;
	s10 =	sld [smem:$0x3FAE]  }
0x3d: {  	_ =	shalt  }
0x3e: {  	_ =	shalt  }
0x3f: {  	_ =	shalt  }
0x40: {  	_ =	shalt  }
0x41: {  	_ =	shalt  }
0x42: {  	_ =	shalt  }
0x43: {  	_ =	shalt  }
0x44: {  	_ =	shalt  }
0x45: {  	_ =	shalt  }
0x46: {  	_ =	shalt  }
0x47: {  	_ =	shalt  }
0x48: {  	_ =	shalt  }
0x49: {  	_ =	shalt  }
0x4a: {  	_ =	shalt  }
0x4b: {  	_ =	shalt  }
0x4c: {  	_ =	shalt  }
0x4d: {  	_ =	shalt  }
0x4e: {  	_ =	shalt  }
0x4f: {  	_ =	shalt  }
0x50: {  	_ =	shalt  }
0x51: {  	_ =	shalt  }
0x52: {  	_ =	shalt  }
0x53: {  	_ =	shalt  }
0x54: {  	_ =	shalt  }
0x55: {  	_ =	shalt  }
0x56: {  	_ =	shalt  }
0x57: {  	_ =	shalt  }
0x58: {  	_ =	shalt  }
0x59: {  	_ =	shalt  }
0x5a: {  	_ =	shalt  }
0x5b: {  	_ =	shalt  }
0x5c: {  	_ =	shalt  }
0x5d: {  	_ =	shalt  }
0x5e: {  	_ =	shalt  }
0x5f: {  	_ =	shalt  }
0x60: {  	_ =	shalt  }
0x61: {  	_ =	shalt  }
0x62: {  	_ =	shalt  }
0x63: {  	_ =	shalt  }
0x64: {  	_ =	shalt  }
0x65: {  	_ =	shalt  }
0x66: {  	_ =	shalt  }
0x67: {  	_ =	shalt  }
0x68: {  	_ =	shalt  }
0x69: {  	_ =	shalt  }
0x6a: {  	_ =	shalt  }
0x6b: {  	_ =	shalt  }
0x6c: {  	_ =	shalt  }
0x6d: {  	_ =	shalt  }
0x6e: {  	_ =	shalt  }
0x6f: {  	_ =	shalt  }
0x70: {  	_ =	shalt  }
0x71: {  	_ =	shalt  }
0x72: {  	_ =	shalt  }
0x73: {  	_ =	shalt  }
0x74: {  	_ =	shalt  }
0x75: {  	_ =	shalt  }
0x76: {  	_ =	shalt  }
0x77: {  	_ =	shalt  }
0x78: {  	_ =	shalt  }
0x79: {  	_ =	shalt  }
0x7a: {  	_ =	shalt  }
0x7b: {  	_ =	shalt  }
0x7c: {  	_ =	shalt  }
0x7d: {  	_ =	shalt  }
0x7e: {  	_ =	shalt  }
0x7f: {  	_ =	shalt  }
0x80: {  	_ =	shalt  }
0x81: {  	_ =	shalt  }
0x82: {  	_ =	shalt  }
0x83: {  	_ =	shalt  }
0x84: {  	_ =	shalt  }
0x85: {  	_ =	shalt  }
0x86: {  	_ =	shalt  }
0x87: {  	_ =	shalt  }
.Lfunc_end0:
.L_simem_size_0:
called_computation.1_lowered:
.L_overlay_start_0:
0x88: {  	s2 =	sld [smem:$0x3FD9]  }
0x89: {  	s3 =	sld [smem:$0x3FFE];
	_ =	sdelay $0x1  }
0x8a: {  	s1 =	srdreg.scid  }
0x8b: {  	s0 =	sand.u32 $0x1, s1  }
0x8c: {  	s17 =	sshll.u32 s0, $0xA;
	s2 =	sadd.s32 s3, s2  }
0x8d: {  	s2 =	sadd.s32 s2, s17  }
0x8e: {  	[smem:$0x3FBA] =	sst s2  }
0x8f: {  	_ = 	snop  }
0x90: {  	s2 =	sld [smem:$0x3FD0];
	(tm) =	ssettm $0x1  }
0x91: {  	s18 =	sld [smem:$0x3FFB];
	_ =	sdelay $0x3  }
0x92: {  	_ =	strace s18  }
0x93: {  	s3 =	sld [smem:$0x3FFC];
	_ =	sdelay $0x3  }
0x94: {  	_ =	strace s3  }
0x95: {  	s3 =	sld [smem:$0x3FFD];
	_ =	sdelay $0x3  }
0x96: {  	_ =	strace s3  }
0x97: {  	_ =	strace $0x8FFFFFFF  }
0x98: {  	s19 =	sld [smem:$0x3FDB];
	_ =	sdelay $0x1  }
0x99: {  	s4 =	simm.s32 $_scs_section_size  }
0x9a: {  	s5 =	simm.s32 $_size__tile_overlayer_lowered;
	s6 =	simm.s32 $_tile_overlayer_lowered  }
0x9b: {  	s22 =	simm.s32 $0x1BFF;
	s21 =	sshll.u32 s6, $0x1;
	s3 =	sadd.s32 s4, s19  }
0x9c: {  	s7 =	simm.s32 $0x0;
	s20 =	sshll.u32 s5, $0x1;
	s5 =	sadd.s32 s21, s3  }
0x9d: {  	[timem:s7], [sflag:s22] =	dma.local [hbm:s5], s20  }
0x9e: {  	_ =	swait.ge [sflag:s22], s20  }
0x9f: {  	s4 =	ssub.s32 $0x0, s20;
	[sflag:s22] =	ssyncset.done $0x0  }
0xa0: {  	[sflag:s22] =	ssyncadd.s32 s4;
	_ =	sdelay $0x1  }
0xa1: {  	s23 =	simm.s32 $0x1B8B  }
0xa2: {  	_ =	swait.ge [sflag:s23], $0x1  }
0xa3: {  	[sflag:s23] =	ssyncset.done $0x0  }
0xa4: {  	s25 =	simm.s32 $0x1B8E;
	s24 =	sld [smem:$0x3FFE];
	[sflag:s23] =	ssyncadd.s32 $0xFFFFFFFF  }
0xa5: {  	s26 =	simm.s32 $execute0_lowered;
	[smem:$0x3FD2] =	sst s25  }
0xa6: {  	s5 =	sshll.u32 s26, $0x1;
	_ =	strace $0x80000049;
	[dreg:$0x1] =	wrdreg $0xFFFFFFFF  }
0xa7: {  	s28 =	simm.s32 $_size_execute0_lowered;
	s3 =	sadd.s32 s3, s5;
	[dreg:$0x0] =	wrdreg $0x0  }
0xa8: {  	s5 =	sshll.u32 s28, $0x1;
	[dreg:$0x2] =	wrdreg s3  }
0xa9: {  	[dreg:$0x3] =	wrdreg s5  }
0xaa: {  	[dreg:$0x4] =	wrdreg $0xC0  }
0xab: {  	_ =	task [dreg:s7], $0x5FFFF  }
0xac: {  	[dreg:$0x1] =	wrdreg $0xFFFFFFFF  }
0xad: {  	[dreg:$0x0] =	wrdreg $0x60  }
0xae: {  	[dreg:$0x2] =	wrdreg s24  }
0xaf: {  	[dreg:$0x3] =	wrdreg s2  }
0xb0: {  	[dreg:$0x4] =	wrdreg $0x9  }
0xb1: {  	_ =	task.clear_ibuf [dreg:s7], $0x5FFFF;
	_ =	strace $0x90000049  }
0xb2: {  	s29 =	simm.s32 $0x9;
	_ =	strace $0x8000004B  }
0xb3: {  	_ =	swait.ge [sflag:s29], $0x1  }
0xb4: {  	[sflag:s29] =	ssyncadd.s32 $0xFFFFFFFF  }
0xb5: {  	_ =	strace $0x9000004B  }
0xb6: {  	_ =	sfence  }
0xb7: {  	s30 =	sld [smem:$0x0];
	_ =	sdelay $0x2  }
0xb8: {  	s31 =	sshll.u32 s1, $0xD;
	s1 =	sshrl.u32 s1, $0x2  }
0xb9: {  	s3 =	sand.u32 $0x4000, s31;
	s1 =	sadd.s32 s1, s30  }
0xba: {  	s0 =	sor.u32 s3, s0;
	s1 =	sshll.u32 s1, $0x11  }
0xbb: {  	s0 =	sor.u32 s1, s0  }
0xbc: {  	s0 =	sadd.s32 $0x8F2B, s0  }
0xbd: {  	[sflag:s0] =	ssyncadd.remote.s32 $0x1  }
0xbe: {  	_ =	sfence.sel $0xFFFF  }
0xbf: {  	[dreg:$0x0] =	wrdreg $0xFFFFFFFF;
	(pc) =	sbr.abs _section_cstart, $3  }
0xc0: {  	[dreg:$0x1] =	wrdreg $0xFFFFFFFF  }
0xc1: {  	_ =	task.clear_ibuf [dreg:s7], $0x2FFFF;
	_ =	strace $0x9FFFFFFF  }
0xc2: {  	(tm) =	ssettm $0x7FFFFFFF  }
0xc3: {  	_ =	shalt  }
tec
execute0_lowered:
.L_overlay_start_1:
0x0: {  	(tag) =	ssettag $0x1  }
0x1: {  	s0 =	rddreg [dreg:$0x0]  }
0x2: {  	s1 =	rddreg [dreg:$0x1];
	s2 =	srdreg.scid  }
0x3: {  	s3 =	stileid.u32;
	s4 =	simm.s32 $0x0;
	s13 =	simm.s32 $0x4780  }
0x4: {  	s15 =	simm.s32 $0x2800;
	s16 =	simm.s32 $0x1;
	s17 =	simm.s32 $0x4D00  }
0x5: {  	s18 =	simm.s32 $0x5500;
	s19 =	simm.s32 $0x5D00;
	s20 =	simm.s32 $0x6500  }
0x6: {  	s21 =	simm.s32 $0x6D00;
	s22 =	simm.s32 $0x7500;
	s28 =	simm.s32 $0x8D00  }
0x7: {  	s29 =	simm.s32 $0x8E00;
	s2 =	sand.u32 $0x1, s2;
	s3 =	sshll.u32 s3, $0x1  }
0x8: {  	[smem:$0x7FF] =	sst s4;
	s6 =	sadd.s32 $0x6E00, s0;
	s24 =	sadd.s32 $0x1E00, s0  }
0x9: {  	v2 =	vimm.f32 $0.0e+00;
	s7 =	sadd.s32 $0x146E00, s0;
	s8 =	sadd.s32 $0xBF00, s0;
	s9 =	sadd.s32 $0xC000, s0  }
0xa: {  	v3 =	vlaneseq.u32;
	v4 =	vimm.s32 $0x0;
	v5 =	vimm.s32 $0x140;
	s10 =	sadd.s32 $0xC100, s0;
	s23 =	sor.u32 s2, s3;
	_ =	strace $0x8000004A  }
0xb: {  	vm0 =	vmmov $0xffff;
	v7 =	vshrl.u32 v3, $0x3;
	v6 =	vand.u32 $0x7, v3;
	s3 =	sadd.s32 $0xBE00, s0;
	[dreg:$0x3] =	wrdreg s6;
	s5 =	smul.u32 $0x140, s23  }
0xc: {  	v8 =	vor.u32 $0x8, v3;
	v9 =	vshrl.u32 v3, $0x2;
	v10 =	vand.u32 $0x3, v3;
	[dreg:$0x4] =	wrdreg s24;
	s2 =	ssub.s32 $0x2, s2;
	s25 =	smul.u32 $0x2800, s23  }
0xd: {  	v11 =	vor.u32 $0x10, v3;
	v12 =	vor.u32 $0x20, v3;
	v13 =	vor.u32 $0x30, v3;
	[dreg:$0x5] =	wrdreg s7;
	s24 =	simm.s32 $0x8500;
	s4 =	smul.u32 $0xA0, s23  }
.Ltmp0:
0xe: {  	v14 =	vor.u32 $0x40, v3;
	v15 =	vor.u32 $0x50, v3;
	v16 =	vor.u32 $0x60, v3;
	s26 =	sshrl.u32 s2, $0x1;
	s23 =	simm.s32 $0x7D00;
	(pc) =	sbr.rel .LBB2_1-.Ltmp0, $4  }
0xf: {  	v17 =	vor.u32 $0x70, v3;
	v18 =	vor.u32 $0x80, v3;
	v19 =	vor.u32 $0x90, v3;
	s2 =	ssub.s32 s2, s26;
	s26 =	simm.s32 $0x1800;
	s1 =	sadd.s32 s1, s4  }
0x10: {  	v20 =	vor.u32 $0xA0, v3;
	v21 =	vor.u32 $0xB0, v3;
	v22 =	vor.u32 $0xC0, v3;
	s6 =	sadd.s32 s25, s0;
	s31 =	smax.u32 s2, $0x1;
	[dreg:$0x6] =	wrdreg s1  }
0x11: {  	v23 =	vor.u32 $0xD0, v3;
	v24 =	vor.u32 $0xE0, v3;
	v0 =	vmov s5;
	s5 =	sadd.s32 $0x140, s5;
	s30 =	sadd.s32 $0x15A800, s6;
	[dreg:$0x8] =	wrdreg s31  }
0x12: {  	v25 =	vor.u32 $0xF0, v3;
	v7 =	vmul.u32 $0x8, v7;
	s25 =	simm.s32 $0x2000;
	s2 =	simm.s32 $0x0;
	v1 =	vmov s5;
	[dreg:$0x7] =	wrdreg s30  }
.LBB2_11:
0x13: {  	s0 =	simm.s32 $0x0;
	s1 =	rddreg [dreg:$0x7];
	s30 =	simm.s32 $0x2  }
0x14: {  	[hbm4b:s1+s0] =	stream.linear.scatter [tilespmem:s29], [sflag:$0x2], $0x14000, $0x38;
	[tilespmem:$0x1D600] =	vst v63  }
0x15: {  	_ =	swait.ge [sflag:s30], $0x14000  }
0x16: {  	s2 =	rddreg [dreg:$0x9]  }
0x17: {  	s31 =	rddreg [dreg:$0x8];
	s2 =	sadd.s32 $0x1, s2  }
0x18: {  	p0 =	sne.s32 s2, s31  }
.Ltmp1:
0x19: {  	_ = 	snop;
	(pc) =	sbr.rel @!p0 .LBB2_12-.Ltmp1, $3  }
0x1a: {  	_ =	sdelay $0x1  }
0x1b: {  	[sflag:s30] =	ssyncset.done $0x0  }
0x1c: {  	[sflag:s30] =	ssyncadd.s32 $0xFFFEC000  }
.LBB2_1:
0x1d: {  	[dreg:$0x9] =	wrdreg s2;
	s0 =	simm.s32 $0x40;
	s1 =	simm.s32 $0x0  }
.LBB2_2:
0x1e: {  	p0 =	sne.s32 s0, $0x51FC0;
	[tilespmem:s1+$0x8E00] =	vst v2;
	s1 =	smov.u32 s0;
	s0 =	sadd.s32 $0x40, s0  }
.Ltmp2:
0x1f: {  	(pc) =	sbr.rel @p0 .LBB2_2-.Ltmp2, $2  }
0x20: {  	_ =	sdelay $0x2  }
0x21: {  	s1 =	sshra.s32 s1, $0x2  }
0x22: {  	[tilespmem:s1+$0x8E00] =	vst v2;
	s30 =	simm.s32 $0x0;
	s0 =	rddreg [dreg:$0x6];
	s31 =	simm.s32 $0x2  }
0x23: {  	[tilespmem:s13], [sflag:$0x2] =	stream.linear.gather [hbm4b:s0+s30], $0x500, $0x38;
	[tilespmem:$0x1D600] =	vst v63  }
.Ltmp3:
0x24: {  	_ =	swait.ge [sflag:s31], $0x500;
	(pc) =	sbr.rel .LBB2_4-.Ltmp3, $4  }
0x25: {  	[sflag:s31] =	ssyncset.done $0x0  }
0x26: {  	[sflag:s31] =	ssyncadd.s32 $0xFFFFFB00  }
0x27: {  	[tilespmem:$0x4C80] =	vst v2  }
0x28: {  	s6 =	simm.s32 $0x0;
	[tilespmem:$0x4C90] =	vst v2  }
.LBB2_10:
0x29: {  	s6 =	rddreg [dreg:$0xa]  }
0x2a: {  	s6 =	sadd.s32 $0x1, s6  }
0x2b: {  	p0 =	sne.s32 s6, $0x50  }
.Ltmp4:
0x2c: {  	_ = 	snop;
	(pc) =	sbr.rel @!p0 .LBB2_11-.Ltmp4, $1  }
0x2d: {  	_ =	sdelay $0x3  }
.LBB2_4:
0x2e: {  	s1 =	smul.u32 $0xFA, s6  }
0x2f: {  	s0 =	rddreg [dreg:$0x3]  }
0x30: {  	s5 =	simm.s32 $0x0;
	s4 =	simm.s32 $0x2;
	s2 =	sadd.s32 s0, s1  }
0x31: {  	[tilespmem:s5], [sflag:$0x2] =	stream.linear.gather [hbm4b:s2+s5], $0x7D0, $0x38;
	[tilespmem:$0x1D600] =	vst v63  }
0x32: {  	_ =	swait.ge [sflag:s4], $0x7D0  }
0x33: {  	[sflag:s4] =	ssyncset.done $0x0;
	s12 =	rddreg [dreg:$0x4]  }
0x34: {  	s14 =	simm.s32 $0x800;
	[sflag:s4] =	ssyncadd.s32 $0xFFFFF830;
	s1 =	sadd.s32 s12, s1  }
0x35: {  	[tilespmem:s14], [sflag:$0x2] =	stream.linear.gather [hbm4b:s1+s5], $0x7D0, $0x38;
	[tilespmem:$0x1D600] =	vst v63  }
0x36: {  	s30 =	smul.u32 $0x3E8, s6;
	_ =	swait.ge [sflag:s4], $0x7D0  }
0x37: {  	[sflag:s4] =	ssyncset.done $0x0;
	s31 =	rddreg [dreg:$0x5]  }
0x38: {  	[dreg:$0xa] =	wrdreg s6;
	[sflag:s4] =	ssyncadd.s32 $0xFFFFF830;
	s1 =	sadd.s32 s31, s30  }
0x39: {  	[tilespmem:s15], [sflag:$0x2] =	stream.linear.gather [hbm4b:s1+s5], $0x1F40, $0x38;
	[tilespmem:$0x1D600] =	vst v63  }
0x3a: {  	_ =	swait.ge [sflag:s4], $0x1F40  }
0x3b: {  	[sflag:s4] =	ssyncset.done $0x0  }
0x3c: {  	[sflag:s4] =	ssyncadd.s32 $0xFFFFE0C0  }
0x3d: {  	v26 =	vld [tilespmem:s14+$0x0];
	_ =	sdelay $0x4  }
0x3e: {  	vm1 =	vge.s32 v26, v0;
	vm2 =	vlt.s32 v26, v1  }
0x3f: {  	vm1 =	vmand vm1, vm2  }
0x40: {  	v28 =	vsel vm1, $0x1, v4  }
0x41: {  	(xrf0) =	vadd.scan.msk.s32 $0xffff, v28  }
0x42: {  	v27 =	vld [tilespmem:s5+$0x0];
	_ =	sdelay $0x4  }
0x43: {  	v26 =	vsub.s32 v26, v0;
	[tilespmem:s5+$0x1000] =	vst.msk vm1, v27;
	v27, _, _ =	vpop (xrf0)  }
0x44: {  	[tilespmem:s5+$0x1800] =	vst.msk vm1, v26;
	v26 =	vor.u32 s5, v3;
	(v2sf) =	vpush v27, $0xF  }
0x45: {  	s1 =	simm.s32 $0x10;
	[tilespmem:s5+$0x2000] =	vst.msk vm1, v26  }
0x46: {  	s4 =	simm.s32 $0x810;
	v26 =	vld [tilespmem:s1+$0x0]  }
0x47: {  	s2 =	simm.s32 $0x0;
	s6 =	simm.s32 $0x10;
	s5 =	simm.s32 $0x20;
	v27 =	vld [tilespmem:s4+$0x0]  }
.LBB2_5:
0x48: {  	p0 =	sne.s32 s5, $0x7C0;
	_ =	sdelay $0x3  }
0x49: {  	vm1 =	vge.s32 v27, v0;
	vm2 =	vlt.s32 v27, v1;
	v27 =	vsub.s32 v27, v0  }
0x4a: {  	vm1 =	vmand vm1, vm2  }
0x4b: {  	v28 =	vsel vm1, $0x1, v4  }
0x4c: {  	(xrf0) =	vadd.scan.msk.s32 $0xffff, v28;
	_ =	sdelay $0x3  }
0x4d: {  	s7 =	spop (v2sf)  }
0x4e: {  	s2 =	sadd.s32 s2, s7  }
.Ltmp5:
0x4f: {  	[tilespmem:s2+$0x1000] =	vst.msk vm1, v26;
	v26, _, _ =	vpop (xrf0);
	(pc) =	sbr.rel @p0 .LBB2_5-.Ltmp5, $4  }
0x50: {  	[tilespmem:s2+$0x1800] =	vst.msk vm1, v27;
	v27 =	vor.u32 s1, v3;
	(v2sf) =	vpush v26, $0xF;
	s1 =	smov.u32 s5  }
0x51: {  	s6 =	sadd.s32 $0x10, s6;
	[tilespmem:s2+$0x2000] =	vst.msk vm1, v27  }
0x52: {  	s4 =	sadd.s32 $0x10, s4;
	v26 =	vld [tilespmem:s6+$0x0]  }
0x53: {  	s5 =	sadd.s32 $0x10, s5;
	v27 =	vld [tilespmem:s4+$0x0]  }
0x54: {  	_ =	sdelay $0x3  }
0x55: {  	vm1 =	vge.s32 v27, v0;
	vm2 =	vlt.s32 v27, v1  }
0x56: {  	vm1 =	vmand vm1, vm2  }
0x57: {  	v28 =	vsel vm1, $0x1, v4  }
0x58: {  	(xrf0) =	vadd.scan.msk.s32 $0xffff, v28;
	_ =	sdelay $0x5  }
0x59: {  	v28, _, _ =	vpop (xrf0)  }
0x5a: {  	(v2sf) =	vpush v28, $0xF;
	_ =	sdelay $0xd  }
0x5b: {  	s4 =	spop (v2sf)  }
0x5c: {  	s2 =	sadd.s32 s2, s4;
	s14 =	spop (v2sf)  }
0x5d: {  	s4 =	sadd.s32 s2, s14  }
0x5e: {  	s5 =	sadd.s32 $0xF, s4  }
0x5f: {  	s6 =	sand.u32 $0xF, s5  }
0x60: {  	s30 =	sshra.s32 s5, $0x1F;
	p1 =	slt.s32 s5, $0x1;
	p0 =	sne.s32 s6, $0x0  }
0x61: {  	s6 =	sshrl.u32 s30, $0x1C;
	p0 =	por !p1, !p0  }
0x62: {  	s31 =	sadd.s32 s6, s5;
	s5 =	simm.s32 $0x1;
	p0 =	por !p0, !p0  }
0x63: {  	[tilespmem:s2+$0x1000] =	vst.msk vm1, v26;
	v26 =	vor.u32 s1, v3;
	s1 =	sshra.s32 s31, $0x4;
	s5 =	simm.s32 @!p0 $0x0  }
0x64: {  	s1 =	ssub.s32 s1, s5  }
0x65: {  	v27 =	vsub.s32 v27, v0;
	p0 =	slt.s32 s1, $0x1  }
.Ltmp6:
0x66: {  	[tilespmem:s2+$0x1800] =	vst.msk vm1, v27;
	(pc) =	sbr.rel @p0 .LBB2_10-.Ltmp6, $4  }
0x67: {  	[tilespmem:s2+$0x2000] =	vst.msk vm1, v26  }
0x68: {  	[tilespmem:s4+$0x1000] =	vst v4  }
0x69: {  	[tilespmem:s4+$0x1800] =	vst v5  }
0x6a: {  	s7 =	simm.s32 $0x0;
	s11 =	simm.s32 $0x0;
	s2 =	simm.s32 $0x0;
	[tilespmem:s4+$0x2000] =	vst v4  }
.LBB2_7:
0x6b: {  	s4 =	sshll.u32 s11, $0x4  }
0x6c: {  	v26 =	vld [tilespmem:s4+$0x1000];
	_ =	sdelay $0x4  }
0x6d: {  	v27 =	vshll.u32 v26, $0x3  }
0x6e: {  	v28 =	vand.u32 $0x7, v26;
	v27 =	vand.u32 $0xFFFFFFC0, v27  }
0x6f: {  	v27 =	vor.u32 v28, v27  }
0x70: {  	v28 =	vperm.xlane v27, v6;
	_ =	sdelay $0x1  }
0x71: {  	v28 =	vadd.s32 v7, v28;
	_ =	sdelay $0x3  }
0x72: {  	[tilespmem:$0x8D80] =	vst v26  }
0x73: {  	[tilespmem:s17], [sflag:$0x1] =	stream.indirect_vreg.gather [hbm4b:s3+s2], $0x80, v28, vm0, $0xb8;
	[tilespmem:$0x1D600] =	vst v63  }
0x74: {  	v26 =	vperm.xlane v27, v8  }
0x75: {  	[tilespmem:s18], [sflag:$0x1] =	stream.indirect_vreg.gather [hbm4b:s8+s2], $0x80, v28, vm0, $0xb8;
	[tilespmem:$0x1D600] =	vst v63  }
0x76: {  	v26 =	vadd.s32 v7, v26  }
0x77: {  	[tilespmem:s19], [sflag:$0x1] =	stream.indirect_vreg.gather [hbm4b:s9+s2], $0x80, v28, vm0, $0xb8;
	[tilespmem:$0x1D600] =	vst v63  }
0x78: {  	_ = 	snop  }
0x79: {  	[tilespmem:s20], [sflag:$0x1] =	stream.indirect_vreg.gather [hbm4b:s10+s2], $0x80, v28, vm0, $0xb8;
	[tilespmem:$0x1D600] =	vst v63  }
0x7a: {  	_ = 	snop  }
0x7b: {  	[tilespmem:s21], [sflag:$0x1] =	stream.indirect_vreg.gather [hbm4b:s3+s2], $0x80, v26, vm0, $0xb8;
	[tilespmem:$0x1D600] =	vst v63  }
0x7c: {  	_ = 	snop  }
0x7d: {  	[tilespmem:s22], [sflag:$0x1] =	stream.indirect_vreg.gather [hbm4b:s8+s2], $0x80, v26, vm0, $0xb8;
	[tilespmem:$0x1D600] =	vst v63  }
0x7e: {  	_ = 	snop  }
0x7f: {  	[tilespmem:s23], [sflag:$0x1] =	stream.indirect_vreg.gather [hbm4b:s9+s2], $0x80, v26, vm0, $0xb8;
	[tilespmem:$0x1D600] =	vst v63  }
0x80: {  	v27 =	vor.u32 s4, v9  }
0x81: {  	[tilespmem:s24], [sflag:$0x1] =	stream.indirect_vreg.gather [hbm4b:s10+s2], $0x80, v26, vm0, $0xb8;
	[tilespmem:$0x1D600] =	vst v63  }
0x82: {  	_ =	swait.ge [sflag:s16], $0x4000  }
0x83: {  	[sflag:s16] =	ssyncset.done $0x0  }
0x84: {  	[sflag:s16] =	ssyncadd.s32 $0xFFFFC000  }
0x85: {  	v26 =	vld.idx.msk [tilespmem:v27+s26+$0x0], $0xffff;
	_ =	sdelay $0x4  }
0x86: {  	v26 =	vshll.u32 v26, $0x2  }
0x87: {  	v26 =	vor.u32 v10, v26;
	_ =	sdelay $0x4  }
0x88: {  	v26 =	vld.idx.msk [tilespmem:v26+s13+$0x0], $0xffff;
	_ =	sdelay $0x2  }
0x89: {  	v27 =	vld.idx.msk [tilespmem:v27+s25+$0x0], $0xffff;
	_ =	sdelay $0x1  }
0x8a: {  	v26 =	vadd.f32 $1.000000020e-16, v26;
	_ =	sdelay $0x1  }
0x8b: {  	v26 =	vmul.f32 $4.000000000e+00, v26  }
0x8c: {  	v27 =	vshll.u32 v27, $0x2  }
0x8d: {  	v27 =	vor.u32 v10, v27;
	(erf) = vrcp.f32 v26;
	_ =	sdelay $0x4  }
0x8e: {  	v26 =	vld.idx.msk [tilespmem:v27+s15+$0x0], $0xffff;
	_ =	sdelay $0x1  }
0x8f: {  	s5 =	sor.u32 $0x4, s4  }
0x90: {  	v27 =	vor.u32 s5, v9  }
0x91: {  	v28 =	vpop (erf)  }
0x92: {  	v26 =	vmul.f32 v28, v26;
	_ =	sdelay $0x1  }
0x93: {  	[tilespmem:$0x8D00] =	vst v26  }
0x94: {  	v26 =	vld.idx.msk [tilespmem:v27+s26+$0x0], $0xffff;
	_ =	sdelay $0x4  }
0x95: {  	v26 =	vshll.u32 v26, $0x2  }
0x96: {  	v26 =	vor.u32 v10, v26;
	_ =	sdelay $0x4  }
0x97: {  	v26 =	vld.idx.msk [tilespmem:v26+s13+$0x0], $0xffff;
	_ =	sdelay $0x2  }
0x98: {  	v27 =	vld.idx.msk [tilespmem:v27+s25+$0x0], $0xffff;
	_ =	sdelay $0x1  }
0x99: {  	v26 =	vadd.f32 $1.000000020e-16, v26;
	_ =	sdelay $0x1  }
0x9a: {  	v26 =	vmul.f32 $4.000000000e+00, v26  }
0x9b: {  	v27 =	vshll.u32 v27, $0x2  }
0x9c: {  	v27 =	vor.u32 v10, v27;
	(erf) = vrcp.f32 v26;
	_ =	sdelay $0x4  }
0x9d: {  	v26 =	vld.idx.msk [tilespmem:v27+s15+$0x0], $0xffff;
	_ =	sdelay $0x1  }
0x9e: {  	s0 =	sor.u32 $0x8, s4  }
0x9f: {  	v27 =	vor.u32 s0, v9  }
0xa0: {  	v28 =	vpop (erf)  }
0xa1: {  	v26 =	vmul.f32 v28, v26;
	_ =	sdelay $0x1  }
0xa2: {  	[tilespmem:$0x8D10] =	vst v26  }
0xa3: {  	v26 =	vld.idx.msk [tilespmem:v27+s26+$0x0], $0xffff;
	_ =	sdelay $0x4  }
0xa4: {  	v26 =	vshll.u32 v26, $0x2  }
0xa5: {  	v26 =	vor.u32 v10, v26;
	_ =	sdelay $0x4  }
0xa6: {  	v26 =	vld.idx.msk [tilespmem:v26+s13+$0x0], $0xffff;
	_ =	sdelay $0x2  }
0xa7: {  	v27 =	vld.idx.msk [tilespmem:v27+s25+$0x0], $0xffff;
	_ =	sdelay $0x1  }
0xa8: {  	v26 =	vadd.f32 $1.000000020e-16, v26;
	_ =	sdelay $0x1  }
0xa9: {  	v26 =	vmul.f32 $4.000000000e+00, v26  }
0xaa: {  	v27 =	vshll.u32 v27, $0x2  }
0xab: {  	v27 =	vor.u32 v10, v27;
	(erf) = vrcp.f32 v26;
	_ =	sdelay $0x4  }
0xac: {  	v26 =	vld.idx.msk [tilespmem:v27+s15+$0x0], $0xffff;
	_ =	sdelay $0x1  }
0xad: {  	s4 =	sor.u32 $0xC, s4  }
0xae: {  	v27 =	vor.u32 s4, v9  }
0xaf: {  	v28 =	vpop (erf)  }
0xb0: {  	v26 =	vmul.f32 v28, v26;
	_ =	sdelay $0x1  }
0xb1: {  	[tilespmem:$0x8D20] =	vst v26  }
0xb2: {  	v26 =	vld.idx.msk [tilespmem:v27+s26+$0x0], $0xffff;
	_ =	sdelay $0x4  }
0xb3: {  	v26 =	vshll.u32 v26, $0x2  }
0xb4: {  	v26 =	vor.u32 v10, v26;
	_ =	sdelay $0x4  }
0xb5: {  	v26 =	vld.idx.msk [tilespmem:v26+s13+$0x0], $0xffff;
	_ =	sdelay $0x2  }
0xb6: {  	v27 =	vld.idx.msk [tilespmem:v27+s25+$0x0], $0xffff;
	_ =	sdelay $0x1  }
0xb7: {  	v26 =	vadd.f32 $1.000000020e-16, v26;
	_ =	sdelay $0x1  }
0xb8: {  	v26 =	vmul.f32 $4.000000000e+00, v26  }
0xb9: {  	v27 =	vshll.u32 v27, $0x2  }
0xba: {  	v27 =	vor.u32 v10, v27;
	(erf) = vrcp.f32 v26;
	_ =	sdelay $0x4  }
0xbb: {  	v26 =	vld.idx.msk [tilespmem:v27+s15+$0x0], $0xffff;
	_ =	sdelay $0x1  }
0xbc: {  	s6 =	simm.s32 $0x1;
	v27 =	vmov s2  }
0xbd: {  	v29 =	vmov s6;
	v28 =	vmov s7;
	v27 =	vand.u32 $0xFFFFFFFC, v27  }
0xbe: {  	v29 =	vand.u32 $0xFFFFFFFD, v29;
	v27 =	vbroadcast v27, $0x0;
	v30 =	vpop (erf)  }
0xbf: {  	s12 =	simm.s32 $0x2;
	v29 =	vbroadcast v29, $0x0;
	v26 =	vmul.f32 v30, v26  }
0xc0: {  	v30 =	vmov s12  }
0xc1: {  	s14 =	sand.u32 $0x2000, s2;
	s0 =	sand.u32 $0x380, s2;
	v30 =	vand.u32 $0xFFFFFFFE, v30;
	[tilespmem:$0x8D30] =	vst v26  }
0xc2: {  	s12 =	sor.u32 s0, s14;
	v30 =	vbroadcast v30, $0x0;
	v31 =	vld.idx.msk [tilespmem:v28+s26+$0x0], $0xffff  }
0xc3: {  	s6 =	simm.s32 $0x3;
	v32 =	vld [tilespmem:s12+$0x5500]  }
0xc4: {  	v33 =	vmov s6;
	v26 =	vld.idx.msk [tilespmem:v27+s28+$0x0], $0xffff  }
0xc5: {  	v27 =	vld.idx.msk [tilespmem:v29+s28+$0x0], $0xffff  }
0xc6: {  	v34 =	vld [tilespmem:s12+$0x4D00]  }
0xc7: {  	v35 =	vld [tilespmem:s12+$0x5D00]  }
0xc8: {  	v28 =	vld.idx.msk [tilespmem:v30+s28+$0x0], $0xffff  }
0xc9: {  	v29 =	vld.idx.msk [tilespmem:v33+s28+$0x0], $0xffff  }
0xca: {  	v41 =	vld [tilespmem:s12+$0x6500]  }
0xcb: {  	v34 =	vmul.f32 v34, v26;
	v32 =	vmul.f32 v32, v27;
	_ =	sdelay $0x1  }
0xcc: {  	v30 =	vshll.u32 v31, $0x8;
	v31 =	vadd.f32 v32, v34;
	v42 =	vmul.f32 v35, v28  }
0xcd: {  	v43 =	vor.u32 v3, v30  }
0xce: {  	v44 =	vmul.f32 v41, v29;
	v31 =	vadd.f32 v42, v31;
	_ =	sdelay $0x1  }
0xcf: {  	v31 =	vadd.f32 v44, v31;
	_ =	sdelay $0x1  }
0xd0: {  	[tilespmem:v43+s29+$0x0] =	vst.idx.add.f32.msk $0xffff, v31  }
0xd1: {  	v31 =	vld [tilespmem:s12+$0x4D10]  }
0xd2: {  	v45 =	vld [tilespmem:s12+$0x5510];
	_ =	sdelay $0x1  }
0xd3: {  	v46 =	vld [tilespmem:s12+$0x5D10];
	_ =	sdelay $0x1  }
0xd4: {  	v34 =	vld [tilespmem:s12+$0x6510]  }
0xd5: {  	v31 =	vmul.f32 v31, v26;
	v32 =	vmul.f32 v45, v27;
	_ =	sdelay $0x1  }
0xd6: {  	v33 =	vmul.f32 v46, v28;
	v31 =	vadd.f32 v32, v31  }
0xd7: {  	v47 =	vor.u32 v11, v30  }
0xd8: {  	v34 =	vmul.f32 v34, v29;
	v31 =	vadd.f32 v33, v31;
	_ =	sdelay $0x1  }
0xd9: {  	v31 =	vadd.f32 v34, v31;
	_ =	sdelay $0x1  }
0xda: {  	[tilespmem:v47+s29+$0x0] =	vst.idx.add.f32.msk $0xffff, v31  }
0xdb: {  	v31 =	vld [tilespmem:s12+$0x4D20]  }
0xdc: {  	v32 =	vld [tilespmem:s12+$0x5520];
	_ =	sdelay $0x1  }
0xdd: {  	v48 =	vld [tilespmem:s12+$0x5D20];
	_ =	sdelay $0x1  }
0xde: {  	v49 =	vld [tilespmem:s12+$0x6520]  }
0xdf: {  	v31 =	vmul.f32 v31, v26;
	v32 =	vmul.f32 v32, v27;
	_ =	sdelay $0x1  }
0xe0: {  	v33 =	vmul.f32 v48, v28;
	v31 =	vadd.f32 v32, v31  }
0xe1: {  	v50 =	vor.u32 v12, v30  }
0xe2: {  	v51 =	vmul.f32 v49, v29;
	v31 =	vadd.f32 v33, v31;
	_ =	sdelay $0x1  }
0xe3: {  	v31 =	vadd.f32 v51, v31;
	_ =	sdelay $0x1  }
0xe4: {  	[tilespmem:v50+s29+$0x0] =	vst.idx.add.f32.msk $0xffff, v31  }
0xe5: {  	v31 =	vld [tilespmem:s12+$0x4D30]  }
0xe6: {  	v32 =	vld [tilespmem:s12+$0x5530];
	_ =	sdelay $0x1  }
0xe7: {  	v52 =	vld [tilespmem:s12+$0x5D30];
	_ =	sdelay $0x1  }
0xe8: {  	v53 =	vld [tilespmem:s12+$0x6530]  }
0xe9: {  	v31 =	vmul.f32 v31, v26;
	v32 =	vmul.f32 v32, v27;
	_ =	sdelay $0x1  }
0xea: {  	v54 =	vmul.f32 v52, v28;
	v31 =	vadd.f32 v32, v31  }
0xeb: {  	v55 =	vor.u32 v13, v30  }
0xec: {  	v56 =	vmul.f32 v53, v29;
	v31 =	vadd.f32 v54, v31;
	_ =	sdelay $0x1  }
0xed: {  	v31 =	vadd.f32 v56, v31;
	_ =	sdelay $0x1  }
0xee: {  	[tilespmem:v55+s29+$0x0] =	vst.idx.add.f32.msk $0xffff, v31  }
0xef: {  	v31 =	vld [tilespmem:s12+$0x4D40]  }
0xf0: {  	v57 =	vld [tilespmem:s12+$0x5540];
	_ =	sdelay $0x1  }
0xf1: {  	v33 =	vld [tilespmem:s12+$0x5D40];
	_ =	sdelay $0x1  }
0xf2: {  	v58 =	vld [tilespmem:s12+$0x6540]  }
0xf3: {  	v31 =	vmul.f32 v31, v26;
	v32 =	vmul.f32 v57, v27;
	_ =	sdelay $0x1  }
0xf4: {  	v59 =	vmul.f32 v33, v28;
	v31 =	vadd.f32 v32, v31  }
0xf5: {  	v60 =	vor.u32 v14, v30  }
0xf6: {  	v61 =	vmul.f32 v58, v29;
	v31 =	vadd.f32 v59, v31;
	_ =	sdelay $0x1  }
0xf7: {  	v31 =	vadd.f32 v61, v31;
	_ =	sdelay $0x1  }
0xf8: {  	[tilespmem:v60+s29+$0x0] =	vst.idx.add.f32.msk $0xffff, v31  }
0xf9: {  	v31 =	vld [tilespmem:s12+$0x4D50]  }
0xfa: {  	v62 =	vld [tilespmem:s12+$0x5550];
	_ =	sdelay $0x1  }
0xfb: {  	v33 =	vld [tilespmem:s12+$0x5D50];
	_ =	sdelay $0x1  }
0xfc: {  	v63 =	vld [tilespmem:s12+$0x6550]  }
0xfd: {  	v31 =	vmul.f32 v31, v26;
	v32 =	vmul.f32 v62, v27;
	_ =	sdelay $0x1  }
0xfe: {  	v33 =	vmul.f32 v33, v28;
	v31 =	vadd.f32 v32, v31  }
0xff: {  	v36 =	vor.u32 v15, v30  }
0x100: {  	v34 =	vmul.f32 v63, v29;
	v31 =	vadd.f32 v33, v31;
	_ =	sdelay $0x1  }
0x101: {  	v31 =	vadd.f32 v34, v31;
	_ =	sdelay $0x1  }
0x102: {  	[tilespmem:v36+s29+$0x0] =	vst.idx.add.f32.msk $0xffff, v31  }
0x103: {  	v31 =	vld [tilespmem:s12+$0x4D60]  }
0x104: {  	v32 =	vld [tilespmem:s12+$0x5560];
	_ =	sdelay $0x1  }
0x105: {  	v37 =	vld [tilespmem:s12+$0x5D60];
	_ =	sdelay $0x1  }
0x106: {  	v38 =	vld [tilespmem:s12+$0x6560]  }
0x107: {  	v31 =	vmul.f32 v31, v26;
	v32 =	vmul.f32 v32, v27;
	_ =	sdelay $0x1  }
0x108: {  	v33 =	vmul.f32 v37, v28;
	v31 =	vadd.f32 v32, v31  }
0x109: {  	v39 =	vor.u32 v16, v30  }
0x10a: {  	v34 =	vmul.f32 v38, v29;
	v31 =	vadd.f32 v33, v31;
	_ =	sdelay $0x1  }
0x10b: {  	v31 =	vadd.f32 v34, v31;
	_ =	sdelay $0x1  }
0x10c: {  	[tilespmem:v39+s29+$0x0] =	vst.idx.add.f32.msk $0xffff, v31  }
0x10d: {  	v31 =	vld [tilespmem:s12+$0x4D70]  }
0x10e: {  	v32 =	vld [tilespmem:s12+$0x5570];
	_ =	sdelay $0x1  }
0x10f: {  	v40 =	vld [tilespmem:s12+$0x5D70];
	_ =	sdelay $0x1  }
0x110: {  	v41 =	vld [tilespmem:s12+$0x6570]  }
0x111: {  	v31 =	vmul.f32 v31, v26;
	v32 =	vmul.f32 v32, v27;
	_ =	sdelay $0x1  }
0x112: {  	v33 =	vmul.f32 v40, v28;
	v31 =	vadd.f32 v32, v31  }
0x113: {  	v42 =	vor.u32 v17, v30  }
0x114: {  	v34 =	vmul.f32 v41, v29;
	v31 =	vadd.f32 v33, v31;
	_ =	sdelay $0x1  }
0x115: {  	v31 =	vadd.f32 v34, v31;
	_ =	sdelay $0x1  }
0x116: {  	[tilespmem:v42+s29+$0x0] =	vst.idx.add.f32.msk $0xffff, v31  }
0x117: {  	v31 =	vld [tilespmem:s12+$0x5100]  }
0x118: {  	s14 =	sand.u32 $0x7, s2;
	v32 =	vld [tilespmem:s12+$0x5900]  }
0x119: {  	s4 =	sshll.u32 s14, $0x7  }
0x11a: {  	s14 =	sadd.s32 $0x0, s4;
	v43 =	vld [tilespmem:s12+$0x6100]  }
0x11b: {  	s4 =	sor.u32 $0x1C00, s14  }
0x11c: {  	v44 =	vld [tilespmem:s4+$0x4D00]  }
0x11d: {  	v31 =	vmul.f32 v31, v26;
	v32 =	vmul.f32 v32, v27;
	_ =	sdelay $0x1  }
0x11e: {  	v33 =	vmul.f32 v43, v28;
	v31 =	vadd.f32 v32, v31  }
0x11f: {  	v45 =	vor.u32 v18, v30  }
0x120: {  	v34 =	vmul.f32 v44, v29;
	v31 =	vadd.f32 v33, v31;
	_ =	sdelay $0x1  }
0x121: {  	v31 =	vadd.f32 v34, v31;
	_ =	sdelay $0x1  }
0x122: {  	[tilespmem:v45+s29+$0x0] =	vst.idx.add.f32.msk $0xffff, v31  }
0x123: {  	v31 =	vld [tilespmem:s12+$0x5110]  }
0x124: {  	v32 =	vld [tilespmem:s12+$0x5910];
	_ =	sdelay $0x1  }
0x125: {  	v46 =	vld [tilespmem:s12+$0x6110]  }
0x126: {  	s0 =	sor.u32 $0x1C10, s14  }
0x127: {  	v47 =	vld [tilespmem:s0+$0x4D00]  }
0x128: {  	v31 =	vmul.f32 v31, v26;
	v32 =	vmul.f32 v32, v27;
	_ =	sdelay $0x1  }
0x129: {  	v33 =	vmul.f32 v46, v28;
	v31 =	vadd.f32 v32, v31  }
0x12a: {  	v48 =	vor.u32 v19, v30  }
0x12b: {  	v34 =	vmul.f32 v47, v29;
	v31 =	vadd.f32 v33, v31;
	_ =	sdelay $0x1  }
0x12c: {  	v31 =	vadd.f32 v34, v31;
	_ =	sdelay $0x1  }
0x12d: {  	[tilespmem:v48+s29+$0x0] =	vst.idx.add.f32.msk $0xffff, v31  }
0x12e: {  	v31 =	vld [tilespmem:s12+$0x5120]  }
0x12f: {  	v32 =	vld [tilespmem:s12+$0x5920];
	_ =	sdelay $0x1  }
0x130: {  	v49 =	vld [tilespmem:s12+$0x6120]  }
0x131: {  	s5 =	sor.u32 $0x1C20, s14  }
0x132: {  	v50 =	vld [tilespmem:s5+$0x4D00]  }
0x133: {  	v31 =	vmul.f32 v31, v26;
	v32 =	vmul.f32 v32, v27;
	_ =	sdelay $0x1  }
0x134: {  	v33 =	vmul.f32 v49, v28;
	v31 =	vadd.f32 v32, v31  }
0x135: {  	v51 =	vor.u32 v20, v30  }
0x136: {  	v34 =	vmul.f32 v50, v29;
	v31 =	vadd.f32 v33, v31;
	_ =	sdelay $0x1  }
0x137: {  	v31 =	vadd.f32 v34, v31;
	_ =	sdelay $0x1  }
0x138: {  	[tilespmem:v51+s29+$0x0] =	vst.idx.add.f32.msk $0xffff, v31  }
0x139: {  	v31 =	vld [tilespmem:s12+$0x5930]  }
0x13a: {  	v32 =	vld [tilespmem:s12+$0x5130];
	_ =	sdelay $0x1  }
0x13b: {  	v52 =	vld [tilespmem:s12+$0x6130]  }
0x13c: {  	s6 =	sor.u32 $0x1C30, s14  }
0x13d: {  	v53 =	vld [tilespmem:s6+$0x4D00]  }
0x13e: {  	v31 =	vmul.f32 v31, v27;
	v32 =	vmul.f32 v32, v26;
	_ =	sdelay $0x1  }
0x13f: {  	v33 =	vmul.f32 v52, v28;
	v31 =	vadd.f32 v31, v32  }
0x140: {  	v54 =	vor.u32 v21, v30  }
0x141: {  	v34 =	vmul.f32 v53, v29;
	v31 =	vadd.f32 v33, v31;
	_ =	sdelay $0x1  }
0x142: {  	v31 =	vadd.f32 v34, v31;
	_ =	sdelay $0x1  }
0x143: {  	[tilespmem:v54+s29+$0x0] =	vst.idx.add.f32.msk $0xffff, v31  }
0x144: {  	v31 =	vld [tilespmem:s12+$0x5140]  }
0x145: {  	v32 =	vld [tilespmem:s12+$0x5940];
	_ =	sdelay $0x1  }
0x146: {  	v55 =	vld [tilespmem:s12+$0x6140]  }
0x147: {  	s0 =	sor.u32 $0x1C40, s14  }
0x148: {  	v56 =	vld [tilespmem:s0+$0x4D00]  }
0x149: {  	v31 =	vmul.f32 v31, v26;
	v32 =	vmul.f32 v32, v27;
	_ =	sdelay $0x1  }
0x14a: {  	v33 =	vmul.f32 v55, v28;
	v31 =	vadd.f32 v32, v31  }
0x14b: {  	v57 =	vor.u32 v22, v30  }
0x14c: {  	v34 =	vmul.f32 v56, v29;
	v31 =	vadd.f32 v33, v31;
	_ =	sdelay $0x1  }
0x14d: {  	v31 =	vadd.f32 v34, v31;
	_ =	sdelay $0x1  }
0x14e: {  	[tilespmem:v57+s29+$0x0] =	vst.idx.add.f32.msk $0xffff, v31  }
0x14f: {  	v31 =	vld [tilespmem:s12+$0x5150]  }
0x150: {  	v32 =	vld [tilespmem:s12+$0x5950];
	_ =	sdelay $0x1  }
0x151: {  	v58 =	vld [tilespmem:s12+$0x6150]  }
0x152: {  	s5 =	sor.u32 $0x1C50, s14  }
0x153: {  	v59 =	vld [tilespmem:s5+$0x4D00]  }
0x154: {  	v31 =	vmul.f32 v31, v26;
	v32 =	vmul.f32 v32, v27;
	_ =	sdelay $0x1  }
0x155: {  	v33 =	vmul.f32 v58, v28;
	v31 =	vadd.f32 v32, v31  }
0x156: {  	v60 =	vor.u32 v23, v30  }
0x157: {  	v34 =	vmul.f32 v59, v29;
	v31 =	vadd.f32 v33, v31;
	_ =	sdelay $0x1  }
0x158: {  	v31 =	vadd.f32 v34, v31;
	_ =	sdelay $0x1  }
0x159: {  	[tilespmem:v60+s29+$0x0] =	vst.idx.add.f32.msk $0xffff, v31  }
0x15a: {  	v31 =	vld [tilespmem:s12+$0x5160]  }
0x15b: {  	v32 =	vld [tilespmem:s12+$0x5960];
	_ =	sdelay $0x1  }
0x15c: {  	v61 =	vld [tilespmem:s12+$0x6160]  }
0x15d: {  	s6 =	sor.u32 $0x1C60, s14  }
0x15e: {  	v62 =	vld [tilespmem:s6+$0x4D00]  }
0x15f: {  	v31 =	vmul.f32 v31, v26;
	v32 =	vmul.f32 v32, v27;
	_ =	sdelay $0x1  }
0x160: {  	v33 =	vmul.f32 v61, v28;
	v63 =	vadd.f32 v32, v31  }
0x161: {  	v31 =	vor.u32 v24, v30  }
0x162: {  	s30 =	simm.s32 $0x4;
	s31 =	simm.s32 $0x0;
	v32 =	vmul.f32 v62, v29;
	v33 =	vadd.f32 v33, v63  }
0x163: {  	s4 =	sadd.s32 $0x1, s7;
	s5 =	simm.s32 $0x0;
	s6 =	simm.s32 $0x0  }
.LBB2_8:
0x164: {  	v32 =	vadd.f32 v32, v33;
	s5 =	sadd.s32 $0x80, s5;
	s6 =	sadd.s32 $0x400, s6;
	s31 =	sadd.s32 $0x1, s31  }
0x165: {  	p0 =	sne.s32 s30, $0x3C;
	s0 =	smov.u32 s30;
	s30 =	sadd.s32 $0x4, s30  }
0x166: {  	[tilespmem:v31+s29+$0x0] =	vst.idx.add.f32.msk $0xffff, v32  }
0x167: {  	v31 =	vld [tilespmem:s12+$0x5170]  }
0x168: {  	v32 =	vld [tilespmem:s12+$0x5970]  }
0x169: {  	v33 =	vld [tilespmem:s12+$0x6170];
	s12 =	sor.u32 $0x1C70, s14  }
0x16a: {  	v34 =	vld [tilespmem:s12+$0x4D00];
	_ =	sdelay $0x1  }
0x16b: {  	v26 =	vmul.f32 v31, v26  }
0x16c: {  	v27 =	vmul.f32 v32, v27  }
0x16d: {  	v28 =	vmul.f32 v33, v28  }
0x16e: {  	v26 =	vadd.f32 v27, v26;
	v27 =	vmul.f32 v34, v29;
	v29 =	vor.u32 v25, v30  }
0x16f: {  	s12 =	sadd.s32 $0x1, s0;
	v31 =	vmov s4;
	v30 =	vmov s0  }
0x170: {  	v32 =	vmov s12;
	v30 =	vand.u32 $0xFFFFFFFC, v30;
	v26 =	vadd.f32 v28, v26  }
0x171: {  	s12 =	sadd.s32 $0x2, s0;
	v28 =	vbroadcast v30, $0x0;
	v30 =	vand.u32 $0xFFFFFFFD, v32  }
0x172: {  	v32 =	vmov s12;
	v30 =	vbroadcast v30, $0x0;
	v26 =	vadd.f32 v27, v26  }
0x173: {  	v27 =	vand.u32 $0xFFFFFFFE, v32  }
0x174: {  	s14 =	sand.u32 $0x380, s5;
	s12 =	sand.u32 $0x2000, s6;
	v32 =	vbroadcast v27, $0x0;
	[tilespmem:v29+s29+$0x0] =	vst.idx.add.f32.msk $0xffff, v26  }
0x175: {  	s12 =	sor.u32 s14, s12;
	v29 =	vld.idx.msk [tilespmem:v31+s26+$0x0], $0xffff  }
0x176: {  	s0 =	sadd.s32 $0x3, s0;
	v31 =	vld [tilespmem:s12+$0x5500]  }
0x177: {  	v33 =	vmov s0;
	v26 =	vld.idx.msk [tilespmem:v28+s28+$0x0], $0xffff  }
0x178: {  	v27 =	vld.idx.msk [tilespmem:v30+s28+$0x0], $0xffff  }
0x179: {  	v34 =	vld [tilespmem:s12+$0x4D00]  }
0x17a: {  	v28 =	vld.idx.msk [tilespmem:v32+s28+$0x0], $0xffff  }
0x17b: {  	v30 =	vshll.u32 v29, $0x8;
	v32 =	vld [tilespmem:s12+$0x5D00]  }
0x17c: {  	v29 =	vld.idx.msk [tilespmem:v33+s28+$0x0], $0xffff  }
0x17d: {  	v33 =	vld [tilespmem:s12+$0x6500]  }
0x17e: {  	v31 =	vmul.f32 v31, v27;
	v34 =	vmul.f32 v34, v26;
	_ =	sdelay $0x1  }
0x17f: {  	v31 =	vadd.f32 v31, v34;
	v32 =	vmul.f32 v32, v28  }
0x180: {  	v34 =	vor.u32 v3, v30  }
0x181: {  	v31 =	vadd.f32 v32, v31;
	v32 =	vmul.f32 v33, v29;
	_ =	sdelay $0x1  }
0x182: {  	v31 =	vadd.f32 v32, v31;
	_ =	sdelay $0x1  }
0x183: {  	[tilespmem:v34+s29+$0x0] =	vst.idx.add.f32.msk $0xffff, v31  }
0x184: {  	v31 =	vld [tilespmem:s12+$0x4D10]  }
0x185: {  	v32 =	vld [tilespmem:s12+$0x5510]  }
0x186: {  	v33 =	vld [tilespmem:s12+$0x5D10];
	_ =	sdelay $0x1  }
0x187: {  	v34 =	vld [tilespmem:s12+$0x6510]  }
0x188: {  	v31 =	vmul.f32 v31, v26  }
0x189: {  	v32 =	vmul.f32 v32, v27  }
0x18a: {  	v33 =	vmul.f32 v33, v28  }
0x18b: {  	v31 =	vadd.f32 v32, v31;
	v32 =	vor.u32 v11, v30  }
0x18c: {  	v34 =	vmul.f32 v34, v29  }
0x18d: {  	v31 =	vadd.f32 v33, v31;
	_ =	sdelay $0x1  }
0x18e: {  	v31 =	vadd.f32 v34, v31;
	_ =	sdelay $0x1  }
0x18f: {  	[tilespmem:v32+s29+$0x0] =	vst.idx.add.f32.msk $0xffff, v31  }
0x190: {  	v31 =	vld [tilespmem:s12+$0x5D20]  }
0x191: {  	v32 =	vld [tilespmem:s12+$0x4D20]  }
0x192: {  	v33 =	vld [tilespmem:s12+$0x5520];
	_ =	sdelay $0x3  }
0x193: {  	v31 =	vmul.f32 v31, v28;
	v34 =	vld [tilespmem:s12+$0x6520]  }
0x194: {  	v32 =	vmul.f32 v32, v26;
	v33 =	vmul.f32 v33, v27;
	_ =	sdelay $0x1  }
0x195: {  	v32 =	vadd.f32 v33, v32  }
0x196: {  	v33 =	vor.u32 v12, v30  }
0x197: {  	v31 =	vadd.f32 v31, v32;
	v32 =	vmul.f32 v34, v29;
	_ =	sdelay $0x1  }
0x198: {  	v31 =	vadd.f32 v32, v31;
	_ =	sdelay $0x1  }
0x199: {  	[tilespmem:v33+s29+$0x0] =	vst.idx.add.f32.msk $0xffff, v31  }
0x19a: {  	v31 =	vld [tilespmem:s12+$0x4D30]  }
0x19b: {  	v32 =	vld [tilespmem:s12+$0x5530];
	_ =	sdelay $0x1  }
0x19c: {  	v33 =	vld [tilespmem:s12+$0x5D30];
	_ =	sdelay $0x1  }
0x19d: {  	v34 =	vld [tilespmem:s12+$0x6530]  }
0x19e: {  	v31 =	vmul.f32 v31, v26;
	v32 =	vmul.f32 v32, v27;
	_ =	sdelay $0x1  }
0x19f: {  	v31 =	vadd.f32 v32, v31;
	v32 =	vmul.f32 v33, v28  }
0x1a0: {  	v33 =	vor.u32 v13, v30  }
0x1a1: {  	v31 =	vadd.f32 v32, v31;
	v32 =	vmul.f32 v34, v29;
	_ =	sdelay $0x1  }
0x1a2: {  	v31 =	vadd.f32 v32, v31;
	_ =	sdelay $0x1  }
0x1a3: {  	[tilespmem:v33+s29+$0x0] =	vst.idx.add.f32.msk $0xffff, v31  }
0x1a4: {  	v31 =	vld [tilespmem:s12+$0x4D40]  }
0x1a5: {  	v32 =	vld [tilespmem:s12+$0x5540]  }
0x1a6: {  	v33 =	vld [tilespmem:s12+$0x5D40]  }
0x1a7: {  	v34 =	vld [tilespmem:s12+$0x6540];
	_ =	sdelay $0x2  }
0x1a8: {  	v31 =	vmul.f32 v31, v26;
	v32 =	vmul.f32 v32, v27;
	_ =	sdelay $0x1  }
0x1a9: {  	v31 =	vadd.f32 v32, v31;
	v32 =	vmul.f32 v33, v28  }
0x1aa: {  	v33 =	vor.u32 v14, v30  }
0x1ab: {  	v31 =	vadd.f32 v32, v31;
	v32 =	vmul.f32 v34, v29;
	_ =	sdelay $0x1  }
0x1ac: {  	v31 =	vadd.f32 v32, v31;
	_ =	sdelay $0x1  }
0x1ad: {  	[tilespmem:v33+s29+$0x0] =	vst.idx.add.f32.msk $0xffff, v31  }
0x1ae: {  	v31 =	vld [tilespmem:s12+$0x4D50]  }
0x1af: {  	v32 =	vld [tilespmem:s12+$0x5550]  }
0x1b0: {  	v33 =	vld [tilespmem:s12+$0x5D50]  }
0x1b1: {  	v35 =	vor.u32 v15, v30;
	v34 =	vld [tilespmem:s12+$0x6550];
	_ =	sdelay $0x1  }
0x1b2: {  	v31 =	vmul.f32 v31, v26  }
0x1b3: {  	v32 =	vmul.f32 v32, v27  }
0x1b4: {  	v33 =	vmul.f32 v33, v28  }
0x1b5: {  	v31 =	vadd.f32 v32, v31  }
0x1b6: {  	v32 =	vmul.f32 v34, v29  }
0x1b7: {  	v31 =	vadd.f32 v33, v31;
	_ =	sdelay $0x1  }
0x1b8: {  	v31 =	vadd.f32 v32, v31;
	_ =	sdelay $0x1  }
0x1b9: {  	[tilespmem:v35+s29+$0x0] =	vst.idx.add.f32.msk $0xffff, v31  }
0x1ba: {  	v31 =	vld [tilespmem:s12+$0x6560]  }
0x1bb: {  	v32 =	vld [tilespmem:s12+$0x4D60]  }
0x1bc: {  	v33 =	vld [tilespmem:s12+$0x5560]  }
0x1bd: {  	v34 =	vld [tilespmem:s12+$0x5D60];
	_ =	sdelay $0x1  }
0x1be: {  	v31 =	vmul.f32 v31, v29  }
0x1bf: {  	v32 =	vmul.f32 v32, v26  }
0x1c0: {  	v33 =	vmul.f32 v33, v27  }
0x1c1: {  	v34 =	vmul.f32 v34, v28  }
0x1c2: {  	v32 =	vadd.f32 v33, v32  }
0x1c3: {  	v33 =	vor.u32 v16, v30  }
0x1c4: {  	v32 =	vadd.f32 v34, v32;
	_ =	sdelay $0x1  }
0x1c5: {  	v31 =	vadd.f32 v31, v32;
	_ =	sdelay $0x1  }
0x1c6: {  	[tilespmem:v33+s29+$0x0] =	vst.idx.add.f32.msk $0xffff, v31  }
0x1c7: {  	v31 =	vld [tilespmem:s12+$0x4D70]  }
0x1c8: {  	v32 =	vld [tilespmem:s12+$0x5570]  }
0x1c9: {  	v33 =	vld [tilespmem:s12+$0x5D70]  }
0x1ca: {  	v34 =	vld [tilespmem:s12+$0x6570];
	_ =	sdelay $0x1  }
0x1cb: {  	v31 =	vmul.f32 v31, v26  }
0x1cc: {  	v32 =	vmul.f32 v32, v27  }
0x1cd: {  	v33 =	vmul.f32 v33, v28  }
0x1ce: {  	v31 =	vadd.f32 v32, v31;
	v32 =	vmul.f32 v34, v29  }
0x1cf: {  	v34 =	vor.u32 v17, v30  }
0x1d0: {  	v31 =	vadd.f32 v33, v31;
	_ =	sdelay $0x1  }
0x1d1: {  	v31 =	vadd.f32 v32, v31;
	_ =	sdelay $0x1  }
0x1d2: {  	s0 =	sand.u32 $0x7, s31;
	[tilespmem:v34+s29+$0x0] =	vst.idx.add.f32.msk $0xffff, v31  }
0x1d3: {  	s0 =	sshll.u32 s0, $0x7;
	v31 =	vld [tilespmem:s12+$0x5100]  }
0x1d4: {  	s14 =	sadd.s32 s0, s6;
	v32 =	vld [tilespmem:s12+$0x5900]  }
0x1d5: {  	s0 =	sor.u32 $0x1C00, s14;
	v33 =	vld [tilespmem:s12+$0x6100]  }
0x1d6: {  	v34 =	vld [tilespmem:s0+$0x4D00];
	_ =	sdelay $0x1  }
0x1d7: {  	v31 =	vmul.f32 v31, v26  }
0x1d8: {  	v32 =	vmul.f32 v32, v27  }
0x1d9: {  	v33 =	vmul.f32 v33, v28  }
0x1da: {  	v31 =	vadd.f32 v32, v31;
	v32 =	vmul.f32 v34, v29  }
0x1db: {  	v34 =	vor.u32 v18, v30  }
0x1dc: {  	v31 =	vadd.f32 v33, v31;
	_ =	sdelay $0x1  }
0x1dd: {  	v31 =	vadd.f32 v32, v31;
	_ =	sdelay $0x1  }
0x1de: {  	[tilespmem:v34+s29+$0x0] =	vst.idx.add.f32.msk $0xffff, v31  }
0x1df: {  	v31 =	vld [tilespmem:s12+$0x5110]  }
0x1e0: {  	v32 =	vld [tilespmem:s12+$0x5910]  }
0x1e1: {  	s0 =	sor.u32 $0x1C10, s14;
	v33 =	vld [tilespmem:s12+$0x6110]  }
0x1e2: {  	v34 =	vld [tilespmem:s0+$0x4D00];
	_ =	sdelay $0x1  }
0x1e3: {  	v31 =	vmul.f32 v31, v26  }
0x1e4: {  	v32 =	vmul.f32 v32, v27  }
0x1e5: {  	v33 =	vmul.f32 v33, v28  }
0x1e6: {  	v31 =	vadd.f32 v32, v31;
	v32 =	vmul.f32 v34, v29  }
0x1e7: {  	v34 =	vor.u32 v19, v30  }
0x1e8: {  	v31 =	vadd.f32 v33, v31;
	_ =	sdelay $0x1  }
0x1e9: {  	v31 =	vadd.f32 v32, v31;
	_ =	sdelay $0x1  }
0x1ea: {  	[tilespmem:v34+s29+$0x0] =	vst.idx.add.f32.msk $0xffff, v31  }
0x1eb: {  	v31 =	vld [tilespmem:s12+$0x5120]  }
0x1ec: {  	v32 =	vld [tilespmem:s12+$0x5920]  }
0x1ed: {  	s0 =	sor.u32 $0x1C20, s14;
	v33 =	vld [tilespmem:s12+$0x6120]  }
0x1ee: {  	v34 =	vld [tilespmem:s0+$0x4D00];
	_ =	sdelay $0x1  }
0x1ef: {  	v31 =	vmul.f32 v31, v26  }
0x1f0: {  	v32 =	vmul.f32 v32, v27  }
0x1f1: {  	v33 =	vmul.f32 v33, v28  }
0x1f2: {  	v31 =	vadd.f32 v32, v31;
	v32 =	vmul.f32 v34, v29  }
0x1f3: {  	v34 =	vor.u32 v20, v30  }
0x1f4: {  	v31 =	vadd.f32 v33, v31;
	_ =	sdelay $0x1  }
0x1f5: {  	v31 =	vadd.f32 v32, v31;
	_ =	sdelay $0x1  }
0x1f6: {  	[tilespmem:v34+s29+$0x0] =	vst.idx.add.f32.msk $0xffff, v31  }
0x1f7: {  	v31 =	vld [tilespmem:s12+$0x5930]  }
0x1f8: {  	v32 =	vld [tilespmem:s12+$0x5130]  }
0x1f9: {  	s0 =	sor.u32 $0x1C30, s14;
	v33 =	vld [tilespmem:s12+$0x6130]  }
0x1fa: {  	v34 =	vld [tilespmem:s0+$0x4D00];
	_ =	sdelay $0x1  }
0x1fb: {  	v31 =	vmul.f32 v31, v27  }
0x1fc: {  	v32 =	vmul.f32 v32, v26  }
0x1fd: {  	v33 =	vmul.f32 v33, v28  }
0x1fe: {  	v31 =	vadd.f32 v31, v32;
	v32 =	vmul.f32 v34, v29  }
0x1ff: {  	v34 =	vor.u32 v21, v30  }
0x200: {  	v31 =	vadd.f32 v33, v31;
	_ =	sdelay $0x1  }
0x201: {  	v31 =	vadd.f32 v32, v31;
	_ =	sdelay $0x1  }
0x202: {  	[tilespmem:v34+s29+$0x0] =	vst.idx.add.f32.msk $0xffff, v31  }
0x203: {  	v31 =	vld [tilespmem:s12+$0x5140]  }
0x204: {  	v32 =	vld [tilespmem:s12+$0x5940]  }
0x205: {  	s0 =	sor.u32 $0x1C40, s14;
	v33 =	vld [tilespmem:s12+$0x6140]  }
0x206: {  	v34 =	vld [tilespmem:s0+$0x4D00];
	_ =	sdelay $0x1  }
0x207: {  	v31 =	vmul.f32 v31, v26  }
0x208: {  	v32 =	vmul.f32 v32, v27  }
0x209: {  	v33 =	vmul.f32 v33, v28  }
0x20a: {  	v31 =	vadd.f32 v32, v31;
	v32 =	vmul.f32 v34, v29  }
0x20b: {  	v34 =	vor.u32 v22, v30  }
0x20c: {  	v31 =	vadd.f32 v33, v31;
	_ =	sdelay $0x1  }
0x20d: {  	v31 =	vadd.f32 v32, v31;
	_ =	sdelay $0x1  }
0x20e: {  	[tilespmem:v34+s29+$0x0] =	vst.idx.add.f32.msk $0xffff, v31  }
0x20f: {  	v31 =	vld [tilespmem:s12+$0x5150]  }
0x210: {  	v32 =	vld [tilespmem:s12+$0x5950]  }
0x211: {  	s0 =	sor.u32 $0x1C50, s14;
	v33 =	vld [tilespmem:s12+$0x6150]  }
0x212: {  	v34 =	vld [tilespmem:s0+$0x4D00];
	_ =	sdelay $0x1  }
0x213: {  	v31 =	vmul.f32 v31, v26  }
0x214: {  	v32 =	vmul.f32 v32, v27  }
0x215: {  	v33 =	vmul.f32 v33, v28  }
0x216: {  	v31 =	vadd.f32 v32, v31;
	v32 =	vmul.f32 v34, v29  }
0x217: {  	v34 =	vor.u32 v23, v30  }
0x218: {  	v31 =	vadd.f32 v33, v31;
	_ =	sdelay $0x1  }
0x219: {  	v31 =	vadd.f32 v32, v31;
	_ =	sdelay $0x1  }
0x21a: {  	[tilespmem:v34+s29+$0x0] =	vst.idx.add.f32.msk $0xffff, v31  }
0x21b: {  	v31 =	vld [tilespmem:s12+$0x5160]  }
0x21c: {  	v32 =	vld [tilespmem:s12+$0x5960]  }
0x21d: {  	s0 =	sor.u32 $0x1C60, s14;
	v33 =	vld [tilespmem:s12+$0x6160]  }
0x21e: {  	v34 =	vld [tilespmem:s0+$0x4D00];
	_ =	sdelay $0x1  }
0x21f: {  	v31 =	vmul.f32 v31, v26  }
0x220: {  	v32 =	vmul.f32 v32, v27  }
.Ltmp7:
0x221: {  	v33 =	vmul.f32 v33, v28;
	(pc) =	sbr.rel @p0 .LBB2_8-.Ltmp7, $4  }
0x222: {  	v35 =	vadd.f32 v32, v31;
	v32 =	vmul.f32 v34, v29  }
0x223: {  	v31 =	vor.u32 v24, v30  }
0x224: {  	v33 =	vadd.f32 v33, v35  }
0x225: {  	s4 =	sadd.s32 $0x1, s4  }
0x226: {  	_ =	sdelay $0x1  }
0x227: {  	v32 =	vadd.f32 v32, v33;
	_ =	sdelay $0x1  }
0x228: {  	[tilespmem:v31+s29+$0x0] =	vst.idx.add.f32.msk $0xffff, v32  }
0x229: {  	v31 =	vld [tilespmem:s12+$0x5170]  }
0x22a: {  	v32 =	vld [tilespmem:s12+$0x5970];
	_ =	sdelay $0x1  }
0x22b: {  	v63 =	vld [tilespmem:s12+$0x6170]  }
0x22c: {  	s0 =	sor.u32 $0x1C70, s14  }
0x22d: {  	v34 =	vld [tilespmem:s0+$0x4D00]  }
0x22e: {  	v26 =	vmul.f32 v31, v26;
	v27 =	vmul.f32 v32, v27;
	_ =	sdelay $0x1  }
0x22f: {  	s11 =	sadd.s32 $0x1, s11;
	v28 =	vmul.f32 v63, v28;
	v26 =	vadd.f32 v27, v26  }
0x230: {  	p0 =	sne.s32 s11, s1;
	v27 =	vor.u32 v25, v30  }
.Ltmp8:
0x231: {  	v29 =	vmul.f32 v34, v29;
	v26 =	vadd.f32 v28, v26;
	(pc) =	sbr.rel @p0 .LBB2_7-.Ltmp8, $4  }
.Ltmp9:
0x232: {  	_ = 	snop;
	(pc) =	sbr.rel @!p0 .LBB2_10-.Ltmp9, $4  }
0x233: {  	v26 =	vadd.f32 v29, v26  }
0x234: {  	_ = 	snop  }
0x235: {  	s7 =	sadd.s32 $0x10, s7;
	[tilespmem:v27+s29+$0x0] =	vst.idx.add.f32.msk $0xffff, v26  }
0x236: {  	_ = 	snop  }
.LBB2_12:
0x237: {  	_ =	sfence.sel $0x180000  }
0x238: {  	[bflag:$0x0] =	sbarrier.arrive $0xFFFF  }
0x239: {  	_ =	strace $0x9000004A  }
0x23a: {  	s0 =	stileid.u32;
	[bflag:$0x2] =	sbarrier.arrive $0xFFFF  }
0x23b: {  	p0 =	sne.s32 s0, $0x0;
	s0 =	rddreg [dreg:$0x2]  }
0x23c: {  	s0 =	sadd.s32 @!p0 $0x100000, s0  }
0x23d: {  	[sflag:s0] =	ssyncadd.tile.s32 @!p0 $0x1;
	_ =	shalt  }
.Lfunc_end2:
_tile_overlayer_lowered:
.L_overlay_start_2:
0x23e: {  	(tag) =	ssettag $0x2  }
0x23f: {  	s0 =	rddreg [dreg:$0x0];
	s2 =	stileid.u32  }
0x240: {  	s1 =	rddreg [dreg:$0x1];
	p0 =	sne.s32 s2, $0x0  }
0x241: {  	s3 =	rddreg [dreg:$0x2];
	[bflag:$0x3] =	sbarrier.arrive $0xFFFF;
	s2 =	simm.s32 @!p0 $0x1C02  }
0x242: {  	[timem:s3], [sflag:s2] =	dma.local @!p0 [hbm:s0], s1  }
0x243: {  	s0 =	simm.s32 @!p0 $0x2  }
0x244: {  	_ =	swait.ge @!p0 [sflag:s0], s1  }
0x245: {  	s1 =	ssub.s32 @!p0 $0x0, s1;
	[sflag:s0] =	ssyncset.done @!p0 $0x0  }
0x246: {  	[sflag:s0] =	ssyncadd.s32 @!p0 s1  }
0x247: {  	[bflag:$0x3] =	sbarrier.arrive $0xFFFF  }
0x248: {  	_ =	shalt  }

// kernel: kernel.18.cloned.1.call-start
scs
__scs_entry_jumppad:
0x0: {  	(pc) =	sbr.rel $0x88, $3  }
0x1: {  	(tag) =	ssettag $0x0;
	lr =	simm.s32 $0x1  }
0x2: {  	[smem:$0x3F93] =	sst lr;
	_ =	strace $0xD0000000  }
0x3: {  	_ = 	snop  }
0x4: {  	_ = 	snop  }
0x5: {  	_ = 	snop  }
0x6: {  	_ = 	snop  }
0x7: {  	_ = 	snop  }
__scs_overlays_trampoline_lowered:
0x8: {  	[smem:$0x3FA2] =	sst s0  }
0x9: {  	[smem:$0x3FA3] =	sst s1  }
0xa: {  	[smem:$0x3FA4] =	sst s2  }
0xb: {  	[smem:$0x3FA5] =	sst s3  }
0xc: {  	[smem:$0x3FA6] =	sst s4  }
0xd: {  	[smem:$0x3FA7] =	sst s5  }
0xe: {  	[smem:$0x3FA8] =	sst s6  }
0xf: {  	[smem:$0x3FA9] =	sst s7  }
0x10: {  	[smem:$0x3FAA] =	sst s8  }
0x11: {  	[smem:$0x3FAB] =	sst s9;
	s0 =	simm.s32 @!p0 $0x0  }
0x12: {  	s1 =	sld [smem:$0x3F91];
	s0 =	simm.s32 @p0 $0x1  }
0x13: {  	[smem:$0x3FAC] =	sst s0;
	s0 =	simm.s32 @!p1 $0x0  }
0x14: {  	s2 =	sld [smem:$0x3F90];
	s0 =	simm.s32 @p1 $0x1  }
0x15: {  	[smem:$0x3FAD] =	sst s0;
	s0 =	simm.s32 @!p2 $0x0  }
0x16: {  	s3 =	sld [smem:$0x3FDB];
	s0 =	simm.s32 @p2 $0x1  }
0x17: {  	s4 =	simm.s32 $0x1BF5;
	[smem:$0x3FAF] =	sst s0  }
0x18: {  	s0 =	sld [smem:$0x3F92];
	_ =	swait.ge [sflag:s4], $0x0  }
0x19: {  	s7 =	sld [smem:$0x3F93]  }
0x1a: {  	s8 =	sadd.s32 $0xFFFFE003, lr  }
0x1b: {  	s9 =	sadd.s32 $0xFFFFFEF7, lr;
	s5 =	simm.s32 $0xFFFFFFFF;
	p2 =	slt.u32 s8, $0xFFFFF086  }
0x1c: {  	p1 =	slt.u32 s9, $0xF7A;
	s5 =	simm.s32 @!p2 $0x0  }
0x1d: {  	s5 =	simm.s32 @p1 $0x1;
	p0 =	seq.s32 s7, s2  }
0x1e: {  	s7 =	smul.u32 @!p0 $0xF7A, s2;
	p2 =	seq.s32 @!p0 s5, $0x0  }
0x1f: {  	s9 =	smul.u32 $0xF7A, s1;
	s8 =	simm.s32 @!p0 $0x1BF5;
	p2 =	por !p2, p0  }
0x20: {  	[sflag:s8] =	ssyncset.s32 @!p0 $0xFFFFF086;
	s6 =	sadd.s32 @!p0 s3, s7;
	s7 =	simm.s32 @!p0 $0x108  }
0x21: {  	s3 =	sadd.s32 s3, s9;
	s6 =	sadd.s32 @!p0 $0x88, s6;
	s7 =	simm.s32 @p2 $0x1082  }
0x22: {  	[simem:s7], [sflag:s8] =	dma.local @!p0 [hbm:s6], $0xF7A  }
0x23: {  	s9 =	sor.u32 $0xD0000000, s2;
	s6 =	simm.s32 $0x108;
	_ =	swait.ge @!p0 [sflag:s8], $0x0  }
0x24: {  	s3 =	sadd.s32 $0x88, s3;
	s6 =	simm.s32 @!p1 $0x1082;
	[sflag:s4] =	ssyncset.s32 $0xFFFFF086  }
0x25: {  	[simem:s6], [sflag:s4] =	dma.local [hbm:s3], $0xF7A  }
0x26: {  	[smem:$0x3F93] =	sst s1;
	(tag) =	ssettag s2;
	_ =	strace s9  }
0x27: {  	s1 =	sld [smem:$0x3FA3]  }
0x28: {  	s2 =	sld [smem:$0x3FA4]  }
0x29: {  	s4 =	sld [smem:$0x3FA6]  }
0x2a: {  	p0 =	seq.s32 s5, $0x0;
	s5 =	sld [smem:$0x3FA7]  }
0x2b: {  	s6 =	sld [smem:$0x3FA8]  }
0x2c: {  	s7 =	sld [smem:$0x3FA9]  }
0x2d: {  	s3 =	simm.s32 $0x108;
	s8 =	sld [smem:$0x3FAA]  }
0x2e: {  	s3 =	simm.s32 @!p0 $0x1082;
	s9 =	sld [smem:$0x3FAB]  }
0x2f: {  	lr =	sadd.s32 s0, s3;
	s0 =	sld [smem:$0x3FA2]  }
0x30: {  	s3 =	sld [smem:$0x3FA5]  }
0x31: {  	[smem:$0x3FAE] =	sst s10  }
0x32: {  	s10 =	sld [smem:$0x3FAC];
	_ =	sdelay $0x3  }
0x33: {  	p0 =	seq.s32 s10, $0x1;
	s10 =	sld [smem:$0x3FAE];
	_ =	sdelay $0x3  }
0x34: {  	[smem:$0x3FAE] =	sst s10  }
0x35: {  	s10 =	sld [smem:$0x3FAD];
	_ =	sdelay $0x3  }
0x36: {  	p1 =	seq.s32 s10, $0x1;
	s10 =	sld [smem:$0x3FAE];
	_ =	sdelay $0x3  }
0x37: {  	[smem:$0x3FAE] =	sst s10  }
0x38: {  	s10 =	sld [smem:$0x3FAF]  }
0x39: {  	_ = 	snop;
	(pc) =	sbr.ind lr, $3  }
0x3a: {  	_ = 	snop  }
0x3b: {  	_ = 	snop  }
0x3c: {  	p2 =	seq.s32 s10, $0x1;
	s10 =	sld [smem:$0x3FAE]  }
0x3d: {  	_ =	shalt  }
0x3e: {  	_ =	shalt  }
0x3f: {  	_ =	shalt  }
0x40: {  	_ =	shalt  }
0x41: {  	_ =	shalt  }
0x42: {  	_ =	shalt  }
0x43: {  	_ =	shalt  }
0x44: {  	_ =	shalt  }
0x45: {  	_ =	shalt  }
0x46: {  	_ =	shalt  }
0x47: {  	_ =	shalt  }
0x48: {  	_ =	shalt  }
0x49: {  	_ =	shalt  }
0x4a: {  	_ =	shalt  }
0x4b: {  	_ =	shalt  }
0x4c: {  	_ =	shalt  }
0x4d: {  	_ =	shalt  }
0x4e: {  	_ =	shalt  }
0x4f: {  	_ =	shalt  }
0x50: {  	_ =	shalt  }
0x51: {  	_ =	shalt  }
0x52: {  	_ =	shalt  }
0x53: {  	_ =	shalt  }
0x54: {  	_ =	shalt  }
0x55: {  	_ =	shalt  }
0x56: {  	_ =	shalt  }
0x57: {  	_ =	shalt  }
0x58: {  	_ =	shalt  }
0x59: {  	_ =	shalt  }
0x5a: {  	_ =	shalt  }
0x5b: {  	_ =	shalt  }
0x5c: {  	_ =	shalt  }
0x5d: {  	_ =	shalt  }
0x5e: {  	_ =	shalt  }
0x5f: {  	_ =	shalt  }
0x60: {  	_ =	shalt  }
0x61: {  	_ =	shalt  }
0x62: {  	_ =	shalt  }
0x63: {  	_ =	shalt  }
0x64: {  	_ =	shalt  }
0x65: {  	_ =	shalt  }
0x66: {  	_ =	shalt  }
0x67: {  	_ =	shalt  }
0x68: {  	_ =	shalt  }
0x69: {  	_ =	shalt  }
0x6a: {  	_ =	shalt  }
0x6b: {  	_ =	shalt  }
0x6c: {  	_ =	shalt  }
0x6d: {  	_ =	shalt  }
0x6e: {  	_ =	shalt  }
0x6f: {  	_ =	shalt  }
0x70: {  	_ =	shalt  }
0x71: {  	_ =	shalt  }
0x72: {  	_ =	shalt  }
0x73: {  	_ =	shalt  }
0x74: {  	_ =	shalt  }
0x75: {  	_ =	shalt  }
0x76: {  	_ =	shalt  }
0x77: {  	_ =	shalt  }
0x78: {  	_ =	shalt  }
0x79: {  	_ =	shalt  }
0x7a: {  	_ =	shalt  }
0x7b: {  	_ =	shalt  }
0x7c: {  	_ =	shalt  }
0x7d: {  	_ =	shalt  }
0x7e: {  	_ =	shalt  }
0x7f: {  	_ =	shalt  }
0x80: {  	_ =	shalt  }
0x81: {  	_ =	shalt  }
0x82: {  	_ =	shalt  }
0x83: {  	_ =	shalt  }
0x84: {  	_ =	shalt  }
0x85: {  	_ =	shalt  }
0x86: {  	_ =	shalt  }
0x87: {  	_ =	shalt  }
.Lfunc_end0:
.L_simem_size_0:
called_computation.2_lowered:
.L_overlay_start_0:
0x88: {  	s2 =	sld [smem:$0x3FD9]  }
0x89: {  	s3 =	sld [smem:$0x3FFE];
	_ =	sdelay $0x1  }
0x8a: {  	s1 =	srdreg.scid  }
0x8b: {  	s0 =	sand.u32 $0x1, s1  }
0x8c: {  	s17 =	sshll.u32 s0, $0xA;
	s2 =	sadd.s32 s3, s2  }
0x8d: {  	s2 =	sadd.s32 s2, s17  }
0x8e: {  	[smem:$0x3FBA] =	sst s2  }
0x8f: {  	_ = 	snop  }
0x90: {  	s2 =	sld [smem:$0x3FD0];
	(tm) =	ssettm $0x1  }
0x91: {  	s18 =	sld [smem:$0x3FFB];
	_ =	sdelay $0x3  }
0x92: {  	_ =	strace s18  }
0x93: {  	s3 =	sld [smem:$0x3FFC];
	_ =	sdelay $0x3  }
0x94: {  	_ =	strace s3  }
0x95: {  	s3 =	sld [smem:$0x3FFD];
	_ =	sdelay $0x3  }
0x96: {  	_ =	strace s3  }
0x97: {  	_ =	strace $0x8FFFFFFF  }
0x98: {  	s19 =	sld [smem:$0x3FDB];
	_ =	sdelay $0x1  }
0x99: {  	s4 =	simm.s32 $_scs_section_size  }
0x9a: {  	s5 =	simm.s32 $_size__tile_overlayer_lowered;
	s6 =	simm.s32 $_tile_overlayer_lowered  }
0x9b: {  	s22 =	simm.s32 $0x1BFF;
	s21 =	sshll.u32 s6, $0x1;
	s3 =	sadd.s32 s4, s19  }
0x9c: {  	s7 =	simm.s32 $0x0;
	s20 =	sshll.u32 s5, $0x1;
	s5 =	sadd.s32 s21, s3  }
0x9d: {  	[timem:s7], [sflag:s22] =	dma.local [hbm:s5], s20  }
0x9e: {  	_ =	swait.ge [sflag:s22], s20  }
0x9f: {  	s4 =	ssub.s32 $0x0, s20;
	[sflag:s22] =	ssyncset.done $0x0  }
0xa0: {  	[sflag:s22] =	ssyncadd.s32 s4;
	_ =	sdelay $0x1  }
0xa1: {  	s23 =	simm.s32 $0x1B8B  }
0xa2: {  	_ =	swait.ge [sflag:s23], $0x1  }
0xa3: {  	[sflag:s23] =	ssyncset.done $0x0  }
0xa4: {  	s25 =	simm.s32 $0x1B8E;
	s24 =	sld [smem:$0x3FFE];
	[sflag:s23] =	ssyncadd.s32 $0xFFFFFFFF  }
0xa5: {  	s26 =	simm.s32 $execute0_lowered;
	[smem:$0x3FD2] =	sst s25  }
0xa6: {  	s5 =	sshll.u32 s26, $0x1;
	_ =	strace $0x8000004C;
	[dreg:$0x1] =	wrdreg $0xFFFFFFFF  }
0xa7: {  	s28 =	simm.s32 $_size_execute0_lowered;
	s3 =	sadd.s32 s3, s5;
	[dreg:$0x0] =	wrdreg $0x0  }
0xa8: {  	s5 =	sshll.u32 s28, $0x1;
	[dreg:$0x2] =	wrdreg s3  }
0xa9: {  	[dreg:$0x3] =	wrdreg s5  }
0xaa: {  	[dreg:$0x4] =	wrdreg $0xC0  }
0xab: {  	_ =	task [dreg:s7], $0x5FFFF  }
0xac: {  	[dreg:$0x1] =	wrdreg $0xFFFFFFFF  }
0xad: {  	[dreg:$0x0] =	wrdreg $0x60  }
0xae: {  	[dreg:$0x2] =	wrdreg s24  }
0xaf: {  	[dreg:$0x3] =	wrdreg s2  }
0xb0: {  	[dreg:$0x4] =	wrdreg $0x9  }
0xb1: {  	_ =	task.clear_ibuf [dreg:s7], $0x5FFFF;
	_ =	strace $0x9000004C  }
0xb2: {  	s29 =	simm.s32 $0x9;
	_ =	strace $0x8000004E  }
0xb3: {  	_ =	swait.ge [sflag:s29], $0x1  }
0xb4: {  	[sflag:s29] =	ssyncadd.s32 $0xFFFFFFFF  }
0xb5: {  	_ =	strace $0x9000004E  }
0xb6: {  	_ =	sfence  }
0xb7: {  	s30 =	sld [smem:$0x0];
	_ =	sdelay $0x2  }
0xb8: {  	s31 =	sshll.u32 s1, $0xD;
	s1 =	sshrl.u32 s1, $0x2  }
0xb9: {  	s3 =	sand.u32 $0x4000, s31;
	s1 =	sadd.s32 s1, s30  }
0xba: {  	s0 =	sor.u32 s3, s0;
	s1 =	sshll.u32 s1, $0x11  }
0xbb: {  	s0 =	sor.u32 s1, s0  }
0xbc: {  	s0 =	sadd.s32 $0x8F2B, s0  }
0xbd: {  	[sflag:s0] =	ssyncadd.remote.s32 $0x1  }
0xbe: {  	_ =	sfence.sel $0xFFFF  }
0xbf: {  	[dreg:$0x0] =	wrdreg $0xFFFFFFFF;
	(pc) =	sbr.abs _section_cstart, $3  }
0xc0: {  	[dreg:$0x1] =	wrdreg $0xFFFFFFFF  }
0xc1: {  	_ =	task.clear_ibuf [dreg:s7], $0x2FFFF;
	_ =	strace $0x9FFFFFFF  }
0xc2: {  	(tm) =	ssettm $0x7FFFFFFF  }
0xc3: {  	_ =	shalt  }
tec
execute0_lowered:
.L_overlay_start_1:
0x0: {  	(tag) =	ssettag $0x1  }
0x1: {  	s5 =	rddreg [dreg:$0x0]  }
0x2: {  	s8 =	rddreg [dreg:$0x1]  }
0x3: {  	s0 =	rddreg [dreg:$0x2]  }
0x4: {  	s3 =	srdreg.scid;
	s1 =	stileid.u32;
	s2 =	simm.s32 $0x0  }
0x5: {  	s13 =	simm.s32 $0x11300;
	s14 =	simm.s32 $0xC480;
	s15 =	simm.s32 $0x80  }
0x6: {  	s16 =	simm.s32 $0x400;
	s17 =	simm.s32 $0x0;
	s6 =	sand.u32 $0x1, s3  }
0x7: {  	s29 =	sshll.u32 s1, $0x1;
	[smem:$0x7FF] =	sst s2;
	s11 =	sshrl.u32 s1, $0x2  }
0x8: {  	s3 =	sadd.s32 $0x145A00, s5;
	s7 =	sor.u32 s6, s29;
	s11 =	smul.u32 $0x50000, s11  }
0x9: {  	s4 =	sadd.s32 $0x144600, s5;
	s6 =	ssub.s32 $0x2, s6;
	s9 =	smul.u32 $0x271, s7  }
0xa: {  	s10 =	smul.u32 $0x9C4, s7;
	s7 =	sshll.u32 s7, $0x7;
	s30 =	sshrl.u32 s6, $0x1  }
0xb: {  	_ =	strace $0x8000004D;
	s7 =	sand.u32 $0x380, s7;
	s31 =	ssub.s32 s6, s30  }
0xc: {  	s9 =	sadd.s32 s9, s5;
	s10 =	sadd.s32 s10, s5;
	s7 =	sor.u32 s11, s7  }
0xd: {  	s11 =	simm.s32 $0x1400;
	s5 =	sadd.s32 $0x6E00, s9;
	s12 =	sshrl.u32 s7, $0x3  }
0xe: {  	v2 =	vlaneseq.u32;
	s6 =	sadd.s32 $0x1E00, s9;
	s7 =	sadd.s32 $0x146E00, s10;
	s9 =	smax.u32 s31, $0x1  }
0xf: {  	v0 =	vimm.f32 $0.0e+00;
	v1 =	vshrl.u32 v2, $0x2;
	v2 =	vand.u32 $0x3, v2;
	s10 =	simm.s32 $0x1;
	s8 =	sadd.s32 s8, s12;
	s12 =	simm.s32 $0x2800  }
.LBB2_1:
0x10: {  	s18 =	simm.s32 $0x40;
	s19 =	simm.s32 $0x0  }
.LBB2_2:
0x11: {  	p0 =	sne.s32 s18, $0x27FC0;
	[tilespmem:s19+$0x11300] =	vst v0;
	s19 =	smov.u32 s18;
	s18 =	sadd.s32 $0x40, s18  }
.Ltmp0:
0x12: {  	(pc) =	sbr.rel @p0 .LBB2_2-.Ltmp0, $2  }
0x13: {  	_ =	sdelay $0x2  }
0x14: {  	s19 =	sshra.s32 s19, $0x2  }
0x15: {  	[tilespmem:s19+$0x11300] =	vst v0;
	s18 =	simm.s32 $0x0  }
0x16: {  	[tilespmem:s18], [sflag:$0x1] =	stream.linear.gather [hbm4b:s5+s18], $0x1388, $0x38;
	[tilespmem:$0x1B300] =	vst v63  }
0x17: {  	_ =	swait.ge [sflag:s10], $0x1388  }
0x18: {  	[sflag:s10] =	ssyncset.done $0x0  }
0x19: {  	[sflag:s10] =	ssyncadd.s32 $0xFFFFEC78  }
0x1a: {  	[tilespmem:s11], [sflag:$0x1] =	stream.linear.gather [hbm4b:s6+s18], $0x1388, $0x38;
	[tilespmem:$0x1B300] =	vst v63  }
0x1b: {  	_ =	swait.ge [sflag:s10], $0x1388  }
0x1c: {  	[sflag:s10] =	ssyncset.done $0x0  }
0x1d: {  	v3 =	vor.u32 s18, v1;
	[sflag:s10] =	ssyncadd.s32 $0xFFFFEC78  }
0x1e: {  	[tilespmem:s12], [sflag:$0x1] =	stream.linear.gather [hbm4b:s3+s18], $0x9C80, $0x38;
	[tilespmem:$0x1B300] =	vst v63  }
0x1f: {  	_ =	swait.ge [sflag:s10], $0x9C80  }
0x20: {  	[sflag:s10] =	ssyncset.done $0x0  }
0x21: {  	[sflag:s10] =	ssyncadd.s32 $0xFFFF6380  }
0x22: {  	v3 =	vld.idx.msk [tilespmem:v3+s2+$0x0], $0xffff;
	_ =	sdelay $0x4  }
0x23: {  	v3 =	vshll.u32 v3, $0x2  }
0x24: {  	v3 =	vor.u32 v2, v3;
	_ =	sdelay $0x4  }
0x25: {  	s30 =	simm.s32 $0x4;
	v3 =	vld.idx.msk [tilespmem:v3+s12+$0x0], $0xffff  }
0x26: {  	v4 =	vor.u32 s30, v1;
	_ =	sdelay $0x2  }
0x27: {  	s18 =	simm.s32 $0xC480  }
0x28: {  	[tilespmem:s18+$0x0] =	vst v3  }
0x29: {  	v3 =	vld.idx.msk [tilespmem:v4+s2+$0x0], $0xffff;
	_ =	sdelay $0x4  }
0x2a: {  	v3 =	vshll.u32 v3, $0x2  }
0x2b: {  	v3 =	vor.u32 v2, v3;
	_ =	sdelay $0x4  }
0x2c: {  	s31 =	simm.s32 $0x8;
	v3 =	vld.idx.msk [tilespmem:v3+s12+$0x0], $0xffff  }
0x2d: {  	s19 =	simm.s32 $0xC;
	v4 =	vor.u32 s31, v1  }
.LBB2_4:
0x2e: {  	p0 =	sne.s32 s19, $0x1384;
	_ =	sdelay $0x1  }
0x2f: {  	s18 =	sadd.s32 $0x10, s18  }
0x30: {  	[tilespmem:s18+$0x0] =	vst v3  }
0x31: {  	v3 =	vld.idx.msk [tilespmem:v4+s2+$0x0], $0xffff;
	_ =	sdelay $0x5  }
0x32: {  	v3 =	vshll.u32 v3, $0x2  }
0x33: {  	v3 =	vor.u32 v2, v3;
	_ =	sdelay $0x2  }
.Ltmp1:
0x34: {  	(pc) =	sbr.rel @p0 .LBB2_4-.Ltmp1, $3  }
0x35: {  	_ = 	snop  }
0x36: {  	v3 =	vld.idx.msk [tilespmem:v3+s12+$0x0], $0xffff;
	_ =	sdelay $0x1  }
0x37: {  	v4 =	vor.u32 s19, v1;
	s19 =	sadd.s32 $0x4, s19  }
0x38: {  	_ =	sdelay $0x1  }
0x39: {  	s18 =	sadd.s32 $0x10, s18  }
0x3a: {  	[tilespmem:s18+$0x0] =	vst v3  }
0x3b: {  	v3 =	vld.idx.msk [tilespmem:v4+s2+$0x0], $0xffff;
	_ =	sdelay $0x4  }
0x3c: {  	v3 =	vshll.u32 v3, $0x2  }
0x3d: {  	v3 =	vor.u32 v2, v3;
	_ =	sdelay $0x4  }
0x3e: {  	v3 =	vld.idx.msk [tilespmem:v3+s12+$0x0], $0xffff;
	_ =	sdelay $0x3  }
0x3f: {  	s19 =	simm.s32 $0x0;
	s18 =	sadd.s32 $0x10, s18  }
0x40: {  	[tilespmem:s18+$0x0] =	vst v3;
	v3 =	vor.u32 s19, v1  }
0x41: {  	[tilespmem:s12], [sflag:$0x1] =	stream.linear.gather [hbm4b:s4+s19], $0x9C80, $0x38;
	[tilespmem:$0x1B300] =	vst v63  }
0x42: {  	_ =	swait.ge [sflag:s10], $0x9C80  }
0x43: {  	[sflag:s10] =	ssyncset.done $0x0  }
0x44: {  	[sflag:s10] =	ssyncadd.s32 $0xFFFF6380  }
0x45: {  	v3 =	vld.idx.msk [tilespmem:v3+s11+$0x0], $0xffff;
	_ =	sdelay $0x4  }
0x46: {  	v3 =	vshll.u32 v3, $0x2  }
0x47: {  	v3 =	vor.u32 v2, v3;
	_ =	sdelay $0x2  }
0x48: {  	s18 =	simm.s32 $0xC480  }
0x49: {  	v5 =	vld [tilespmem:s18+$0x0]  }
0x4a: {  	v4 =	vld.idx.msk [tilespmem:v3+s12+$0x0], $0xffff;
	_ =	sdelay $0x4  }
0x4b: {  	v4 =	vadd.f32 v5, v4;
	_ =	sdelay $0x1  }
0x4c: {  	v5 =	vmul.f32 $2.000000030e-01, v4;
	_ =	sdelay $0x1  }
0x4d: {  	v4 =	vmax.f32 v4, v5  }
0x4e: {  	v4 =	vmul.f32 $1.442695020e+00, v4;
	_ =	sdelay $0x1  }
0x4f: {  	(erf) = vpow2.f32 v4;
	_ =	sdelay $0x5  }
0x50: {  	s31 =	simm.s32 $0x4  }
0x51: {  	v4 =	vor.u32 s31, v1  }
0x52: {  	s19 =	simm.s32 $0x8  }
.LBB2_6:
0x53: {  	p0 =	sne.s32 s19, $0x1384;
	v5 =	vpop (erf)  }
0x54: {  	[tilespmem:s18+$0x0] =	vst v5  }
0x55: {  	[tilespmem:v3+s13+$0x0] =	vst.idx.add.f32.msk $0xffff, v5  }
0x56: {  	v3 =	vld.idx.msk [tilespmem:v4+s11+$0x0], $0xffff;
	_ =	sdelay $0x5  }
0x57: {  	v3 =	vshll.u32 v3, $0x2  }
0x58: {  	v3 =	vor.u32 v2, v3;
	_ =	sdelay $0x4  }
0x59: {  	s18 =	sadd.s32 $0x10, s18;
	v4 =	vld.idx.msk [tilespmem:v3+s12+$0x0], $0xffff  }
0x5a: {  	v5 =	vld [tilespmem:s18+$0x0];
	_ =	sdelay $0x4  }
0x5b: {  	v4 =	vadd.f32 v5, v4;
	_ =	sdelay $0x1  }
0x5c: {  	v5 =	vmul.f32 $2.000000030e-01, v4;
	_ =	sdelay $0x1  }
0x5d: {  	v4 =	vmax.f32 v4, v5  }
0x5e: {  	v4 =	vmul.f32 $1.442695020e+00, v4;
	_ =	sdelay $0x1  }
0x5f: {  	(erf) = vpow2.f32 v4;
	_ =	sdelay $0x3  }
.Ltmp2:
0x60: {  	(pc) =	sbr.rel @p0 .LBB2_6-.Ltmp2, $3  }
0x61: {  	_ =	sdelay $0x1  }
0x62: {  	v4 =	vor.u32 s19, v1  }
0x63: {  	s19 =	sadd.s32 $0x4, s19  }
0x64: {  	_ =	sdelay $0x1  }
0x65: {  	v5 =	vpop (erf)  }
0x66: {  	[tilespmem:s18+$0x0] =	vst v5  }
0x67: {  	[tilespmem:v3+s13+$0x0] =	vst.idx.add.f32.msk $0xffff, v5  }
0x68: {  	v3 =	vld.idx.msk [tilespmem:v4+s11+$0x0], $0xffff;
	_ =	sdelay $0x4  }
0x69: {  	v3 =	vshll.u32 v3, $0x2  }
0x6a: {  	v3 =	vor.u32 v2, v3;
	_ =	sdelay $0x2  }
0x6b: {  	s31 =	sadd.s32 $0x10, s18  }
0x6c: {  	v5 =	vld [tilespmem:s31+$0x0]  }
0x6d: {  	v63 =	vld.idx.msk [tilespmem:v3+s12+$0x0], $0xffff;
	_ =	sdelay $0x4  }
0x6e: {  	v4 =	vadd.f32 v5, v63;
	_ =	sdelay $0x1  }
0x6f: {  	v5 =	vmul.f32 $2.000000030e-01, v4;
	_ =	sdelay $0x1  }
0x70: {  	v4 =	vmax.f32 v4, v5  }
0x71: {  	v4 =	vmul.f32 $1.442695020e+00, v4;
	_ =	sdelay $0x1  }
0x72: {  	(erf) = vpow2.f32 v4;
	_ =	sdelay $0x8  }
0x73: {  	v4 =	vpop (erf)  }
0x74: {  	[tilespmem:s31+$0x0] =	vst v4  }
0x75: {  	[tilespmem:v3+s13+$0x0] =	vst.idx.add.f32.msk $0xffff, v4  }
0x76: {  	[hbm4b:s7+s2] =	stream.linear.scatter [tilespmem:s14], [sflag:$0x1], $0x4E20, $0x38;
	[tilespmem:$0x1B300] =	vst v63  }
0x77: {  	s17 =	sadd.s32 $0x1, s17;
	_ =	swait.ge [sflag:s10], $0x4E20  }
0x78: {  	p0 =	sne.s32 s17, s9;
	[sflag:s10] =	ssyncset.done $0x0  }
.Ltmp3:
0x79: {  	[sflag:s10] =	ssyncadd.s32 $0xFFFFB1E0;
	(pc) =	sbr.rel @p0 .LBB2_1-.Ltmp3, $4  }
0x7a: {  	[hbm4b:s8+s15] =	stream.strided.scatter [tilespmem:s13], [sflag:$0x1], $0xA000, s16, s15, $0x38;
	[tilespmem:$0x1B300] =	vst v63  }
0x7b: {  	_ =	swait.ge [sflag:s10], $0xA000  }
0x7c: {  	[sflag:s10] =	ssyncset.done $0x0  }
0x7d: {  	[sflag:s10] =	ssyncadd.s32 $0xFFFF6000  }
0x7e: {  	_ =	sfence.sel $0x180000  }
0x7f: {  	[bflag:$0x0] =	sbarrier.arrive $0xFFFF  }
0x80: {  	p0 =	sne.s32 s1, $0x0;
	_ =	strace $0x9000004D  }
0x81: {  	s0 =	sadd.s32 @!p0 $0x100000, s0;
	[bflag:$0x2] =	sbarrier.arrive $0xFFFF  }
0x82: {  	[sflag:s0] =	ssyncadd.tile.s32 @!p0 $0x1;
	_ =	shalt  }
.Lfunc_end2:
_tile_overlayer_lowered:
.L_overlay_start_2:
0x83: {  	(tag) =	ssettag $0x2  }
0x84: {  	s0 =	rddreg [dreg:$0x0];
	s2 =	stileid.u32  }
0x85: {  	s1 =	rddreg [dreg:$0x1];
	p0 =	sne.s32 s2, $0x0  }
0x86: {  	s3 =	rddreg [dreg:$0x2];
	[bflag:$0x3] =	sbarrier.arrive $0xFFFF;
	s2 =	simm.s32 @!p0 $0x1C01  }
0x87: {  	[timem:s3], [sflag:s2] =	dma.local @!p0 [hbm:s0], s1  }
0x88: {  	s0 =	simm.s32 @!p0 $0x1  }
0x89: {  	_ =	swait.ge @!p0 [sflag:s0], s1  }
0x8a: {  	s1 =	ssub.s32 @!p0 $0x0, s1;
	[sflag:s0] =	ssyncset.done @!p0 $0x0  }
0x8b: {  	[sflag:s0] =	ssyncadd.s32 @!p0 s1  }
0x8c: {  	[bflag:$0x3] =	sbarrier.arrive $0xFFFF  }
0x8d: {  	_ =	shalt  }

// kernel: kernel.21.cloned.1.call-start
scs
__scs_entry_jumppad:
0x0: {  	(pc) =	sbr.rel $0x88, $3  }
0x1: {  	(tag) =	ssettag $0x0;
	lr =	simm.s32 $0x1  }
0x2: {  	[smem:$0x3F93] =	sst lr;
	_ =	strace $0xD0000000  }
0x3: {  	_ = 	snop  }
0x4: {  	_ = 	snop  }
0x5: {  	_ = 	snop  }
0x6: {  	_ = 	snop  }
0x7: {  	_ = 	snop  }
__scs_overlays_trampoline_lowered:
0x8: {  	[smem:$0x3FA2] =	sst s0  }
0x9: {  	[smem:$0x3FA3] =	sst s1  }
0xa: {  	[smem:$0x3FA4] =	sst s2  }
0xb: {  	[smem:$0x3FA5] =	sst s3  }
0xc: {  	[smem:$0x3FA6] =	sst s4  }
0xd: {  	[smem:$0x3FA7] =	sst s5  }
0xe: {  	[smem:$0x3FA8] =	sst s6  }
0xf: {  	[smem:$0x3FA9] =	sst s7  }
0x10: {  	[smem:$0x3FAA] =	sst s8  }
0x11: {  	[smem:$0x3FAB] =	sst s9;
	s0 =	simm.s32 @!p0 $0x0  }
0x12: {  	s1 =	sld [smem:$0x3F91];
	s0 =	simm.s32 @p0 $0x1  }
0x13: {  	[smem:$0x3FAC] =	sst s0;
	s0 =	simm.s32 @!p1 $0x0  }
0x14: {  	s2 =	sld [smem:$0x3F90];
	s0 =	simm.s32 @p1 $0x1  }
0x15: {  	[smem:$0x3FAD] =	sst s0;
	s0 =	simm.s32 @!p2 $0x0  }
0x16: {  	s3 =	sld [smem:$0x3FDB];
	s0 =	simm.s32 @p2 $0x1  }
0x17: {  	s4 =	simm.s32 $0x1BF5;
	[smem:$0x3FAF] =	sst s0  }
0x18: {  	s0 =	sld [smem:$0x3F92];
	_ =	swait.ge [sflag:s4], $0x0  }
0x19: {  	s7 =	sld [smem:$0x3F93]  }
0x1a: {  	s8 =	sadd.s32 $0xFFFFE003, lr  }
0x1b: {  	s9 =	sadd.s32 $0xFFFFFEF7, lr;
	s5 =	simm.s32 $0xFFFFFFFF;
	p2 =	slt.u32 s8, $0xFFFFF086  }
0x1c: {  	p1 =	slt.u32 s9, $0xF7A;
	s5 =	simm.s32 @!p2 $0x0  }
0x1d: {  	s5 =	simm.s32 @p1 $0x1;
	p0 =	seq.s32 s7, s2  }
0x1e: {  	s7 =	smul.u32 @!p0 $0xF7A, s2;
	p2 =	seq.s32 @!p0 s5, $0x0  }
0x1f: {  	s9 =	smul.u32 $0xF7A, s1;
	s8 =	simm.s32 @!p0 $0x1BF5;
	p2 =	por !p2, p0  }
0x20: {  	[sflag:s8] =	ssyncset.s32 @!p0 $0xFFFFF086;
	s6 =	sadd.s32 @!p0 s3, s7;
	s7 =	simm.s32 @!p0 $0x108  }
0x21: {  	s3 =	sadd.s32 s3, s9;
	s6 =	sadd.s32 @!p0 $0x88, s6;
	s7 =	simm.s32 @p2 $0x1082  }
0x22: {  	[simem:s7], [sflag:s8] =	dma.local @!p0 [hbm:s6], $0xF7A  }
0x23: {  	s9 =	sor.u32 $0xD0000000, s2;
	s6 =	simm.s32 $0x108;
	_ =	swait.ge @!p0 [sflag:s8], $0x0  }
0x24: {  	s3 =	sadd.s32 $0x88, s3;
	s6 =	simm.s32 @!p1 $0x1082;
	[sflag:s4] =	ssyncset.s32 $0xFFFFF086  }
0x25: {  	[simem:s6], [sflag:s4] =	dma.local [hbm:s3], $0xF7A  }
0x26: {  	[smem:$0x3F93] =	sst s1;
	(tag) =	ssettag s2;
	_ =	strace s9  }
0x27: {  	s1 =	sld [smem:$0x3FA3]  }
0x28: {  	s2 =	sld [smem:$0x3FA4]  }
0x29: {  	s4 =	sld [smem:$0x3FA6]  }
0x2a: {  	p0 =	seq.s32 s5, $0x0;
	s5 =	sld [smem:$0x3FA7]  }
0x2b: {  	s6 =	sld [smem:$0x3FA8]  }
0x2c: {  	s7 =	sld [smem:$0x3FA9]  }
0x2d: {  	s3 =	simm.s32 $0x108;
	s8 =	sld [smem:$0x3FAA]  }
0x2e: {  	s3 =	simm.s32 @!p0 $0x1082;
	s9 =	sld [smem:$0x3FAB]  }
0x2f: {  	lr =	sadd.s32 s0, s3;
	s0 =	sld [smem:$0x3FA2]  }
0x30: {  	s3 =	sld [smem:$0x3FA5]  }
0x31: {  	[smem:$0x3FAE] =	sst s10  }
0x32: {  	s10 =	sld [smem:$0x3FAC];
	_ =	sdelay $0x3  }
0x33: {  	p0 =	seq.s32 s10, $0x1;
	s10 =	sld [smem:$0x3FAE];
	_ =	sdelay $0x3  }
0x34: {  	[smem:$0x3FAE] =	sst s10  }
0x35: {  	s10 =	sld [smem:$0x3FAD];
	_ =	sdelay $0x3  }
0x36: {  	p1 =	seq.s32 s10, $0x1;
	s10 =	sld [smem:$0x3FAE];
	_ =	sdelay $0x3  }
0x37: {  	[smem:$0x3FAE] =	sst s10  }
0x38: {  	s10 =	sld [smem:$0x3FAF]  }
0x39: {  	_ = 	snop;
	(pc) =	sbr.ind lr, $3  }
0x3a: {  	_ = 	snop  }
0x3b: {  	_ = 	snop  }
0x3c: {  	p2 =	seq.s32 s10, $0x1;
	s10 =	sld [smem:$0x3FAE]  }
0x3d: {  	_ =	shalt  }
0x3e: {  	_ =	shalt  }
0x3f: {  	_ =	shalt  }
0x40: {  	_ =	shalt  }
0x41: {  	_ =	shalt  }
0x42: {  	_ =	shalt  }
0x43: {  	_ =	shalt  }
0x44: {  	_ =	shalt  }
0x45: {  	_ =	shalt  }
0x46: {  	_ =	shalt  }
0x47: {  	_ =	shalt  }
0x48: {  	_ =	shalt  }
0x49: {  	_ =	shalt  }
0x4a: {  	_ =	shalt  }
0x4b: {  	_ =	shalt  }
0x4c: {  	_ =	shalt  }
0x4d: {  	_ =	shalt  }
0x4e: {  	_ =	shalt  }
0x4f: {  	_ =	shalt  }
0x50: {  	_ =	shalt  }
0x51: {  	_ =	shalt  }
0x52: {  	_ =	shalt  }
0x53: {  	_ =	shalt  }
0x54: {  	_ =	shalt  }
0x55: {  	_ =	shalt  }
0x56: {  	_ =	shalt  }
0x57: {  	_ =	shalt  }
0x58: {  	_ =	shalt  }
0x59: {  	_ =	shalt  }
0x5a: {  	_ =	shalt  }
0x5b: {  	_ =	shalt  }
0x5c: {  	_ =	shalt  }
0x5d: {  	_ =	shalt  }
0x5e: {  	_ =	shalt  }
0x5f: {  	_ =	shalt  }
0x60: {  	_ =	shalt  }
0x61: {  	_ =	shalt  }
0x62: {  	_ =	shalt  }
0x63: {  	_ =	shalt  }
0x64: {  	_ =	shalt  }
0x65: {  	_ =	shalt  }
0x66: {  	_ =	shalt  }
0x67: {  	_ =	shalt  }
0x68: {  	_ =	shalt  }
0x69: {  	_ =	shalt  }
0x6a: {  	_ =	shalt  }
0x6b: {  	_ =	shalt  }
0x6c: {  	_ =	shalt  }
0x6d: {  	_ =	shalt  }
0x6e: {  	_ =	shalt  }
0x6f: {  	_ =	shalt  }
0x70: {  	_ =	shalt  }
0x71: {  	_ =	shalt  }
0x72: {  	_ =	shalt  }
0x73: {  	_ =	shalt  }
0x74: {  	_ =	shalt  }
0x75: {  	_ =	shalt  }
0x76: {  	_ =	shalt  }
0x77: {  	_ =	shalt  }
0x78: {  	_ =	shalt  }
0x79: {  	_ =	shalt  }
0x7a: {  	_ =	shalt  }
0x7b: {  	_ =	shalt  }
0x7c: {  	_ =	shalt  }
0x7d: {  	_ =	shalt  }
0x7e: {  	_ =	shalt  }
0x7f: {  	_ =	shalt  }
0x80: {  	_ =	shalt  }
0x81: {  	_ =	shalt  }
0x82: {  	_ =	shalt  }
0x83: {  	_ =	shalt  }
0x84: {  	_ =	shalt  }
0x85: {  	_ =	shalt  }
0x86: {  	_ =	shalt  }
0x87: {  	_ =	shalt  }
.Lfunc_end0:
.L_simem_size_0:
called_computation.3_lowered:
.L_overlay_start_0:
0x88: {  	s2 =	sld [smem:$0x3FD9]  }
0x89: {  	s3 =	sld [smem:$0x3FFE];
	_ =	sdelay $0x1  }
0x8a: {  	s1 =	srdreg.scid  }
0x8b: {  	s0 =	sand.u32 $0x1, s1  }
0x8c: {  	s17 =	sshll.u32 s0, $0xA;
	s2 =	sadd.s32 s3, s2  }
0x8d: {  	s2 =	sadd.s32 s2, s17  }
0x8e: {  	[smem:$0x3FBA] =	sst s2  }
0x8f: {  	_ = 	snop  }
0x90: {  	s2 =	sld [smem:$0x3FD0];
	(tm) =	ssettm $0x1  }
0x91: {  	s18 =	sld [smem:$0x3FFB];
	_ =	sdelay $0x3  }
0x92: {  	_ =	strace s18  }
0x93: {  	s3 =	sld [smem:$0x3FFC];
	_ =	sdelay $0x3  }
0x94: {  	_ =	strace s3  }
0x95: {  	s3 =	sld [smem:$0x3FFD];
	_ =	sdelay $0x3  }
0x96: {  	_ =	strace s3  }
0x97: {  	_ =	strace $0x8FFFFFFF  }
0x98: {  	s19 =	sld [smem:$0x3FDB];
	_ =	sdelay $0x1  }
0x99: {  	s4 =	simm.s32 $_scs_section_size  }
0x9a: {  	s5 =	simm.s32 $_size__tile_overlayer_lowered;
	s6 =	simm.s32 $_tile_overlayer_lowered  }
0x9b: {  	s22 =	simm.s32 $0x1BFF;
	s21 =	sshll.u32 s6, $0x1;
	s3 =	sadd.s32 s4, s19  }
0x9c: {  	s7 =	simm.s32 $0x0;
	s20 =	sshll.u32 s5, $0x1;
	s5 =	sadd.s32 s21, s3  }
0x9d: {  	[timem:s7], [sflag:s22] =	dma.local [hbm:s5], s20  }
0x9e: {  	_ =	swait.ge [sflag:s22], s20  }
0x9f: {  	s4 =	ssub.s32 $0x0, s20;
	[sflag:s22] =	ssyncset.done $0x0  }
0xa0: {  	[sflag:s22] =	ssyncadd.s32 s4;
	_ =	sdelay $0x1  }
0xa1: {  	s23 =	simm.s32 $0x1B8B  }
0xa2: {  	_ =	swait.ge [sflag:s23], $0x1  }
0xa3: {  	[sflag:s23] =	ssyncset.done $0x0  }
0xa4: {  	s25 =	simm.s32 $0x1B8E;
	s24 =	sld [smem:$0x3FFE];
	[sflag:s23] =	ssyncadd.s32 $0xFFFFFFFF  }
0xa5: {  	s26 =	simm.s32 $execute0_lowered;
	[smem:$0x3FD2] =	sst s25  }
0xa6: {  	s5 =	sshll.u32 s26, $0x1;
	_ =	strace $0x8000004F;
	[dreg:$0x1] =	wrdreg $0xFFFFFFFF  }
0xa7: {  	s28 =	simm.s32 $_size_execute0_lowered;
	s3 =	sadd.s32 s3, s5;
	[dreg:$0x0] =	wrdreg $0x0  }
0xa8: {  	s5 =	sshll.u32 s28, $0x1;
	[dreg:$0x2] =	wrdreg s3  }
0xa9: {  	[dreg:$0x3] =	wrdreg s5  }
0xaa: {  	[dreg:$0x4] =	wrdreg $0xC0  }
0xab: {  	_ =	task [dreg:s7], $0x5FFFF  }
0xac: {  	[dreg:$0x1] =	wrdreg $0xFFFFFFFF  }
0xad: {  	[dreg:$0x0] =	wrdreg $0x60  }
0xae: {  	[dreg:$0x2] =	wrdreg s24  }
0xaf: {  	[dreg:$0x3] =	wrdreg s2  }
0xb0: {  	[dreg:$0x4] =	wrdreg $0x9  }
0xb1: {  	_ =	task.clear_ibuf [dreg:s7], $0x5FFFF;
	_ =	strace $0x9000004F  }
0xb2: {  	s29 =	simm.s32 $0x9;
	_ =	strace $0x80000051  }
0xb3: {  	_ =	swait.ge [sflag:s29], $0x1  }
0xb4: {  	[sflag:s29] =	ssyncadd.s32 $0xFFFFFFFF  }
0xb5: {  	_ =	strace $0x90000051  }
0xb6: {  	_ =	sfence  }
0xb7: {  	s30 =	sld [smem:$0x0];
	_ =	sdelay $0x2  }
0xb8: {  	s31 =	sshll.u32 s1, $0xD;
	s1 =	sshrl.u32 s1, $0x2  }
0xb9: {  	s3 =	sand.u32 $0x4000, s31;
	s1 =	sadd.s32 s1, s30  }
0xba: {  	s0 =	sor.u32 s3, s0;
	s1 =	sshll.u32 s1, $0x11  }
0xbb: {  	s0 =	sor.u32 s1, s0  }
0xbc: {  	s0 =	sadd.s32 $0x8F2B, s0  }
0xbd: {  	[sflag:s0] =	ssyncadd.remote.s32 $0x1  }
0xbe: {  	_ =	sfence.sel $0xFFFF  }
0xbf: {  	[dreg:$0x0] =	wrdreg $0xFFFFFFFF;
	(pc) =	sbr.abs _section_cstart, $3  }
0xc0: {  	[dreg:$0x1] =	wrdreg $0xFFFFFFFF  }
0xc1: {  	_ =	task.clear_ibuf [dreg:s7], $0x2FFFF;
	_ =	strace $0x9FFFFFFF  }
0xc2: {  	(tm) =	ssettm $0x7FFFFFFF  }
0xc3: {  	_ =	shalt  }
tec
execute0_lowered:
.L_overlay_start_1:
0x0: {  	(tag) =	ssettag $0x1  }
0x1: {  	s0 =	rddreg [dreg:$0x0]  }
0x2: {  	s1 =	rddreg [dreg:$0x1];
	s2 =	srdreg.scid  }
0x3: {  	s3 =	stileid.u32;
	s4 =	simm.s32 $0x0;
	s13 =	simm.s32 $0x4780  }
0x4: {  	s15 =	simm.s32 $0x2800;
	s16 =	simm.s32 $0x1;
	s17 =	simm.s32 $0x4D00  }
0x5: {  	s18 =	simm.s32 $0x5500;
	s19 =	simm.s32 $0x5D00;
	s20 =	simm.s32 $0x6500  }
0x6: {  	s21 =	simm.s32 $0x6D00;
	s22 =	simm.s32 $0x7500;
	s28 =	simm.s32 $0x8D00  }
0x7: {  	s29 =	simm.s32 $0x8E00;
	s2 =	sand.u32 $0x1, s2;
	s3 =	sshll.u32 s3, $0x1  }
0x8: {  	[smem:$0x7FF] =	sst s4;
	s6 =	sadd.s32 $0x6E00, s0;
	s24 =	sadd.s32 $0x1E00, s0  }
0x9: {  	v2 =	vimm.f32 $0.0e+00;
	s7 =	sadd.s32 $0x146E00, s0;
	s8 =	sadd.s32 $0xBF00, s0;
	s9 =	sadd.s32 $0xC000, s0  }
0xa: {  	v3 =	vlaneseq.u32;
	v4 =	vimm.s32 $0x0;
	v5 =	vimm.s32 $0x140;
	s10 =	sadd.s32 $0xC100, s0;
	s23 =	sor.u32 s2, s3;
	_ =	strace $0x80000050  }
0xb: {  	vm0 =	vmmov $0xffff;
	v7 =	vshrl.u32 v3, $0x3;
	v6 =	vand.u32 $0x7, v3;
	s3 =	sadd.s32 $0xBE00, s0;
	[dreg:$0x3] =	wrdreg s6;
	s5 =	smul.u32 $0x140, s23  }
0xc: {  	v8 =	vor.u32 $0x8, v3;
	v9 =	vshrl.u32 v3, $0x2;
	v10 =	vand.u32 $0x3, v3;
	[dreg:$0x4] =	wrdreg s24;
	s2 =	ssub.s32 $0x2, s2;
	s25 =	smul.u32 $0x2800, s23  }
0xd: {  	v11 =	vor.u32 $0x10, v3;
	v12 =	vor.u32 $0x20, v3;
	v13 =	vor.u32 $0x30, v3;
	[dreg:$0x5] =	wrdreg s7;
	s24 =	simm.s32 $0x8500;
	s4 =	smul.u32 $0xA0, s23  }
.Ltmp0:
0xe: {  	v14 =	vor.u32 $0x40, v3;
	v15 =	vor.u32 $0x50, v3;
	v16 =	vor.u32 $0x60, v3;
	s26 =	sshrl.u32 s2, $0x1;
	s23 =	simm.s32 $0x7D00;
	(pc) =	sbr.rel .LBB2_1-.Ltmp0, $4  }
0xf: {  	v17 =	vor.u32 $0x70, v3;
	v18 =	vor.u32 $0x80, v3;
	v19 =	vor.u32 $0x90, v3;
	s2 =	ssub.s32 s2, s26;
	s26 =	simm.s32 $0x1800;
	s1 =	sadd.s32 s1, s4  }
0x10: {  	v20 =	vor.u32 $0xA0, v3;
	v21 =	vor.u32 $0xB0, v3;
	v22 =	vor.u32 $0xC0, v3;
	s6 =	sadd.s32 s25, s0;
	s31 =	smax.u32 s2, $0x1;
	[dreg:$0x6] =	wrdreg s1  }
0x11: {  	v23 =	vor.u32 $0xD0, v3;
	v24 =	vor.u32 $0xE0, v3;
	v0 =	vmov s5;
	s5 =	sadd.s32 $0x140, s5;
	s30 =	sadd.s32 $0x15A800, s6;
	[dreg:$0x8] =	wrdreg s31  }
0x12: {  	v25 =	vor.u32 $0xF0, v3;
	v7 =	vmul.u32 $0x8, v7;
	s25 =	simm.s32 $0x2000;
	s2 =	simm.s32 $0x0;
	v1 =	vmov s5;
	[dreg:$0x7] =	wrdreg s30  }
.LBB2_11:
0x13: {  	s0 =	simm.s32 $0x0;
	s1 =	rddreg [dreg:$0x7];
	s30 =	simm.s32 $0x2  }
0x14: {  	[hbm4b:s1+s0] =	stream.linear.scatter [tilespmem:s29], [sflag:$0x2], $0x14000, $0x38;
	[tilespmem:$0x1D600] =	vst v63  }
0x15: {  	_ =	swait.ge [sflag:s30], $0x14000  }
0x16: {  	s2 =	rddreg [dreg:$0x9]  }
0x17: {  	s31 =	rddreg [dreg:$0x8];
	s2 =	sadd.s32 $0x1, s2  }
0x18: {  	p0 =	sne.s32 s2, s31  }
.Ltmp1:
0x19: {  	_ = 	snop;
	(pc) =	sbr.rel @!p0 .LBB2_12-.Ltmp1, $3  }
0x1a: {  	_ =	sdelay $0x1  }
0x1b: {  	[sflag:s30] =	ssyncset.done $0x0  }
0x1c: {  	[sflag:s30] =	ssyncadd.s32 $0xFFFEC000  }
.LBB2_1:
0x1d: {  	[dreg:$0x9] =	wrdreg s2;
	s0 =	simm.s32 $0x40;
	s1 =	simm.s32 $0x0  }
.LBB2_2:
0x1e: {  	p0 =	sne.s32 s0, $0x51FC0;
	[tilespmem:s1+$0x8E00] =	vst v2;
	s1 =	smov.u32 s0;
	s0 =	sadd.s32 $0x40, s0  }
.Ltmp2:
0x1f: {  	(pc) =	sbr.rel @p0 .LBB2_2-.Ltmp2, $2  }
0x20: {  	_ =	sdelay $0x2  }
0x21: {  	s1 =	sshra.s32 s1, $0x2  }
0x22: {  	[tilespmem:s1+$0x8E00] =	vst v2;
	s30 =	simm.s32 $0x0;
	s0 =	rddreg [dreg:$0x6];
	s31 =	simm.s32 $0x2  }
0x23: {  	[tilespmem:s13], [sflag:$0x2] =	stream.linear.gather [hbm4b:s0+s30], $0x500, $0x38;
	[tilespmem:$0x1D600] =	vst v63  }
.Ltmp3:
0x24: {  	_ =	swait.ge [sflag:s31], $0x500;
	(pc) =	sbr.rel .LBB2_4-.Ltmp3, $4  }
0x25: {  	[sflag:s31] =	ssyncset.done $0x0  }
0x26: {  	[sflag:s31] =	ssyncadd.s32 $0xFFFFFB00  }
0x27: {  	[tilespmem:$0x4C80] =	vst v2  }
0x28: {  	s6 =	simm.s32 $0x0;
	[tilespmem:$0x4C90] =	vst v2  }
.LBB2_10:
0x29: {  	s6 =	rddreg [dreg:$0xa]  }
0x2a: {  	s6 =	sadd.s32 $0x1, s6  }
0x2b: {  	p0 =	sne.s32 s6, $0x50  }
.Ltmp4:
0x2c: {  	_ = 	snop;
	(pc) =	sbr.rel @!p0 .LBB2_11-.Ltmp4, $1  }
0x2d: {  	_ =	sdelay $0x3  }
.LBB2_4:
0x2e: {  	s1 =	smul.u32 $0xFA, s6  }
0x2f: {  	s0 =	rddreg [dreg:$0x3]  }
0x30: {  	s5 =	simm.s32 $0x0;
	s4 =	simm.s32 $0x2;
	s2 =	sadd.s32 s0, s1  }
0x31: {  	[tilespmem:s5], [sflag:$0x2] =	stream.linear.gather [hbm4b:s2+s5], $0x7D0, $0x38;
	[tilespmem:$0x1D600] =	vst v63  }
0x32: {  	_ =	swait.ge [sflag:s4], $0x7D0  }
0x33: {  	[sflag:s4] =	ssyncset.done $0x0;
	s12 =	rddreg [dreg:$0x4]  }
0x34: {  	s14 =	simm.s32 $0x800;
	[sflag:s4] =	ssyncadd.s32 $0xFFFFF830;
	s1 =	sadd.s32 s12, s1  }
0x35: {  	[tilespmem:s14], [sflag:$0x2] =	stream.linear.gather [hbm4b:s1+s5], $0x7D0, $0x38;
	[tilespmem:$0x1D600] =	vst v63  }
0x36: {  	s30 =	smul.u32 $0x3E8, s6;
	_ =	swait.ge [sflag:s4], $0x7D0  }
0x37: {  	[sflag:s4] =	ssyncset.done $0x0;
	s31 =	rddreg [dreg:$0x5]  }
0x38: {  	[dreg:$0xa] =	wrdreg s6;
	[sflag:s4] =	ssyncadd.s32 $0xFFFFF830;
	s1 =	sadd.s32 s31, s30  }
0x39: {  	[tilespmem:s15], [sflag:$0x2] =	stream.linear.gather [hbm4b:s1+s5], $0x1F40, $0x38;
	[tilespmem:$0x1D600] =	vst v63  }
0x3a: {  	_ =	swait.ge [sflag:s4], $0x1F40  }
0x3b: {  	[sflag:s4] =	ssyncset.done $0x0  }
0x3c: {  	[sflag:s4] =	ssyncadd.s32 $0xFFFFE0C0  }
0x3d: {  	v26 =	vld [tilespmem:s14+$0x0];
	_ =	sdelay $0x4  }
0x3e: {  	vm1 =	vge.s32 v26, v0;
	vm2 =	vlt.s32 v26, v1  }
0x3f: {  	vm1 =	vmand vm1, vm2  }
0x40: {  	v28 =	vsel vm1, $0x1, v4  }
0x41: {  	(xrf0) =	vadd.scan.msk.s32 $0xffff, v28  }
0x42: {  	v27 =	vld [tilespmem:s5+$0x0];
	_ =	sdelay $0x4  }
0x43: {  	v26 =	vsub.s32 v26, v0;
	[tilespmem:s5+$0x1000] =	vst.msk vm1, v27;
	v27, _, _ =	vpop (xrf0)  }
0x44: {  	[tilespmem:s5+$0x1800] =	vst.msk vm1, v26;
	v26 =	vor.u32 s5, v3;
	(v2sf) =	vpush v27, $0xF  }
0x45: {  	s1 =	simm.s32 $0x10;
	[tilespmem:s5+$0x2000] =	vst.msk vm1, v26  }
0x46: {  	s4 =	simm.s32 $0x810;
	v26 =	vld [tilespmem:s1+$0x0]  }
0x47: {  	s2 =	simm.s32 $0x0;
	s6 =	simm.s32 $0x10;
	s5 =	simm.s32 $0x20;
	v27 =	vld [tilespmem:s4+$0x0]  }
.LBB2_5:
0x48: {  	p0 =	sne.s32 s5, $0x7C0;
	_ =	sdelay $0x3  }
0x49: {  	vm1 =	vge.s32 v27, v0;
	vm2 =	vlt.s32 v27, v1;
	v27 =	vsub.s32 v27, v0  }
0x4a: {  	vm1 =	vmand vm1, vm2  }
0x4b: {  	v28 =	vsel vm1, $0x1, v4  }
0x4c: {  	(xrf0) =	vadd.scan.msk.s32 $0xffff, v28;
	_ =	sdelay $0x3  }
0x4d: {  	s7 =	spop (v2sf)  }
0x4e: {  	s2 =	sadd.s32 s2, s7  }
.Ltmp5:
0x4f: {  	[tilespmem:s2+$0x1000] =	vst.msk vm1, v26;
	v26, _, _ =	vpop (xrf0);
	(pc) =	sbr.rel @p0 .LBB2_5-.Ltmp5, $4  }
0x50: {  	[tilespmem:s2+$0x1800] =	vst.msk vm1, v27;
	v27 =	vor.u32 s1, v3;
	(v2sf) =	vpush v26, $0xF;
	s1 =	smov.u32 s5  }
0x51: {  	s6 =	sadd.s32 $0x10, s6;
	[tilespmem:s2+$0x2000] =	vst.msk vm1, v27  }
0x52: {  	s4 =	sadd.s32 $0x10, s4;
	v26 =	vld [tilespmem:s6+$0x0]  }
0x53: {  	s5 =	sadd.s32 $0x10, s5;
	v27 =	vld [tilespmem:s4+$0x0]  }
0x54: {  	_ =	sdelay $0x3  }
0x55: {  	vm1 =	vge.s32 v27, v0;
	vm2 =	vlt.s32 v27, v1  }
0x56: {  	vm1 =	vmand vm1, vm2  }
0x57: {  	v28 =	vsel vm1, $0x1, v4  }
0x58: {  	(xrf0) =	vadd.scan.msk.s32 $0xffff, v28;
	_ =	sdelay $0x5  }
0x59: {  	v28, _, _ =	vpop (xrf0)  }
0x5a: {  	(v2sf) =	vpush v28, $0xF;
	_ =	sdelay $0xd  }
0x5b: {  	s4 =	spop (v2sf)  }
0x5c: {  	s2 =	sadd.s32 s2, s4;
	s14 =	spop (v2sf)  }
0x5d: {  	s4 =	sadd.s32 s2, s14  }
0x5e: {  	s5 =	sadd.s32 $0xF, s4  }
0x5f: {  	s6 =	sand.u32 $0xF, s5  }
0x60: {  	s30 =	sshra.s32 s5, $0x1F;
	p1 =	slt.s32 s5, $0x1;
	p0 =	sne.s32 s6, $0x0  }
0x61: {  	s6 =	sshrl.u32 s30, $0x1C;
	p0 =	por !p1, !p0  }
0x62: {  	s31 =	sadd.s32 s6, s5;
	s5 =	simm.s32 $0x1;
	p0 =	por !p0, !p0  }
0x63: {  	[tilespmem:s2+$0x1000] =	vst.msk vm1, v26;
	v26 =	vor.u32 s1, v3;
	s1 =	sshra.s32 s31, $0x4;
	s5 =	simm.s32 @!p0 $0x0  }
0x64: {  	s1 =	ssub.s32 s1, s5  }
0x65: {  	v27 =	vsub.s32 v27, v0;
	p0 =	slt.s32 s1, $0x1  }
.Ltmp6:
0x66: {  	[tilespmem:s2+$0x1800] =	vst.msk vm1, v27;
	(pc) =	sbr.rel @p0 .LBB2_10-.Ltmp6, $4  }
0x67: {  	[tilespmem:s2+$0x2000] =	vst.msk vm1, v26  }
0x68: {  	[tilespmem:s4+$0x1000] =	vst v4  }
0x69: {  	[tilespmem:s4+$0x1800] =	vst v5  }
0x6a: {  	s7 =	simm.s32 $0x0;
	s11 =	simm.s32 $0x0;
	s2 =	simm.s32 $0x0;
	[tilespmem:s4+$0x2000] =	vst v4  }
.LBB2_7:
0x6b: {  	s4 =	sshll.u32 s11, $0x4  }
0x6c: {  	v26 =	vld [tilespmem:s4+$0x1000];
	_ =	sdelay $0x4  }
0x6d: {  	v27 =	vshll.u32 v26, $0x3  }
0x6e: {  	v28 =	vand.u32 $0x7, v26;
	v27 =	vand.u32 $0xFFFFFFC0, v27  }
0x6f: {  	v27 =	vor.u32 v28, v27  }
0x70: {  	v28 =	vperm.xlane v27, v6;
	_ =	sdelay $0x1  }
0x71: {  	v28 =	vadd.s32 v7, v28;
	_ =	sdelay $0x3  }
0x72: {  	[tilespmem:$0x8D80] =	vst v26  }
0x73: {  	[tilespmem:s17], [sflag:$0x1] =	stream.indirect_vreg.gather [hbm4b:s3+s2], $0x80, v28, vm0, $0xb8;
	[tilespmem:$0x1D600] =	vst v63  }
0x74: {  	v26 =	vperm.xlane v27, v8  }
0x75: {  	[tilespmem:s18], [sflag:$0x1] =	stream.indirect_vreg.gather [hbm4b:s8+s2], $0x80, v28, vm0, $0xb8;
	[tilespmem:$0x1D600] =	vst v63  }
0x76: {  	v26 =	vadd.s32 v7, v26  }
0x77: {  	[tilespmem:s19], [sflag:$0x1] =	stream.indirect_vreg.gather [hbm4b:s9+s2], $0x80, v28, vm0, $0xb8;
	[tilespmem:$0x1D600] =	vst v63  }
0x78: {  	_ = 	snop  }
0x79: {  	[tilespmem:s20], [sflag:$0x1] =	stream.indirect_vreg.gather [hbm4b:s10+s2], $0x80, v28, vm0, $0xb8;
	[tilespmem:$0x1D600] =	vst v63  }
0x7a: {  	_ = 	snop  }
0x7b: {  	[tilespmem:s21], [sflag:$0x1] =	stream.indirect_vreg.gather [hbm4b:s3+s2], $0x80, v26, vm0, $0xb8;
	[tilespmem:$0x1D600] =	vst v63  }
0x7c: {  	_ = 	snop  }
0x7d: {  	[tilespmem:s22], [sflag:$0x1] =	stream.indirect_vreg.gather [hbm4b:s8+s2], $0x80, v26, vm0, $0xb8;
	[tilespmem:$0x1D600] =	vst v63  }
0x7e: {  	_ = 	snop  }
0x7f: {  	[tilespmem:s23], [sflag:$0x1] =	stream.indirect_vreg.gather [hbm4b:s9+s2], $0x80, v26, vm0, $0xb8;
	[tilespmem:$0x1D600] =	vst v63  }
0x80: {  	v27 =	vor.u32 s4, v9  }
0x81: {  	[tilespmem:s24], [sflag:$0x1] =	stream.indirect_vreg.gather [hbm4b:s10+s2], $0x80, v26, vm0, $0xb8;
	[tilespmem:$0x1D600] =	vst v63  }
0x82: {  	_ =	swait.ge [sflag:s16], $0x4000  }
0x83: {  	[sflag:s16] =	ssyncset.done $0x0  }
0x84: {  	[sflag:s16] =	ssyncadd.s32 $0xFFFFC000  }
0x85: {  	v26 =	vld.idx.msk [tilespmem:v27+s26+$0x0], $0xffff;
	_ =	sdelay $0x4  }
0x86: {  	v26 =	vshll.u32 v26, $0x2  }
0x87: {  	v26 =	vor.u32 v10, v26;
	_ =	sdelay $0x4  }
0x88: {  	v26 =	vld.idx.msk [tilespmem:v26+s13+$0x0], $0xffff;
	_ =	sdelay $0x2  }
0x89: {  	v27 =	vld.idx.msk [tilespmem:v27+s25+$0x0], $0xffff;
	_ =	sdelay $0x1  }
0x8a: {  	v26 =	vadd.f32 $1.000000020e-16, v26;
	_ =	sdelay $0x1  }
0x8b: {  	v26 =	vmul.f32 $4.000000000e+00, v26  }
0x8c: {  	v27 =	vshll.u32 v27, $0x2  }
0x8d: {  	v27 =	vor.u32 v10, v27;
	(erf) = vrcp.f32 v26;
	_ =	sdelay $0x4  }
0x8e: {  	v26 =	vld.idx.msk [tilespmem:v27+s15+$0x0], $0xffff;
	_ =	sdelay $0x1  }
0x8f: {  	s5 =	sor.u32 $0x4, s4  }
0x90: {  	v27 =	vor.u32 s5, v9  }
0x91: {  	v28 =	vpop (erf)  }
0x92: {  	v26 =	vmul.f32 v28, v26;
	_ =	sdelay $0x1  }
0x93: {  	[tilespmem:$0x8D00] =	vst v26  }
0x94: {  	v26 =	vld.idx.msk [tilespmem:v27+s26+$0x0], $0xffff;
	_ =	sdelay $0x4  }
0x95: {  	v26 =	vshll.u32 v26, $0x2  }
0x96: {  	v26 =	vor.u32 v10, v26;
	_ =	sdelay $0x4  }
0x97: {  	v26 =	vld.idx.msk [tilespmem:v26+s13+$0x0], $0xffff;
	_ =	sdelay $0x2  }
0x98: {  	v27 =	vld.idx.msk [tilespmem:v27+s25+$0x0], $0xffff;
	_ =	sdelay $0x1  }
0x99: {  	v26 =	vadd.f32 $1.000000020e-16, v26;
	_ =	sdelay $0x1  }
0x9a: {  	v26 =	vmul.f32 $4.000000000e+00, v26  }
0x9b: {  	v27 =	vshll.u32 v27, $0x2  }
0x9c: {  	v27 =	vor.u32 v10, v27;
	(erf) = vrcp.f32 v26;
	_ =	sdelay $0x4  }
0x9d: {  	v26 =	vld.idx.msk [tilespmem:v27+s15+$0x0], $0xffff;
	_ =	sdelay $0x1  }
0x9e: {  	s0 =	sor.u32 $0x8, s4  }
0x9f: {  	v27 =	vor.u32 s0, v9  }
0xa0: {  	v28 =	vpop (erf)  }
0xa1: {  	v26 =	vmul.f32 v28, v26;
	_ =	sdelay $0x1  }
0xa2: {  	[tilespmem:$0x8D10] =	vst v26  }
0xa3: {  	v26 =	vld.idx.msk [tilespmem:v27+s26+$0x0], $0xffff;
	_ =	sdelay $0x4  }
0xa4: {  	v26 =	vshll.u32 v26, $0x2  }
0xa5: {  	v26 =	vor.u32 v10, v26;
	_ =	sdelay $0x4  }
0xa6: {  	v26 =	vld.idx.msk [tilespmem:v26+s13+$0x0], $0xffff;
	_ =	sdelay $0x2  }
0xa7: {  	v27 =	vld.idx.msk [tilespmem:v27+s25+$0x0], $0xffff;
	_ =	sdelay $0x1  }
0xa8: {  	v26 =	vadd.f32 $1.000000020e-16, v26;
	_ =	sdelay $0x1  }
0xa9: {  	v26 =	vmul.f32 $4.000000000e+00, v26  }
0xaa: {  	v27 =	vshll.u32 v27, $0x2  }
0xab: {  	v27 =	vor.u32 v10, v27;
	(erf) = vrcp.f32 v26;
	_ =	sdelay $0x4  }
0xac: {  	v26 =	vld.idx.msk [tilespmem:v27+s15+$0x0], $0xffff;
	_ =	sdelay $0x1  }
0xad: {  	s4 =	sor.u32 $0xC, s4  }
0xae: {  	v27 =	vor.u32 s4, v9  }
0xaf: {  	v28 =	vpop (erf)  }
0xb0: {  	v26 =	vmul.f32 v28, v26;
	_ =	sdelay $0x1  }
0xb1: {  	[tilespmem:$0x8D20] =	vst v26  }
0xb2: {  	v26 =	vld.idx.msk [tilespmem:v27+s26+$0x0], $0xffff;
	_ =	sdelay $0x4  }
0xb3: {  	v26 =	vshll.u32 v26, $0x2  }
0xb4: {  	v26 =	vor.u32 v10, v26;
	_ =	sdelay $0x4  }
0xb5: {  	v26 =	vld.idx.msk [tilespmem:v26+s13+$0x0], $0xffff;
	_ =	sdelay $0x2  }
0xb6: {  	v27 =	vld.idx.msk [tilespmem:v27+s25+$0x0], $0xffff;
	_ =	sdelay $0x1  }
0xb7: {  	v26 =	vadd.f32 $1.000000020e-16, v26;
	_ =	sdelay $0x1  }
0xb8: {  	v26 =	vmul.f32 $4.000000000e+00, v26  }
0xb9: {  	v27 =	vshll.u32 v27, $0x2  }
0xba: {  	v27 =	vor.u32 v10, v27;
	(erf) = vrcp.f32 v26;
	_ =	sdelay $0x4  }
0xbb: {  	v26 =	vld.idx.msk [tilespmem:v27+s15+$0x0], $0xffff;
	_ =	sdelay $0x1  }
0xbc: {  	s6 =	simm.s32 $0x1;
	v27 =	vmov s2  }
0xbd: {  	v29 =	vmov s6;
	v28 =	vmov s7;
	v27 =	vand.u32 $0xFFFFFFFC, v27  }
0xbe: {  	v29 =	vand.u32 $0xFFFFFFFD, v29;
	v27 =	vbroadcast v27, $0x0;
	v30 =	vpop (erf)  }
0xbf: {  	s12 =	simm.s32 $0x2;
	v29 =	vbroadcast v29, $0x0;
	v26 =	vmul.f32 v30, v26  }
0xc0: {  	v30 =	vmov s12  }
0xc1: {  	s14 =	sand.u32 $0x2000, s2;
	s0 =	sand.u32 $0x380, s2;
	v30 =	vand.u32 $0xFFFFFFFE, v30;
	[tilespmem:$0x8D30] =	vst v26  }
0xc2: {  	s12 =	sor.u32 s0, s14;
	v30 =	vbroadcast v30, $0x0;
	v31 =	vld.idx.msk [tilespmem:v28+s26+$0x0], $0xffff  }
0xc3: {  	s6 =	simm.s32 $0x3;
	v32 =	vld [tilespmem:s12+$0x5500]  }
0xc4: {  	v33 =	vmov s6;
	v26 =	vld.idx.msk [tilespmem:v27+s28+$0x0], $0xffff  }
0xc5: {  	v27 =	vld.idx.msk [tilespmem:v29+s28+$0x0], $0xffff  }
0xc6: {  	v34 =	vld [tilespmem:s12+$0x4D00]  }
0xc7: {  	v35 =	vld [tilespmem:s12+$0x5D00]  }
0xc8: {  	v28 =	vld.idx.msk [tilespmem:v30+s28+$0x0], $0xffff  }
0xc9: {  	v29 =	vld.idx.msk [tilespmem:v33+s28+$0x0], $0xffff  }
0xca: {  	v41 =	vld [tilespmem:s12+$0x6500]  }
0xcb: {  	v34 =	vmul.f32 v34, v26;
	v32 =	vmul.f32 v32, v27;
	_ =	sdelay $0x1  }
0xcc: {  	v30 =	vshll.u32 v31, $0x8;
	v31 =	vadd.f32 v32, v34;
	v42 =	vmul.f32 v35, v28  }
0xcd: {  	v43 =	vor.u32 v3, v30  }
0xce: {  	v44 =	vmul.f32 v41, v29;
	v31 =	vadd.f32 v42, v31;
	_ =	sdelay $0x1  }
0xcf: {  	v31 =	vadd.f32 v44, v31;
	_ =	sdelay $0x1  }
0xd0: {  	[tilespmem:v43+s29+$0x0] =	vst.idx.add.f32.msk $0xffff, v31  }
0xd1: {  	v31 =	vld [tilespmem:s12+$0x4D10]  }
0xd2: {  	v45 =	vld [tilespmem:s12+$0x5510];
	_ =	sdelay $0x1  }
0xd3: {  	v46 =	vld [tilespmem:s12+$0x5D10];
	_ =	sdelay $0x1  }
0xd4: {  	v34 =	vld [tilespmem:s12+$0x6510]  }
0xd5: {  	v31 =	vmul.f32 v31, v26;
	v32 =	vmul.f32 v45, v27;
	_ =	sdelay $0x1  }
0xd6: {  	v33 =	vmul.f32 v46, v28;
	v31 =	vadd.f32 v32, v31  }
0xd7: {  	v47 =	vor.u32 v11, v30  }
0xd8: {  	v34 =	vmul.f32 v34, v29;
	v31 =	vadd.f32 v33, v31;
	_ =	sdelay $0x1  }
0xd9: {  	v31 =	vadd.f32 v34, v31;
	_ =	sdelay $0x1  }
0xda: {  	[tilespmem:v47+s29+$0x0] =	vst.idx.add.f32.msk $0xffff, v31  }
0xdb: {  	v31 =	vld [tilespmem:s12+$0x4D20]  }
0xdc: {  	v32 =	vld [tilespmem:s12+$0x5520];
	_ =	sdelay $0x1  }
0xdd: {  	v48 =	vld [tilespmem:s12+$0x5D20];
	_ =	sdelay $0x1  }
0xde: {  	v49 =	vld [tilespmem:s12+$0x6520]  }
0xdf: {  	v31 =	vmul.f32 v31, v26;
	v32 =	vmul.f32 v32, v27;
	_ =	sdelay $0x1  }
0xe0: {  	v33 =	vmul.f32 v48, v28;
	v31 =	vadd.f32 v32, v31  }
0xe1: {  	v50 =	vor.u32 v12, v30  }
0xe2: {  	v51 =	vmul.f32 v49, v29;
	v31 =	vadd.f32 v33, v31;
	_ =	sdelay $0x1  }
0xe3: {  	v31 =	vadd.f32 v51, v31;
	_ =	sdelay $0x1  }
0xe4: {  	[tilespmem:v50+s29+$0x0] =	vst.idx.add.f32.msk $0xffff, v31  }
0xe5: {  	v31 =	vld [tilespmem:s12+$0x4D30]  }
0xe6: {  	v32 =	vld [tilespmem:s12+$0x5530];
	_ =	sdelay $0x1  }
0xe7: {  	v52 =	vld [tilespmem:s12+$0x5D30];
	_ =	sdelay $0x1  }
0xe8: {  	v53 =	vld [tilespmem:s12+$0x6530]  }
0xe9: {  	v31 =	vmul.f32 v31, v26;
	v32 =	vmul.f32 v32, v27;
	_ =	sdelay $0x1  }
0xea: {  	v54 =	vmul.f32 v52, v28;
	v31 =	vadd.f32 v32, v31  }
0xeb: {  	v55 =	vor.u32 v13, v30  }
0xec: {  	v56 =	vmul.f32 v53, v29;
	v31 =	vadd.f32 v54, v31;
	_ =	sdelay $0x1  }
0xed: {  	v31 =	vadd.f32 v56, v31;
	_ =	sdelay $0x1  }
0xee: {  	[tilespmem:v55+s29+$0x0] =	vst.idx.add.f32.msk $0xffff, v31  }
0xef: {  	v31 =	vld [tilespmem:s12+$0x4D40]  }
0xf0: {  	v57 =	vld [tilespmem:s12+$0x5540];
	_ =	sdelay $0x1  }
0xf1: {  	v33 =	vld [tilespmem:s12+$0x5D40];
	_ =	sdelay $0x1  }
0xf2: {  	v58 =	vld [tilespmem:s12+$0x6540]  }
0xf3: {  	v31 =	vmul.f32 v31, v26;
	v32 =	vmul.f32 v57, v27;
	_ =	sdelay $0x1  }
0xf4: {  	v59 =	vmul.f32 v33, v28;
	v31 =	vadd.f32 v32, v31  }
0xf5: {  	v60 =	vor.u32 v14, v30  }
0xf6: {  	v61 =	vmul.f32 v58, v29;
	v31 =	vadd.f32 v59, v31;
	_ =	sdelay $0x1  }
0xf7: {  	v31 =	vadd.f32 v61, v31;
	_ =	sdelay $0x1  }
0xf8: {  	[tilespmem:v60+s29+$0x0] =	vst.idx.add.f32.msk $0xffff, v31  }
0xf9: {  	v31 =	vld [tilespmem:s12+$0x4D50]  }
0xfa: {  	v62 =	vld [tilespmem:s12+$0x5550];
	_ =	sdelay $0x1  }
0xfb: {  	v33 =	vld [tilespmem:s12+$0x5D50];
	_ =	sdelay $0x1  }
0xfc: {  	v63 =	vld [tilespmem:s12+$0x6550]  }
0xfd: {  	v31 =	vmul.f32 v31, v26;
	v32 =	vmul.f32 v62, v27;
	_ =	sdelay $0x1  }
0xfe: {  	v33 =	vmul.f32 v33, v28;
	v31 =	vadd.f32 v32, v31  }
0xff: {  	v36 =	vor.u32 v15, v30  }
0x100: {  	v34 =	vmul.f32 v63, v29;
	v31 =	vadd.f32 v33, v31;
	_ =	sdelay $0x1  }
0x101: {  	v31 =	vadd.f32 v34, v31;
	_ =	sdelay $0x1  }
0x102: {  	[tilespmem:v36+s29+$0x0] =	vst.idx.add.f32.msk $0xffff, v31  }
0x103: {  	v31 =	vld [tilespmem:s12+$0x4D60]  }
0x104: {  	v32 =	vld [tilespmem:s12+$0x5560];
	_ =	sdelay $0x1  }
0x105: {  	v37 =	vld [tilespmem:s12+$0x5D60];
	_ =	sdelay $0x1  }
0x106: {  	v38 =	vld [tilespmem:s12+$0x6560]  }
0x107: {  	v31 =	vmul.f32 v31, v26;
	v32 =	vmul.f32 v32, v27;
	_ =	sdelay $0x1  }
0x108: {  	v33 =	vmul.f32 v37, v28;
	v31 =	vadd.f32 v32, v31  }
0x109: {  	v39 =	vor.u32 v16, v30  }
0x10a: {  	v34 =	vmul.f32 v38, v29;
	v31 =	vadd.f32 v33, v31;
	_ =	sdelay $0x1  }
0x10b: {  	v31 =	vadd.f32 v34, v31;
	_ =	sdelay $0x1  }
0x10c: {  	[tilespmem:v39+s29+$0x0] =	vst.idx.add.f32.msk $0xffff, v31  }
0x10d: {  	v31 =	vld [tilespmem:s12+$0x4D70]  }
0x10e: {  	v32 =	vld [tilespmem:s12+$0x5570];
	_ =	sdelay $0x1  }
0x10f: {  	v40 =	vld [tilespmem:s12+$0x5D70];
	_ =	sdelay $0x1  }
0x110: {  	v41 =	vld [tilespmem:s12+$0x6570]  }
0x111: {  	v31 =	vmul.f32 v31, v26;
	v32 =	vmul.f32 v32, v27;
	_ =	sdelay $0x1  }
0x112: {  	v33 =	vmul.f32 v40, v28;
	v31 =	vadd.f32 v32, v31  }
0x113: {  	v42 =	vor.u32 v17, v30  }
0x114: {  	v34 =	vmul.f32 v41, v29;
	v31 =	vadd.f32 v33, v31;
	_ =	sdelay $0x1  }
0x115: {  	v31 =	vadd.f32 v34, v31;
	_ =	sdelay $0x1  }
0x116: {  	[tilespmem:v42+s29+$0x0] =	vst.idx.add.f32.msk $0xffff, v31  }
0x117: {  	v31 =	vld [tilespmem:s12+$0x5100]  }
0x118: {  	s14 =	sand.u32 $0x7, s2;
	v32 =	vld [tilespmem:s12+$0x5900]  }
0x119: {  	s4 =	sshll.u32 s14, $0x7  }
0x11a: {  	s14 =	sadd.s32 $0x0, s4;
	v43 =	vld [tilespmem:s12+$0x6100]  }
0x11b: {  	s4 =	sor.u32 $0x1C00, s14  }
0x11c: {  	v44 =	vld [tilespmem:s4+$0x4D00]  }
0x11d: {  	v31 =	vmul.f32 v31, v26;
	v32 =	vmul.f32 v32, v27;
	_ =	sdelay $0x1  }
0x11e: {  	v33 =	vmul.f32 v43, v28;
	v31 =	vadd.f32 v32, v31  }
0x11f: {  	v45 =	vor.u32 v18, v30  }
0x120: {  	v34 =	vmul.f32 v44, v29;
	v31 =	vadd.f32 v33, v31;
	_ =	sdelay $0x1  }
0x121: {  	v31 =	vadd.f32 v34, v31;
	_ =	sdelay $0x1  }
0x122: {  	[tilespmem:v45+s29+$0x0] =	vst.idx.add.f32.msk $0xffff, v31  }
0x123: {  	v31 =	vld [tilespmem:s12+$0x5110]  }
0x124: {  	v32 =	vld [tilespmem:s12+$0x5910];
	_ =	sdelay $0x1  }
0x125: {  	v46 =	vld [tilespmem:s12+$0x6110]  }
0x126: {  	s0 =	sor.u32 $0x1C10, s14  }
0x127: {  	v47 =	vld [tilespmem:s0+$0x4D00]  }
0x128: {  	v31 =	vmul.f32 v31, v26;
	v32 =	vmul.f32 v32, v27;
	_ =	sdelay $0x1  }
0x129: {  	v33 =	vmul.f32 v46, v28;
	v31 =	vadd.f32 v32, v31  }
0x12a: {  	v48 =	vor.u32 v19, v30  }
0x12b: {  	v34 =	vmul.f32 v47, v29;
	v31 =	vadd.f32 v33, v31;
	_ =	sdelay $0x1  }
0x12c: {  	v31 =	vadd.f32 v34, v31;
	_ =	sdelay $0x1  }
0x12d: {  	[tilespmem:v48+s29+$0x0] =	vst.idx.add.f32.msk $0xffff, v31  }
0x12e: {  	v31 =	vld [tilespmem:s12+$0x5120]  }
0x12f: {  	v32 =	vld [tilespmem:s12+$0x5920];
	_ =	sdelay $0x1  }
0x130: {  	v49 =	vld [tilespmem:s12+$0x6120]  }
0x131: {  	s5 =	sor.u32 $0x1C20, s14  }
0x132: {  	v50 =	vld [tilespmem:s5+$0x4D00]  }
0x133: {  	v31 =	vmul.f32 v31, v26;
	v32 =	vmul.f32 v32, v27;
	_ =	sdelay $0x1  }
0x134: {  	v33 =	vmul.f32 v49, v28;
	v31 =	vadd.f32 v32, v31  }
0x135: {  	v51 =	vor.u32 v20, v30  }
0x136: {  	v34 =	vmul.f32 v50, v29;
	v31 =	vadd.f32 v33, v31;
	_ =	sdelay $0x1  }
0x137: {  	v31 =	vadd.f32 v34, v31;
	_ =	sdelay $0x1  }
0x138: {  	[tilespmem:v51+s29+$0x0] =	vst.idx.add.f32.msk $0xffff, v31  }
0x139: {  	v31 =	vld [tilespmem:s12+$0x5930]  }
0x13a: {  	v32 =	vld [tilespmem:s12+$0x5130];
	_ =	sdelay $0x1  }
0x13b: {  	v52 =	vld [tilespmem:s12+$0x6130]  }
0x13c: {  	s6 =	sor.u32 $0x1C30, s14  }
0x13d: {  	v53 =	vld [tilespmem:s6+$0x4D00]  }
0x13e: {  	v31 =	vmul.f32 v31, v27;
	v32 =	vmul.f32 v32, v26;
	_ =	sdelay $0x1  }
0x13f: {  	v33 =	vmul.f32 v52, v28;
	v31 =	vadd.f32 v31, v32  }
0x140: {  	v54 =	vor.u32 v21, v30  }
0x141: {  	v34 =	vmul.f32 v53, v29;
	v31 =	vadd.f32 v33, v31;
	_ =	sdelay $0x1  }
0x142: {  	v31 =	vadd.f32 v34, v31;
	_ =	sdelay $0x1  }
0x143: {  	[tilespmem:v54+s29+$0x0] =	vst.idx.add.f32.msk $0xffff, v31  }
0x144: {  	v31 =	vld [tilespmem:s12+$0x5140]  }
0x145: {  	v32 =	vld [tilespmem:s12+$0x5940];
	_ =	sdelay $0x1  }
0x146: {  	v55 =	vld [tilespmem:s12+$0x6140]  }
0x147: {  	s0 =	sor.u32 $0x1C40, s14  }
0x148: {  	v56 =	vld [tilespmem:s0+$0x4D00]  }
0x149: {  	v31 =	vmul.f32 v31, v26;
	v32 =	vmul.f32 v32, v27;
	_ =	sdelay $0x1  }
0x14a: {  	v33 =	vmul.f32 v55, v28;
	v31 =	vadd.f32 v32, v31  }
0x14b: {  	v57 =	vor.u32 v22, v30  }
0x14c: {  	v34 =	vmul.f32 v56, v29;
	v31 =	vadd.f32 v33, v31;
	_ =	sdelay $0x1  }
0x14d: {  	v31 =	vadd.f32 v34, v31;
	_ =	sdelay $0x1  }
0x14e: {  	[tilespmem:v57+s29+$0x0] =	vst.idx.add.f32.msk $0xffff, v31  }
0x14f: {  	v31 =	vld [tilespmem:s12+$0x5150]  }
0x150: {  	v32 =	vld [tilespmem:s12+$0x5950];
	_ =	sdelay $0x1  }
0x151: {  	v58 =	vld [tilespmem:s12+$0x6150]  }
0x152: {  	s5 =	sor.u32 $0x1C50, s14  }
0x153: {  	v59 =	vld [tilespmem:s5+$0x4D00]  }
0x154: {  	v31 =	vmul.f32 v31, v26;
	v32 =	vmul.f32 v32, v27;
	_ =	sdelay $0x1  }
0x155: {  	v33 =	vmul.f32 v58, v28;
	v31 =	vadd.f32 v32, v31  }
0x156: {  	v60 =	vor.u32 v23, v30  }
0x157: {  	v34 =	vmul.f32 v59, v29;
	v31 =	vadd.f32 v33, v31;
	_ =	sdelay $0x1  }
0x158: {  	v31 =	vadd.f32 v34, v31;
	_ =	sdelay $0x1  }
0x159: {  	[tilespmem:v60+s29+$0x0] =	vst.idx.add.f32.msk $0xffff, v31  }
0x15a: {  	v31 =	vld [tilespmem:s12+$0x5160]  }
0x15b: {  	v32 =	vld [tilespmem:s12+$0x5960];
	_ =	sdelay $0x1  }
0x15c: {  	v61 =	vld [tilespmem:s12+$0x6160]  }
0x15d: {  	s6 =	sor.u32 $0x1C60, s14  }
0x15e: {  	v62 =	vld [tilespmem:s6+$0x4D00]  }
0x15f: {  	v31 =	vmul.f32 v31, v26;
	v32 =	vmul.f32 v32, v27;
	_ =	sdelay $0x1  }
0x160: {  	v33 =	vmul.f32 v61, v28;
	v63 =	vadd.f32 v32, v31  }
0x161: {  	v31 =	vor.u32 v24, v30  }
0x162: {  	s30 =	simm.s32 $0x4;
	s31 =	simm.s32 $0x0;
	v32 =	vmul.f32 v62, v29;
	v33 =	vadd.f32 v33, v63  }
0x163: {  	s4 =	sadd.s32 $0x1, s7;
	s5 =	simm.s32 $0x0;
	s6 =	simm.s32 $0x0  }
.LBB2_8:
0x164: {  	v32 =	vadd.f32 v32, v33;
	s5 =	sadd.s32 $0x80, s5;
	s6 =	sadd.s32 $0x400, s6;
	s31 =	sadd.s32 $0x1, s31  }
0x165: {  	p0 =	sne.s32 s30, $0x3C;
	s0 =	smov.u32 s30;
	s30 =	sadd.s32 $0x4, s30  }
0x166: {  	[tilespmem:v31+s29+$0x0] =	vst.idx.add.f32.msk $0xffff, v32  }
0x167: {  	v31 =	vld [tilespmem:s12+$0x5170]  }
0x168: {  	v32 =	vld [tilespmem:s12+$0x5970]  }
0x169: {  	v33 =	vld [tilespmem:s12+$0x6170];
	s12 =	sor.u32 $0x1C70, s14  }
0x16a: {  	v34 =	vld [tilespmem:s12+$0x4D00];
	_ =	sdelay $0x1  }
0x16b: {  	v26 =	vmul.f32 v31, v26  }
0x16c: {  	v27 =	vmul.f32 v32, v27  }
0x16d: {  	v28 =	vmul.f32 v33, v28  }
0x16e: {  	v26 =	vadd.f32 v27, v26;
	v27 =	vmul.f32 v34, v29;
	v29 =	vor.u32 v25, v30  }
0x16f: {  	s12 =	sadd.s32 $0x1, s0;
	v31 =	vmov s4;
	v30 =	vmov s0  }
0x170: {  	v32 =	vmov s12;
	v30 =	vand.u32 $0xFFFFFFFC, v30;
	v26 =	vadd.f32 v28, v26  }
0x171: {  	s12 =	sadd.s32 $0x2, s0;
	v28 =	vbroadcast v30, $0x0;
	v30 =	vand.u32 $0xFFFFFFFD, v32  }
0x172: {  	v32 =	vmov s12;
	v30 =	vbroadcast v30, $0x0;
	v26 =	vadd.f32 v27, v26  }
0x173: {  	v27 =	vand.u32 $0xFFFFFFFE, v32  }
0x174: {  	s14 =	sand.u32 $0x380, s5;
	s12 =	sand.u32 $0x2000, s6;
	v32 =	vbroadcast v27, $0x0;
	[tilespmem:v29+s29+$0x0] =	vst.idx.add.f32.msk $0xffff, v26  }
0x175: {  	s12 =	sor.u32 s14, s12;
	v29 =	vld.idx.msk [tilespmem:v31+s26+$0x0], $0xffff  }
0x176: {  	s0 =	sadd.s32 $0x3, s0;
	v31 =	vld [tilespmem:s12+$0x5500]  }
0x177: {  	v33 =	vmov s0;
	v26 =	vld.idx.msk [tilespmem:v28+s28+$0x0], $0xffff  }
0x178: {  	v27 =	vld.idx.msk [tilespmem:v30+s28+$0x0], $0xffff  }
0x179: {  	v34 =	vld [tilespmem:s12+$0x4D00]  }
0x17a: {  	v28 =	vld.idx.msk [tilespmem:v32+s28+$0x0], $0xffff  }
0x17b: {  	v30 =	vshll.u32 v29, $0x8;
	v32 =	vld [tilespmem:s12+$0x5D00]  }
0x17c: {  	v29 =	vld.idx.msk [tilespmem:v33+s28+$0x0], $0xffff  }
0x17d: {  	v33 =	vld [tilespmem:s12+$0x6500]  }
0x17e: {  	v31 =	vmul.f32 v31, v27;
	v34 =	vmul.f32 v34, v26;
	_ =	sdelay $0x1  }
0x17f: {  	v31 =	vadd.f32 v31, v34;
	v32 =	vmul.f32 v32, v28  }
0x180: {  	v34 =	vor.u32 v3, v30  }
0x181: {  	v31 =	vadd.f32 v32, v31;
	v32 =	vmul.f32 v33, v29;
	_ =	sdelay $0x1  }
0x182: {  	v31 =	vadd.f32 v32, v31;
	_ =	sdelay $0x1  }
0x183: {  	[tilespmem:v34+s29+$0x0] =	vst.idx.add.f32.msk $0xffff, v31  }
0x184: {  	v31 =	vld [tilespmem:s12+$0x4D10]  }
0x185: {  	v32 =	vld [tilespmem:s12+$0x5510]  }
0x186: {  	v33 =	vld [tilespmem:s12+$0x5D10];
	_ =	sdelay $0x1  }
0x187: {  	v34 =	vld [tilespmem:s12+$0x6510]  }
0x188: {  	v31 =	vmul.f32 v31, v26  }
0x189: {  	v32 =	vmul.f32 v32, v27  }
0x18a: {  	v33 =	vmul.f32 v33, v28  }
0x18b: {  	v31 =	vadd.f32 v32, v31;
	v32 =	vor.u32 v11, v30  }
0x18c: {  	v34 =	vmul.f32 v34, v29  }
0x18d: {  	v31 =	vadd.f32 v33, v31;
	_ =	sdelay $0x1  }
0x18e: {  	v31 =	vadd.f32 v34, v31;
	_ =	sdelay $0x1  }
0x18f: {  	[tilespmem:v32+s29+$0x0] =	vst.idx.add.f32.msk $0xffff, v31  }
0x190: {  	v31 =	vld [tilespmem:s12+$0x5D20]  }
0x191: {  	v32 =	vld [tilespmem:s12+$0x4D20]  }
0x192: {  	v33 =	vld [tilespmem:s12+$0x5520];
	_ =	sdelay $0x3  }
0x193: {  	v31 =	vmul.f32 v31, v28;
	v34 =	vld [tilespmem:s12+$0x6520]  }
0x194: {  	v32 =	vmul.f32 v32, v26;
	v33 =	vmul.f32 v33, v27;
	_ =	sdelay $0x1  }
0x195: {  	v32 =	vadd.f32 v33, v32  }
0x196: {  	v33 =	vor.u32 v12, v30  }
0x197: {  	v31 =	vadd.f32 v31, v32;
	v32 =	vmul.f32 v34, v29;
	_ =	sdelay $0x1  }
0x198: {  	v31 =	vadd.f32 v32, v31;
	_ =	sdelay $0x1  }
0x199: {  	[tilespmem:v33+s29+$0x0] =	vst.idx.add.f32.msk $0xffff, v31  }
0x19a: {  	v31 =	vld [tilespmem:s12+$0x4D30]  }
0x19b: {  	v32 =	vld [tilespmem:s12+$0x5530];
	_ =	sdelay $0x1  }
0x19c: {  	v33 =	vld [tilespmem:s12+$0x5D30];
	_ =	sdelay $0x1  }
0x19d: {  	v34 =	vld [tilespmem:s12+$0x6530]  }
0x19e: {  	v31 =	vmul.f32 v31, v26;
	v32 =	vmul.f32 v32, v27;
	_ =	sdelay $0x1  }
0x19f: {  	v31 =	vadd.f32 v32, v31;
	v32 =	vmul.f32 v33, v28  }
0x1a0: {  	v33 =	vor.u32 v13, v30  }
0x1a1: {  	v31 =	vadd.f32 v32, v31;
	v32 =	vmul.f32 v34, v29;
	_ =	sdelay $0x1  }
0x1a2: {  	v31 =	vadd.f32 v32, v31;
	_ =	sdelay $0x1  }
0x1a3: {  	[tilespmem:v33+s29+$0x0] =	vst.idx.add.f32.msk $0xffff, v31  }
0x1a4: {  	v31 =	vld [tilespmem:s12+$0x4D40]  }
0x1a5: {  	v32 =	vld [tilespmem:s12+$0x5540]  }
0x1a6: {  	v33 =	vld [tilespmem:s12+$0x5D40]  }
0x1a7: {  	v34 =	vld [tilespmem:s12+$0x6540];
	_ =	sdelay $0x2  }
0x1a8: {  	v31 =	vmul.f32 v31, v26;
	v32 =	vmul.f32 v32, v27;
	_ =	sdelay $0x1  }
0x1a9: {  	v31 =	vadd.f32 v32, v31;
	v32 =	vmul.f32 v33, v28  }
0x1aa: {  	v33 =	vor.u32 v14, v30  }
0x1ab: {  	v31 =	vadd.f32 v32, v31;
	v32 =	vmul.f32 v34, v29;
	_ =	sdelay $0x1  }
0x1ac: {  	v31 =	vadd.f32 v32, v31;
	_ =	sdelay $0x1  }
0x1ad: {  	[tilespmem:v33+s29+$0x0] =	vst.idx.add.f32.msk $0xffff, v31  }
0x1ae: {  	v31 =	vld [tilespmem:s12+$0x4D50]  }
0x1af: {  	v32 =	vld [tilespmem:s12+$0x5550]  }
0x1b0: {  	v33 =	vld [tilespmem:s12+$0x5D50]  }
0x1b1: {  	v35 =	vor.u32 v15, v30;
	v34 =	vld [tilespmem:s12+$0x6550];
	_ =	sdelay $0x1  }
0x1b2: {  	v31 =	vmul.f32 v31, v26  }
0x1b3: {  	v32 =	vmul.f32 v32, v27  }
0x1b4: {  	v33 =	vmul.f32 v33, v28  }
0x1b5: {  	v31 =	vadd.f32 v32, v31  }
0x1b6: {  	v32 =	vmul.f32 v34, v29  }
0x1b7: {  	v31 =	vadd.f32 v33, v31;
	_ =	sdelay $0x1  }
0x1b8: {  	v31 =	vadd.f32 v32, v31;
	_ =	sdelay $0x1  }
0x1b9: {  	[tilespmem:v35+s29+$0x0] =	vst.idx.add.f32.msk $0xffff, v31  }
0x1ba: {  	v31 =	vld [tilespmem:s12+$0x6560]  }
0x1bb: {  	v32 =	vld [tilespmem:s12+$0x4D60]  }
0x1bc: {  	v33 =	vld [tilespmem:s12+$0x5560]  }
0x1bd: {  	v34 =	vld [tilespmem:s12+$0x5D60];
	_ =	sdelay $0x1  }
0x1be: {  	v31 =	vmul.f32 v31, v29  }
0x1bf: {  	v32 =	vmul.f32 v32, v26  }
0x1c0: {  	v33 =	vmul.f32 v33, v27  }
0x1c1: {  	v34 =	vmul.f32 v34, v28  }
0x1c2: {  	v32 =	vadd.f32 v33, v32  }
0x1c3: {  	v33 =	vor.u32 v16, v30  }
0x1c4: {  	v32 =	vadd.f32 v34, v32;
	_ =	sdelay $0x1  }
0x1c5: {  	v31 =	vadd.f32 v31, v32;
	_ =	sdelay $0x1  }
0x1c6: {  	[tilespmem:v33+s29+$0x0] =	vst.idx.add.f32.msk $0xffff, v31  }
0x1c7: {  	v31 =	vld [tilespmem:s12+$0x4D70]  }
0x1c8: {  	v32 =	vld [tilespmem:s12+$0x5570]  }
0x1c9: {  	v33 =	vld [tilespmem:s12+$0x5D70]  }
0x1ca: {  	v34 =	vld [tilespmem:s12+$0x6570];
	_ =	sdelay $0x1  }
0x1cb: {  	v31 =	vmul.f32 v31, v26  }
0x1cc: {  	v32 =	vmul.f32 v32, v27  }
0x1cd: {  	v33 =	vmul.f32 v33, v28  }
0x1ce: {  	v31 =	vadd.f32 v32, v31;
	v32 =	vmul.f32 v34, v29  }
0x1cf: {  	v34 =	vor.u32 v17, v30  }
0x1d0: {  	v31 =	vadd.f32 v33, v31;
	_ =	sdelay $0x1  }
0x1d1: {  	v31 =	vadd.f32 v32, v31;
	_ =	sdelay $0x1  }
0x1d2: {  	s0 =	sand.u32 $0x7, s31;
	[tilespmem:v34+s29+$0x0] =	vst.idx.add.f32.msk $0xffff, v31  }
0x1d3: {  	s0 =	sshll.u32 s0, $0x7;
	v31 =	vld [tilespmem:s12+$0x5100]  }
0x1d4: {  	s14 =	sadd.s32 s0, s6;
	v32 =	vld [tilespmem:s12+$0x5900]  }
0x1d5: {  	s0 =	sor.u32 $0x1C00, s14;
	v33 =	vld [tilespmem:s12+$0x6100]  }
0x1d6: {  	v34 =	vld [tilespmem:s0+$0x4D00];
	_ =	sdelay $0x1  }
0x1d7: {  	v31 =	vmul.f32 v31, v26  }
0x1d8: {  	v32 =	vmul.f32 v32, v27  }
0x1d9: {  	v33 =	vmul.f32 v33, v28  }
0x1da: {  	v31 =	vadd.f32 v32, v31;
	v32 =	vmul.f32 v34, v29  }
0x1db: {  	v34 =	vor.u32 v18, v30  }
0x1dc: {  	v31 =	vadd.f32 v33, v31;
	_ =	sdelay $0x1  }
0x1dd: {  	v31 =	vadd.f32 v32, v31;
	_ =	sdelay $0x1  }
0x1de: {  	[tilespmem:v34+s29+$0x0] =	vst.idx.add.f32.msk $0xffff, v31  }
0x1df: {  	v31 =	vld [tilespmem:s12+$0x5110]  }
0x1e0: {  	v32 =	vld [tilespmem:s12+$0x5910]  }
0x1e1: {  	s0 =	sor.u32 $0x1C10, s14;
	v33 =	vld [tilespmem:s12+$0x6110]  }
0x1e2: {  	v34 =	vld [tilespmem:s0+$0x4D00];
	_ =	sdelay $0x1  }
0x1e3: {  	v31 =	vmul.f32 v31, v26  }
0x1e4: {  	v32 =	vmul.f32 v32, v27  }
0x1e5: {  	v33 =	vmul.f32 v33, v28  }
0x1e6: {  	v31 =	vadd.f32 v32, v31;
	v32 =	vmul.f32 v34, v29  }
0x1e7: {  	v34 =	vor.u32 v19, v30  }
0x1e8: {  	v31 =	vadd.f32 v33, v31;
	_ =	sdelay $0x1  }
0x1e9: {  	v31 =	vadd.f32 v32, v31;
	_ =	sdelay $0x1  }
0x1ea: {  	[tilespmem:v34+s29+$0x0] =	vst.idx.add.f32.msk $0xffff, v31  }
0x1eb: {  	v31 =	vld [tilespmem:s12+$0x5120]  }
0x1ec: {  	v32 =	vld [tilespmem:s12+$0x5920]  }
0x1ed: {  	s0 =	sor.u32 $0x1C20, s14;
	v33 =	vld [tilespmem:s12+$0x6120]  }
0x1ee: {  	v34 =	vld [tilespmem:s0+$0x4D00];
	_ =	sdelay $0x1  }
0x1ef: {  	v31 =	vmul.f32 v31, v26  }
0x1f0: {  	v32 =	vmul.f32 v32, v27  }
0x1f1: {  	v33 =	vmul.f32 v33, v28  }
0x1f2: {  	v31 =	vadd.f32 v32, v31;
	v32 =	vmul.f32 v34, v29  }
0x1f3: {  	v34 =	vor.u32 v20, v30  }
0x1f4: {  	v31 =	vadd.f32 v33, v31;
	_ =	sdelay $0x1  }
0x1f5: {  	v31 =	vadd.f32 v32, v31;
	_ =	sdelay $0x1  }
0x1f6: {  	[tilespmem:v34+s29+$0x0] =	vst.idx.add.f32.msk $0xffff, v31  }
0x1f7: {  	v31 =	vld [tilespmem:s12+$0x5930]  }
0x1f8: {  	v32 =	vld [tilespmem:s12+$0x5130]  }
0x1f9: {  	s0 =	sor.u32 $0x1C30, s14;
	v33 =	vld [tilespmem:s12+$0x6130]  }
0x1fa: {  	v34 =	vld [tilespmem:s0+$0x4D00];
	_ =	sdelay $0x1  }
0x1fb: {  	v31 =	vmul.f32 v31, v27  }
0x1fc: {  	v32 =	vmul.f32 v32, v26  }
0x1fd: {  	v33 =	vmul.f32 v33, v28  }
0x1fe: {  	v31 =	vadd.f32 v31, v32;
	v32 =	vmul.f32 v34, v29  }
0x1ff: {  	v34 =	vor.u32 v21, v30  }
0x200: {  	v31 =	vadd.f32 v33, v31;
	_ =	sdelay $0x1  }
0x201: {  	v31 =	vadd.f32 v32, v31;
	_ =	sdelay $0x1  }
0x202: {  	[tilespmem:v34+s29+$0x0] =	vst.idx.add.f32.msk $0xffff, v31  }
0x203: {  	v31 =	vld [tilespmem:s12+$0x5140]  }
0x204: {  	v32 =	vld [tilespmem:s12+$0x5940]  }
0x205: {  	s0 =	sor.u32 $0x1C40, s14;
	v33 =	vld [tilespmem:s12+$0x6140]  }
0x206: {  	v34 =	vld [tilespmem:s0+$0x4D00];
	_ =	sdelay $0x1  }
0x207: {  	v31 =	vmul.f32 v31, v26  }
0x208: {  	v32 =	vmul.f32 v32, v27  }
0x209: {  	v33 =	vmul.f32 v33, v28  }
0x20a: {  	v31 =	vadd.f32 v32, v31;
	v32 =	vmul.f32 v34, v29  }
0x20b: {  	v34 =	vor.u32 v22, v30  }
0x20c: {  	v31 =	vadd.f32 v33, v31;
	_ =	sdelay $0x1  }
0x20d: {  	v31 =	vadd.f32 v32, v31;
	_ =	sdelay $0x1  }
0x20e: {  	[tilespmem:v34+s29+$0x0] =	vst.idx.add.f32.msk $0xffff, v31  }
0x20f: {  	v31 =	vld [tilespmem:s12+$0x5150]  }
0x210: {  	v32 =	vld [tilespmem:s12+$0x5950]  }
0x211: {  	s0 =	sor.u32 $0x1C50, s14;
	v33 =	vld [tilespmem:s12+$0x6150]  }
0x212: {  	v34 =	vld [tilespmem:s0+$0x4D00];
	_ =	sdelay $0x1  }
0x213: {  	v31 =	vmul.f32 v31, v26  }
0x214: {  	v32 =	vmul.f32 v32, v27  }
0x215: {  	v33 =	vmul.f32 v33, v28  }
0x216: {  	v31 =	vadd.f32 v32, v31;
	v32 =	vmul.f32 v34, v29  }
0x217: {  	v34 =	vor.u32 v23, v30  }
0x218: {  	v31 =	vadd.f32 v33, v31;
	_ =	sdelay $0x1  }
0x219: {  	v31 =	vadd.f32 v32, v31;
	_ =	sdelay $0x1  }
0x21a: {  	[tilespmem:v34+s29+$0x0] =	vst.idx.add.f32.msk $0xffff, v31  }
0x21b: {  	v31 =	vld [tilespmem:s12+$0x5160]  }
0x21c: {  	v32 =	vld [tilespmem:s12+$0x5960]  }
0x21d: {  	s0 =	sor.u32 $0x1C60, s14;
	v33 =	vld [tilespmem:s12+$0x6160]  }
0x21e: {  	v34 =	vld [tilespmem:s0+$0x4D00];
	_ =	sdelay $0x1  }
0x21f: {  	v31 =	vmul.f32 v31, v26  }
0x220: {  	v32 =	vmul.f32 v32, v27  }
.Ltmp7:
0x221: {  	v33 =	vmul.f32 v33, v28;
	(pc) =	sbr.rel @p0 .LBB2_8-.Ltmp7, $4  }
0x222: {  	v35 =	vadd.f32 v32, v31;
	v32 =	vmul.f32 v34, v29  }
0x223: {  	v31 =	vor.u32 v24, v30  }
0x224: {  	v33 =	vadd.f32 v33, v35  }
0x225: {  	s4 =	sadd.s32 $0x1, s4  }
0x226: {  	_ =	sdelay $0x1  }
0x227: {  	v32 =	vadd.f32 v32, v33;
	_ =	sdelay $0x1  }
0x228: {  	[tilespmem:v31+s29+$0x0] =	vst.idx.add.f32.msk $0xffff, v32  }
0x229: {  	v31 =	vld [tilespmem:s12+$0x5170]  }
0x22a: {  	v32 =	vld [tilespmem:s12+$0x5970];
	_ =	sdelay $0x1  }
0x22b: {  	v63 =	vld [tilespmem:s12+$0x6170]  }
0x22c: {  	s0 =	sor.u32 $0x1C70, s14  }
0x22d: {  	v34 =	vld [tilespmem:s0+$0x4D00]  }
0x22e: {  	v26 =	vmul.f32 v31, v26;
	v27 =	vmul.f32 v32, v27;
	_ =	sdelay $0x1  }
0x22f: {  	s11 =	sadd.s32 $0x1, s11;
	v28 =	vmul.f32 v63, v28;
	v26 =	vadd.f32 v27, v26  }
0x230: {  	p0 =	sne.s32 s11, s1;
	v27 =	vor.u32 v25, v30  }
.Ltmp8:
0x231: {  	v29 =	vmul.f32 v34, v29;
	v26 =	vadd.f32 v28, v26;
	(pc) =	sbr.rel @p0 .LBB2_7-.Ltmp8, $4  }
.Ltmp9:
0x232: {  	_ = 	snop;
	(pc) =	sbr.rel @!p0 .LBB2_10-.Ltmp9, $4  }
0x233: {  	v26 =	vadd.f32 v29, v26  }
0x234: {  	_ = 	snop  }
0x235: {  	s7 =	sadd.s32 $0x10, s7;
	[tilespmem:v27+s29+$0x0] =	vst.idx.add.f32.msk $0xffff, v26  }
0x236: {  	_ = 	snop  }
.LBB2_12:
0x237: {  	_ =	sfence.sel $0x180000  }
0x238: {  	[bflag:$0x0] =	sbarrier.arrive $0xFFFF  }
0x239: {  	_ =	strace $0x90000050  }
0x23a: {  	s0 =	stileid.u32;
	[bflag:$0x2] =	sbarrier.arrive $0xFFFF  }
0x23b: {  	p0 =	sne.s32 s0, $0x0;
	s0 =	rddreg [dreg:$0x2]  }
0x23c: {  	s0 =	sadd.s32 @!p0 $0x100000, s0  }
0x23d: {  	[sflag:s0] =	ssyncadd.tile.s32 @!p0 $0x1;
	_ =	shalt  }
.Lfunc_end2:
_tile_overlayer_lowered:
.L_overlay_start_2:
0x23e: {  	(tag) =	ssettag $0x2  }
0x23f: {  	s0 =	rddreg [dreg:$0x0];
	s2 =	stileid.u32  }
0x240: {  	s1 =	rddreg [dreg:$0x1];
	p0 =	sne.s32 s2, $0x0  }
0x241: {  	s3 =	rddreg [dreg:$0x2];
	[bflag:$0x3] =	sbarrier.arrive $0xFFFF;
	s2 =	simm.s32 @!p0 $0x1C02  }
0x242: {  	[timem:s3], [sflag:s2] =	dma.local @!p0 [hbm:s0], s1  }
0x243: {  	s0 =	simm.s32 @!p0 $0x2  }
0x244: {  	_ =	swait.ge @!p0 [sflag:s0], s1  }
0x245: {  	s1 =	ssub.s32 @!p0 $0x0, s1;
	[sflag:s0] =	ssyncset.done @!p0 $0x0  }
0x246: {  	[sflag:s0] =	ssyncadd.s32 @!p0 s1  }
0x247: {  	[bflag:$0x3] =	sbarrier.arrive $0xFFFF  }
0x248: {  	_ =	shalt  }

</sc_bundles>
